<compile_context>
chip_gen: v7x
topology: tpu7x:2x2x1
jax: 0.10.2.dev20260603
libtpu: 0.0.44.dev20260713+nightly
codegen_flags: <defaults>
</compile_context>

<pallas_src>
import dataclasses
import functools
import math

import jax
import jax.numpy as jnp
from jax import lax
from jax.experimental import pallas as pl
from jax.experimental.pallas import tpu as pltpu
from jax.experimental.pallas import tpu_sc as plsc

N = 10000
E = 160000
C = 128
LDOS = 201
NSC = 2
NTILE = 16
NPAD = 10240
RPT = NPAD // NTILE
INV_SQRT_C = 1.0 / math.sqrt(C)

_SC_PARAMS = dataclasses.replace(pltpu.CompilerParams(),
                                 needs_layout_passes=False)

EPT1 = E // (NSC * NTILE)
EPT2 = E // NTILE
B1 = 40
B2 = 40
MAC = 1000
MPAD = 1008
NCHM = MAC // B1


def _node_prep(x0, Wq, Wk0, Wk1):
    BN = 1000

    def body(x0_ref, wq_ref, wk0_ref, wk1_ref, a_ref, qg_ref, s_ref):
        x0b = x0_ref[...]
        q = jnp.dot(x0b, wq_ref[...], preferred_element_type=jnp.float32)
        a_ref[...] = jnp.dot(x0b, wk0_ref[...],
                             preferred_element_type=jnp.float32)
        g = lax.dot_general(q, wk1_ref[...], (((1,), (1,)), ((), ())),
                            preferred_element_type=jnp.float32)
        qg_ref[...] = jnp.concatenate([q, g], axis=1) * INV_SQRT_C
        s_ref[...] = jnp.sum(q, axis=1, keepdims=True) * INV_SQRT_C

    return pl.pallas_call(
        body,
        grid=(N // BN,),
        in_specs=[
            pl.BlockSpec((BN, C), lambda i: (i, 0)),
            pl.BlockSpec((C, C), lambda i: (0, 0)),
            pl.BlockSpec((C, C), lambda i: (0, 0)),
            pl.BlockSpec((C, C), lambda i: (0, 0)),
        ],
        out_specs=[
            pl.BlockSpec((BN, C), lambda i: (i, 0)),
            pl.BlockSpec((BN, 256), lambda i: (i, 0)),
            pl.BlockSpec((BN, 1), lambda i: (i, 0)),
        ],
        out_shape=[
            jax.ShapeDtypeStruct((N, C), jnp.float32),
            jax.ShapeDtypeStruct((N, 256), jnp.float32),
            jax.ShapeDtypeStruct((N, 1), jnp.float32),
        ],
    )(x0, Wq, Wk0, Wk1)


def _edge_prep(rel_pos, ef):
    BE = 4000

    def body(rel_ref, ef_ref, out_ref):
        r = rel_ref[...]
        norm = jnp.sqrt(jnp.sum(r * r, axis=1, keepdims=True))
        wt = r / (norm + 1e-6)
        ones = jnp.ones((BE, 1), jnp.float32)
        zeros = jnp.zeros((BE, 3), jnp.float32)
        out_ref[...] = jnp.concatenate([wt, ones, ef_ref[...], zeros], axis=1)

    return pl.pallas_call(
        body,
        grid=(E // BE,),
        in_specs=[
            pl.BlockSpec((BE, 3), lambda i: (i, 0)),
            pl.BlockSpec((BE, 1), lambda i: (i, 0)),
        ],
        out_specs=pl.BlockSpec((BE, 8), lambda i: (i, 0)),
        out_shape=jax.ShapeDtypeStruct((E, 8), jnp.float32),
    )(rel_pos, ef)


def _pass1(xcat, qg, s, src, dst, edata, z1):
    mesh = plsc.VectorSubcoreMesh(core_axis_name="c", subcore_axis_name="s")

    @functools.partial(
        pl.kernel,
        out_type=[
            jax.ShapeDtypeStruct((E,), jnp.float32),
            jax.ShapeDtypeStruct((NSC * NPAD,), jnp.float32),
        ],
        mesh=mesh,
        scratch_types=[
            pltpu.VMEM((B1, 512), jnp.float32),
            pltpu.VMEM((B1, 512), jnp.float32),
            pltpu.VMEM((B1, 256), jnp.float32),
            pltpu.VMEM((B1, 256), jnp.float32),
            pltpu.VMEM((B1 + 16,), jnp.float32),
            pltpu.VMEM((B1 + 16,), jnp.float32),
            pltpu.VMEM((MAC,), jnp.int32),
            pltpu.VMEM((MAC,), jnp.int32),
            pltpu.VMEM((MAC * 8 + 16,), jnp.float32),
            pltpu.VMEM((MAC,), jnp.float32),
            pltpu.VMEM_SHARED((NPAD,), jnp.float32),
            pltpu.SemaphoreType.DMA,
            pltpu.SemaphoreType.DMA,
            pltpu.SemaphoreType.DMA,
            pltpu.SemaphoreType.DMA,
            pltpu.SemaphoreType.DMA,
        ],
        compiler_params=_SC_PARAMS,
    )
    def k(xcat_h, qg_h, s_h, src_h, dst_h, ed_h, z1_h, elog_h, dpart_h,
          xrows0, xrows1, qrows0, qrows1, sb0, sb1, srcb, dstb, edb, elb,
          dsp, semx0, semx1, semq0, semq1, semd):
        cid = lax.axis_index("c")
        sid = lax.axis_index("s")
        tid = cid * NTILE + sid
        ebase = tid * EPT1
        lane = jnp.arange(16, dtype=jnp.int32)
        mask0 = lane == 0
        bufs = ((xrows0, qrows0, sb0, semx0, semq0),
                (xrows1, qrows1, sb1, semx1, semq1))

        def gather(ci, b, op):
            xr, qr, sb, sx, sq = bufs[b]
            sl = pl.ds(ci * B1, B1)
            op(pltpu.make_async_copy(xcat_h.at[srcb.at[sl]], xr, sx))
            op(pltpu.make_async_copy(qg_h.at[dstb.at[sl]], qr, sq))
            op(pltpu.make_async_copy(s_h.at[dstb.at[sl]],
                                     sb.at[pl.ds(0, B1)], sq))

        def compute(ci, b):
            xr, qr, sb, _, _ = bufs[b]
            sl = pl.ds(ci * B1, B1)

            @plsc.parallel_loop(0, B1, unroll=2)
            def _edge(i):
                e = ci * B1 + i
                ev = edb[pl.ds(e * 8, 16)]
                w0 = ev[0]
                w1 = ev[1]
                w2 = ev[2]
                efv = ev[4]
                acc = jnp.zeros((16,), jnp.float32)
                for l in range(8):
                    o = l * 16
                    a = xr[i, pl.ds(o, 16)]
                    qv = qr[i, pl.ds(o, 16)]
                    gv = qr[i, pl.ds(128 + o, 16)]
                    xa = xr[i, pl.ds(128 + o, 16)]
                    xb = xr[i, pl.ds(256 + o, 16)]
                    xc = xr[i, pl.ds(384 + o, 16)]
                    acc = acc + a * qv + (w0 * xa + w1 * xb + w2 * xc) * gv
                sv = sb[pl.ds(i, 16)]
                logit = jnp.sum(acc) + efv * sv[0]
                evec = jnp.exp(jnp.full((16,), logit, jnp.float32))
                plsc.store_scatter(elb, [jnp.full((16,), e, jnp.int32)],
                                   evec, mask=mask0)

            pltpu.async_copy(elb.at[sl], dsp.at[dstb.at[sl]], semd, add=True)

        def drain_d(ci):
            sl = pl.ds(ci * B1, B1)
            pltpu.make_async_copy(elb.at[sl], dsp.at[dstb.at[sl]],
                                  semd).wait()

        pltpu.sync_copy(z1_h.at[pl.ds(sid * RPT, RPT)],
                        dsp.at[pl.ds(sid * RPT, RPT)])
        plsc.subcore_barrier()

        @pl.loop(0, EPT1 // MAC)
        def _macro(mi):
            mbase = ebase + mi * MAC
            pltpu.sync_copy(src_h.at[pl.ds(mbase, MAC)], srcb)
            pltpu.sync_copy(dst_h.at[pl.ds(mbase, MAC)], dstb)
            pltpu.sync_copy(ed_h.at[pl.ds(mbase * 8, MAC * 8)],
                            edb.at[pl.ds(0, MAC * 8)])
            gather(0, 0, lambda cp: cp.start())

            @pl.loop(0, (NCHM - 1) // 2)
            def _pair(k2):
                c0 = k2 * 2
                gather(c0 + 1, 1, lambda cp: cp.start())
                gather(c0, 0, lambda cp: cp.wait())
                compute(c0, 0)
                gather(c0 + 2, 0, lambda cp: cp.start())
                gather(c0 + 1, 1, lambda cp: cp.wait())
                compute(c0 + 1, 1)

            gather(NCHM - 1, 0, lambda cp: cp.wait())
            compute(NCHM - 1, 0)

            @pl.loop(0, NCHM)
            def _draind(ci):
                drain_d(ci)

            pltpu.sync_copy(elb, elog_h.at[pl.ds(mbase, MAC)])

        plsc.subcore_barrier()
        pltpu.sync_copy(dsp.at[pl.ds(sid * RPT, RPT)],
                        dpart_h.at[pl.ds(cid * NPAD + sid * RPT, RPT)])

    return k(xcat, qg, s, src, dst, edata, z1)


def _pass2(tcat, elog, src, dst, edata, z128):
    mesh = plsc.VectorSubcoreMesh(core_axis_name="c", subcore_axis_name="s")

    @functools.partial(
        pl.kernel,
        out_type=jax.ShapeDtypeStruct((4 * NPAD, C), jnp.float32),
        mesh=mesh,
        scratch_types=[
            pltpu.VMEM((B2, C), jnp.float32),
            pltpu.VMEM((B2, C), jnp.float32),
            pltpu.VMEM((B2, C), jnp.float32),
            pltpu.VMEM((B2, C), jnp.float32),
            pltpu.VMEM((MPAD,), jnp.int32),
            pltpu.VMEM((MAC,), jnp.int32),
            pltpu.VMEM((MPAD,), jnp.int32),
            pltpu.VMEM((MAC + 16,), jnp.float32),
            pltpu.VMEM((MAC * 8 + 16,), jnp.float32),
            pltpu.VMEM_SHARED((NPAD, C), jnp.float32),
            pltpu.SemaphoreType.DMA,
            pltpu.SemaphoreType.DMA,
            pltpu.SemaphoreType.DMA,
            pltpu.SemaphoreType.DMA,
        ],
        compiler_params=_SC_PARAMS,
    )
    def k(tcat_h, elog_h, src_h, dst_h, ed_h, z128_h, u_h,
          grows0, grows1, srows0, srows1, srcb, dstb, idxb, elb, edb, usp,
          semg0, semg1, sems0, sems1):
        cid = lax.axis_index("c")
        sid = lax.axis_index("s")
        bufs = ((grows0, srows0, semg0, sems0),
                (grows1, srows1, semg1, sems1))

        for gi in range(2):
            g = cid * 2 + gi
            gN = g * N

            def gather(ci, b, op):
                gr, _, sg, _ = bufs[b]
                sl = pl.ds(ci * B2, B2)
                op(pltpu.make_async_copy(tcat_h.at[idxb.at[sl]], gr, sg))

            def scale_scatter(ci, b, gi=gi):
                gr, sr, _, ss = bufs[b]
                sl = pl.ds(ci * B2, B2)

                @plsc.parallel_loop(0, B2, unroll=2)
                def _edge(i):
                    e = ci * B2 + i
                    ev = edb[pl.ds(e * 8, 16)]
                    wsel = jnp.where(cid == 0, ev[gi], ev[2 + gi])
                    w = elb[pl.ds(e, 16)][0] * wsel
                    for l in range(8):
                        s = pl.ds(l * 16, 16)
                        sr[i, s] = gr[i, s] * w

                pltpu.async_copy(sr, usp.at[dstb.at[sl]], ss, add=True)

            def wait_scatter(ci, b):
                _, sr, _, ss = bufs[b]
                sl = pl.ds(ci * B2, B2)
                pltpu.make_async_copy(sr, usp.at[dstb.at[sl]], ss).wait()

            pltpu.sync_copy(z128_h.at[pl.ds(sid * RPT, RPT)],
                            usp.at[pl.ds(sid * RPT, RPT)])
            plsc.subcore_barrier()

            @pl.loop(0, EPT2 // MAC)
            def _macro(mi):
                mbase = sid * EPT2 + mi * MAC
                pltpu.sync_copy(src_h.at[pl.ds(mbase, MAC)],
                                srcb.at[pl.ds(0, MAC)])
                pltpu.sync_copy(dst_h.at[pl.ds(mbase, MAC)], dstb)
                pltpu.sync_copy(elog_h.at[pl.ds(mbase, MAC)],
                                elb.at[pl.ds(0, MAC)])
                pltpu.sync_copy(ed_h.at[pl.ds(mbase * 8, MAC * 8)],
                                edb.at[pl.ds(0, MAC * 8)])

                @pl.loop(0, MPAD // 16)
                def _vidx(kk):
                    s16 = pl.ds(kk * 16, 16)
                    idxb[s16] = srcb[s16] + gN

                gather(0, 0, lambda cp: cp.start())

                @pl.loop(0, (NCHM - 1) // 2)
                def _pair(k2):
                    c0 = k2 * 2
                    gather(c0 + 1, 1, lambda cp: cp.start())
                    gather(c0, 0, lambda cp: cp.wait())

                    @pl.when(k2 >= 1)
                    def _():
                        wait_scatter(c0 - 2, 0)

                    scale_scatter(c0, 0)
                    gather(c0 + 2, 0, lambda cp: cp.start())
                    gather(c0 + 1, 1, lambda cp: cp.wait())

                    @pl.when(k2 >= 1)
                    def _():
                        wait_scatter(c0 - 1, 1)

                    scale_scatter(c0 + 1, 1)

                gather(NCHM - 1, 0, lambda cp: cp.wait())
                wait_scatter(NCHM - 3, 0)
                scale_scatter(NCHM - 1, 0)
                wait_scatter(NCHM - 2, 1)
                wait_scatter(NCHM - 1, 0)

            plsc.subcore_barrier()
            pltpu.sync_copy(usp.at[pl.ds(sid * RPT, RPT)],
                            u_h.at[pl.ds(g * NPAD + sid * RPT, RPT)])
            plsc.subcore_barrier()

    return k(tcat, elog, src, dst, edata, z128)


def _final(u, dpart, Wv0, Wv1):
    BN = 1000

    def body(u_ref, d_ref, wv0_ref, wv1_ref, o_ref):
        u = u_ref[...]
        t = u[0] + u[1] + u[2]
        acc = jnp.dot(t, wv1_ref[...], preferred_element_type=jnp.float32)
        acc = acc + jnp.dot(u[3], wv0_ref[...],
                            preferred_element_type=jnp.float32)
        den = d_ref[0, :, :] + d_ref[1, :, :]
        o_ref[...] = acc / (den + 1e-9)

    return pl.pallas_call(
        body,
        grid=(N // BN,),
        in_specs=[
            pl.BlockSpec((4, BN, C), lambda i: (0, i, 0)),
            pl.BlockSpec((2, BN, 1), lambda i: (0, i, 0)),
            pl.BlockSpec((C, LDOS), lambda i: (0, 0)),
            pl.BlockSpec((C, LDOS), lambda i: (0, 0)),
        ],
        out_specs=pl.BlockSpec((BN, LDOS), lambda i: (i, 0)),
        out_shape=jax.ShapeDtypeStruct((N, LDOS), jnp.float32),
    )(u, dpart, Wv0, Wv1)


def kernel(node_feats_deg0, node_feats_deg1, edge_features, rel_pos,
           Wq, Wk0, Wk1, Wv0, Wv1, edge_index, n_ions):
    x0 = node_feats_deg0[:, :, 0]
    x1t = jnp.transpose(node_feats_deg1, (2, 0, 1))
    ef = edge_features[:, :, 0]
    src = edge_index[0]
    dst = edge_index[1]

    A, qg, s = _node_prep(x0, Wq, Wk0, Wk1)
    edata = _edge_prep(rel_pos, ef)
    xcat = jnp.concatenate([A, x1t[0], x1t[1], x1t[2]], axis=1)
    tcat = jnp.concatenate([x1t[0], x1t[1], x1t[2], x0], axis=0)

    z1 = jnp.zeros((NPAD,), jnp.float32)
    z128 = jnp.zeros((NPAD, C), jnp.float32)
    edata_flat = edata.reshape(E * 8)

    elog, dpart = _pass1(xcat, qg, s.reshape(N), src, dst, edata_flat, z1)
    u = _pass2(tcat, elog, src, dst, edata_flat, z128)

    full = _final(u.reshape(4, NPAD, C), dpart.reshape(2, NPAD, 1), Wv0, Wv1)
    return lax.dynamic_slice_in_dim(full, n_ions, N - 1000, axis=0)

# --- scband reference (transcript-rebuilt; emitter-appended) ---
"""Pipeline reference for scband-se3-decoder-74062416053479 (READ-ONLY COPY).

The authoritative reference and input builder live on the scoring server;
editing this copy changes nothing except your own understanding.
"""

import jax, jax.numpy as jnp
import numpy as np

N = 10000
E = 160000
C = 128
LDOS = 201
N_IONS = 1000


def setup_inputs(seed: int = 0) -> dict:
    key = jax.random.key(seed)
    ks = jax.random.split(key, 12)
    node_feats_deg0 = jax.random.normal(ks[0], (N, C, 1), dtype=jnp.float32)
    node_feats_deg1 = jax.random.normal(ks[1], (N, C, 3), dtype=jnp.float32)
    edge_features = jax.random.normal(ks[2], (E, 1, 1), dtype=jnp.float32)
    rel_pos = jax.random.normal(ks[3], (E, 3), dtype=jnp.float32)
    edge_index = jax.random.randint(ks[4], (2, E), 0, N, dtype=jnp.int32)
    Wq = jax.random.normal(ks[5], (C, C), dtype=jnp.float32) * 0.05
    Wk0 = jax.random.normal(ks[6], (C, C), dtype=jnp.float32) * 0.05
    Wk1 = jax.random.normal(ks[7], (C, C), dtype=jnp.float32) * 0.05
    Wv0 = jax.random.normal(ks[8], (C, LDOS), dtype=jnp.float32) * 0.05
    Wv1 = jax.random.normal(ks[9], (C, LDOS), dtype=jnp.float32) * 0.05
    return {
        "node_feats_deg0": node_feats_deg0,
        "node_feats_deg1": node_feats_deg1,
        "edge_features": edge_features,
        "rel_pos": rel_pos,
        "Wq": Wq,
        "Wk0": Wk0,
        "Wk1": Wk1,
        "Wv0": Wv0,
        "Wv1": Wv1,
        "edge_index": edge_index,
        "n_ions": N_IONS,
    }


def reference(node_feats_deg0, node_feats_deg1, edge_features, rel_pos, Wq, Wk0, Wk1, Wv0, Wv1, edge_index, n_ions):
    # SE(3)-equivariant single-head attention block (AttentionBlockSE3, num_heads=1,
    # channels_div=1, max_degree=1) mapping hidden fiber {0: C, 1: C} on graph nodes to a
    # degree-0 LDOS fiber {0: LDOS}, then slicing off ion nodes (predict_ldos).
    src = edge_index[0]
    dst = edge_index[1]
    x0 = node_feats_deg0[..., 0]                      # [N, C] degree-0 features
    q = x0 @ Wq                                       # queries from degree-0 channels
    x0_src = jnp.take(x0, src, axis=0)                # gather [E, C]
    x1_src = jnp.take(node_feats_deg1, src, axis=0)   # gather [E, C, 3]
    # degree-1 -> degree-0 via spherical-harmonic basis (Y_1 ~ unit rel_pos)
    rdir = rel_pos / (jnp.linalg.norm(rel_pos, axis=-1, keepdims=True) + 1e-6)
    proj = jnp.einsum('ecj,ej->ec', x1_src, rdir)     # [E, C]
    ef = edge_features[:, :, 0]                       # [E, 1]
    k = x0_src @ Wk0 + proj @ Wk1 + ef                # edge keys [E, C]
    v = x0_src @ Wv0 + proj @ Wv1                     # edge values [E, LDOS]
    logits = jnp.sum(jnp.take(q, dst, axis=0) * k, axis=-1) / jnp.sqrt(jnp.float32(C))
    m = jax.ops.segment_max(logits, dst, num_segments=N)
    m = jnp.where(jnp.isfinite(m), m, 0.0)
    ex = jnp.exp(logits - jnp.take(m, dst, axis=0))
    denom = jax.ops.segment_sum(ex, dst, num_segments=N)
    alpha = ex / (jnp.take(denom, dst, axis=0) + 1e-9)
    out = jax.ops.segment_sum(alpha[:, None] * v, dst, num_segments=N)  # [N, LDOS]
    return jax.lax.dynamic_slice_in_dim(out, n_ions, N - N_IONS, axis=0)  # LDOS prediction on grid nodes

if __name__ == "__main__":
    import jax
    _d = setup_inputs()
    print(jax.jit(kernel)(*tuple(_d.values())))

</pallas_src>

<mosaic_0001>
#map = affine_map<(d0, d1) -> (0, 0)>
#map1 = affine_map<(d0, d1) -> (0)>
module attributes {stable_mosaic.version = 14 : i64} {
  func.func @k(%arg0: i32, %arg1: i32, %arg2: memref<40000x128xf32, #tpu.memory_space<hbm>>, %arg3: memref<160000xf32, #tpu.memory_space<hbm>>, %arg4: memref<160000xi32, #tpu.memory_space<hbm>>, %arg5: memref<160000xi32, #tpu.memory_space<hbm>>, %arg6: memref<1280000xf32, #tpu.memory_space<hbm>>, %arg7: memref<10240x128xf32, #tpu.memory_space<hbm>>, %arg8: memref<40960x128xf32, #tpu.memory_space<hbm>>, %arg9: memref<40x128xf32, #tpu.memory_space<vmem>>, %arg10: memref<40x128xf32, #tpu.memory_space<vmem>>, %arg11: memref<40x128xf32, #tpu.memory_space<vmem>>, %arg12: memref<40x128xf32, #tpu.memory_space<vmem>>, %arg13: memref<1008xi32, #tpu.memory_space<vmem>>, %arg14: memref<1000xi32, #tpu.memory_space<vmem>>, %arg15: memref<1008xi32, #tpu.memory_space<vmem>>, %arg16: memref<1016xf32, #tpu.memory_space<vmem>>, %arg17: memref<8016xf32, #tpu.memory_space<vmem>>, %arg18: memref<10240x128xf32, #tpu.memory_space<vmem_shared>>, %arg19: memref<!tpu.dma_semaphore, #tpu.memory_space<semaphore_mem>>, %arg20: memref<!tpu.dma_semaphore, #tpu.memory_space<semaphore_mem>>, %arg21: memref<!tpu.dma_semaphore, #tpu.memory_space<semaphore_mem>>, %arg22: memref<!tpu.dma_semaphore, #tpu.memory_space<semaphore_mem>>) attributes {dimension_semantics = [#tpu.dimension_semantics<core_parallel>, #tpu.dimension_semantics<subcore_parallel>], iteration_bounds = array<i64: 2, 16>, scalar_prefetch = 0 : i64, scratch_operands = 14 : i64, tpu.core_type = #tpu.core_type<sc_vector_subcore>, window_params = [{transform_indices = #map}, {transform_indices = #map1}, {transform_indices = #map1}, {transform_indices = #map1}, {transform_indices = #map1}, {transform_indices = #map}, {transform_indices = #map}]} {
    %mul3A = arith.constant 2 : i32
    %mul3A_0 = arith.muli %arg0, %mul3A : i32
    %add3A = arith.constant 0 : i32
    %add3A_1 = arith.addi %mul3A_0, %add3A : i32
    %mul3A_2 = arith.constant 10000 : i32
    %mul3A_3 = arith.muli %add3A_1, %mul3A_2 : i32
    %mul3A_4 = arith.constant 640 : i32
    %mul3A_5 = arith.muli %arg1, %mul3A_4 : i32
    %mul3A_6 = arith.constant 640 : i32
    %mul3A_7 = arith.muli %arg1, %mul3A_6 : i32
    "tpu.region"() ({
      %run_scoped3A = tpu.sem_alloc : memref<!tpu.dma_semaphore, #tpu.memory_space<semaphore_mem>>
      %dma_start3A = arith.constant 0 : i32
      %dma_start3A_46 = tpu.memref_slice %arg18[%mul3A_7, %dma_start3A] : memref<10240x128xf32, #tpu.memory_space<vmem_shared>> -> memref<640x128xf32, #tpu.memory_space<vmem_shared>>
      %dma_start3A_47 = arith.constant 0 : i32
      %dma_start3A_48 = tpu.memref_slice %arg7[%mul3A_5, %dma_start3A_47] : memref<10240x128xf32, #tpu.memory_space<hbm>> -> memref<640x128xf32, #tpu.memory_space<hbm>>
      tpu.enqueue_dma source(%dma_start3A_48 : memref<640x128xf32, #tpu.memory_space<hbm>>) target(%dma_start3A_46 : memref<640x128xf32, #tpu.memory_space<vmem_shared>>) target_semaphore(%run_scoped3A : memref<!tpu.dma_semaphore, #tpu.memory_space<semaphore_mem>>)
      %dma_wait3A = arith.constant 0 : i32
      %dma_wait3A_49 = tpu.memref_slice %arg18[%mul3A_7, %dma_wait3A] : memref<10240x128xf32, #tpu.memory_space<vmem_shared>> -> memref<640x128xf32, #tpu.memory_space<vmem_shared>>
      %dma_wait3A_50 = arith.constant 0 : i32
      %dma_wait3A_51 = tpu.memref_slice %arg7[%mul3A_5, %dma_wait3A_50] : memref<10240x128xf32, #tpu.memory_space<hbm>> -> memref<640x128xf32, #tpu.memory_space<hbm>>
      tpu.wait_dma2 semaphore(%run_scoped3A : memref<!tpu.dma_semaphore, #tpu.memory_space<semaphore_mem>>) src(%dma_wait3A_51 : memref<640x128xf32, #tpu.memory_space<hbm>>) dst(%dma_wait3A_49 : memref<640x128xf32, #tpu.memory_space<vmem_shared>>)
      tpu.yield
    }) : () -> ()
    %barrier3A = arith.constant 0 : index
    tpu.barrier barrier_id(%barrier3A)
    %scan3A = arith.constant 0 : i32
    %scan3A_8 = arith.constant 10 : i32
    %scan3A_9 = arith.addi %scan3A, %scan3A_8 : i32
    %scan3A_10 = arith.constant 1 : i32
    scf.for %scan3A_46 = %scan3A to %scan3A_9 step %scan3A_10  : i32 {
      %mul3A_47 = arith.constant 1 : i32
      %mul3A_48 = arith.muli %scan3A_46, %mul3A_47 : i32
      %add3A_49 = arith.constant 0 : i32
      %add3A_50 = arith.addi %add3A_49, %mul3A_48 : i32
      %mul3A_51 = arith.constant 10000 : i32
      %mul3A_52 = arith.muli %arg1, %mul3A_51 : i32
      %mul3A_53 = arith.constant 1000 : i32
      %mul3A_54 = arith.muli %add3A_50, %mul3A_53 : i32
      %add3A_55 = arith.addi %mul3A_52, %mul3A_54 : i32
      "tpu.region"() ({
        %run_scoped3A = tpu.sem_alloc : memref<!tpu.dma_semaphore, #tpu.memory_space<semaphore_mem>>
        %dma_start3A_98 = arith.constant 0 : i32
        %dma_start3A_99 = tpu.memref_slice %arg13[%dma_start3A_98] : memref<1008xi32, #tpu.memory_space<vmem>> -> memref<1000xi32, #tpu.memory_space<vmem>>
        %dma_start3A_100 = tpu.memref_slice %arg4[%add3A_55] : memref<160000xi32, #tpu.memory_space<hbm>> -> memref<1000xi32, #tpu.memory_space<hbm>>
        %dma_start3A_101 = arith.constant 0 : i32
        %dma_start3A_102 = tpu.memref_slice %arg13[%dma_start3A_101] : memref<1008xi32, #tpu.memory_space<vmem>> -> memref<1000xi32, #tpu.memory_space<vmem>>
        %dma_start3A_103 = tpu.memref_slice %arg4[%add3A_55] : memref<160000xi32, #tpu.memory_space<hbm>> -> memref<1000xi32, #tpu.memory_space<hbm>>
        tpu.enqueue_dma source(%dma_start3A_103 : memref<1000xi32, #tpu.memory_space<hbm>>) target(%dma_start3A_102 : memref<1000xi32, #tpu.memory_space<vmem>>) target_semaphore(%run_scoped3A : memref<!tpu.dma_semaphore, #tpu.memory_space<semaphore_mem>>)
        %dma_wait3A_104 = arith.constant 0 : i32
        %dma_wait3A_105 = tpu.memref_slice %arg13[%dma_wait3A_104] : memref<1008xi32, #tpu.memory_space<vmem>> -> memref<1000xi32, #tpu.memory_space<vmem>>
        %dma_wait3A_106 = tpu.memref_slice %arg4[%add3A_55] : memref<160000xi32, #tpu.memory_space<hbm>> -> memref<1000xi32, #tpu.memory_space<hbm>>
        %dma_wait3A_107 = arith.constant 0 : i32
        %dma_wait3A_108 = tpu.memref_slice %arg13[%dma_wait3A_107] : memref<1008xi32, #tpu.memory_space<vmem>> -> memref<1000xi32, #tpu.memory_space<vmem>>
        %dma_wait3A_109 = tpu.memref_slice %arg4[%add3A_55] : memref<160000xi32, #tpu.memory_space<hbm>> -> memref<1000xi32, #tpu.memory_space<hbm>>
        tpu.wait_dma2 semaphore(%run_scoped3A : memref<!tpu.dma_semaphore, #tpu.memory_space<semaphore_mem>>) src(%dma_wait3A_109 : memref<1000xi32, #tpu.memory_space<hbm>>) dst(%dma_wait3A_108 : memref<1000xi32, #tpu.memory_space<vmem>>)
        tpu.yield
      }) : () -> ()
      "tpu.region"() ({
        %run_scoped3A = tpu.sem_alloc : memref<!tpu.dma_semaphore, #tpu.memory_space<semaphore_mem>>
        %dma_start3A_98 = tpu.memref_slice %arg5[%add3A_55] : memref<160000xi32, #tpu.memory_space<hbm>> -> memref<1000xi32, #tpu.memory_space<hbm>>
        %dma_start3A_99 = tpu.memref_slice %arg5[%add3A_55] : memref<160000xi32, #tpu.memory_space<hbm>> -> memref<1000xi32, #tpu.memory_space<hbm>>
        tpu.enqueue_dma source(%dma_start3A_99 : memref<1000xi32, #tpu.memory_space<hbm>>) target(%arg14 : memref<1000xi32, #tpu.memory_space<vmem>>) target_semaphore(%run_scoped3A : memref<!tpu.dma_semaphore, #tpu.memory_space<semaphore_mem>>)
        %dma_wait3A_100 = tpu.memref_slice %arg5[%add3A_55] : memref<160000xi32, #tpu.memory_space<hbm>> -> memref<1000xi32, #tpu.memory_space<hbm>>
        %dma_wait3A_101 = tpu.memref_slice %arg5[%add3A_55] : memref<160000xi32, #tpu.memory_space<hbm>> -> memref<1000xi32, #tpu.memory_space<hbm>>
        tpu.wait_dma2 semaphore(%run_scoped3A : memref<!tpu.dma_semaphore, #tpu.memory_space<semaphore_mem>>) src(%dma_wait3A_101 : memref<1000xi32, #tpu.memory_space<hbm>>) dst(%arg14 : memref<1000xi32, #tpu.memory_space<vmem>>)
        tpu.yield
      }) : () -> ()
      "tpu.region"() ({
        %run_scoped3A = tpu.sem_alloc : memref<!tpu.dma_semaphore, #tpu.memory_space<semaphore_mem>>
        %dma_start3A_98 = arith.constant 0 : i32
        %dma_start3A_99 = tpu.memref_slice %arg16[%dma_start3A_98] : memref<1016xf32, #tpu.memory_space<vmem>> -> memref<1000xf32, #tpu.memory_space<vmem>>
        %dma_start3A_100 = tpu.memref_slice %arg3[%add3A_55] : memref<160000xf32, #tpu.memory_space<hbm>> -> memref<1000xf32, #tpu.memory_space<hbm>>
        %dma_start3A_101 = arith.constant 0 : i32
        %dma_start3A_102 = tpu.memref_slice %arg16[%dma_start3A_101] : memref<1016xf32, #tpu.memory_space<vmem>> -> memref<1000xf32, #tpu.memory_space<vmem>>
        %dma_start3A_103 = tpu.memref_slice %arg3[%add3A_55] : memref<160000xf32, #tpu.memory_space<hbm>> -> memref<1000xf32, #tpu.memory_space<hbm>>
        tpu.enqueue_dma source(%dma_start3A_103 : memref<1000xf32, #tpu.memory_space<hbm>>) target(%dma_start3A_102 : memref<1000xf32, #tpu.memory_space<vmem>>) target_semaphore(%run_scoped3A : memref<!tpu.dma_semaphore, #tpu.memory_space<semaphore_mem>>)
        %dma_wait3A_104 = arith.constant 0 : i32
        %dma_wait3A_105 = tpu.memref_slice %arg16[%dma_wait3A_104] : memref<1016xf32, #tpu.memory_space<vmem>> -> memref<1000xf32, #tpu.memory_space<vmem>>
        %dma_wait3A_106 = tpu.memref_slice %arg3[%add3A_55] : memref<160000xf32, #tpu.memory_space<hbm>> -> memref<1000xf32, #tpu.memory_space<hbm>>
        %dma_wait3A_107 = arith.constant 0 : i32
        %dma_wait3A_108 = tpu.memref_slice %arg16[%dma_wait3A_107] : memref<1016xf32, #tpu.memory_space<vmem>> -> memref<1000xf32, #tpu.memory_space<vmem>>
        %dma_wait3A_109 = tpu.memref_slice %arg3[%add3A_55] : memref<160000xf32, #tpu.memory_space<hbm>> -> memref<1000xf32, #tpu.memory_space<hbm>>
        tpu.wait_dma2 semaphore(%run_scoped3A : memref<!tpu.dma_semaphore, #tpu.memory_space<semaphore_mem>>) src(%dma_wait3A_109 : memref<1000xf32, #tpu.memory_space<hbm>>) dst(%dma_wait3A_108 : memref<1000xf32, #tpu.memory_space<vmem>>)
        tpu.yield
      }) : () -> ()
      %mul3A_56 = arith.constant 8 : i32
      %mul3A_57 = arith.muli %add3A_55, %mul3A_56 : i32
      "tpu.region"() ({
        %run_scoped3A = tpu.sem_alloc : memref<!tpu.dma_semaphore, #tpu.memory_space<semaphore_mem>>
        %dma_start3A_98 = arith.constant 0 : i32
        %dma_start3A_99 = tpu.memref_slice %arg17[%dma_start3A_98] : memref<8016xf32, #tpu.memory_space<vmem>> -> memref<8000xf32, #tpu.memory_space<vmem>>
        %dma_start3A_100 = tpu.memref_slice %arg6[%mul3A_57] : memref<1280000xf32, #tpu.memory_space<hbm>> -> memref<8000xf32, #tpu.memory_space<hbm>>
        %dma_start3A_101 = arith.constant 0 : i32
        %dma_start3A_102 = tpu.memref_slice %arg17[%dma_start3A_101] : memref<8016xf32, #tpu.memory_space<vmem>> -> memref<8000xf32, #tpu.memory_space<vmem>>
        %dma_start3A_103 = tpu.memref_slice %arg6[%mul3A_57] : memref<1280000xf32, #tpu.memory_space<hbm>> -> memref<8000xf32, #tpu.memory_space<hbm>>
        tpu.enqueue_dma source(%dma_start3A_103 : memref<8000xf32, #tpu.memory_space<hbm>>) target(%dma_start3A_102 : memref<8000xf32, #tpu.memory_space<vmem>>) target_semaphore(%run_scoped3A : memref<!tpu.dma_semaphore, #tpu.memory_space<semaphore_mem>>)
        %dma_wait3A_104 = arith.constant 0 : i32
        %dma_wait3A_105 = tpu.memref_slice %arg17[%dma_wait3A_104] : memref<8016xf32, #tpu.memory_space<vmem>> -> memref<8000xf32, #tpu.memory_space<vmem>>
        %dma_wait3A_106 = tpu.memref_slice %arg6[%mul3A_57] : memref<1280000xf32, #tpu.memory_space<hbm>> -> memref<8000xf32, #tpu.memory_space<hbm>>
        %dma_wait3A_107 = arith.constant 0 : i32
        %dma_wait3A_108 = tpu.memref_slice %arg17[%dma_wait3A_107] : memref<8016xf32, #tpu.memory_space<vmem>> -> memref<8000xf32, #tpu.memory_space<vmem>>
        %dma_wait3A_109 = tpu.memref_slice %arg6[%mul3A_57] : memref<1280000xf32, #tpu.memory_space<hbm>> -> memref<8000xf32, #tpu.memory_space<hbm>>
        tpu.wait_dma2 semaphore(%run_scoped3A : memref<!tpu.dma_semaphore, #tpu.memory_space<semaphore_mem>>) src(%dma_wait3A_109 : memref<8000xf32, #tpu.memory_space<hbm>>) dst(%dma_wait3A_108 : memref<8000xf32, #tpu.memory_space<vmem>>)
        tpu.yield
      }) : () -> ()
      %scan3A_58 = arith.constant 0 : i32
      %scan3A_59 = arith.constant 63 : i32
      %scan3A_60 = arith.addi %scan3A_58, %scan3A_59 : i32
      %scan3A_61 = arith.constant 1 : i32
      scf.for %scan3A_98 = %scan3A_58 to %scan3A_60 step %scan3A_61  : i32 {
        %mul3A_99 = arith.constant 1 : i32
        %mul3A_100 = arith.muli %scan3A_98, %mul3A_99 : i32
        %add3A_101 = arith.constant 0 : i32
        %add3A_102 = arith.addi %add3A_101, %mul3A_100 : i32
        %mul3A_103 = arith.constant 16 : i32
        %mul3A_104 = arith.muli %add3A_102, %mul3A_103 : i32
        %get3A = arith.index_cast %mul3A_104 : i32 to index
        %get3A_105 = tpu.vector_load %arg13[%get3A] {strides = array<i32>} : memref<1008xi32, #tpu.memory_space<vmem>>, vector<16xi32>,
        %add3A_106 = vector.broadcast %mul3A_3 : i32 to vector<16xi32>
        %add3A_107 = arith.addi %get3A_105, %add3A_106 : vector<16xi32>
        %swap3A = arith.index_cast %mul3A_104 : i32 to index
        %swap3A_108 = tpu.vector_load %arg15[%swap3A] {strides = array<i32>} : memref<1008xi32, #tpu.memory_space<vmem>>, vector<16xi32>,
        tpu.vector_store %arg15[%swap3A], %add3A_107 {strides = array<i32>} : memref<1008xi32, #tpu.memory_space<vmem>>, vector<16xi32>,
      }
      %scan3A_62 = arith.constant 63 : i32
      %dma_start3A = arith.constant 0 : i32
      %dma_start3A_63 = tpu.memref_slice %arg15[%dma_start3A] : memref<1008xi32, #tpu.memory_space<vmem>> -> memref<40xi32, #tpu.memory_space<vmem>>
      %dma_start3A_64 = arith.constant 0 : i32
      %dma_start3A_65 = arith.constant 0 : i32
      %dma_start3A_66 = tpu.memref_slice %arg2[%dma_start3A_64, %dma_start3A_65] : memref<40000x128xf32, #tpu.memory_space<hbm>> -> memref<40000x128xf32, #tpu.memory_space<hbm>>
      tpu.enqueue_indirect_dma source(%dma_start3A_66 : memref<40000x128xf32, #tpu.memory_space<hbm>>) target(%arg9 : memref<40x128xf32, #tpu.memory_space<vmem>>) offsets(%dma_start3A_63 : memref<40xi32, #tpu.memory_space<vmem>>) semaphore(%arg19 : memref<!tpu.dma_semaphore, #tpu.memory_space<semaphore_mem>>)
      %scan3A_67 = arith.constant 0 : i32
      %scan3A_68 = arith.constant 12 : i32
      %scan3A_69 = arith.addi %scan3A_67, %scan3A_68 : i32
      %scan3A_70 = arith.constant 1 : i32
      scf.for %scan3A_98 = %scan3A_67 to %scan3A_69 step %scan3A_70  : i32 {
        %mul3A_99 = arith.constant 1 : i32
        %mul3A_100 = arith.muli %scan3A_98, %mul3A_99 : i32
        %add3A_101 = arith.constant 0 : i32
        %add3A_102 = arith.addi %add3A_101, %mul3A_100 : i32
        %mul3A_103 = arith.constant 2 : i32
        %mul3A_104 = arith.muli %add3A_102, %mul3A_103 : i32
        %add3A_105 = arith.constant 1 : i32
        %add3A_106 = arith.addi %mul3A_104, %add3A_105 : i32
        %mul3A_107 = arith.constant 40 : i32
        %mul3A_108 = arith.muli %add3A_106, %mul3A_107 : i32
        %dma_start3A_109 = tpu.memref_slice %arg15[%mul3A_108] : memref<1008xi32, #tpu.memory_space<vmem>> -> memref<40xi32, #tpu.memory_space<vmem>>
        %dma_start3A_110 = arith.constant 0 : i32
        %dma_start3A_111 = arith.constant 0 : i32
        %dma_start3A_112 = tpu.memref_slice %arg2[%dma_start3A_110, %dma_start3A_111] : memref<40000x128xf32, #tpu.memory_space<hbm>> -> memref<40000x128xf32, #tpu.memory_space<hbm>>
        tpu.enqueue_indirect_dma source(%dma_start3A_112 : memref<40000x128xf32, #tpu.memory_space<hbm>>) target(%arg10 : memref<40x128xf32, #tpu.memory_space<vmem>>) offsets(%dma_start3A_109 : memref<40xi32, #tpu.memory_space<vmem>>) semaphore(%arg20 : memref<!tpu.dma_semaphore, #tpu.memory_space<semaphore_mem>>)
        %mul3A_113 = arith.constant 40 : i32
        %mul3A_114 = arith.muli %mul3A_104, %mul3A_113 : i32
        %dma_wait3A_115 = tpu.memref_slice %arg15[%mul3A_114] : memref<1008xi32, #tpu.memory_space<vmem>> -> memref<40xi32, #tpu.memory_space<vmem>>
        %dma_wait3A_116 = arith.constant 0 : i32
        %dma_wait3A_117 = arith.constant 0 : i32
        %dma_wait3A_118 = tpu.memref_slice %arg2[%dma_wait3A_116, %dma_wait3A_117] : memref<40000x128xf32, #tpu.memory_space<hbm>> -> memref<40000x128xf32, #tpu.memory_space<hbm>>
        tpu.wait_indirect_dma semaphore(%arg19 : memref<!tpu.dma_semaphore, #tpu.memory_space<semaphore_mem>>) src(%dma_wait3A_118 : memref<40000x128xf32, #tpu.memory_space<hbm>>) dst(%arg9 : memref<40x128xf32, #tpu.memory_space<vmem>>)
        %ge3A = arith.constant 1 : i32
        %ge3A_119 = arith.cmpi sge, %add3A_102, %ge3A : i32
        %convert_element_type3A = arith.extui %ge3A_119 : i1 to i32
        %cond3A = arith.constant 0 : i32
        %cond3A_120 = arith.cmpi ne, %convert_element_type3A, %cond3A : i32
        scf.if %cond3A_120 {
          %sub3A = arith.constant 2 : i32
          %sub3A_162 = arith.subi %mul3A_104, %sub3A : i32
          %mul3A_163 = arith.constant 40 : i32
          %mul3A_164 = arith.muli %sub3A_162, %mul3A_163 : i32
          %dma_wait3A_165 = tpu.memref_slice %arg14[%mul3A_164] : memref<1000xi32, #tpu.memory_space<vmem>> -> memref<40xi32, #tpu.memory_space<vmem>>
          %dma_wait3A_166 = arith.constant 0 : i32
          %dma_wait3A_167 = arith.constant 0 : i32
          %dma_wait3A_168 = tpu.memref_slice %arg18[%dma_wait3A_166, %dma_wait3A_167] : memref<10240x128xf32, #tpu.memory_space<vmem_shared>> -> memref<10240x128xf32, #tpu.memory_space<vmem_shared>>
          tpu.wait_indirect_dma semaphore(%arg21 : memref<!tpu.dma_semaphore, #tpu.memory_space<semaphore_mem>>) src(%arg11 : memref<40x128xf32, #tpu.memory_space<vmem>>) dst(%dma_wait3A_168 : memref<10240x128xf32, #tpu.memory_space<vmem_shared>>)
        } else {
        }
        %mul3A_121 = arith.constant 40 : i32
        %mul3A_122 = arith.muli %mul3A_104, %mul3A_121 : i32
        %parallel_loop3A_123 = arith.constant 0 : i32
        %parallel_loop3A_124 = arith.constant 40 : i32
        %parallel_loop3A_125 = arith.constant 1 : i32
        scf.for %parallel_loop3A_162 = %parallel_loop3A_123 to %parallel_loop3A_124 step %parallel_loop3A_125  : i32 {
          %parallel_loop3A_163 = arith.constant 40 : i32
          %parallel_loop3A_164 = arith.muli %mul3A_104, %parallel_loop3A_163 : i32
          %parallel_loop3A_165 = arith.addi %parallel_loop3A_164, %parallel_loop3A_162 : i32
          %parallel_loop3A_166 = arith.constant 8 : i32
          %parallel_loop3A_167 = arith.muli %parallel_loop3A_165, %parallel_loop3A_166 : i32
          %parallel_loop3A_168 = arith.index_cast %parallel_loop3A_167 : i32 to index
          %parallel_loop3A_169 = tpu.vector_load %arg17[%parallel_loop3A_168] {strides = array<i32>} : memref<8016xf32, #tpu.memory_space<vmem>>, vector<16xf32>,
          %parallel_loop3A_170 = arith.constant 0 : i32
          %parallel_loop3A_171 = arith.cmpi eq, %arg0, %parallel_loop3A_170 : i32
          %parallel_loop3A_172 = vector.extract_strided_slice %parallel_loop3A_169 {offsets = [0], sizes = [1], strides = [1]} : vector<16xf32> to vector<1xf32>
          %parallel_loop3A_173 = vector.extract %parallel_loop3A_172[0] : f32 from vector<1xf32>
          %parallel_loop3A_174 = vector.extract_strided_slice %parallel_loop3A_169 {offsets = [2], sizes = [1], strides = [1]} : vector<16xf32> to vector<1xf32>
          %parallel_loop3A_175 = vector.extract %parallel_loop3A_174[0] : f32 from vector<1xf32>
          %parallel_loop3A_176 = arith.select %parallel_loop3A_171, %parallel_loop3A_173, %parallel_loop3A_175 : f32
          %parallel_loop3A_177 = arith.index_cast %parallel_loop3A_165 : i32 to index
          %parallel_loop3A_178 = tpu.vector_load %arg16[%parallel_loop3A_177] {strides = array<i32>} : memref<1016xf32, #tpu.memory_space<vmem>>, vector<16xf32>,
          %parallel_loop3A_179 = vector.extract_strided_slice %parallel_loop3A_178 {offsets = [0], sizes = [1], strides = [1]} : vector<16xf32> to vector<1xf32>
          %parallel_loop3A_180 = vector.extract %parallel_loop3A_179[0] : f32 from vector<1xf32>
          %parallel_loop3A_181 = arith.mulf %parallel_loop3A_180, %parallel_loop3A_176 : f32
          %parallel_loop3A_182 = arith.index_cast %parallel_loop3A_162 : i32 to index
          %parallel_loop3A_183 = arith.constant 0 : index
          %parallel_loop3A_184 = tpu.vector_load %arg9[%parallel_loop3A_182, %parallel_loop3A_183] {strides = array<i32>} : memref<40x128xf32, #tpu.memory_space<vmem>>, vector<16xf32>,
          %parallel_loop3A_185 = vector.broadcast %parallel_loop3A_181 : f32 to vector<16xf32>
          %parallel_loop3A_186 = arith.mulf %parallel_loop3A_184, %parallel_loop3A_185 : vector<16xf32>
          %parallel_loop3A_187 = arith.index_cast %parallel_loop3A_162 : i32 to index
          %parallel_loop3A_188 = arith.constant 0 : index
          %parallel_loop3A_189 = tpu.vector_load %arg11[%parallel_loop3A_187, %parallel_loop3A_188] {strides = array<i32>} : memref<40x128xf32, #tpu.memory_space<vmem>>, vector<16xf32>,
          tpu.vector_store %arg11[%parallel_loop3A_187, %parallel_loop3A_188], %parallel_loop3A_186 {strides = array<i32>} : memref<40x128xf32, #tpu.memory_space<vmem>>, vector<16xf32>,
          %parallel_loop3A_190 = arith.index_cast %parallel_loop3A_162 : i32 to index
          %parallel_loop3A_191 = arith.constant 16 : index
          %parallel_loop3A_192 = tpu.vector_load %arg9[%parallel_loop3A_190, %parallel_loop3A_191] {strides = array<i32>} : memref<40x128xf32, #tpu.memory_space<vmem>>, vector<16xf32>,
          %parallel_loop3A_193 = vector.broadcast %parallel_loop3A_181 : f32 to vector<16xf32>
          %parallel_loop3A_194 = arith.mulf %parallel_loop3A_192, %parallel_loop3A_193 : vector<16xf32>
          %parallel_loop3A_195 = arith.index_cast %parallel_loop3A_162 : i32 to index
          %parallel_loop3A_196 = arith.constant 16 : index
          %parallel_loop3A_197 = tpu.vector_load %arg11[%parallel_loop3A_195, %parallel_loop3A_196] {strides = array<i32>} : memref<40x128xf32, #tpu.memory_space<vmem>>, vector<16xf32>,
          tpu.vector_store %arg11[%parallel_loop3A_195, %parallel_loop3A_196], %parallel_loop3A_194 {strides = array<i32>} : memref<40x128xf32, #tpu.memory_space<vmem>>, vector<16xf32>,
          %parallel_loop3A_198 = arith.index_cast %parallel_loop3A_162 : i32 to index
          %parallel_loop3A_199 = arith.constant 32 : index
          %parallel_loop3A_200 = tpu.vector_load %arg9[%parallel_loop3A_198, %parallel_loop3A_199] {strides = array<i32>} : memref<40x128xf32, #tpu.memory_space<vmem>>, vector<16xf32>,
          %parallel_loop3A_201 = vector.broadcast %parallel_loop3A_181 : f32 to vector<16xf32>
          %parallel_loop3A_202 = arith.mulf %parallel_loop3A_200, %parallel_loop3A_201 : vector<16xf32>
          %parallel_loop3A_203 = arith.index_cast %parallel_loop3A_162 : i32 to index
          %parallel_loop3A_204 = arith.constant 32 : index
          %parallel_loop3A_205 = tpu.vector_load %arg11[%parallel_loop3A_203, %parallel_loop3A_204] {strides = array<i32>} : memref<40x128xf32, #tpu.memory_space<vmem>>, vector<16xf32>,
          tpu.vector_store %arg11[%parallel_loop3A_203, %parallel_loop3A_204], %parallel_loop3A_202 {strides = array<i32>} : memref<40x128xf32, #tpu.memory_space<vmem>>, vector<16xf32>,
          %parallel_loop3A_206 = arith.index_cast %parallel_loop3A_162 : i32 to index
          %parallel_loop3A_207 = arith.constant 48 : index
          %parallel_loop3A_208 = tpu.vector_load %arg9[%parallel_loop3A_206, %parallel_loop3A_207] {strides = array<i32>} : memref<40x128xf32, #tpu.memory_space<vmem>>, vector<16xf32>,
          %parallel_loop3A_209 = vector.broadcast %parallel_loop3A_181 : f32 to vector<16xf32>
          %parallel_loop3A_210 = arith.mulf %parallel_loop3A_208, %parallel_loop3A_209 : vector<16xf32>
          %parallel_loop3A_211 = arith.index_cast %parallel_loop3A_162 : i32 to index
          %parallel_loop3A_212 = arith.constant 48 : index
          %parallel_loop3A_213 = tpu.vector_load %arg11[%parallel_loop3A_211, %parallel_loop3A_212] {strides = array<i32>} : memref<40x128xf32, #tpu.memory_space<vmem>>, vector<16xf32>,
          tpu.vector_store %arg11[%parallel_loop3A_211, %parallel_loop3A_212], %parallel_loop3A_210 {strides = array<i32>} : memref<40x128xf32, #tpu.memory_space<vmem>>, vector<16xf32>,
          %parallel_loop3A_214 = arith.index_cast %parallel_loop3A_162 : i32 to index
          %parallel_loop3A_215 = arith.constant 64 : index
          %parallel_loop3A_216 = tpu.vector_load %arg9[%parallel_loop3A_214, %parallel_loop3A_215] {strides = array<i32>} : memref<40x128xf32, #tpu.memory_space<vmem>>, vector<16xf32>,
          %parallel_loop3A_217 = vector.broadcast %parallel_loop3A_181 : f32 to vector<16xf32>
          %parallel_loop3A_218 = arith.mulf %parallel_loop3A_216, %parallel_loop3A_217 : vector<16xf32>
          %parallel_loop3A_219 = arith.index_cast %parallel_loop3A_162 : i32 to index
          %parallel_loop3A_220 = arith.constant 64 : index
          %parallel_loop3A_221 = tpu.vector_load %arg11[%parallel_loop3A_219, %parallel_loop3A_220] {strides = array<i32>} : memref<40x128xf32, #tpu.memory_space<vmem>>, vector<16xf32>,
          tpu.vector_store %arg11[%parallel_loop3A_219, %parallel_loop3A_220], %parallel_loop3A_218 {strides = array<i32>} : memref<40x128xf32, #tpu.memory_space<vmem>>, vector<16xf32>,
          %parallel_loop3A_222 = arith.index_cast %parallel_loop3A_162 : i32 to index
          %parallel_loop3A_223 = arith.constant 80 : index
          %parallel_loop3A_224 = tpu.vector_load %arg9[%parallel_loop3A_222, %parallel_loop3A_223] {strides = array<i32>} : memref<40x128xf32, #tpu.memory_space<vmem>>, vector<16xf32>,
          %parallel_loop3A_225 = vector.broadcast %parallel_loop3A_181 : f32 to vector<16xf32>
          %parallel_loop3A_226 = arith.mulf %parallel_loop3A_224, %parallel_loop3A_225 : vector<16xf32>
          %parallel_loop3A_227 = arith.index_cast %parallel_loop3A_162 : i32 to index
          %parallel_loop3A_228 = arith.constant 80 : index
          %parallel_loop3A_229 = tpu.vector_load %arg11[%parallel_loop3A_227, %parallel_loop3A_228] {strides = array<i32>} : memref<40x128xf32, #tpu.memory_space<vmem>>, vector<16xf32>,
          tpu.vector_store %arg11[%parallel_loop3A_227, %parallel_loop3A_228], %parallel_loop3A_226 {strides = array<i32>} : memref<40x128xf32, #tpu.memory_space<vmem>>, vector<16xf32>,
          %parallel_loop3A_230 = arith.index_cast %parallel_loop3A_162 : i32 to index
          %parallel_loop3A_231 = arith.constant 96 : index
          %parallel_loop3A_232 = tpu.vector_load %arg9[%parallel_loop3A_230, %parallel_loop3A_231] {strides = array<i32>} : memref<40x128xf32, #tpu.memory_space<vmem>>, vector<16xf32>,
          %parallel_loop3A_233 = vector.broadcast %parallel_loop3A_181 : f32 to vector<16xf32>
          %parallel_loop3A_234 = arith.mulf %parallel_loop3A_232, %parallel_loop3A_233 : vector<16xf32>
          %parallel_loop3A_235 = arith.index_cast %parallel_loop3A_162 : i32 to index
          %parallel_loop3A_236 = arith.constant 96 : index
          %parallel_loop3A_237 = tpu.vector_load %arg11[%parallel_loop3A_235, %parallel_loop3A_236] {strides = array<i32>} : memref<40x128xf32, #tpu.memory_space<vmem>>, vector<16xf32>,
          tpu.vector_store %arg11[%parallel_loop3A_235, %parallel_loop3A_236], %parallel_loop3A_234 {strides = array<i32>} : memref<40x128xf32, #tpu.memory_space<vmem>>, vector<16xf32>,
          %parallel_loop3A_238 = arith.index_cast %parallel_loop3A_162 : i32 to index
          %parallel_loop3A_239 = arith.constant 112 : index
          %parallel_loop3A_240 = tpu.vector_load %arg9[%parallel_loop3A_238, %parallel_loop3A_239] {strides = array<i32>} : memref<40x128xf32, #tpu.memory_space<vmem>>, vector<16xf32>,
          %parallel_loop3A_241 = vector.broadcast %parallel_loop3A_181 : f32 to vector<16xf32>
          %parallel_loop3A_242 = arith.mulf %parallel_loop3A_240, %parallel_loop3A_241 : vector<16xf32>
          %parallel_loop3A_243 = arith.index_cast %parallel_loop3A_162 : i32 to index
          %parallel_loop3A_244 = arith.constant 112 : index
          %parallel_loop3A_245 = tpu.vector_load %arg11[%parallel_loop3A_243, %parallel_loop3A_244] {strides = array<i32>} : memref<40x128xf32, #tpu.memory_space<vmem>>, vector<16xf32>,
          tpu.vector_store %arg11[%parallel_loop3A_243, %parallel_loop3A_244], %parallel_loop3A_242 {strides = array<i32>} : memref<40x128xf32, #tpu.memory_space<vmem>>, vector<16xf32>,
        } {sc.loop_unroll_factor = 2 : i64, sc.parallel_access}
        %dma_start3A_126 = tpu.memref_slice %arg14[%mul3A_122] : memref<1000xi32, #tpu.memory_space<vmem>> -> memref<40xi32, #tpu.memory_space<vmem>>
        %dma_start3A_127 = arith.constant 0 : i32
        %dma_start3A_128 = arith.constant 0 : i32
        %dma_start3A_129 = tpu.memref_slice %arg18[%dma_start3A_127, %dma_start3A_128] : memref<10240x128xf32, #tpu.memory_space<vmem_shared>> -> memref<10240x128xf32, #tpu.memory_space<vmem_shared>>
        tpu.enqueue_indirect_dma source(%arg11 : memref<40x128xf32, #tpu.memory_space<vmem>>) target(%dma_start3A_129 : memref<10240x128xf32, #tpu.memory_space<vmem_shared>>) offsets(%dma_start3A_126 : memref<40xi32, #tpu.memory_space<vmem>>) semaphore(%arg21 : memref<!tpu.dma_semaphore, #tpu.memory_space<semaphore_mem>>) {add = true}
        %add3A_130 = arith.constant 2 : i32
        %add3A_131 = arith.addi %mul3A_104, %add3A_130 : i32
        %mul3A_132 = arith.constant 40 : i32
        %mul3A_133 = arith.muli %add3A_131, %mul3A_132 : i32
        %dma_start3A_134 = tpu.memref_slice %arg15[%mul3A_133] : memref<1008xi32, #tpu.memory_space<vmem>> -> memref<40xi32, #tpu.memory_space<vmem>>
        %dma_start3A_135 = arith.constant 0 : i32
        %dma_start3A_136 = arith.constant 0 : i32
        %dma_start3A_137 = tpu.memref_slice %arg2[%dma_start3A_135, %dma_start3A_136] : memref<40000x128xf32, #tpu.memory_space<hbm>> -> memref<40000x128xf32, #tpu.memory_space<hbm>>
        tpu.enqueue_indirect_dma source(%dma_start3A_137 : memref<40000x128xf32, #tpu.memory_space<hbm>>) target(%arg9 : memref<40x128xf32, #tpu.memory_space<vmem>>) offsets(%dma_start3A_134 : memref<40xi32, #tpu.memory_space<vmem>>) semaphore(%arg19 : memref<!tpu.dma_semaphore, #tpu.memory_space<semaphore_mem>>)
        %add3A_138 = arith.constant 1 : i32
        %add3A_139 = arith.addi %mul3A_104, %add3A_138 : i32
        %mul3A_140 = arith.constant 40 : i32
        %mul3A_141 = arith.muli %add3A_139, %mul3A_140 : i32
        %dma_wait3A_142 = tpu.memref_slice %arg15[%mul3A_141] : memref<1008xi32, #tpu.memory_space<vmem>> -> memref<40xi32, #tpu.memory_space<vmem>>
        %dma_wait3A_143 = arith.constant 0 : i32
        %dma_wait3A_144 = arith.constant 0 : i32
        %dma_wait3A_145 = tpu.memref_slice %arg2[%dma_wait3A_143, %dma_wait3A_144] : memref<40000x128xf32, #tpu.memory_space<hbm>> -> memref<40000x128xf32, #tpu.memory_space<hbm>>
        tpu.wait_indirect_dma semaphore(%arg20 : memref<!tpu.dma_semaphore, #tpu.memory_space<semaphore_mem>>) src(%dma_wait3A_145 : memref<40000x128xf32, #tpu.memory_space<hbm>>) dst(%arg10 : memref<40x128xf32, #tpu.memory_space<vmem>>)
        %ge3A_146 = arith.constant 1 : i32
        %ge3A_147 = arith.cmpi sge, %add3A_102, %ge3A_146 : i32
        %convert_element_type3A_148 = arith.extui %ge3A_147 : i1 to i32
        %cond3A_149 = arith.constant 0 : i32
        %cond3A_150 = arith.cmpi ne, %convert_element_type3A_148, %cond3A_149 : i32
        scf.if %cond3A_150 {
          %sub3A = arith.constant 1 : i32
          %sub3A_162 = arith.subi %mul3A_104, %sub3A : i32
          %mul3A_163 = arith.constant 40 : i32
          %mul3A_164 = arith.muli %sub3A_162, %mul3A_163 : i32
          %dma_wait3A_165 = tpu.memref_slice %arg14[%mul3A_164] : memref<1000xi32, #tpu.memory_space<vmem>> -> memref<40xi32, #tpu.memory_space<vmem>>
          %dma_wait3A_166 = arith.constant 0 : i32
          %dma_wait3A_167 = arith.constant 0 : i32
          %dma_wait3A_168 = tpu.memref_slice %arg18[%dma_wait3A_166, %dma_wait3A_167] : memref<10240x128xf32, #tpu.memory_space<vmem_shared>> -> memref<10240x128xf32, #tpu.memory_space<vmem_shared>>
          tpu.wait_indirect_dma semaphore(%arg22 : memref<!tpu.dma_semaphore, #tpu.memory_space<semaphore_mem>>) src(%arg12 : memref<40x128xf32, #tpu.memory_space<vmem>>) dst(%dma_wait3A_168 : memref<10240x128xf32, #tpu.memory_space<vmem_shared>>)
        } else {
        }
        %add3A_151 = arith.constant 1 : i32
        %add3A_152 = arith.addi %mul3A_104, %add3A_151 : i32
        %mul3A_153 = arith.constant 40 : i32
        %mul3A_154 = arith.muli %add3A_152, %mul3A_153 : i32
        %parallel_loop3A_155 = arith.constant 0 : i32
        %parallel_loop3A_156 = arith.constant 40 : i32
        %parallel_loop3A_157 = arith.constant 1 : i32
        scf.for %parallel_loop3A_162 = %parallel_loop3A_155 to %parallel_loop3A_156 step %parallel_loop3A_157  : i32 {
          %parallel_loop3A_163 = arith.constant 40 : i32
          %parallel_loop3A_164 = arith.muli %add3A_152, %parallel_loop3A_163 : i32
          %parallel_loop3A_165 = arith.addi %parallel_loop3A_164, %parallel_loop3A_162 : i32
          %parallel_loop3A_166 = arith.constant 8 : i32
          %parallel_loop3A_167 = arith.muli %parallel_loop3A_165, %parallel_loop3A_166 : i32
          %parallel_loop3A_168 = arith.index_cast %parallel_loop3A_167 : i32 to index
          %parallel_loop3A_169 = tpu.vector_load %arg17[%parallel_loop3A_168] {strides = array<i32>} : memref<8016xf32, #tpu.memory_space<vmem>>, vector<16xf32>,
          %parallel_loop3A_170 = arith.constant 0 : i32
          %parallel_loop3A_171 = arith.cmpi eq, %arg0, %parallel_loop3A_170 : i32
          %parallel_loop3A_172 = vector.extract_strided_slice %parallel_loop3A_169 {offsets = [0], sizes = [1], strides = [1]} : vector<16xf32> to vector<1xf32>
          %parallel_loop3A_173 = vector.extract %parallel_loop3A_172[0] : f32 from vector<1xf32>
          %parallel_loop3A_174 = vector.extract_strided_slice %parallel_loop3A_169 {offsets = [2], sizes = [1], strides = [1]} : vector<16xf32> to vector<1xf32>
          %parallel_loop3A_175 = vector.extract %parallel_loop3A_174[0] : f32 from vector<1xf32>
          %parallel_loop3A_176 = arith.select %parallel_loop3A_171, %parallel_loop3A_173, %parallel_loop3A_175 : f32
          %parallel_loop3A_177 = arith.index_cast %parallel_loop3A_165 : i32 to index
          %parallel_loop3A_178 = tpu.vector_load %arg16[%parallel_loop3A_177] {strides = array<i32>} : memref<1016xf32, #tpu.memory_space<vmem>>, vector<16xf32>,
          %parallel_loop3A_179 = vector.extract_strided_slice %parallel_loop3A_178 {offsets = [0], sizes = [1], strides = [1]} : vector<16xf32> to vector<1xf32>
          %parallel_loop3A_180 = vector.extract %parallel_loop3A_179[0] : f32 from vector<1xf32>
          %parallel_loop3A_181 = arith.mulf %parallel_loop3A_180, %parallel_loop3A_176 : f32
          %parallel_loop3A_182 = arith.index_cast %parallel_loop3A_162 : i32 to index
          %parallel_loop3A_183 = arith.constant 0 : index
          %parallel_loop3A_184 = tpu.vector_load %arg10[%parallel_loop3A_182, %parallel_loop3A_183] {strides = array<i32>} : memref<40x128xf32, #tpu.memory_space<vmem>>, vector<16xf32>,
          %parallel_loop3A_185 = vector.broadcast %parallel_loop3A_181 : f32 to vector<16xf32>
          %parallel_loop3A_186 = arith.mulf %parallel_loop3A_184, %parallel_loop3A_185 : vector<16xf32>
          %parallel_loop3A_187 = arith.index_cast %parallel_loop3A_162 : i32 to index
          %parallel_loop3A_188 = arith.constant 0 : index
          %parallel_loop3A_189 = tpu.vector_load %arg12[%parallel_loop3A_187, %parallel_loop3A_188] {strides = array<i32>} : memref<40x128xf32, #tpu.memory_space<vmem>>, vector<16xf32>,
          tpu.vector_store %arg12[%parallel_loop3A_187, %parallel_loop3A_188], %parallel_loop3A_186 {strides = array<i32>} : memref<40x128xf32, #tpu.memory_space<vmem>>, vector<16xf32>,
          %parallel_loop3A_190 = arith.index_cast %parallel_loop3A_162 : i32 to index
          %parallel_loop3A_191 = arith.constant 16 : index
          %parallel_loop3A_192 = tpu.vector_load %arg10[%parallel_loop3A_190, %parallel_loop3A_191] {strides = array<i32>} : memref<40x128xf32, #tpu.memory_space<vmem>>, vector<16xf32>,
          %parallel_loop3A_193 = vector.broadcast %parallel_loop3A_181 : f32 to vector<16xf32>
          %parallel_loop3A_194 = arith.mulf %parallel_loop3A_192, %parallel_loop3A_193 : vector<16xf32>
          %parallel_loop3A_195 = arith.index_cast %parallel_loop3A_162 : i32 to index
          %parallel_loop3A_196 = arith.constant 16 : index
          %parallel_loop3A_197 = tpu.vector_load %arg12[%parallel_loop3A_195, %parallel_loop3A_196] {strides = array<i32>} : memref<40x128xf32, #tpu.memory_space<vmem>>, vector<16xf32>,
          tpu.vector_store %arg12[%parallel_loop3A_195, %parallel_loop3A_196], %parallel_loop3A_194 {strides = array<i32>} : memref<40x128xf32, #tpu.memory_space<vmem>>, vector<16xf32>,
          %parallel_loop3A_198 = arith.index_cast %parallel_loop3A_162 : i32 to index
          %parallel_loop3A_199 = arith.constant 32 : index
          %parallel_loop3A_200 = tpu.vector_load %arg10[%parallel_loop3A_198, %parallel_loop3A_199] {strides = array<i32>} : memref<40x128xf32, #tpu.memory_space<vmem>>, vector<16xf32>,
          %parallel_loop3A_201 = vector.broadcast %parallel_loop3A_181 : f32 to vector<16xf32>
          %parallel_loop3A_202 = arith.mulf %parallel_loop3A_200, %parallel_loop3A_201 : vector<16xf32>
          %parallel_loop3A_203 = arith.index_cast %parallel_loop3A_162 : i32 to index
          %parallel_loop3A_204 = arith.constant 32 : index
          %parallel_loop3A_205 = tpu.vector_load %arg12[%parallel_loop3A_203, %parallel_loop3A_204] {strides = array<i32>} : memref<40x128xf32, #tpu.memory_space<vmem>>, vector<16xf32>,
          tpu.vector_store %arg12[%parallel_loop3A_203, %parallel_loop3A_204], %parallel_loop3A_202 {strides = array<i32>} : memref<40x128xf32, #tpu.memory_space<vmem>>, vector<16xf32>,
          %parallel_loop3A_206 = arith.index_cast %parallel_loop3A_162 : i32 to index
          %parallel_loop3A_207 = arith.constant 48 : index
          %parallel_loop3A_208 = tpu.vector_load %arg10[%parallel_loop3A_206, %parallel_loop3A_207] {strides = array<i32>} : memref<40x128xf32, #tpu.memory_space<vmem>>, vector<16xf32>,
          %parallel_loop3A_209 = vector.broadcast %parallel_loop3A_181 : f32 to vector<16xf32>
          %parallel_loop3A_210 = arith.mulf %parallel_loop3A_208, %parallel_loop3A_209 : vector<16xf32>
          %parallel_loop3A_211 = arith.index_cast %parallel_loop3A_162 : i32 to index
          %parallel_loop3A_212 = arith.constant 48 : index
          %parallel_loop3A_213 = tpu.vector_load %arg12[%parallel_loop3A_211, %parallel_loop3A_212] {strides = array<i32>} : memref<40x128xf32, #tpu.memory_space<vmem>>, vector<16xf32>,
          tpu.vector_store %arg12[%parallel_loop3A_211, %parallel_loop3A_212], %parallel_loop3A_210 {strides = array<i32>} : memref<40x128xf32, #tpu.memory_space<vmem>>, vector<16xf32>,
          %parallel_loop3A_214 = arith.index_cast %parallel_loop3A_162 : i32 to index
          %parallel_loop3A_215 = arith.constant 64 : index
          %parallel_loop3A_216 = tpu.vector_load %arg10[%parallel_loop3A_214, %parallel_loop3A_215] {strides = array<i32>} : memref<40x128xf32, #tpu.memory_space<vmem>>, vector<16xf32>,
          %parallel_loop3A_217 = vector.broadcast %parallel_loop3A_181 : f32 to vector<16xf32>
          %parallel_loop3A_218 = arith.mulf %parallel_loop3A_216, %parallel_loop3A_217 : vector<16xf32>
          %parallel_loop3A_219 = arith.index_cast %parallel_loop3A_162 : i32 to index
          %parallel_loop3A_220 = arith.constant 64 : index
          %parallel_loop3A_221 = tpu.vector_load %arg12[%parallel_loop3A_219, %parallel_loop3A_220] {strides = array<i32>} : memref<40x128xf32, #tpu.memory_space<vmem>>, vector<16xf32>,
          tpu.vector_store %arg12[%parallel_loop3A_219, %parallel_loop3A_220], %parallel_loop3A_218 {strides = array<i32>} : memref<40x128xf32, #tpu.memory_space<vmem>>, vector<16xf32>,
          %parallel_loop3A_222 = arith.index_cast %parallel_loop3A_162 : i32 to index
          %parallel_loop3A_223 = arith.constant 80 : index
          %parallel_loop3A_224 = tpu.vector_load %arg10[%parallel_loop3A_222, %parallel_loop3A_223] {strides = array<i32>} : memref<40x128xf32, #tpu.memory_space<vmem>>, vector<16xf32>,
          %parallel_loop3A_225 = vector.broadcast %parallel_loop3A_181 : f32 to vector<16xf32>
          %parallel_loop3A_226 = arith.mulf %parallel_loop3A_224, %parallel_loop3A_225 : vector<16xf32>
          %parallel_loop3A_227 = arith.index_cast %parallel_loop3A_162 : i32 to index
          %parallel_loop3A_228 = arith.constant 80 : index
          %parallel_loop3A_229 = tpu.vector_load %arg12[%parallel_loop3A_227, %parallel_loop3A_228] {strides = array<i32>} : memref<40x128xf32, #tpu.memory_space<vmem>>, vector<16xf32>,
          tpu.vector_store %arg12[%parallel_loop3A_227, %parallel_loop3A_228], %parallel_loop3A_226 {strides = array<i32>} : memref<40x128xf32, #tpu.memory_space<vmem>>, vector<16xf32>,
          %parallel_loop3A_230 = arith.index_cast %parallel_loop3A_162 : i32 to index
          %parallel_loop3A_231 = arith.constant 96 : index
          %parallel_loop3A_232 = tpu.vector_load %arg10[%parallel_loop3A_230, %parallel_loop3A_231] {strides = array<i32>} : memref<40x128xf32, #tpu.memory_space<vmem>>, vector<16xf32>,
          %parallel_loop3A_233 = vector.broadcast %parallel_loop3A_181 : f32 to vector<16xf32>
          %parallel_loop3A_234 = arith.mulf %parallel_loop3A_232, %parallel_loop3A_233 : vector<16xf32>
          %parallel_loop3A_235 = arith.index_cast %parallel_loop3A_162 : i32 to index
          %parallel_loop3A_236 = arith.constant 96 : index
          %parallel_loop3A_237 = tpu.vector_load %arg12[%parallel_loop3A_235, %parallel_loop3A_236] {strides = array<i32>} : memref<40x128xf32, #tpu.memory_space<vmem>>, vector<16xf32>,
          tpu.vector_store %arg12[%parallel_loop3A_235, %parallel_loop3A_236], %parallel_loop3A_234 {strides = array<i32>} : memref<40x128xf32, #tpu.memory_space<vmem>>, vector<16xf32>,
          %parallel_loop3A_238 = arith.index_cast %parallel_loop3A_162 : i32 to index
          %parallel_loop3A_239 = arith.constant 112 : index
          %parallel_loop3A_240 = tpu.vector_load %arg10[%parallel_loop3A_238, %parallel_loop3A_239] {strides = array<i32>} : memref<40x128xf32, #tpu.memory_space<vmem>>, vector<16xf32>,
          %parallel_loop3A_241 = vector.broadcast %parallel_loop3A_181 : f32 to vector<16xf32>
          %parallel_loop3A_242 = arith.mulf %parallel_loop3A_240, %parallel_loop3A_241 : vector<16xf32>
          %parallel_loop3A_243 = arith.index_cast %parallel_loop3A_162 : i32 to index
          %parallel_loop3A_244 = arith.constant 112 : index
          %parallel_loop3A_245 = tpu.vector_load %arg12[%parallel_loop3A_243, %parallel_loop3A_244] {strides = array<i32>} : memref<40x128xf32, #tpu.memory_space<vmem>>, vector<16xf32>,
          tpu.vector_store %arg12[%parallel_loop3A_243, %parallel_loop3A_244], %parallel_loop3A_242 {strides = array<i32>} : memref<40x128xf32, #tpu.memory_space<vmem>>, vector<16xf32>,
        } {sc.loop_unroll_factor = 2 : i64, sc.parallel_access}
        %dma_start3A_158 = tpu.memref_slice %arg14[%mul3A_154] : memref<1000xi32, #tpu.memory_space<vmem>> -> memref<40xi32, #tpu.memory_space<vmem>>
        %dma_start3A_159 = arith.constant 0 : i32
        %dma_start3A_160 = arith.constant 0 : i32
        %dma_start3A_161 = tpu.memref_slice %arg18[%dma_start3A_159, %dma_start3A_160] : memref<10240x128xf32, #tpu.memory_space<vmem_shared>> -> memref<10240x128xf32, #tpu.memory_space<vmem_shared>>
        tpu.enqueue_indirect_dma source(%arg12 : memref<40x128xf32, #tpu.memory_space<vmem>>) target(%dma_start3A_161 : memref<10240x128xf32, #tpu.memory_space<vmem_shared>>) offsets(%dma_start3A_158 : memref<40xi32, #tpu.memory_space<vmem>>) semaphore(%arg22 : memref<!tpu.dma_semaphore, #tpu.memory_space<semaphore_mem>>) {add = true}
      }
      %scan3A_71 = arith.constant 12 : i32
      %dma_wait3A = arith.constant 960 : i32
      %dma_wait3A_72 = tpu.memref_slice %arg15[%dma_wait3A] : memref<1008xi32, #tpu.memory_space<vmem>> -> memref<40xi32, #tpu.memory_space<vmem>>
      %dma_wait3A_73 = arith.constant 0 : i32
      %dma_wait3A_74 = arith.constant 0 : i32
      %dma_wait3A_75 = tpu.memref_slice %arg2[%dma_wait3A_73, %dma_wait3A_74] : memref<40000x128xf32, #tpu.memory_space<hbm>> -> memref<40000x128xf32, #tpu.memory_space<hbm>>
      tpu.wait_indirect_dma semaphore(%arg19 : memref<!tpu.dma_semaphore, #tpu.memory_space<semaphore_mem>>) src(%dma_wait3A_75 : memref<40000x128xf32, #tpu.memory_space<hbm>>) dst(%arg9 : memref<40x128xf32, #tpu.memory_space<vmem>>)
      %dma_wait3A_76 = arith.constant 880 : i32
      %dma_wait3A_77 = tpu.memref_slice %arg14[%dma_wait3A_76] : memref<1000xi32, #tpu.memory_space<vmem>> -> memref<40xi32, #tpu.memory_space<vmem>>
      %dma_wait3A_78 = arith.constant 0 : i32
      %dma_wait3A_79 = arith.constant 0 : i32
      %dma_wait3A_80 = tpu.memref_slice %arg18[%dma_wait3A_78, %dma_wait3A_79] : memref<10240x128xf32, #tpu.memory_space<vmem_shared>> -> memref<10240x128xf32, #tpu.memory_space<vmem_shared>>
      tpu.wait_indirect_dma semaphore(%arg21 : memref<!tpu.dma_semaphore, #tpu.memory_space<semaphore_mem>>) src(%arg11 : memref<40x128xf32, #tpu.memory_space<vmem>>) dst(%dma_wait3A_80 : memref<10240x128xf32, #tpu.memory_space<vmem_shared>>)
      %parallel_loop3A = arith.constant 0 : i32
      %parallel_loop3A_81 = arith.constant 40 : i32
      %parallel_loop3A_82 = arith.constant 1 : i32
      scf.for %parallel_loop3A_98 = %parallel_loop3A to %parallel_loop3A_81 step %parallel_loop3A_82  : i32 {
        %parallel_loop3A_99 = arith.constant 960 : i32
        %parallel_loop3A_100 = arith.addi %parallel_loop3A_99, %parallel_loop3A_98 : i32
        %parallel_loop3A_101 = arith.constant 8 : i32
        %parallel_loop3A_102 = arith.muli %parallel_loop3A_100, %parallel_loop3A_101 : i32
        %parallel_loop3A_103 = arith.index_cast %parallel_loop3A_102 : i32 to index
        %parallel_loop3A_104 = tpu.vector_load %arg17[%parallel_loop3A_103] {strides = array<i32>} : memref<8016xf32, #tpu.memory_space<vmem>>, vector<16xf32>,
        %parallel_loop3A_105 = arith.constant 0 : i32
        %parallel_loop3A_106 = arith.cmpi eq, %arg0, %parallel_loop3A_105 : i32
        %parallel_loop3A_107 = vector.extract_strided_slice %parallel_loop3A_104 {offsets = [0], sizes = [1], strides = [1]} : vector<16xf32> to vector<1xf32>
        %parallel_loop3A_108 = vector.extract %parallel_loop3A_107[0] : f32 from vector<1xf32>
        %parallel_loop3A_109 = vector.extract_strided_slice %parallel_loop3A_104 {offsets = [2], sizes = [1], strides = [1]} : vector<16xf32> to vector<1xf32>
        %parallel_loop3A_110 = vector.extract %parallel_loop3A_109[0] : f32 from vector<1xf32>
        %parallel_loop3A_111 = arith.select %parallel_loop3A_106, %parallel_loop3A_108, %parallel_loop3A_110 : f32
        %parallel_loop3A_112 = arith.index_cast %parallel_loop3A_100 : i32 to index
        %parallel_loop3A_113 = tpu.vector_load %arg16[%parallel_loop3A_112] {strides = array<i32>} : memref<1016xf32, #tpu.memory_space<vmem>>, vector<16xf32>,
        %parallel_loop3A_114 = vector.extract_strided_slice %parallel_loop3A_113 {offsets = [0], sizes = [1], strides = [1]} : vector<16xf32> to vector<1xf32>
        %parallel_loop3A_115 = vector.extract %parallel_loop3A_114[0] : f32 from vector<1xf32>
        %parallel_loop3A_116 = arith.mulf %parallel_loop3A_115, %parallel_loop3A_111 : f32
        %parallel_loop3A_117 = arith.index_cast %parallel_loop3A_98 : i32 to index
        %parallel_loop3A_118 = arith.constant 0 : index
        %parallel_loop3A_119 = tpu.vector_load %arg9[%parallel_loop3A_117, %parallel_loop3A_118] {strides = array<i32>} : memref<40x128xf32, #tpu.memory_space<vmem>>, vector<16xf32>,
        %parallel_loop3A_120 = vector.broadcast %parallel_loop3A_116 : f32 to vector<16xf32>
        %parallel_loop3A_121 = arith.mulf %parallel_loop3A_119, %parallel_loop3A_120 : vector<16xf32>
        %parallel_loop3A_122 = arith.index_cast %parallel_loop3A_98 : i32 to index
        %parallel_loop3A_123 = arith.constant 0 : index
        %parallel_loop3A_124 = tpu.vector_load %arg11[%parallel_loop3A_122, %parallel_loop3A_123] {strides = array<i32>} : memref<40x128xf32, #tpu.memory_space<vmem>>, vector<16xf32>,
        tpu.vector_store %arg11[%parallel_loop3A_122, %parallel_loop3A_123], %parallel_loop3A_121 {strides = array<i32>} : memref<40x128xf32, #tpu.memory_space<vmem>>, vector<16xf32>,
        %parallel_loop3A_125 = arith.index_cast %parallel_loop3A_98 : i32 to index
        %parallel_loop3A_126 = arith.constant 16 : index
        %parallel_loop3A_127 = tpu.vector_load %arg9[%parallel_loop3A_125, %parallel_loop3A_126] {strides = array<i32>} : memref<40x128xf32, #tpu.memory_space<vmem>>, vector<16xf32>,
        %parallel_loop3A_128 = vector.broadcast %parallel_loop3A_116 : f32 to vector<16xf32>
        %parallel_loop3A_129 = arith.mulf %parallel_loop3A_127, %parallel_loop3A_128 : vector<16xf32>
        %parallel_loop3A_130 = arith.index_cast %parallel_loop3A_98 : i32 to index
        %parallel_loop3A_131 = arith.constant 16 : index
        %parallel_loop3A_132 = tpu.vector_load %arg11[%parallel_loop3A_130, %parallel_loop3A_131] {strides = array<i32>} : memref<40x128xf32, #tpu.memory_space<vmem>>, vector<16xf32>,
        tpu.vector_store %arg11[%parallel_loop3A_130, %parallel_loop3A_131], %parallel_loop3A_129 {strides = array<i32>} : memref<40x128xf32, #tpu.memory_space<vmem>>, vector<16xf32>,
        %parallel_loop3A_133 = arith.index_cast %parallel_loop3A_98 : i32 to index
        %parallel_loop3A_134 = arith.constant 32 : index
        %parallel_loop3A_135 = tpu.vector_load %arg9[%parallel_loop3A_133, %parallel_loop3A_134] {strides = array<i32>} : memref<40x128xf32, #tpu.memory_space<vmem>>, vector<16xf32>,
        %parallel_loop3A_136 = vector.broadcast %parallel_loop3A_116 : f32 to vector<16xf32>
        %parallel_loop3A_137 = arith.mulf %parallel_loop3A_135, %parallel_loop3A_136 : vector<16xf32>
        %parallel_loop3A_138 = arith.index_cast %parallel_loop3A_98 : i32 to index
        %parallel_loop3A_139 = arith.constant 32 : index
        %parallel_loop3A_140 = tpu.vector_load %arg11[%parallel_loop3A_138, %parallel_loop3A_139] {strides = array<i32>} : memref<40x128xf32, #tpu.memory_space<vmem>>, vector<16xf32>,
        tpu.vector_store %arg11[%parallel_loop3A_138, %parallel_loop3A_139], %parallel_loop3A_137 {strides = array<i32>} : memref<40x128xf32, #tpu.memory_space<vmem>>, vector<16xf32>,
        %parallel_loop3A_141 = arith.index_cast %parallel_loop3A_98 : i32 to index
        %parallel_loop3A_142 = arith.constant 48 : index
        %parallel_loop3A_143 = tpu.vector_load %arg9[%parallel_loop3A_141, %parallel_loop3A_142] {strides = array<i32>} : memref<40x128xf32, #tpu.memory_space<vmem>>, vector<16xf32>,
        %parallel_loop3A_144 = vector.broadcast %parallel_loop3A_116 : f32 to vector<16xf32>
        %parallel_loop3A_145 = arith.mulf %parallel_loop3A_143, %parallel_loop3A_144 : vector<16xf32>
        %parallel_loop3A_146 = arith.index_cast %parallel_loop3A_98 : i32 to index
        %parallel_loop3A_147 = arith.constant 48 : index
        %parallel_loop3A_148 = tpu.vector_load %arg11[%parallel_loop3A_146, %parallel_loop3A_147] {strides = array<i32>} : memref<40x128xf32, #tpu.memory_space<vmem>>, vector<16xf32>,
        tpu.vector_store %arg11[%parallel_loop3A_146, %parallel_loop3A_147], %parallel_loop3A_145 {strides = array<i32>} : memref<40x128xf32, #tpu.memory_space<vmem>>, vector<16xf32>,
        %parallel_loop3A_149 = arith.index_cast %parallel_loop3A_98 : i32 to index
        %parallel_loop3A_150 = arith.constant 64 : index
        %parallel_loop3A_151 = tpu.vector_load %arg9[%parallel_loop3A_149, %parallel_loop3A_150] {strides = array<i32>} : memref<40x128xf32, #tpu.memory_space<vmem>>, vector<16xf32>,
        %parallel_loop3A_152 = vector.broadcast %parallel_loop3A_116 : f32 to vector<16xf32>
        %parallel_loop3A_153 = arith.mulf %parallel_loop3A_151, %parallel_loop3A_152 : vector<16xf32>
        %parallel_loop3A_154 = arith.index_cast %parallel_loop3A_98 : i32 to index
        %parallel_loop3A_155 = arith.constant 64 : index
        %parallel_loop3A_156 = tpu.vector_load %arg11[%parallel_loop3A_154, %parallel_loop3A_155] {strides = array<i32>} : memref<40x128xf32, #tpu.memory_space<vmem>>, vector<16xf32>,
        tpu.vector_store %arg11[%parallel_loop3A_154, %parallel_loop3A_155], %parallel_loop3A_153 {strides = array<i32>} : memref<40x128xf32, #tpu.memory_space<vmem>>, vector<16xf32>,
        %parallel_loop3A_157 = arith.index_cast %parallel_loop3A_98 : i32 to index
        %parallel_loop3A_158 = arith.constant 80 : index
        %parallel_loop3A_159 = tpu.vector_load %arg9[%parallel_loop3A_157, %parallel_loop3A_158] {strides = array<i32>} : memref<40x128xf32, #tpu.memory_space<vmem>>, vector<16xf32>,
        %parallel_loop3A_160 = vector.broadcast %parallel_loop3A_116 : f32 to vector<16xf32>
        %parallel_loop3A_161 = arith.mulf %parallel_loop3A_159, %parallel_loop3A_160 : vector<16xf32>
        %parallel_loop3A_162 = arith.index_cast %parallel_loop3A_98 : i32 to index
        %parallel_loop3A_163 = arith.constant 80 : index
        %parallel_loop3A_164 = tpu.vector_load %arg11[%parallel_loop3A_162, %parallel_loop3A_163] {strides = array<i32>} : memref<40x128xf32, #tpu.memory_space<vmem>>, vector<16xf32>,
        tpu.vector_store %arg11[%parallel_loop3A_162, %parallel_loop3A_163], %parallel_loop3A_161 {strides = array<i32>} : memref<40x128xf32, #tpu.memory_space<vmem>>, vector<16xf32>,
        %parallel_loop3A_165 = arith.index_cast %parallel_loop3A_98 : i32 to index
        %parallel_loop3A_166 = arith.constant 96 : index
        %parallel_loop3A_167 = tpu.vector_load %arg9[%parallel_loop3A_165, %parallel_loop3A_166] {strides = array<i32>} : memref<40x128xf32, #tpu.memory_space<vmem>>, vector<16xf32>,
        %parallel_loop3A_168 = vector.broadcast %parallel_loop3A_116 : f32 to vector<16xf32>
        %parallel_loop3A_169 = arith.mulf %parallel_loop3A_167, %parallel_loop3A_168 : vector<16xf32>
        %parallel_loop3A_170 = arith.index_cast %parallel_loop3A_98 : i32 to index
        %parallel_loop3A_171 = arith.constant 96 : index
        %parallel_loop3A_172 = tpu.vector_load %arg11[%parallel_loop3A_170, %parallel_loop3A_171] {strides = array<i32>} : memref<40x128xf32, #tpu.memory_space<vmem>>, vector<16xf32>,
        tpu.vector_store %arg11[%parallel_loop3A_170, %parallel_loop3A_171], %parallel_loop3A_169 {strides = array<i32>} : memref<40x128xf32, #tpu.memory_space<vmem>>, vector<16xf32>,
        %parallel_loop3A_173 = arith.index_cast %parallel_loop3A_98 : i32 to index
        %parallel_loop3A_174 = arith.constant 112 : index
        %parallel_loop3A_175 = tpu.vector_load %arg9[%parallel_loop3A_173, %parallel_loop3A_174] {strides = array<i32>} : memref<40x128xf32, #tpu.memory_space<vmem>>, vector<16xf32>,
        %parallel_loop3A_176 = vector.broadcast %parallel_loop3A_116 : f32 to vector<16xf32>
        %parallel_loop3A_177 = arith.mulf %parallel_loop3A_175, %parallel_loop3A_176 : vector<16xf32>
        %parallel_loop3A_178 = arith.index_cast %parallel_loop3A_98 : i32 to index
        %parallel_loop3A_179 = arith.constant 112 : index
        %parallel_loop3A_180 = tpu.vector_load %arg11[%parallel_loop3A_178, %parallel_loop3A_179] {strides = array<i32>} : memref<40x128xf32, #tpu.memory_space<vmem>>, vector<16xf32>,
        tpu.vector_store %arg11[%parallel_loop3A_178, %parallel_loop3A_179], %parallel_loop3A_177 {strides = array<i32>} : memref<40x128xf32, #tpu.memory_space<vmem>>, vector<16xf32>,
      } {sc.loop_unroll_factor = 2 : i64, sc.parallel_access}
      %dma_start3A_83 = arith.constant 960 : i32
      %dma_start3A_84 = tpu.memref_slice %arg14[%dma_start3A_83] : memref<1000xi32, #tpu.memory_space<vmem>> -> memref<40xi32, #tpu.memory_space<vmem>>
      %dma_start3A_85 = arith.constant 0 : i32
      %dma_start3A_86 = arith.constant 0 : i32
      %dma_start3A_87 = tpu.memref_slice %arg18[%dma_start3A_85, %dma_start3A_86] : memref<10240x128xf32, #tpu.memory_space<vmem_shared>> -> memref<10240x128xf32, #tpu.memory_space<vmem_shared>>
      tpu.enqueue_indirect_dma source(%arg11 : memref<40x128xf32, #tpu.memory_space<vmem>>) target(%dma_start3A_87 : memref<10240x128xf32, #tpu.memory_space<vmem_shared>>) offsets(%dma_start3A_84 : memref<40xi32, #tpu.memory_space<vmem>>) semaphore(%arg21 : memref<!tpu.dma_semaphore, #tpu.memory_space<semaphore_mem>>) {add = true}
      %dma_wait3A_88 = arith.constant 920 : i32
      %dma_wait3A_89 = tpu.memref_slice %arg14[%dma_wait3A_88] : memref<1000xi32, #tpu.memory_space<vmem>> -> memref<40xi32, #tpu.memory_space<vmem>>
      %dma_wait3A_90 = arith.constant 0 : i32
      %dma_wait3A_91 = arith.constant 0 : i32
      %dma_wait3A_92 = tpu.memref_slice %arg18[%dma_wait3A_90, %dma_wait3A_91] : memref<10240x128xf32, #tpu.memory_space<vmem_shared>> -> memref<10240x128xf32, #tpu.memory_space<vmem_shared>>
      tpu.wait_indirect_dma semaphore(%arg22 : memref<!tpu.dma_semaphore, #tpu.memory_space<semaphore_mem>>) src(%arg12 : memref<40x128xf32, #tpu.memory_space<vmem>>) dst(%dma_wait3A_92 : memref<10240x128xf32, #tpu.memory_space<vmem_shared>>)
      %dma_wait3A_93 = arith.constant 960 : i32
      %dma_wait3A_94 = tpu.memref_slice %arg14[%dma_wait3A_93] : memref<1000xi32, #tpu.memory_space<vmem>> -> memref<40xi32, #tpu.memory_space<vmem>>
      %dma_wait3A_95 = arith.constant 0 : i32
      %dma_wait3A_96 = arith.constant 0 : i32
      %dma_wait3A_97 = tpu.memref_slice %arg18[%dma_wait3A_95, %dma_wait3A_96] : memref<10240x128xf32, #tpu.memory_space<vmem_shared>> -> memref<10240x128xf32, #tpu.memory_space<vmem_shared>>
      tpu.wait_indirect_dma semaphore(%arg21 : memref<!tpu.dma_semaphore, #tpu.memory_space<semaphore_mem>>) src(%arg11 : memref<40x128xf32, #tpu.memory_space<vmem>>) dst(%dma_wait3A_97 : memref<10240x128xf32, #tpu.memory_space<vmem_shared>>)
    }
    %scan3A_11 = arith.constant 10 : i32
    %barrier3A_12 = arith.constant 0 : index
    tpu.barrier barrier_id(%barrier3A_12)
    %mul3A_13 = arith.constant 640 : i32
    %mul3A_14 = arith.muli %arg1, %mul3A_13 : i32
    %mul3A_15 = arith.constant 10240 : i32
    %mul3A_16 = arith.muli %add3A_1, %mul3A_15 : i32
    %mul3A_17 = arith.constant 640 : i32
    %mul3A_18 = arith.muli %arg1, %mul3A_17 : i32
    %add3A_19 = arith.addi %mul3A_16, %mul3A_18 : i32
    "tpu.region"() ({
      %run_scoped3A = tpu.sem_alloc : memref<!tpu.dma_semaphore, #tpu.memory_space<semaphore_mem>>
      %dma_start3A = arith.constant 0 : i32
      %dma_start3A_46 = tpu.memref_slice %arg8[%add3A_19, %dma_start3A] : memref<40960x128xf32, #tpu.memory_space<hbm>> -> memref<640x128xf32, #tpu.memory_space<hbm>>
      %dma_start3A_47 = arith.constant 0 : i32
      %dma_start3A_48 = tpu.memref_slice %arg18[%mul3A_14, %dma_start3A_47] : memref<10240x128xf32, #tpu.memory_space<vmem_shared>> -> memref<640x128xf32, #tpu.memory_space<vmem_shared>>
      tpu.enqueue_dma source(%dma_start3A_48 : memref<640x128xf32, #tpu.memory_space<vmem_shared>>) target(%dma_start3A_46 : memref<640x128xf32, #tpu.memory_space<hbm>>) target_semaphore(%run_scoped3A : memref<!tpu.dma_semaphore, #tpu.memory_space<semaphore_mem>>)
      %dma_wait3A = arith.constant 0 : i32
      %dma_wait3A_49 = tpu.memref_slice %arg8[%add3A_19, %dma_wait3A] : memref<40960x128xf32, #tpu.memory_space<hbm>> -> memref<640x128xf32, #tpu.memory_space<hbm>>
      %dma_wait3A_50 = arith.constant 0 : i32
      %dma_wait3A_51 = tpu.memref_slice %arg18[%mul3A_14, %dma_wait3A_50] : memref<10240x128xf32, #tpu.memory_space<vmem_shared>> -> memref<640x128xf32, #tpu.memory_space<vmem_shared>>
      tpu.wait_dma2 semaphore(%run_scoped3A : memref<!tpu.dma_semaphore, #tpu.memory_space<semaphore_mem>>) src(%dma_wait3A_51 : memref<640x128xf32, #tpu.memory_space<vmem_shared>>) dst(%dma_wait3A_49 : memref<640x128xf32, #tpu.memory_space<hbm>>)
      tpu.yield
    }) : () -> ()
    %barrier3A_20 = arith.constant 0 : index
    tpu.barrier barrier_id(%barrier3A_20)
    %mul3A_21 = arith.constant 2 : i32
    %mul3A_22 = arith.muli %arg0, %mul3A_21 : i32
    %add3A_23 = arith.constant 1 : i32
    %add3A_24 = arith.addi %mul3A_22, %add3A_23 : i32
    %mul3A_25 = arith.constant 10000 : i32
    %mul3A_26 = arith.muli %add3A_24, %mul3A_25 : i32
    %mul3A_27 = arith.constant 640 : i32
    %mul3A_28 = arith.muli %arg1, %mul3A_27 : i32
    %mul3A_29 = arith.constant 640 : i32
    %mul3A_30 = arith.muli %arg1, %mul3A_29 : i32
    "tpu.region"() ({
      %run_scoped3A = tpu.sem_alloc : memref<!tpu.dma_semaphore, #tpu.memory_space<semaphore_mem>>
      %dma_start3A = arith.constant 0 : i32
      %dma_start3A_46 = tpu.memref_slice %arg18[%mul3A_30, %dma_start3A] : memref<10240x128xf32, #tpu.memory_space<vmem_shared>> -> memref<640x128xf32, #tpu.memory_space<vmem_shared>>
      %dma_start3A_47 = arith.constant 0 : i32
      %dma_start3A_48 = tpu.memref_slice %arg7[%mul3A_28, %dma_start3A_47] : memref<10240x128xf32, #tpu.memory_space<hbm>> -> memref<640x128xf32, #tpu.memory_space<hbm>>
      tpu.enqueue_dma source(%dma_start3A_48 : memref<640x128xf32, #tpu.memory_space<hbm>>) target(%dma_start3A_46 : memref<640x128xf32, #tpu.memory_space<vmem_shared>>) target_semaphore(%run_scoped3A : memref<!tpu.dma_semaphore, #tpu.memory_space<semaphore_mem>>)
      %dma_wait3A = arith.constant 0 : i32
      %dma_wait3A_49 = tpu.memref_slice %arg18[%mul3A_30, %dma_wait3A] : memref<10240x128xf32, #tpu.memory_space<vmem_shared>> -> memref<640x128xf32, #tpu.memory_space<vmem_shared>>
      %dma_wait3A_50 = arith.constant 0 : i32
      %dma_wait3A_51 = tpu.memref_slice %arg7[%mul3A_28, %dma_wait3A_50] : memref<10240x128xf32, #tpu.memory_space<hbm>> -> memref<640x128xf32, #tpu.memory_space<hbm>>
      tpu.wait_dma2 semaphore(%run_scoped3A : memref<!tpu.dma_semaphore, #tpu.memory_space<semaphore_mem>>) src(%dma_wait3A_51 : memref<640x128xf32, #tpu.memory_space<hbm>>) dst(%dma_wait3A_49 : memref<640x128xf32, #tpu.memory_space<vmem_shared>>)
      tpu.yield
    }) : () -> ()
    %barrier3A_31 = arith.constant 0 : index
    tpu.barrier barrier_id(%barrier3A_31)
    %scan3A_32 = arith.constant 0 : i32
    %scan3A_33 = arith.constant 10 : i32
    %scan3A_34 = arith.addi %scan3A_32, %scan3A_33 : i32
    %scan3A_35 = arith.constant 1 : i32
    scf.for %scan3A_46 = %scan3A_32 to %scan3A_34 step %scan3A_35  : i32 {
      %mul3A_47 = arith.constant 1 : i32
      %mul3A_48 = arith.muli %scan3A_46, %mul3A_47 : i32
      %add3A_49 = arith.constant 0 : i32
      %add3A_50 = arith.addi %add3A_49, %mul3A_48 : i32
      %mul3A_51 = arith.constant 10000 : i32
      %mul3A_52 = arith.muli %arg1, %mul3A_51 : i32
      %mul3A_53 = arith.constant 1000 : i32
      %mul3A_54 = arith.muli %add3A_50, %mul3A_53 : i32
      %add3A_55 = arith.addi %mul3A_52, %mul3A_54 : i32
      "tpu.region"() ({
        %run_scoped3A = tpu.sem_alloc : memref<!tpu.dma_semaphore, #tpu.memory_space<semaphore_mem>>
        %dma_start3A_98 = arith.constant 0 : i32
        %dma_start3A_99 = tpu.memref_slice %arg13[%dma_start3A_98] : memref<1008xi32, #tpu.memory_space<vmem>> -> memref<1000xi32, #tpu.memory_space<vmem>>
        %dma_start3A_100 = tpu.memref_slice %arg4[%add3A_55] : memref<160000xi32, #tpu.memory_space<hbm>> -> memref<1000xi32, #tpu.memory_space<hbm>>
        %dma_start3A_101 = arith.constant 0 : i32
        %dma_start3A_102 = tpu.memref_slice %arg13[%dma_start3A_101] : memref<1008xi32, #tpu.memory_space<vmem>> -> memref<1000xi32, #tpu.memory_space<vmem>>
        %dma_start3A_103 = tpu.memref_slice %arg4[%add3A_55] : memref<160000xi32, #tpu.memory_space<hbm>> -> memref<1000xi32, #tpu.memory_space<hbm>>
        tpu.enqueue_dma source(%dma_start3A_103 : memref<1000xi32, #tpu.memory_space<hbm>>) target(%dma_start3A_102 : memref<1000xi32, #tpu.memory_space<vmem>>) target_semaphore(%run_scoped3A : memref<!tpu.dma_semaphore, #tpu.memory_space<semaphore_mem>>)
        %dma_wait3A_104 = arith.constant 0 : i32
        %dma_wait3A_105 = tpu.memref_slice %arg13[%dma_wait3A_104] : memref<1008xi32, #tpu.memory_space<vmem>> -> memref<1000xi32, #tpu.memory_space<vmem>>
        %dma_wait3A_106 = tpu.memref_slice %arg4[%add3A_55] : memref<160000xi32, #tpu.memory_space<hbm>> -> memref<1000xi32, #tpu.memory_space<hbm>>
        %dma_wait3A_107 = arith.constant 0 : i32
        %dma_wait3A_108 = tpu.memref_slice %arg13[%dma_wait3A_107] : memref<1008xi32, #tpu.memory_space<vmem>> -> memref<1000xi32, #tpu.memory_space<vmem>>
        %dma_wait3A_109 = tpu.memref_slice %arg4[%add3A_55] : memref<160000xi32, #tpu.memory_space<hbm>> -> memref<1000xi32, #tpu.memory_space<hbm>>
        tpu.wait_dma2 semaphore(%run_scoped3A : memref<!tpu.dma_semaphore, #tpu.memory_space<semaphore_mem>>) src(%dma_wait3A_109 : memref<1000xi32, #tpu.memory_space<hbm>>) dst(%dma_wait3A_108 : memref<1000xi32, #tpu.memory_space<vmem>>)
        tpu.yield
      }) : () -> ()
      "tpu.region"() ({
        %run_scoped3A = tpu.sem_alloc : memref<!tpu.dma_semaphore, #tpu.memory_space<semaphore_mem>>
        %dma_start3A_98 = tpu.memref_slice %arg5[%add3A_55] : memref<160000xi32, #tpu.memory_space<hbm>> -> memref<1000xi32, #tpu.memory_space<hbm>>
        %dma_start3A_99 = tpu.memref_slice %arg5[%add3A_55] : memref<160000xi32, #tpu.memory_space<hbm>> -> memref<1000xi32, #tpu.memory_space<hbm>>
        tpu.enqueue_dma source(%dma_start3A_99 : memref<1000xi32, #tpu.memory_space<hbm>>) target(%arg14 : memref<1000xi32, #tpu.memory_space<vmem>>) target_semaphore(%run_scoped3A : memref<!tpu.dma_semaphore, #tpu.memory_space<semaphore_mem>>)
        %dma_wait3A_100 = tpu.memref_slice %arg5[%add3A_55] : memref<160000xi32, #tpu.memory_space<hbm>> -> memref<1000xi32, #tpu.memory_space<hbm>>
        %dma_wait3A_101 = tpu.memref_slice %arg5[%add3A_55] : memref<160000xi32, #tpu.memory_space<hbm>> -> memref<1000xi32, #tpu.memory_space<hbm>>
        tpu.wait_dma2 semaphore(%run_scoped3A : memref<!tpu.dma_semaphore, #tpu.memory_space<semaphore_mem>>) src(%dma_wait3A_101 : memref<1000xi32, #tpu.memory_space<hbm>>) dst(%arg14 : memref<1000xi32, #tpu.memory_space<vmem>>)
        tpu.yield
      }) : () -> ()
      "tpu.region"() ({
        %run_scoped3A = tpu.sem_alloc : memref<!tpu.dma_semaphore, #tpu.memory_space<semaphore_mem>>
        %dma_start3A_98 = arith.constant 0 : i32
        %dma_start3A_99 = tpu.memref_slice %arg16[%dma_start3A_98] : memref<1016xf32, #tpu.memory_space<vmem>> -> memref<1000xf32, #tpu.memory_space<vmem>>
        %dma_start3A_100 = tpu.memref_slice %arg3[%add3A_55] : memref<160000xf32, #tpu.memory_space<hbm>> -> memref<1000xf32, #tpu.memory_space<hbm>>
        %dma_start3A_101 = arith.constant 0 : i32
        %dma_start3A_102 = tpu.memref_slice %arg16[%dma_start3A_101] : memref<1016xf32, #tpu.memory_space<vmem>> -> memref<1000xf32, #tpu.memory_space<vmem>>
        %dma_start3A_103 = tpu.memref_slice %arg3[%add3A_55] : memref<160000xf32, #tpu.memory_space<hbm>> -> memref<1000xf32, #tpu.memory_space<hbm>>
        tpu.enqueue_dma source(%dma_start3A_103 : memref<1000xf32, #tpu.memory_space<hbm>>) target(%dma_start3A_102 : memref<1000xf32, #tpu.memory_space<vmem>>) target_semaphore(%run_scoped3A : memref<!tpu.dma_semaphore, #tpu.memory_space<semaphore_mem>>)
        %dma_wait3A_104 = arith.constant 0 : i32
        %dma_wait3A_105 = tpu.memref_slice %arg16[%dma_wait3A_104] : memref<1016xf32, #tpu.memory_space<vmem>> -> memref<1000xf32, #tpu.memory_space<vmem>>
        %dma_wait3A_106 = tpu.memref_slice %arg3[%add3A_55] : memref<160000xf32, #tpu.memory_space<hbm>> -> memref<1000xf32, #tpu.memory_space<hbm>>
        %dma_wait3A_107 = arith.constant 0 : i32
        %dma_wait3A_108 = tpu.memref_slice %arg16[%dma_wait3A_107] : memref<1016xf32, #tpu.memory_space<vmem>> -> memref<1000xf32, #tpu.memory_space<vmem>>
        %dma_wait3A_109 = tpu.memref_slice %arg3[%add3A_55] : memref<160000xf32, #tpu.memory_space<hbm>> -> memref<1000xf32, #tpu.memory_space<hbm>>
        tpu.wait_dma2 semaphore(%run_scoped3A : memref<!tpu.dma_semaphore, #tpu.memory_space<semaphore_mem>>) src(%dma_wait3A_109 : memref<1000xf32, #tpu.memory_space<hbm>>) dst(%dma_wait3A_108 : memref<1000xf32, #tpu.memory_space<vmem>>)
        tpu.yield
      }) : () -> ()
      %mul3A_56 = arith.constant 8 : i32
      %mul3A_57 = arith.muli %add3A_55, %mul3A_56 : i32
      "tpu.region"() ({
        %run_scoped3A = tpu.sem_alloc : memref<!tpu.dma_semaphore, #tpu.memory_space<semaphore_mem>>
        %dma_start3A_98 = arith.constant 0 : i32
        %dma_start3A_99 = tpu.memref_slice %arg17[%dma_start3A_98] : memref<8016xf32, #tpu.memory_space<vmem>> -> memref<8000xf32, #tpu.memory_space<vmem>>
        %dma_start3A_100 = tpu.memref_slice %arg6[%mul3A_57] : memref<1280000xf32, #tpu.memory_space<hbm>> -> memref<8000xf32, #tpu.memory_space<hbm>>
        %dma_start3A_101 = arith.constant 0 : i32
        %dma_start3A_102 = tpu.memref_slice %arg17[%dma_start3A_101] : memref<8016xf32, #tpu.memory_space<vmem>> -> memref<8000xf32, #tpu.memory_space<vmem>>
        %dma_start3A_103 = tpu.memref_slice %arg6[%mul3A_57] : memref<1280000xf32, #tpu.memory_space<hbm>> -> memref<8000xf32, #tpu.memory_space<hbm>>
        tpu.enqueue_dma source(%dma_start3A_103 : memref<8000xf32, #tpu.memory_space<hbm>>) target(%dma_start3A_102 : memref<8000xf32, #tpu.memory_space<vmem>>) target_semaphore(%run_scoped3A : memref<!tpu.dma_semaphore, #tpu.memory_space<semaphore_mem>>)
        %dma_wait3A_104 = arith.constant 0 : i32
        %dma_wait3A_105 = tpu.memref_slice %arg17[%dma_wait3A_104] : memref<8016xf32, #tpu.memory_space<vmem>> -> memref<8000xf32, #tpu.memory_space<vmem>>
        %dma_wait3A_106 = tpu.memref_slice %arg6[%mul3A_57] : memref<1280000xf32, #tpu.memory_space<hbm>> -> memref<8000xf32, #tpu.memory_space<hbm>>
        %dma_wait3A_107 = arith.constant 0 : i32
        %dma_wait3A_108 = tpu.memref_slice %arg17[%dma_wait3A_107] : memref<8016xf32, #tpu.memory_space<vmem>> -> memref<8000xf32, #tpu.memory_space<vmem>>
        %dma_wait3A_109 = tpu.memref_slice %arg6[%mul3A_57] : memref<1280000xf32, #tpu.memory_space<hbm>> -> memref<8000xf32, #tpu.memory_space<hbm>>
        tpu.wait_dma2 semaphore(%run_scoped3A : memref<!tpu.dma_semaphore, #tpu.memory_space<semaphore_mem>>) src(%dma_wait3A_109 : memref<8000xf32, #tpu.memory_space<hbm>>) dst(%dma_wait3A_108 : memref<8000xf32, #tpu.memory_space<vmem>>)
        tpu.yield
      }) : () -> ()
      %scan3A_58 = arith.constant 0 : i32
      %scan3A_59 = arith.constant 63 : i32
      %scan3A_60 = arith.addi %scan3A_58, %scan3A_59 : i32
      %scan3A_61 = arith.constant 1 : i32
      scf.for %scan3A_98 = %scan3A_58 to %scan3A_60 step %scan3A_61  : i32 {
        %mul3A_99 = arith.constant 1 : i32
        %mul3A_100 = arith.muli %scan3A_98, %mul3A_99 : i32
        %add3A_101 = arith.constant 0 : i32
        %add3A_102 = arith.addi %add3A_101, %mul3A_100 : i32
        %mul3A_103 = arith.constant 16 : i32
        %mul3A_104 = arith.muli %add3A_102, %mul3A_103 : i32
        %get3A = arith.index_cast %mul3A_104 : i32 to index
        %get3A_105 = tpu.vector_load %arg13[%get3A] {strides = array<i32>} : memref<1008xi32, #tpu.memory_space<vmem>>, vector<16xi32>,
        %add3A_106 = vector.broadcast %mul3A_26 : i32 to vector<16xi32>
        %add3A_107 = arith.addi %get3A_105, %add3A_106 : vector<16xi32>
        %swap3A = arith.index_cast %mul3A_104 : i32 to index
        %swap3A_108 = tpu.vector_load %arg15[%swap3A] {strides = array<i32>} : memref<1008xi32, #tpu.memory_space<vmem>>, vector<16xi32>,
        tpu.vector_store %arg15[%swap3A], %add3A_107 {strides = array<i32>} : memref<1008xi32, #tpu.memory_space<vmem>>, vector<16xi32>,
      }
      %scan3A_62 = arith.constant 63 : i32
      %dma_start3A = arith.constant 0 : i32
      %dma_start3A_63 = tpu.memref_slice %arg15[%dma_start3A] : memref<1008xi32, #tpu.memory_space<vmem>> -> memref<40xi32, #tpu.memory_space<vmem>>
      %dma_start3A_64 = arith.constant 0 : i32
      %dma_start3A_65 = arith.constant 0 : i32
      %dma_start3A_66 = tpu.memref_slice %arg2[%dma_start3A_64, %dma_start3A_65] : memref<40000x128xf32, #tpu.memory_space<hbm>> -> memref<40000x128xf32, #tpu.memory_space<hbm>>
      tpu.enqueue_indirect_dma source(%dma_start3A_66 : memref<40000x128xf32, #tpu.memory_space<hbm>>) target(%arg9 : memref<40x128xf32, #tpu.memory_space<vmem>>) offsets(%dma_start3A_63 : memref<40xi32, #tpu.memory_space<vmem>>) semaphore(%arg19 : memref<!tpu.dma_semaphore, #tpu.memory_space<semaphore_mem>>)
      %scan3A_67 = arith.constant 0 : i32
      %scan3A_68 = arith.constant 12 : i32
      %scan3A_69 = arith.addi %scan3A_67, %scan3A_68 : i32
      %scan3A_70 = arith.constant 1 : i32
      scf.for %scan3A_98 = %scan3A_67 to %scan3A_69 step %scan3A_70  : i32 {
        %mul3A_99 = arith.constant 1 : i32
        %mul3A_100 = arith.muli %scan3A_98, %mul3A_99 : i32
        %add3A_101 = arith.constant 0 : i32
        %add3A_102 = arith.addi %add3A_101, %mul3A_100 : i32
        %mul3A_103 = arith.constant 2 : i32
        %mul3A_104 = arith.muli %add3A_102, %mul3A_103 : i32
        %add3A_105 = arith.constant 1 : i32
        %add3A_106 = arith.addi %mul3A_104, %add3A_105 : i32
        %mul3A_107 = arith.constant 40 : i32
        %mul3A_108 = arith.muli %add3A_106, %mul3A_107 : i32
        %dma_start3A_109 = tpu.memref_slice %arg15[%mul3A_108] : memref<1008xi32, #tpu.memory_space<vmem>> -> memref<40xi32, #tpu.memory_space<vmem>>
        %dma_start3A_110 = arith.constant 0 : i32
        %dma_start3A_111 = arith.constant 0 : i32
        %dma_start3A_112 = tpu.memref_slice %arg2[%dma_start3A_110, %dma_start3A_111] : memref<40000x128xf32, #tpu.memory_space<hbm>> -> memref<40000x128xf32, #tpu.memory_space<hbm>>
        tpu.enqueue_indirect_dma source(%dma_start3A_112 : memref<40000x128xf32, #tpu.memory_space<hbm>>) target(%arg10 : memref<40x128xf32, #tpu.memory_space<vmem>>) offsets(%dma_start3A_109 : memref<40xi32, #tpu.memory_space<vmem>>) semaphore(%arg20 : memref<!tpu.dma_semaphore, #tpu.memory_space<semaphore_mem>>)
        %mul3A_113 = arith.constant 40 : i32
        %mul3A_114 = arith.muli %mul3A_104, %mul3A_113 : i32
        %dma_wait3A_115 = tpu.memref_slice %arg15[%mul3A_114] : memref<1008xi32, #tpu.memory_space<vmem>> -> memref<40xi32, #tpu.memory_space<vmem>>
        %dma_wait3A_116 = arith.constant 0 : i32
        %dma_wait3A_117 = arith.constant 0 : i32
        %dma_wait3A_118 = tpu.memref_slice %arg2[%dma_wait3A_116, %dma_wait3A_117] : memref<40000x128xf32, #tpu.memory_space<hbm>> -> memref<40000x128xf32, #tpu.memory_space<hbm>>
        tpu.wait_indirect_dma semaphore(%arg19 : memref<!tpu.dma_semaphore, #tpu.memory_space<semaphore_mem>>) src(%dma_wait3A_118 : memref<40000x128xf32, #tpu.memory_space<hbm>>) dst(%arg9 : memref<40x128xf32, #tpu.memory_space<vmem>>)
        %ge3A = arith.constant 1 : i32
        %ge3A_119 = arith.cmpi sge, %add3A_102, %ge3A : i32
        %convert_element_type3A = arith.extui %ge3A_119 : i1 to i32
        %cond3A = arith.constant 0 : i32
        %cond3A_120 = arith.cmpi ne, %convert_element_type3A, %cond3A : i32
        scf.if %cond3A_120 {
          %sub3A = arith.constant 2 : i32
          %sub3A_162 = arith.subi %mul3A_104, %sub3A : i32
          %mul3A_163 = arith.constant 40 : i32
          %mul3A_164 = arith.muli %sub3A_162, %mul3A_163 : i32
          %dma_wait3A_165 = tpu.memref_slice %arg14[%mul3A_164] : memref<1000xi32, #tpu.memory_space<vmem>> -> memref<40xi32, #tpu.memory_space<vmem>>
          %dma_wait3A_166 = arith.constant 0 : i32
          %dma_wait3A_167 = arith.constant 0 : i32
          %dma_wait3A_168 = tpu.memref_slice %arg18[%dma_wait3A_166, %dma_wait3A_167] : memref<10240x128xf32, #tpu.memory_space<vmem_shared>> -> memref<10240x128xf32, #tpu.memory_space<vmem_shared>>
          tpu.wait_indirect_dma semaphore(%arg21 : memref<!tpu.dma_semaphore, #tpu.memory_space<semaphore_mem>>) src(%arg11 : memref<40x128xf32, #tpu.memory_space<vmem>>) dst(%dma_wait3A_168 : memref<10240x128xf32, #tpu.memory_space<vmem_shared>>)
        } else {
        }
        %mul3A_121 = arith.constant 40 : i32
        %mul3A_122 = arith.muli %mul3A_104, %mul3A_121 : i32
        %parallel_loop3A_123 = arith.constant 0 : i32
        %parallel_loop3A_124 = arith.constant 40 : i32
        %parallel_loop3A_125 = arith.constant 1 : i32
        scf.for %parallel_loop3A_162 = %parallel_loop3A_123 to %parallel_loop3A_124 step %parallel_loop3A_125  : i32 {
          %parallel_loop3A_163 = arith.constant 40 : i32
          %parallel_loop3A_164 = arith.muli %mul3A_104, %parallel_loop3A_163 : i32
          %parallel_loop3A_165 = arith.addi %parallel_loop3A_164, %parallel_loop3A_162 : i32
          %parallel_loop3A_166 = arith.constant 8 : i32
          %parallel_loop3A_167 = arith.muli %parallel_loop3A_165, %parallel_loop3A_166 : i32
          %parallel_loop3A_168 = arith.index_cast %parallel_loop3A_167 : i32 to index
          %parallel_loop3A_169 = tpu.vector_load %arg17[%parallel_loop3A_168] {strides = array<i32>} : memref<8016xf32, #tpu.memory_space<vmem>>, vector<16xf32>,
          %parallel_loop3A_170 = arith.constant 0 : i32
          %parallel_loop3A_171 = arith.cmpi eq, %arg0, %parallel_loop3A_170 : i32
          %parallel_loop3A_172 = vector.extract_strided_slice %parallel_loop3A_169 {offsets = [1], sizes = [1], strides = [1]} : vector<16xf32> to vector<1xf32>
          %parallel_loop3A_173 = vector.extract %parallel_loop3A_172[0] : f32 from vector<1xf32>
          %parallel_loop3A_174 = vector.extract_strided_slice %parallel_loop3A_169 {offsets = [3], sizes = [1], strides = [1]} : vector<16xf32> to vector<1xf32>
          %parallel_loop3A_175 = vector.extract %parallel_loop3A_174[0] : f32 from vector<1xf32>
          %parallel_loop3A_176 = arith.select %parallel_loop3A_171, %parallel_loop3A_173, %parallel_loop3A_175 : f32
          %parallel_loop3A_177 = arith.index_cast %parallel_loop3A_165 : i32 to index
          %parallel_loop3A_178 = tpu.vector_load %arg16[%parallel_loop3A_177] {strides = array<i32>} : memref<1016xf32, #tpu.memory_space<vmem>>, vector<16xf32>,
          %parallel_loop3A_179 = vector.extract_strided_slice %parallel_loop3A_178 {offsets = [0], sizes = [1], strides = [1]} : vector<16xf32> to vector<1xf32>
          %parallel_loop3A_180 = vector.extract %parallel_loop3A_179[0] : f32 from vector<1xf32>
          %parallel_loop3A_181 = arith.mulf %parallel_loop3A_180, %parallel_loop3A_176 : f32
          %parallel_loop3A_182 = arith.index_cast %parallel_loop3A_162 : i32 to index
          %parallel_loop3A_183 = arith.constant 0 : index
          %parallel_loop3A_184 = tpu.vector_load %arg9[%parallel_loop3A_182, %parallel_loop3A_183] {strides = array<i32>} : memref<40x128xf32, #tpu.memory_space<vmem>>, vector<16xf32>,
          %parallel_loop3A_185 = vector.broadcast %parallel_loop3A_181 : f32 to vector<16xf32>
          %parallel_loop3A_186 = arith.mulf %parallel_loop3A_184, %parallel_loop3A_185 : vector<16xf32>
          %parallel_loop3A_187 = arith.index_cast %parallel_loop3A_162 : i32 to index
          %parallel_loop3A_188 = arith.constant 0 : index
          %parallel_loop3A_189 = tpu.vector_load %arg11[%parallel_loop3A_187, %parallel_loop3A_188] {strides = array<i32>} : memref<40x128xf32, #tpu.memory_space<vmem>>, vector<16xf32>,
          tpu.vector_store %arg11[%parallel_loop3A_187, %parallel_loop3A_188], %parallel_loop3A_186 {strides = array<i32>} : memref<40x128xf32, #tpu.memory_space<vmem>>, vector<16xf32>,
          %parallel_loop3A_190 = arith.index_cast %parallel_loop3A_162 : i32 to index
          %parallel_loop3A_191 = arith.constant 16 : index
          %parallel_loop3A_192 = tpu.vector_load %arg9[%parallel_loop3A_190, %parallel_loop3A_191] {strides = array<i32>} : memref<40x128xf32, #tpu.memory_space<vmem>>, vector<16xf32>,
          %parallel_loop3A_193 = vector.broadcast %parallel_loop3A_181 : f32 to vector<16xf32>
          %parallel_loop3A_194 = arith.mulf %parallel_loop3A_192, %parallel_loop3A_193 : vector<16xf32>
          %parallel_loop3A_195 = arith.index_cast %parallel_loop3A_162 : i32 to index
          %parallel_loop3A_196 = arith.constant 16 : index
          %parallel_loop3A_197 = tpu.vector_load %arg11[%parallel_loop3A_195, %parallel_loop3A_196] {strides = array<i32>} : memref<40x128xf32, #tpu.memory_space<vmem>>, vector<16xf32>,
          tpu.vector_store %arg11[%parallel_loop3A_195, %parallel_loop3A_196], %parallel_loop3A_194 {strides = array<i32>} : memref<40x128xf32, #tpu.memory_space<vmem>>, vector<16xf32>,
          %parallel_loop3A_198 = arith.index_cast %parallel_loop3A_162 : i32 to index
          %parallel_loop3A_199 = arith.constant 32 : index
          %parallel_loop3A_200 = tpu.vector_load %arg9[%parallel_loop3A_198, %parallel_loop3A_199] {strides = array<i32>} : memref<40x128xf32, #tpu.memory_space<vmem>>, vector<16xf32>,
          %parallel_loop3A_201 = vector.broadcast %parallel_loop3A_181 : f32 to vector<16xf32>
          %parallel_loop3A_202 = arith.mulf %parallel_loop3A_200, %parallel_loop3A_201 : vector<16xf32>
          %parallel_loop3A_203 = arith.index_cast %parallel_loop3A_162 : i32 to index
          %parallel_loop3A_204 = arith.constant 32 : index
          %parallel_loop3A_205 = tpu.vector_load %arg11[%parallel_loop3A_203, %parallel_loop3A_204] {strides = array<i32>} : memref<40x128xf32, #tpu.memory_space<vmem>>, vector<16xf32>,
          tpu.vector_store %arg11[%parallel_loop3A_203, %parallel_loop3A_204], %parallel_loop3A_202 {strides = array<i32>} : memref<40x128xf32, #tpu.memory_space<vmem>>, vector<16xf32>,
          %parallel_loop3A_206 = arith.index_cast %parallel_loop3A_162 : i32 to index
          %parallel_loop3A_207 = arith.constant 48 : index
          %parallel_loop3A_208 = tpu.vector_load %arg9[%parallel_loop3A_206, %parallel_loop3A_207] {strides = array<i32>} : memref<40x128xf32, #tpu.memory_space<vmem>>, vector<16xf32>,
          %parallel_loop3A_209 = vector.broadcast %parallel_loop3A_181 : f32 to vector<16xf32>
          %parallel_loop3A_210 = arith.mulf %parallel_loop3A_208, %parallel_loop3A_209 : vector<16xf32>
          %parallel_loop3A_211 = arith.index_cast %parallel_loop3A_162 : i32 to index
          %parallel_loop3A_212 = arith.constant 48 : index
          %parallel_loop3A_213 = tpu.vector_load %arg11[%parallel_loop3A_211, %parallel_loop3A_212] {strides = array<i32>} : memref<40x128xf32, #tpu.memory_space<vmem>>, vector<16xf32>,
          tpu.vector_store %arg11[%parallel_loop3A_211, %parallel_loop3A_212], %parallel_loop3A_210 {strides = array<i32>} : memref<40x128xf32, #tpu.memory_space<vmem>>, vector<16xf32>,
          %parallel_loop3A_214 = arith.index_cast %parallel_loop3A_162 : i32 to index
          %parallel_loop3A_215 = arith.constant 64 : index
          %parallel_loop3A_216 = tpu.vector_load %arg9[%parallel_loop3A_214, %parallel_loop3A_215] {strides = array<i32>} : memref<40x128xf32, #tpu.memory_space<vmem>>, vector<16xf32>,
          %parallel_loop3A_217 = vector.broadcast %parallel_loop3A_181 : f32 to vector<16xf32>
          %parallel_loop3A_218 = arith.mulf %parallel_loop3A_216, %parallel_loop3A_217 : vector<16xf32>
          %parallel_loop3A_219 = arith.index_cast %parallel_loop3A_162 : i32 to index
          %parallel_loop3A_220 = arith.constant 64 : index
          %parallel_loop3A_221 = tpu.vector_load %arg11[%parallel_loop3A_219, %parallel_loop3A_220] {strides = array<i32>} : memref<40x128xf32, #tpu.memory_space<vmem>>, vector<16xf32>,
          tpu.vector_store %arg11[%parallel_loop3A_219, %parallel_loop3A_220], %parallel_loop3A_218 {strides = array<i32>} : memref<40x128xf32, #tpu.memory_space<vmem>>, vector<16xf32>,
          %parallel_loop3A_222 = arith.index_cast %parallel_loop3A_162 : i32 to index
          %parallel_loop3A_223 = arith.constant 80 : index
          %parallel_loop3A_224 = tpu.vector_load %arg9[%parallel_loop3A_222, %parallel_loop3A_223] {strides = array<i32>} : memref<40x128xf32, #tpu.memory_space<vmem>>, vector<16xf32>,
          %parallel_loop3A_225 = vector.broadcast %parallel_loop3A_181 : f32 to vector<16xf32>
          %parallel_loop3A_226 = arith.mulf %parallel_loop3A_224, %parallel_loop3A_225 : vector<16xf32>
          %parallel_loop3A_227 = arith.index_cast %parallel_loop3A_162 : i32 to index
          %parallel_loop3A_228 = arith.constant 80 : index
          %parallel_loop3A_229 = tpu.vector_load %arg11[%parallel_loop3A_227, %parallel_loop3A_228] {strides = array<i32>} : memref<40x128xf32, #tpu.memory_space<vmem>>, vector<16xf32>,
          tpu.vector_store %arg11[%parallel_loop3A_227, %parallel_loop3A_228], %parallel_loop3A_226 {strides = array<i32>} : memref<40x128xf32, #tpu.memory_space<vmem>>, vector<16xf32>,
          %parallel_loop3A_230 = arith.index_cast %parallel_loop3A_162 : i32 to index
          %parallel_loop3A_231 = arith.constant 96 : index
          %parallel_loop3A_232 = tpu.vector_load %arg9[%parallel_loop3A_230, %parallel_loop3A_231] {strides = array<i32>} : memref<40x128xf32, #tpu.memory_space<vmem>>, vector<16xf32>,
          %parallel_loop3A_233 = vector.broadcast %parallel_loop3A_181 : f32 to vector<16xf32>
          %parallel_loop3A_234 = arith.mulf %parallel_loop3A_232, %parallel_loop3A_233 : vector<16xf32>
          %parallel_loop3A_235 = arith.index_cast %parallel_loop3A_162 : i32 to index
          %parallel_loop3A_236 = arith.constant 96 : index
          %parallel_loop3A_237 = tpu.vector_load %arg11[%parallel_loop3A_235, %parallel_loop3A_236] {strides = array<i32>} : memref<40x128xf32, #tpu.memory_space<vmem>>, vector<16xf32>,
          tpu.vector_store %arg11[%parallel_loop3A_235, %parallel_loop3A_236], %parallel_loop3A_234 {strides = array<i32>} : memref<40x128xf32, #tpu.memory_space<vmem>>, vector<16xf32>,
          %parallel_loop3A_238 = arith.index_cast %parallel_loop3A_162 : i32 to index
          %parallel_loop3A_239 = arith.constant 112 : index
          %parallel_loop3A_240 = tpu.vector_load %arg9[%parallel_loop3A_238, %parallel_loop3A_239] {strides = array<i32>} : memref<40x128xf32, #tpu.memory_space<vmem>>, vector<16xf32>,
          %parallel_loop3A_241 = vector.broadcast %parallel_loop3A_181 : f32 to vector<16xf32>
          %parallel_loop3A_242 = arith.mulf %parallel_loop3A_240, %parallel_loop3A_241 : vector<16xf32>
          %parallel_loop3A_243 = arith.index_cast %parallel_loop3A_162 : i32 to index
          %parallel_loop3A_244 = arith.constant 112 : index
          %parallel_loop3A_245 = tpu.vector_load %arg11[%parallel_loop3A_243, %parallel_loop3A_244] {strides = array<i32>} : memref<40x128xf32, #tpu.memory_space<vmem>>, vector<16xf32>,
          tpu.vector_store %arg11[%parallel_loop3A_243, %parallel_loop3A_244], %parallel_loop3A_242 {strides = array<i32>} : memref<40x128xf32, #tpu.memory_space<vmem>>, vector<16xf32>,
        } {sc.loop_unroll_factor = 2 : i64, sc.parallel_access}
        %dma_start3A_126 = tpu.memref_slice %arg14[%mul3A_122] : memref<1000xi32, #tpu.memory_space<vmem>> -> memref<40xi32, #tpu.memory_space<vmem>>
        %dma_start3A_127 = arith.constant 0 : i32
        %dma_start3A_128 = arith.constant 0 : i32
        %dma_start3A_129 = tpu.memref_slice %arg18[%dma_start3A_127, %dma_start3A_128] : memref<10240x128xf32, #tpu.memory_space<vmem_shared>> -> memref<10240x128xf32, #tpu.memory_space<vmem_shared>>
        tpu.enqueue_indirect_dma source(%arg11 : memref<40x128xf32, #tpu.memory_space<vmem>>) target(%dma_start3A_129 : memref<10240x128xf32, #tpu.memory_space<vmem_shared>>) offsets(%dma_start3A_126 : memref<40xi32, #tpu.memory_space<vmem>>) semaphore(%arg21 : memref<!tpu.dma_semaphore, #tpu.memory_space<semaphore_mem>>) {add = true}
        %add3A_130 = arith.constant 2 : i32
        %add3A_131 = arith.addi %mul3A_104, %add3A_130 : i32
        %mul3A_132 = arith.constant 40 : i32
        %mul3A_133 = arith.muli %add3A_131, %mul3A_132 : i32
        %dma_start3A_134 = tpu.memref_slice %arg15[%mul3A_133] : memref<1008xi32, #tpu.memory_space<vmem>> -> memref<40xi32, #tpu.memory_space<vmem>>
        %dma_start3A_135 = arith.constant 0 : i32
        %dma_start3A_136 = arith.constant 0 : i32
        %dma_start3A_137 = tpu.memref_slice %arg2[%dma_start3A_135, %dma_start3A_136] : memref<40000x128xf32, #tpu.memory_space<hbm>> -> memref<40000x128xf32, #tpu.memory_space<hbm>>
        tpu.enqueue_indirect_dma source(%dma_start3A_137 : memref<40000x128xf32, #tpu.memory_space<hbm>>) target(%arg9 : memref<40x128xf32, #tpu.memory_space<vmem>>) offsets(%dma_start3A_134 : memref<40xi32, #tpu.memory_space<vmem>>) semaphore(%arg19 : memref<!tpu.dma_semaphore, #tpu.memory_space<semaphore_mem>>)
        %add3A_138 = arith.constant 1 : i32
        %add3A_139 = arith.addi %mul3A_104, %add3A_138 : i32
        %mul3A_140 = arith.constant 40 : i32
        %mul3A_141 = arith.muli %add3A_139, %mul3A_140 : i32
        %dma_wait3A_142 = tpu.memref_slice %arg15[%mul3A_141] : memref<1008xi32, #tpu.memory_space<vmem>> -> memref<40xi32, #tpu.memory_space<vmem>>
        %dma_wait3A_143 = arith.constant 0 : i32
        %dma_wait3A_144 = arith.constant 0 : i32
        %dma_wait3A_145 = tpu.memref_slice %arg2[%dma_wait3A_143, %dma_wait3A_144] : memref<40000x128xf32, #tpu.memory_space<hbm>> -> memref<40000x128xf32, #tpu.memory_space<hbm>>
        tpu.wait_indirect_dma semaphore(%arg20 : memref<!tpu.dma_semaphore, #tpu.memory_space<semaphore_mem>>) src(%dma_wait3A_145 : memref<40000x128xf32, #tpu.memory_space<hbm>>) dst(%arg10 : memref<40x128xf32, #tpu.memory_space<vmem>>)
        %ge3A_146 = arith.constant 1 : i32
        %ge3A_147 = arith.cmpi sge, %add3A_102, %ge3A_146 : i32
        %convert_element_type3A_148 = arith.extui %ge3A_147 : i1 to i32
        %cond3A_149 = arith.constant 0 : i32
        %cond3A_150 = arith.cmpi ne, %convert_element_type3A_148, %cond3A_149 : i32
        scf.if %cond3A_150 {
          %sub3A = arith.constant 1 : i32
          %sub3A_162 = arith.subi %mul3A_104, %sub3A : i32
          %mul3A_163 = arith.constant 40 : i32
          %mul3A_164 = arith.muli %sub3A_162, %mul3A_163 : i32
          %dma_wait3A_165 = tpu.memref_slice %arg14[%mul3A_164] : memref<1000xi32, #tpu.memory_space<vmem>> -> memref<40xi32, #tpu.memory_space<vmem>>
          %dma_wait3A_166 = arith.constant 0 : i32
          %dma_wait3A_167 = arith.constant 0 : i32
          %dma_wait3A_168 = tpu.memref_slice %arg18[%dma_wait3A_166, %dma_wait3A_167] : memref<10240x128xf32, #tpu.memory_space<vmem_shared>> -> memref<10240x128xf32, #tpu.memory_space<vmem_shared>>
          tpu.wait_indirect_dma semaphore(%arg22 : memref<!tpu.dma_semaphore, #tpu.memory_space<semaphore_mem>>) src(%arg12 : memref<40x128xf32, #tpu.memory_space<vmem>>) dst(%dma_wait3A_168 : memref<10240x128xf32, #tpu.memory_space<vmem_shared>>)
        } else {
        }
        %add3A_151 = arith.constant 1 : i32
        %add3A_152 = arith.addi %mul3A_104, %add3A_151 : i32
        %mul3A_153 = arith.constant 40 : i32
        %mul3A_154 = arith.muli %add3A_152, %mul3A_153 : i32
        %parallel_loop3A_155 = arith.constant 0 : i32
        %parallel_loop3A_156 = arith.constant 40 : i32
        %parallel_loop3A_157 = arith.constant 1 : i32
        scf.for %parallel_loop3A_162 = %parallel_loop3A_155 to %parallel_loop3A_156 step %parallel_loop3A_157  : i32 {
          %parallel_loop3A_163 = arith.constant 40 : i32
          %parallel_loop3A_164 = arith.muli %add3A_152, %parallel_loop3A_163 : i32
          %parallel_loop3A_165 = arith.addi %parallel_loop3A_164, %parallel_loop3A_162 : i32
          %parallel_loop3A_166 = arith.constant 8 : i32
          %parallel_loop3A_167 = arith.muli %parallel_loop3A_165, %parallel_loop3A_166 : i32
          %parallel_loop3A_168 = arith.index_cast %parallel_loop3A_167 : i32 to index
          %parallel_loop3A_169 = tpu.vector_load %arg17[%parallel_loop3A_168] {strides = array<i32>} : memref<8016xf32, #tpu.memory_space<vmem>>, vector<16xf32>,
          %parallel_loop3A_170 = arith.constant 0 : i32
          %parallel_loop3A_171 = arith.cmpi eq, %arg0, %parallel_loop3A_170 : i32
          %parallel_loop3A_172 = vector.extract_strided_slice %parallel_loop3A_169 {offsets = [1], sizes = [1], strides = [1]} : vector<16xf32> to vector<1xf32>
          %parallel_loop3A_173 = vector.extract %parallel_loop3A_172[0] : f32 from vector<1xf32>
          %parallel_loop3A_174 = vector.extract_strided_slice %parallel_loop3A_169 {offsets = [3], sizes = [1], strides = [1]} : vector<16xf32> to vector<1xf32>
          %parallel_loop3A_175 = vector.extract %parallel_loop3A_174[0] : f32 from vector<1xf32>
          %parallel_loop3A_176 = arith.select %parallel_loop3A_171, %parallel_loop3A_173, %parallel_loop3A_175 : f32
          %parallel_loop3A_177 = arith.index_cast %parallel_loop3A_165 : i32 to index
          %parallel_loop3A_178 = tpu.vector_load %arg16[%parallel_loop3A_177] {strides = array<i32>} : memref<1016xf32, #tpu.memory_space<vmem>>, vector<16xf32>,
          %parallel_loop3A_179 = vector.extract_strided_slice %parallel_loop3A_178 {offsets = [0], sizes = [1], strides = [1]} : vector<16xf32> to vector<1xf32>
          %parallel_loop3A_180 = vector.extract %parallel_loop3A_179[0] : f32 from vector<1xf32>
          %parallel_loop3A_181 = arith.mulf %parallel_loop3A_180, %parallel_loop3A_176 : f32
          %parallel_loop3A_182 = arith.index_cast %parallel_loop3A_162 : i32 to index
          %parallel_loop3A_183 = arith.constant 0 : index
          %parallel_loop3A_184 = tpu.vector_load %arg10[%parallel_loop3A_182, %parallel_loop3A_183] {strides = array<i32>} : memref<40x128xf32, #tpu.memory_space<vmem>>, vector<16xf32>,
          %parallel_loop3A_185 = vector.broadcast %parallel_loop3A_181 : f32 to vector<16xf32>
          %parallel_loop3A_186 = arith.mulf %parallel_loop3A_184, %parallel_loop3A_185 : vector<16xf32>
          %parallel_loop3A_187 = arith.index_cast %parallel_loop3A_162 : i32 to index
          %parallel_loop3A_188 = arith.constant 0 : index
          %parallel_loop3A_189 = tpu.vector_load %arg12[%parallel_loop3A_187, %parallel_loop3A_188] {strides = array<i32>} : memref<40x128xf32, #tpu.memory_space<vmem>>, vector<16xf32>,
          tpu.vector_store %arg12[%parallel_loop3A_187, %parallel_loop3A_188], %parallel_loop3A_186 {strides = array<i32>} : memref<40x128xf32, #tpu.memory_space<vmem>>, vector<16xf32>,
          %parallel_loop3A_190 = arith.index_cast %parallel_loop3A_162 : i32 to index
          %parallel_loop3A_191 = arith.constant 16 : index
          %parallel_loop3A_192 = tpu.vector_load %arg10[%parallel_loop3A_190, %parallel_loop3A_191] {strides = array<i32>} : memref<40x128xf32, #tpu.memory_space<vmem>>, vector<16xf32>,
          %parallel_loop3A_193 = vector.broadcast %parallel_loop3A_181 : f32 to vector<16xf32>
          %parallel_loop3A_194 = arith.mulf %parallel_loop3A_192, %parallel_loop3A_193 : vector<16xf32>
          %parallel_loop3A_195 = arith.index_cast %parallel_loop3A_162 : i32 to index
          %parallel_loop3A_196 = arith.constant 16 : index
          %parallel_loop3A_197 = tpu.vector_load %arg12[%parallel_loop3A_195, %parallel_loop3A_196] {strides = array<i32>} : memref<40x128xf32, #tpu.memory_space<vmem>>, vector<16xf32>,
          tpu.vector_store %arg12[%parallel_loop3A_195, %parallel_loop3A_196], %parallel_loop3A_194 {strides = array<i32>} : memref<40x128xf32, #tpu.memory_space<vmem>>, vector<16xf32>,
          %parallel_loop3A_198 = arith.index_cast %parallel_loop3A_162 : i32 to index
          %parallel_loop3A_199 = arith.constant 32 : index
          %parallel_loop3A_200 = tpu.vector_load %arg10[%parallel_loop3A_198, %parallel_loop3A_199] {strides = array<i32>} : memref<40x128xf32, #tpu.memory_space<vmem>>, vector<16xf32>,
          %parallel_loop3A_201 = vector.broadcast %parallel_loop3A_181 : f32 to vector<16xf32>
          %parallel_loop3A_202 = arith.mulf %parallel_loop3A_200, %parallel_loop3A_201 : vector<16xf32>
          %parallel_loop3A_203 = arith.index_cast %parallel_loop3A_162 : i32 to index
          %parallel_loop3A_204 = arith.constant 32 : index
          %parallel_loop3A_205 = tpu.vector_load %arg12[%parallel_loop3A_203, %parallel_loop3A_204] {strides = array<i32>} : memref<40x128xf32, #tpu.memory_space<vmem>>, vector<16xf32>,
          tpu.vector_store %arg12[%parallel_loop3A_203, %parallel_loop3A_204], %parallel_loop3A_202 {strides = array<i32>} : memref<40x128xf32, #tpu.memory_space<vmem>>, vector<16xf32>,
          %parallel_loop3A_206 = arith.index_cast %parallel_loop3A_162 : i32 to index
          %parallel_loop3A_207 = arith.constant 48 : index
          %parallel_loop3A_208 = tpu.vector_load %arg10[%parallel_loop3A_206, %parallel_loop3A_207] {strides = array<i32>} : memref<40x128xf32, #tpu.memory_space<vmem>>, vector<16xf32>,
          %parallel_loop3A_209 = vector.broadcast %parallel_loop3A_181 : f32 to vector<16xf32>
          %parallel_loop3A_210 = arith.mulf %parallel_loop3A_208, %parallel_loop3A_209 : vector<16xf32>
          %parallel_loop3A_211 = arith.index_cast %parallel_loop3A_162 : i32 to index
          %parallel_loop3A_212 = arith.constant 48 : index
          %parallel_loop3A_213 = tpu.vector_load %arg12[%parallel_loop3A_211, %parallel_loop3A_212] {strides = array<i32>} : memref<40x128xf32, #tpu.memory_space<vmem>>, vector<16xf32>,
          tpu.vector_store %arg12[%parallel_loop3A_211, %parallel_loop3A_212], %parallel_loop3A_210 {strides = array<i32>} : memref<40x128xf32, #tpu.memory_space<vmem>>, vector<16xf32>,
          %parallel_loop3A_214 = arith.index_cast %parallel_loop3A_162 : i32 to index
          %parallel_loop3A_215 = arith.constant 64 : index
          %parallel_loop3A_216 = tpu.vector_load %arg10[%parallel_loop3A_214, %parallel_loop3A_215] {strides = array<i32>} : memref<40x128xf32, #tpu.memory_space<vmem>>, vector<16xf32>,
          %parallel_loop3A_217 = vector.broadcast %parallel_loop3A_181 : f32 to vector<16xf32>
          %parallel_loop3A_218 = arith.mulf %parallel_loop3A_216, %parallel_loop3A_217 : vector<16xf32>
          %parallel_loop3A_219 = arith.index_cast %parallel_loop3A_162 : i32 to index
          %parallel_loop3A_220 = arith.constant 64 : index
          %parallel_loop3A_221 = tpu.vector_load %arg12[%parallel_loop3A_219, %parallel_loop3A_220] {strides = array<i32>} : memref<40x128xf32, #tpu.memory_space<vmem>>, vector<16xf32>,
          tpu.vector_store %arg12[%parallel_loop3A_219, %parallel_loop3A_220], %parallel_loop3A_218 {strides = array<i32>} : memref<40x128xf32, #tpu.memory_space<vmem>>, vector<16xf32>,
          %parallel_loop3A_222 = arith.index_cast %parallel_loop3A_162 : i32 to index
          %parallel_loop3A_223 = arith.constant 80 : index
          %parallel_loop3A_224 = tpu.vector_load %arg10[%parallel_loop3A_222, %parallel_loop3A_223] {strides = array<i32>} : memref<40x128xf32, #tpu.memory_space<vmem>>, vector<16xf32>,
          %parallel_loop3A_225 = vector.broadcast %parallel_loop3A_181 : f32 to vector<16xf32>
          %parallel_loop3A_226 = arith.mulf %parallel_loop3A_224, %parallel_loop3A_225 : vector<16xf32>
          %parallel_loop3A_227 = arith.index_cast %parallel_loop3A_162 : i32 to index
          %parallel_loop3A_228 = arith.constant 80 : index
          %parallel_loop3A_229 = tpu.vector_load %arg12[%parallel_loop3A_227, %parallel_loop3A_228] {strides = array<i32>} : memref<40x128xf32, #tpu.memory_space<vmem>>, vector<16xf32>,
          tpu.vector_store %arg12[%parallel_loop3A_227, %parallel_loop3A_228], %parallel_loop3A_226 {strides = array<i32>} : memref<40x128xf32, #tpu.memory_space<vmem>>, vector<16xf32>,
          %parallel_loop3A_230 = arith.index_cast %parallel_loop3A_162 : i32 to index
          %parallel_loop3A_231 = arith.constant 96 : index
          %parallel_loop3A_232 = tpu.vector_load %arg10[%parallel_loop3A_230, %parallel_loop3A_231] {strides = array<i32>} : memref<40x128xf32, #tpu.memory_space<vmem>>, vector<16xf32>,
          %parallel_loop3A_233 = vector.broadcast %parallel_loop3A_181 : f32 to vector<16xf32>
          %parallel_loop3A_234 = arith.mulf %parallel_loop3A_232, %parallel_loop3A_233 : vector<16xf32>
          %parallel_loop3A_235 = arith.index_cast %parallel_loop3A_162 : i32 to index
          %parallel_loop3A_236 = arith.constant 96 : index
          %parallel_loop3A_237 = tpu.vector_load %arg12[%parallel_loop3A_235, %parallel_loop3A_236] {strides = array<i32>} : memref<40x128xf32, #tpu.memory_space<vmem>>, vector<16xf32>,
          tpu.vector_store %arg12[%parallel_loop3A_235, %parallel_loop3A_236], %parallel_loop3A_234 {strides = array<i32>} : memref<40x128xf32, #tpu.memory_space<vmem>>, vector<16xf32>,
          %parallel_loop3A_238 = arith.index_cast %parallel_loop3A_162 : i32 to index
          %parallel_loop3A_239 = arith.constant 112 : index
          %parallel_loop3A_240 = tpu.vector_load %arg10[%parallel_loop3A_238, %parallel_loop3A_239] {strides = array<i32>} : memref<40x128xf32, #tpu.memory_space<vmem>>, vector<16xf32>,
          %parallel_loop3A_241 = vector.broadcast %parallel_loop3A_181 : f32 to vector<16xf32>
          %parallel_loop3A_242 = arith.mulf %parallel_loop3A_240, %parallel_loop3A_241 : vector<16xf32>
          %parallel_loop3A_243 = arith.index_cast %parallel_loop3A_162 : i32 to index
          %parallel_loop3A_244 = arith.constant 112 : index
          %parallel_loop3A_245 = tpu.vector_load %arg12[%parallel_loop3A_243, %parallel_loop3A_244] {strides = array<i32>} : memref<40x128xf32, #tpu.memory_space<vmem>>, vector<16xf32>,
          tpu.vector_store %arg12[%parallel_loop3A_243, %parallel_loop3A_244], %parallel_loop3A_242 {strides = array<i32>} : memref<40x128xf32, #tpu.memory_space<vmem>>, vector<16xf32>,
        } {sc.loop_unroll_factor = 2 : i64, sc.parallel_access}
        %dma_start3A_158 = tpu.memref_slice %arg14[%mul3A_154] : memref<1000xi32, #tpu.memory_space<vmem>> -> memref<40xi32, #tpu.memory_space<vmem>>
        %dma_start3A_159 = arith.constant 0 : i32
        %dma_start3A_160 = arith.constant 0 : i32
        %dma_start3A_161 = tpu.memref_slice %arg18[%dma_start3A_159, %dma_start3A_160] : memref<10240x128xf32, #tpu.memory_space<vmem_shared>> -> memref<10240x128xf32, #tpu.memory_space<vmem_shared>>
        tpu.enqueue_indirect_dma source(%arg12 : memref<40x128xf32, #tpu.memory_space<vmem>>) target(%dma_start3A_161 : memref<10240x128xf32, #tpu.memory_space<vmem_shared>>) offsets(%dma_start3A_158 : memref<40xi32, #tpu.memory_space<vmem>>) semaphore(%arg22 : memref<!tpu.dma_semaphore, #tpu.memory_space<semaphore_mem>>) {add = true}
      }
      %scan3A_71 = arith.constant 12 : i32
      %dma_wait3A = arith.constant 960 : i32
      %dma_wait3A_72 = tpu.memref_slice %arg15[%dma_wait3A] : memref<1008xi32, #tpu.memory_space<vmem>> -> memref<40xi32, #tpu.memory_space<vmem>>
      %dma_wait3A_73 = arith.constant 0 : i32
      %dma_wait3A_74 = arith.constant 0 : i32
      %dma_wait3A_75 = tpu.memref_slice %arg2[%dma_wait3A_73, %dma_wait3A_74] : memref<40000x128xf32, #tpu.memory_space<hbm>> -> memref<40000x128xf32, #tpu.memory_space<hbm>>
      tpu.wait_indirect_dma semaphore(%arg19 : memref<!tpu.dma_semaphore, #tpu.memory_space<semaphore_mem>>) src(%dma_wait3A_75 : memref<40000x128xf32, #tpu.memory_space<hbm>>) dst(%arg9 : memref<40x128xf32, #tpu.memory_space<vmem>>)
      %dma_wait3A_76 = arith.constant 880 : i32
      %dma_wait3A_77 = tpu.memref_slice %arg14[%dma_wait3A_76] : memref<1000xi32, #tpu.memory_space<vmem>> -> memref<40xi32, #tpu.memory_space<vmem>>
      %dma_wait3A_78 = arith.constant 0 : i32
      %dma_wait3A_79 = arith.constant 0 : i32
      %dma_wait3A_80 = tpu.memref_slice %arg18[%dma_wait3A_78, %dma_wait3A_79] : memref<10240x128xf32, #tpu.memory_space<vmem_shared>> -> memref<10240x128xf32, #tpu.memory_space<vmem_shared>>
      tpu.wait_indirect_dma semaphore(%arg21 : memref<!tpu.dma_semaphore, #tpu.memory_space<semaphore_mem>>) src(%arg11 : memref<40x128xf32, #tpu.memory_space<vmem>>) dst(%dma_wait3A_80 : memref<10240x128xf32, #tpu.memory_space<vmem_shared>>)
      %parallel_loop3A = arith.constant 0 : i32
      %parallel_loop3A_81 = arith.constant 40 : i32
      %parallel_loop3A_82 = arith.constant 1 : i32
      scf.for %parallel_loop3A_98 = %parallel_loop3A to %parallel_loop3A_81 step %parallel_loop3A_82  : i32 {
        %parallel_loop3A_99 = arith.constant 960 : i32
        %parallel_loop3A_100 = arith.addi %parallel_loop3A_99, %parallel_loop3A_98 : i32
        %parallel_loop3A_101 = arith.constant 8 : i32
        %parallel_loop3A_102 = arith.muli %parallel_loop3A_100, %parallel_loop3A_101 : i32
        %parallel_loop3A_103 = arith.index_cast %parallel_loop3A_102 : i32 to index
        %parallel_loop3A_104 = tpu.vector_load %arg17[%parallel_loop3A_103] {strides = array<i32>} : memref<8016xf32, #tpu.memory_space<vmem>>, vector<16xf32>,
        %parallel_loop3A_105 = arith.constant 0 : i32
        %parallel_loop3A_106 = arith.cmpi eq, %arg0, %parallel_loop3A_105 : i32
        %parallel_loop3A_107 = vector.extract_strided_slice %parallel_loop3A_104 {offsets = [1], sizes = [1], strides = [1]} : vector<16xf32> to vector<1xf32>
        %parallel_loop3A_108 = vector.extract %parallel_loop3A_107[0] : f32 from vector<1xf32>
        %parallel_loop3A_109 = vector.extract_strided_slice %parallel_loop3A_104 {offsets = [3], sizes = [1], strides = [1]} : vector<16xf32> to vector<1xf32>
        %parallel_loop3A_110 = vector.extract %parallel_loop3A_109[0] : f32 from vector<1xf32>
        %parallel_loop3A_111 = arith.select %parallel_loop3A_106, %parallel_loop3A_108, %parallel_loop3A_110 : f32
        %parallel_loop3A_112 = arith.index_cast %parallel_loop3A_100 : i32 to index
        %parallel_loop3A_113 = tpu.vector_load %arg16[%parallel_loop3A_112] {strides = array<i32>} : memref<1016xf32, #tpu.memory_space<vmem>>, vector<16xf32>,
        %parallel_loop3A_114 = vector.extract_strided_slice %parallel_loop3A_113 {offsets = [0], sizes = [1], strides = [1]} : vector<16xf32> to vector<1xf32>
        %parallel_loop3A_115 = vector.extract %parallel_loop3A_114[0] : f32 from vector<1xf32>
        %parallel_loop3A_116 = arith.mulf %parallel_loop3A_115, %parallel_loop3A_111 : f32
        %parallel_loop3A_117 = arith.index_cast %parallel_loop3A_98 : i32 to index
        %parallel_loop3A_118 = arith.constant 0 : index
        %parallel_loop3A_119 = tpu.vector_load %arg9[%parallel_loop3A_117, %parallel_loop3A_118] {strides = array<i32>} : memref<40x128xf32, #tpu.memory_space<vmem>>, vector<16xf32>,
        %parallel_loop3A_120 = vector.broadcast %parallel_loop3A_116 : f32 to vector<16xf32>
        %parallel_loop3A_121 = arith.mulf %parallel_loop3A_119, %parallel_loop3A_120 : vector<16xf32>
        %parallel_loop3A_122 = arith.index_cast %parallel_loop3A_98 : i32 to index
        %parallel_loop3A_123 = arith.constant 0 : index
        %parallel_loop3A_124 = tpu.vector_load %arg11[%parallel_loop3A_122, %parallel_loop3A_123] {strides = array<i32>} : memref<40x128xf32, #tpu.memory_space<vmem>>, vector<16xf32>,
        tpu.vector_store %arg11[%parallel_loop3A_122, %parallel_loop3A_123], %parallel_loop3A_121 {strides = array<i32>} : memref<40x128xf32, #tpu.memory_space<vmem>>, vector<16xf32>,
        %parallel_loop3A_125 = arith.index_cast %parallel_loop3A_98 : i32 to index
        %parallel_loop3A_126 = arith.constant 16 : index
        %parallel_loop3A_127 = tpu.vector_load %arg9[%parallel_loop3A_125, %parallel_loop3A_126] {strides = array<i32>} : memref<40x128xf32, #tpu.memory_space<vmem>>, vector<16xf32>,
        %parallel_loop3A_128 = vector.broadcast %parallel_loop3A_116 : f32 to vector<16xf32>
        %parallel_loop3A_129 = arith.mulf %parallel_loop3A_127, %parallel_loop3A_128 : vector<16xf32>
        %parallel_loop3A_130 = arith.index_cast %parallel_loop3A_98 : i32 to index
        %parallel_loop3A_131 = arith.constant 16 : index
        %parallel_loop3A_132 = tpu.vector_load %arg11[%parallel_loop3A_130, %parallel_loop3A_131] {strides = array<i32>} : memref<40x128xf32, #tpu.memory_space<vmem>>, vector<16xf32>,
        tpu.vector_store %arg11[%parallel_loop3A_130, %parallel_loop3A_131], %parallel_loop3A_129 {strides = array<i32>} : memref<40x128xf32, #tpu.memory_space<vmem>>, vector<16xf32>,
        %parallel_loop3A_133 = arith.index_cast %parallel_loop3A_98 : i32 to index
        %parallel_loop3A_134 = arith.constant 32 : index
        %parallel_loop3A_135 = tpu.vector_load %arg9[%parallel_loop3A_133, %parallel_loop3A_134] {strides = array<i32>} : memref<40x128xf32, #tpu.memory_space<vmem>>, vector<16xf32>,
        %parallel_loop3A_136 = vector.broadcast %parallel_loop3A_116 : f32 to vector<16xf32>
        %parallel_loop3A_137 = arith.mulf %parallel_loop3A_135, %parallel_loop3A_136 : vector<16xf32>
        %parallel_loop3A_138 = arith.index_cast %parallel_loop3A_98 : i32 to index
        %parallel_loop3A_139 = arith.constant 32 : index
        %parallel_loop3A_140 = tpu.vector_load %arg11[%parallel_loop3A_138, %parallel_loop3A_139] {strides = array<i32>} : memref<40x128xf32, #tpu.memory_space<vmem>>, vector<16xf32>,
        tpu.vector_store %arg11[%parallel_loop3A_138, %parallel_loop3A_139], %parallel_loop3A_137 {strides = array<i32>} : memref<40x128xf32, #tpu.memory_space<vmem>>, vector<16xf32>,
        %parallel_loop3A_141 = arith.index_cast %parallel_loop3A_98 : i32 to index
        %parallel_loop3A_142 = arith.constant 48 : index
        %parallel_loop3A_143 = tpu.vector_load %arg9[%parallel_loop3A_141, %parallel_loop3A_142] {strides = array<i32>} : memref<40x128xf32, #tpu.memory_space<vmem>>, vector<16xf32>,
        %parallel_loop3A_144 = vector.broadcast %parallel_loop3A_116 : f32 to vector<16xf32>
        %parallel_loop3A_145 = arith.mulf %parallel_loop3A_143, %parallel_loop3A_144 : vector<16xf32>
        %parallel_loop3A_146 = arith.index_cast %parallel_loop3A_98 : i32 to index
        %parallel_loop3A_147 = arith.constant 48 : index
        %parallel_loop3A_148 = tpu.vector_load %arg11[%parallel_loop3A_146, %parallel_loop3A_147] {strides = array<i32>} : memref<40x128xf32, #tpu.memory_space<vmem>>, vector<16xf32>,
        tpu.vector_store %arg11[%parallel_loop3A_146, %parallel_loop3A_147], %parallel_loop3A_145 {strides = array<i32>} : memref<40x128xf32, #tpu.memory_space<vmem>>, vector<16xf32>,
        %parallel_loop3A_149 = arith.index_cast %parallel_loop3A_98 : i32 to index
        %parallel_loop3A_150 = arith.constant 64 : index
        %parallel_loop3A_151 = tpu.vector_load %arg9[%parallel_loop3A_149, %parallel_loop3A_150] {strides = array<i32>} : memref<40x128xf32, #tpu.memory_space<vmem>>, vector<16xf32>,
        %parallel_loop3A_152 = vector.broadcast %parallel_loop3A_116 : f32 to vector<16xf32>
        %parallel_loop3A_153 = arith.mulf %parallel_loop3A_151, %parallel_loop3A_152 : vector<16xf32>
        %parallel_loop3A_154 = arith.index_cast %parallel_loop3A_98 : i32 to index
        %parallel_loop3A_155 = arith.constant 64 : index
        %parallel_loop3A_156 = tpu.vector_load %arg11[%parallel_loop3A_154, %parallel_loop3A_155] {strides = array<i32>} : memref<40x128xf32, #tpu.memory_space<vmem>>, vector<16xf32>,
        tpu.vector_store %arg11[%parallel_loop3A_154, %parallel_loop3A_155], %parallel_loop3A_153 {strides = array<i32>} : memref<40x128xf32, #tpu.memory_space<vmem>>, vector<16xf32>,
        %parallel_loop3A_157 = arith.index_cast %parallel_loop3A_98 : i32 to index
        %parallel_loop3A_158 = arith.constant 80 : index
        %parallel_loop3A_159 = tpu.vector_load %arg9[%parallel_loop3A_157, %parallel_loop3A_158] {strides = array<i32>} : memref<40x128xf32, #tpu.memory_space<vmem>>, vector<16xf32>,
        %parallel_loop3A_160 = vector.broadcast %parallel_loop3A_116 : f32 to vector<16xf32>
        %parallel_loop3A_161 = arith.mulf %parallel_loop3A_159, %parallel_loop3A_160 : vector<16xf32>
        %parallel_loop3A_162 = arith.index_cast %parallel_loop3A_98 : i32 to index
        %parallel_loop3A_163 = arith.constant 80 : index
        %parallel_loop3A_164 = tpu.vector_load %arg11[%parallel_loop3A_162, %parallel_loop3A_163] {strides = array<i32>} : memref<40x128xf32, #tpu.memory_space<vmem>>, vector<16xf32>,
        tpu.vector_store %arg11[%parallel_loop3A_162, %parallel_loop3A_163], %parallel_loop3A_161 {strides = array<i32>} : memref<40x128xf32, #tpu.memory_space<vmem>>, vector<16xf32>,
        %parallel_loop3A_165 = arith.index_cast %parallel_loop3A_98 : i32 to index
        %parallel_loop3A_166 = arith.constant 96 : index
        %parallel_loop3A_167 = tpu.vector_load %arg9[%parallel_loop3A_165, %parallel_loop3A_166] {strides = array<i32>} : memref<40x128xf32, #tpu.memory_space<vmem>>, vector<16xf32>,
        %parallel_loop3A_168 = vector.broadcast %parallel_loop3A_116 : f32 to vector<16xf32>
        %parallel_loop3A_169 = arith.mulf %parallel_loop3A_167, %parallel_loop3A_168 : vector<16xf32>
        %parallel_loop3A_170 = arith.index_cast %parallel_loop3A_98 : i32 to index
        %parallel_loop3A_171 = arith.constant 96 : index
        %parallel_loop3A_172 = tpu.vector_load %arg11[%parallel_loop3A_170, %parallel_loop3A_171] {strides = array<i32>} : memref<40x128xf32, #tpu.memory_space<vmem>>, vector<16xf32>,
        tpu.vector_store %arg11[%parallel_loop3A_170, %parallel_loop3A_171], %parallel_loop3A_169 {strides = array<i32>} : memref<40x128xf32, #tpu.memory_space<vmem>>, vector<16xf32>,
        %parallel_loop3A_173 = arith.index_cast %parallel_loop3A_98 : i32 to index
        %parallel_loop3A_174 = arith.constant 112 : index
        %parallel_loop3A_175 = tpu.vector_load %arg9[%parallel_loop3A_173, %parallel_loop3A_174] {strides = array<i32>} : memref<40x128xf32, #tpu.memory_space<vmem>>, vector<16xf32>,
        %parallel_loop3A_176 = vector.broadcast %parallel_loop3A_116 : f32 to vector<16xf32>
        %parallel_loop3A_177 = arith.mulf %parallel_loop3A_175, %parallel_loop3A_176 : vector<16xf32>
        %parallel_loop3A_178 = arith.index_cast %parallel_loop3A_98 : i32 to index
        %parallel_loop3A_179 = arith.constant 112 : index
        %parallel_loop3A_180 = tpu.vector_load %arg11[%parallel_loop3A_178, %parallel_loop3A_179] {strides = array<i32>} : memref<40x128xf32, #tpu.memory_space<vmem>>, vector<16xf32>,
        tpu.vector_store %arg11[%parallel_loop3A_178, %parallel_loop3A_179], %parallel_loop3A_177 {strides = array<i32>} : memref<40x128xf32, #tpu.memory_space<vmem>>, vector<16xf32>,
      } {sc.loop_unroll_factor = 2 : i64, sc.parallel_access}
      %dma_start3A_83 = arith.constant 960 : i32
      %dma_start3A_84 = tpu.memref_slice %arg14[%dma_start3A_83] : memref<1000xi32, #tpu.memory_space<vmem>> -> memref<40xi32, #tpu.memory_space<vmem>>
      %dma_start3A_85 = arith.constant 0 : i32
      %dma_start3A_86 = arith.constant 0 : i32
      %dma_start3A_87 = tpu.memref_slice %arg18[%dma_start3A_85, %dma_start3A_86] : memref<10240x128xf32, #tpu.memory_space<vmem_shared>> -> memref<10240x128xf32, #tpu.memory_space<vmem_shared>>
      tpu.enqueue_indirect_dma source(%arg11 : memref<40x128xf32, #tpu.memory_space<vmem>>) target(%dma_start3A_87 : memref<10240x128xf32, #tpu.memory_space<vmem_shared>>) offsets(%dma_start3A_84 : memref<40xi32, #tpu.memory_space<vmem>>) semaphore(%arg21 : memref<!tpu.dma_semaphore, #tpu.memory_space<semaphore_mem>>) {add = true}
      %dma_wait3A_88 = arith.constant 920 : i32
      %dma_wait3A_89 = tpu.memref_slice %arg14[%dma_wait3A_88] : memref<1000xi32, #tpu.memory_space<vmem>> -> memref<40xi32, #tpu.memory_space<vmem>>
      %dma_wait3A_90 = arith.constant 0 : i32
      %dma_wait3A_91 = arith.constant 0 : i32
      %dma_wait3A_92 = tpu.memref_slice %arg18[%dma_wait3A_90, %dma_wait3A_91] : memref<10240x128xf32, #tpu.memory_space<vmem_shared>> -> memref<10240x128xf32, #tpu.memory_space<vmem_shared>>
      tpu.wait_indirect_dma semaphore(%arg22 : memref<!tpu.dma_semaphore, #tpu.memory_space<semaphore_mem>>) src(%arg12 : memref<40x128xf32, #tpu.memory_space<vmem>>) dst(%dma_wait3A_92 : memref<10240x128xf32, #tpu.memory_space<vmem_shared>>)
      %dma_wait3A_93 = arith.constant 960 : i32
      %dma_wait3A_94 = tpu.memref_slice %arg14[%dma_wait3A_93] : memref<1000xi32, #tpu.memory_space<vmem>> -> memref<40xi32, #tpu.memory_space<vmem>>
      %dma_wait3A_95 = arith.constant 0 : i32
      %dma_wait3A_96 = arith.constant 0 : i32
      %dma_wait3A_97 = tpu.memref_slice %arg18[%dma_wait3A_95, %dma_wait3A_96] : memref<10240x128xf32, #tpu.memory_space<vmem_shared>> -> memref<10240x128xf32, #tpu.memory_space<vmem_shared>>
      tpu.wait_indirect_dma semaphore(%arg21 : memref<!tpu.dma_semaphore, #tpu.memory_space<semaphore_mem>>) src(%arg11 : memref<40x128xf32, #tpu.memory_space<vmem>>) dst(%dma_wait3A_97 : memref<10240x128xf32, #tpu.memory_space<vmem_shared>>)
    }
    %scan3A_36 = arith.constant 10 : i32
    %barrier3A_37 = arith.constant 0 : index
    tpu.barrier barrier_id(%barrier3A_37)
    %mul3A_38 = arith.constant 640 : i32
    %mul3A_39 = arith.muli %arg1, %mul3A_38 : i32
    %mul3A_40 = arith.constant 10240 : i32
    %mul3A_41 = arith.muli %add3A_24, %mul3A_40 : i32
    %mul3A_42 = arith.constant 640 : i32
    %mul3A_43 = arith.muli %arg1, %mul3A_42 : i32
    %add3A_44 = arith.addi %mul3A_41, %mul3A_43 : i32
    "tpu.region"() ({
      %run_scoped3A = tpu.sem_alloc : memref<!tpu.dma_semaphore, #tpu.memory_space<semaphore_mem>>
      %dma_start3A = arith.constant 0 : i32
      %dma_start3A_46 = tpu.memref_slice %arg8[%add3A_44, %dma_start3A] : memref<40960x128xf32, #tpu.memory_space<hbm>> -> memref<640x128xf32, #tpu.memory_space<hbm>>
      %dma_start3A_47 = arith.constant 0 : i32
      %dma_start3A_48 = tpu.memref_slice %arg18[%mul3A_39, %dma_start3A_47] : memref<10240x128xf32, #tpu.memory_space<vmem_shared>> -> memref<640x128xf32, #tpu.memory_space<vmem_shared>>
      tpu.enqueue_dma source(%dma_start3A_48 : memref<640x128xf32, #tpu.memory_space<vmem_shared>>) target(%dma_start3A_46 : memref<640x128xf32, #tpu.memory_space<hbm>>) target_semaphore(%run_scoped3A : memref<!tpu.dma_semaphore, #tpu.memory_space<semaphore_mem>>)
      %dma_wait3A = arith.constant 0 : i32
      %dma_wait3A_49 = tpu.memref_slice %arg8[%add3A_44, %dma_wait3A] : memref<40960x128xf32, #tpu.memory_space<hbm>> -> memref<640x128xf32, #tpu.memory_space<hbm>>
      %dma_wait3A_50 = arith.constant 0 : i32
      %dma_wait3A_51 = tpu.memref_slice %arg18[%mul3A_39, %dma_wait3A_50] : memref<10240x128xf32, #tpu.memory_space<vmem_shared>> -> memref<640x128xf32, #tpu.memory_space<vmem_shared>>
      tpu.wait_dma2 semaphore(%run_scoped3A : memref<!tpu.dma_semaphore, #tpu.memory_space<semaphore_mem>>) src(%dma_wait3A_51 : memref<640x128xf32, #tpu.memory_space<vmem_shared>>) dst(%dma_wait3A_49 : memref<640x128xf32, #tpu.memory_space<hbm>>)
      tpu.yield
    }) : () -> ()
    %barrier3A_45 = arith.constant 0 : index
    tpu.barrier barrier_id(%barrier3A_45)
    return
  }
}

#map = affine_map<(d0, d1) -> (0, 0)>
#map1 = affine_map<(d0, d1) -> (0)>
module attributes {stable_mosaic.version = 14 : i64} {
  func.func @k(%arg0: i32, %arg1: i32, %arg2: memref<10000x512xf32, #tpu.memory_space<hbm>>, %arg3: memref<10000x256xf32, #tpu.memory_space<hbm>>, %arg4: memref<10000xf32, #tpu.memory_space<hbm>>, %arg5: memref<160000xi32, #tpu.memory_space<hbm>>, %arg6: memref<160000xi32, #tpu.memory_space<hbm>>, %arg7: memref<1280000xf32, #tpu.memory_space<hbm>>, %arg8: memref<10240xf32, #tpu.memory_space<hbm>>, %arg9: memref<160000xf32, #tpu.memory_space<hbm>>, %arg10: memref<20480xf32, #tpu.memory_space<hbm>>, %arg11: memref<40x512xf32, #tpu.memory_space<vmem>>, %arg12: memref<40x512xf32, #tpu.memory_space<vmem>>, %arg13: memref<40x256xf32, #tpu.memory_space<vmem>>, %arg14: memref<40x256xf32, #tpu.memory_space<vmem>>, %arg15: memref<56xf32, #tpu.memory_space<vmem>>, %arg16: memref<56xf32, #tpu.memory_space<vmem>>, %arg17: memref<1000xi32, #tpu.memory_space<vmem>>, %arg18: memref<1000xi32, #tpu.memory_space<vmem>>, %arg19: memref<8016xf32, #tpu.memory_space<vmem>>, %arg20: memref<1000xf32, #tpu.memory_space<vmem>>, %arg21: memref<10240xf32, #tpu.memory_space<vmem_shared>>, %arg22: memref<!tpu.dma_semaphore, #tpu.memory_space<semaphore_mem>>, %arg23: memref<!tpu.dma_semaphore, #tpu.memory_space<semaphore_mem>>, %arg24: memref<!tpu.dma_semaphore, #tpu.memory_space<semaphore_mem>>, %arg25: memref<!tpu.dma_semaphore, #tpu.memory_space<semaphore_mem>>, %arg26: memref<!tpu.dma_semaphore, #tpu.memory_space<semaphore_mem>>) attributes {dimension_semantics = [#tpu.dimension_semantics<core_parallel>, #tpu.dimension_semantics<subcore_parallel>], iteration_bounds = array<i64: 2, 16>, scalar_prefetch = 0 : i64, scratch_operands = 16 : i64, tpu.core_type = #tpu.core_type<sc_vector_subcore>, window_params = [{transform_indices = #map}, {transform_indices = #map}, {transform_indices = #map1}, {transform_indices = #map1}, {transform_indices = #map1}, {transform_indices = #map1}, {transform_indices = #map1}, {transform_indices = #map1}, {transform_indices = #map1}]} {
    %mul3A = arith.constant 16 : i32
    %mul3A_0 = arith.muli %arg0, %mul3A : i32
    %add3A = arith.addi %mul3A_0, %arg1 : i32
    %mul3A_1 = arith.constant 5000 : i32
    %mul3A_2 = arith.muli %add3A, %mul3A_1 : i32
    %iota3A = tpu.iota {dimensions = array<i32: 0>} : vector<16xi32>
    %eq3A = arith.constant 0 : i32
    %eq3A_3 = vector.broadcast %eq3A : i32 to vector<16xi32>
    %eq3A_4 = arith.cmpi eq, %iota3A, %eq3A_3 : vector<16xi32>
    %mul3A_5 = arith.constant 640 : i32
    %mul3A_6 = arith.muli %arg1, %mul3A_5 : i32
    %mul3A_7 = arith.constant 640 : i32
    %mul3A_8 = arith.muli %arg1, %mul3A_7 : i32
    "tpu.region"() ({
      %run_scoped3A = tpu.sem_alloc : memref<!tpu.dma_semaphore, #tpu.memory_space<semaphore_mem>>
      %dma_start3A = tpu.memref_slice %arg21[%mul3A_8] : memref<10240xf32, #tpu.memory_space<vmem_shared>> -> memref<640xf32, #tpu.memory_space<vmem_shared>>
      %dma_start3A_21 = tpu.memref_slice %arg8[%mul3A_6] : memref<10240xf32, #tpu.memory_space<hbm>> -> memref<640xf32, #tpu.memory_space<hbm>>
      tpu.enqueue_dma source(%dma_start3A_21 : memref<640xf32, #tpu.memory_space<hbm>>) target(%dma_start3A : memref<640xf32, #tpu.memory_space<vmem_shared>>) target_semaphore(%run_scoped3A : memref<!tpu.dma_semaphore, #tpu.memory_space<semaphore_mem>>)
      %dma_wait3A = tpu.memref_slice %arg21[%mul3A_8] : memref<10240xf32, #tpu.memory_space<vmem_shared>> -> memref<640xf32, #tpu.memory_space<vmem_shared>>
      %dma_wait3A_22 = tpu.memref_slice %arg8[%mul3A_6] : memref<10240xf32, #tpu.memory_space<hbm>> -> memref<640xf32, #tpu.memory_space<hbm>>
      tpu.wait_dma2 semaphore(%run_scoped3A : memref<!tpu.dma_semaphore, #tpu.memory_space<semaphore_mem>>) src(%dma_wait3A_22 : memref<640xf32, #tpu.memory_space<hbm>>) dst(%dma_wait3A : memref<640xf32, #tpu.memory_space<vmem_shared>>)
      tpu.yield
    }) : () -> ()
    %barrier3A = arith.constant 0 : index
    tpu.barrier barrier_id(%barrier3A)
    %scan3A = arith.constant 0 : i32
    %scan3A_9 = arith.constant 5 : i32
    %scan3A_10 = arith.addi %scan3A, %scan3A_9 : i32
    %scan3A_11 = arith.constant 1 : i32
    scf.for %scan3A_21 = %scan3A to %scan3A_10 step %scan3A_11  : i32 {
      %mul3A_22 = arith.constant 1 : i32
      %mul3A_23 = arith.muli %scan3A_21, %mul3A_22 : i32
      %add3A_24 = arith.constant 0 : i32
      %add3A_25 = arith.addi %add3A_24, %mul3A_23 : i32
      %mul3A_26 = arith.constant 1000 : i32
      %mul3A_27 = arith.muli %add3A_25, %mul3A_26 : i32
      %add3A_28 = arith.addi %mul3A_2, %mul3A_27 : i32
      "tpu.region"() ({
        %run_scoped3A = tpu.sem_alloc : memref<!tpu.dma_semaphore, #tpu.memory_space<semaphore_mem>>
        %dma_start3A_79 = tpu.memref_slice %arg5[%add3A_28] : memref<160000xi32, #tpu.memory_space<hbm>> -> memref<1000xi32, #tpu.memory_space<hbm>>
        %dma_start3A_80 = tpu.memref_slice %arg5[%add3A_28] : memref<160000xi32, #tpu.memory_space<hbm>> -> memref<1000xi32, #tpu.memory_space<hbm>>
        tpu.enqueue_dma source(%dma_start3A_80 : memref<1000xi32, #tpu.memory_space<hbm>>) target(%arg17 : memref<1000xi32, #tpu.memory_space<vmem>>) target_semaphore(%run_scoped3A : memref<!tpu.dma_semaphore, #tpu.memory_space<semaphore_mem>>)
        %dma_wait3A_81 = tpu.memref_slice %arg5[%add3A_28] : memref<160000xi32, #tpu.memory_space<hbm>> -> memref<1000xi32, #tpu.memory_space<hbm>>
        %dma_wait3A_82 = tpu.memref_slice %arg5[%add3A_28] : memref<160000xi32, #tpu.memory_space<hbm>> -> memref<1000xi32, #tpu.memory_space<hbm>>
        tpu.wait_dma2 semaphore(%run_scoped3A : memref<!tpu.dma_semaphore, #tpu.memory_space<semaphore_mem>>) src(%dma_wait3A_82 : memref<1000xi32, #tpu.memory_space<hbm>>) dst(%arg17 : memref<1000xi32, #tpu.memory_space<vmem>>)
        tpu.yield
      }) : () -> ()
      "tpu.region"() ({
        %run_scoped3A = tpu.sem_alloc : memref<!tpu.dma_semaphore, #tpu.memory_space<semaphore_mem>>
        %dma_start3A_79 = tpu.memref_slice %arg6[%add3A_28] : memref<160000xi32, #tpu.memory_space<hbm>> -> memref<1000xi32, #tpu.memory_space<hbm>>
        %dma_start3A_80 = tpu.memref_slice %arg6[%add3A_28] : memref<160000xi32, #tpu.memory_space<hbm>> -> memref<1000xi32, #tpu.memory_space<hbm>>
        tpu.enqueue_dma source(%dma_start3A_80 : memref<1000xi32, #tpu.memory_space<hbm>>) target(%arg18 : memref<1000xi32, #tpu.memory_space<vmem>>) target_semaphore(%run_scoped3A : memref<!tpu.dma_semaphore, #tpu.memory_space<semaphore_mem>>)
        %dma_wait3A_81 = tpu.memref_slice %arg6[%add3A_28] : memref<160000xi32, #tpu.memory_space<hbm>> -> memref<1000xi32, #tpu.memory_space<hbm>>
        %dma_wait3A_82 = tpu.memref_slice %arg6[%add3A_28] : memref<160000xi32, #tpu.memory_space<hbm>> -> memref<1000xi32, #tpu.memory_space<hbm>>
        tpu.wait_dma2 semaphore(%run_scoped3A : memref<!tpu.dma_semaphore, #tpu.memory_space<semaphore_mem>>) src(%dma_wait3A_82 : memref<1000xi32, #tpu.memory_space<hbm>>) dst(%arg18 : memref<1000xi32, #tpu.memory_space<vmem>>)
        tpu.yield
      }) : () -> ()
      %mul3A_29 = arith.constant 8 : i32
      %mul3A_30 = arith.muli %add3A_28, %mul3A_29 : i32
      "tpu.region"() ({
        %run_scoped3A = tpu.sem_alloc : memref<!tpu.dma_semaphore, #tpu.memory_space<semaphore_mem>>
        %dma_start3A_79 = arith.constant 0 : i32
        %dma_start3A_80 = tpu.memref_slice %arg19[%dma_start3A_79] : memref<8016xf32, #tpu.memory_space<vmem>> -> memref<8000xf32, #tpu.memory_space<vmem>>
        %dma_start3A_81 = tpu.memref_slice %arg7[%mul3A_30] : memref<1280000xf32, #tpu.memory_space<hbm>> -> memref<8000xf32, #tpu.memory_space<hbm>>
        %dma_start3A_82 = arith.constant 0 : i32
        %dma_start3A_83 = tpu.memref_slice %arg19[%dma_start3A_82] : memref<8016xf32, #tpu.memory_space<vmem>> -> memref<8000xf32, #tpu.memory_space<vmem>>
        %dma_start3A_84 = tpu.memref_slice %arg7[%mul3A_30] : memref<1280000xf32, #tpu.memory_space<hbm>> -> memref<8000xf32, #tpu.memory_space<hbm>>
        tpu.enqueue_dma source(%dma_start3A_84 : memref<8000xf32, #tpu.memory_space<hbm>>) target(%dma_start3A_83 : memref<8000xf32, #tpu.memory_space<vmem>>) target_semaphore(%run_scoped3A : memref<!tpu.dma_semaphore, #tpu.memory_space<semaphore_mem>>)
        %dma_wait3A_85 = arith.constant 0 : i32
        %dma_wait3A_86 = tpu.memref_slice %arg19[%dma_wait3A_85] : memref<8016xf32, #tpu.memory_space<vmem>> -> memref<8000xf32, #tpu.memory_space<vmem>>
        %dma_wait3A_87 = tpu.memref_slice %arg7[%mul3A_30] : memref<1280000xf32, #tpu.memory_space<hbm>> -> memref<8000xf32, #tpu.memory_space<hbm>>
        %dma_wait3A_88 = arith.constant 0 : i32
        %dma_wait3A_89 = tpu.memref_slice %arg19[%dma_wait3A_88] : memref<8016xf32, #tpu.memory_space<vmem>> -> memref<8000xf32, #tpu.memory_space<vmem>>
        %dma_wait3A_90 = tpu.memref_slice %arg7[%mul3A_30] : memref<1280000xf32, #tpu.memory_space<hbm>> -> memref<8000xf32, #tpu.memory_space<hbm>>
        tpu.wait_dma2 semaphore(%run_scoped3A : memref<!tpu.dma_semaphore, #tpu.memory_space<semaphore_mem>>) src(%dma_wait3A_90 : memref<8000xf32, #tpu.memory_space<hbm>>) dst(%dma_wait3A_89 : memref<8000xf32, #tpu.memory_space<vmem>>)
        tpu.yield
      }) : () -> ()
      %dma_start3A = arith.constant 0 : i32
      %dma_start3A_31 = tpu.memref_slice %arg17[%dma_start3A] : memref<1000xi32, #tpu.memory_space<vmem>> -> memref<40xi32, #tpu.memory_space<vmem>>
      %dma_start3A_32 = arith.constant 0 : i32
      %dma_start3A_33 = arith.constant 0 : i32
      %dma_start3A_34 = tpu.memref_slice %arg2[%dma_start3A_32, %dma_start3A_33] : memref<10000x512xf32, #tpu.memory_space<hbm>> -> memref<10000x512xf32, #tpu.memory_space<hbm>>
      tpu.enqueue_indirect_dma source(%dma_start3A_34 : memref<10000x512xf32, #tpu.memory_space<hbm>>) target(%arg11 : memref<40x512xf32, #tpu.memory_space<vmem>>) offsets(%dma_start3A_31 : memref<40xi32, #tpu.memory_space<vmem>>) semaphore(%arg22 : memref<!tpu.dma_semaphore, #tpu.memory_space<semaphore_mem>>)
      %dma_start3A_35 = arith.constant 0 : i32
      %dma_start3A_36 = tpu.memref_slice %arg18[%dma_start3A_35] : memref<1000xi32, #tpu.memory_space<vmem>> -> memref<40xi32, #tpu.memory_space<vmem>>
      %dma_start3A_37 = arith.constant 0 : i32
      %dma_start3A_38 = arith.constant 0 : i32
      %dma_start3A_39 = tpu.memref_slice %arg3[%dma_start3A_37, %dma_start3A_38] : memref<10000x256xf32, #tpu.memory_space<hbm>> -> memref<10000x256xf32, #tpu.memory_space<hbm>>
      tpu.enqueue_indirect_dma source(%dma_start3A_39 : memref<10000x256xf32, #tpu.memory_space<hbm>>) target(%arg13 : memref<40x256xf32, #tpu.memory_space<vmem>>) offsets(%dma_start3A_36 : memref<40xi32, #tpu.memory_space<vmem>>) semaphore(%arg24 : memref<!tpu.dma_semaphore, #tpu.memory_space<semaphore_mem>>)
      %dma_start3A_40 = arith.constant 0 : i32
      %dma_start3A_41 = tpu.memref_slice %arg15[%dma_start3A_40] : memref<56xf32, #tpu.memory_space<vmem>> -> memref<40xf32, #tpu.memory_space<vmem>>
      %dma_start3A_42 = arith.constant 0 : i32
      %dma_start3A_43 = tpu.memref_slice %arg18[%dma_start3A_42] : memref<1000xi32, #tpu.memory_space<vmem>> -> memref<40xi32, #tpu.memory_space<vmem>>
      %dma_start3A_44 = arith.constant 0 : i32
      %dma_start3A_45 = tpu.memref_slice %arg4[%dma_start3A_44] : memref<10000xf32, #tpu.memory_space<hbm>> -> memref<10000xf32, #tpu.memory_space<hbm>>
      tpu.enqueue_indirect_dma source(%dma_start3A_45 : memref<10000xf32, #tpu.memory_space<hbm>>) target(%dma_start3A_41 : memref<40xf32, #tpu.memory_space<vmem>>) offsets(%dma_start3A_43 : memref<40xi32, #tpu.memory_space<vmem>>) semaphore(%arg24 : memref<!tpu.dma_semaphore, #tpu.memory_space<semaphore_mem>>)
      %scan3A_46 = arith.constant 0 : i32
      %scan3A_47 = arith.constant 12 : i32
      %scan3A_48 = arith.addi %scan3A_46, %scan3A_47 : i32
      %scan3A_49 = arith.constant 1 : i32
      scf.for %scan3A_79 = %scan3A_46 to %scan3A_48 step %scan3A_49  : i32 {
        %mul3A_80 = arith.constant 1 : i32
        %mul3A_81 = arith.muli %scan3A_79, %mul3A_80 : i32
        %add3A_82 = arith.constant 0 : i32
        %add3A_83 = arith.addi %add3A_82, %mul3A_81 : i32
        %mul3A_84 = arith.constant 2 : i32
        %mul3A_85 = arith.muli %add3A_83, %mul3A_84 : i32
        %add3A_86 = arith.constant 1 : i32
        %add3A_87 = arith.addi %mul3A_85, %add3A_86 : i32
        %mul3A_88 = arith.constant 40 : i32
        %mul3A_89 = arith.muli %add3A_87, %mul3A_88 : i32
        %dma_start3A_90 = tpu.memref_slice %arg17[%mul3A_89] : memref<1000xi32, #tpu.memory_space<vmem>> -> memref<40xi32, #tpu.memory_space<vmem>>
        %dma_start3A_91 = arith.constant 0 : i32
        %dma_start3A_92 = arith.constant 0 : i32
        %dma_start3A_93 = tpu.memref_slice %arg2[%dma_start3A_91, %dma_start3A_92] : memref<10000x512xf32, #tpu.memory_space<hbm>> -> memref<10000x512xf32, #tpu.memory_space<hbm>>
        tpu.enqueue_indirect_dma source(%dma_start3A_93 : memref<10000x512xf32, #tpu.memory_space<hbm>>) target(%arg12 : memref<40x512xf32, #tpu.memory_space<vmem>>) offsets(%dma_start3A_90 : memref<40xi32, #tpu.memory_space<vmem>>) semaphore(%arg23 : memref<!tpu.dma_semaphore, #tpu.memory_space<semaphore_mem>>)
        %dma_start3A_94 = tpu.memref_slice %arg18[%mul3A_89] : memref<1000xi32, #tpu.memory_space<vmem>> -> memref<40xi32, #tpu.memory_space<vmem>>
        %dma_start3A_95 = arith.constant 0 : i32
        %dma_start3A_96 = arith.constant 0 : i32
        %dma_start3A_97 = tpu.memref_slice %arg3[%dma_start3A_95, %dma_start3A_96] : memref<10000x256xf32, #tpu.memory_space<hbm>> -> memref<10000x256xf32, #tpu.memory_space<hbm>>
        tpu.enqueue_indirect_dma source(%dma_start3A_97 : memref<10000x256xf32, #tpu.memory_space<hbm>>) target(%arg14 : memref<40x256xf32, #tpu.memory_space<vmem>>) offsets(%dma_start3A_94 : memref<40xi32, #tpu.memory_space<vmem>>) semaphore(%arg25 : memref<!tpu.dma_semaphore, #tpu.memory_space<semaphore_mem>>)
        %dma_start3A_98 = arith.constant 0 : i32
        %dma_start3A_99 = tpu.memref_slice %arg16[%dma_start3A_98] : memref<56xf32, #tpu.memory_space<vmem>> -> memref<40xf32, #tpu.memory_space<vmem>>
        %dma_start3A_100 = tpu.memref_slice %arg18[%mul3A_89] : memref<1000xi32, #tpu.memory_space<vmem>> -> memref<40xi32, #tpu.memory_space<vmem>>
        %dma_start3A_101 = arith.constant 0 : i32
        %dma_start3A_102 = tpu.memref_slice %arg4[%dma_start3A_101] : memref<10000xf32, #tpu.memory_space<hbm>> -> memref<10000xf32, #tpu.memory_space<hbm>>
        tpu.enqueue_indirect_dma source(%dma_start3A_102 : memref<10000xf32, #tpu.memory_space<hbm>>) target(%dma_start3A_99 : memref<40xf32, #tpu.memory_space<vmem>>) offsets(%dma_start3A_100 : memref<40xi32, #tpu.memory_space<vmem>>) semaphore(%arg25 : memref<!tpu.dma_semaphore, #tpu.memory_space<semaphore_mem>>)
        %mul3A_103 = arith.constant 40 : i32
        %mul3A_104 = arith.muli %mul3A_85, %mul3A_103 : i32
        %dma_wait3A_105 = tpu.memref_slice %arg17[%mul3A_104] : memref<1000xi32, #tpu.memory_space<vmem>> -> memref<40xi32, #tpu.memory_space<vmem>>
        %dma_wait3A_106 = arith.constant 0 : i32
        %dma_wait3A_107 = arith.constant 0 : i32
        %dma_wait3A_108 = tpu.memref_slice %arg2[%dma_wait3A_106, %dma_wait3A_107] : memref<10000x512xf32, #tpu.memory_space<hbm>> -> memref<10000x512xf32, #tpu.memory_space<hbm>>
        tpu.wait_indirect_dma semaphore(%arg22 : memref<!tpu.dma_semaphore, #tpu.memory_space<semaphore_mem>>) src(%dma_wait3A_108 : memref<10000x512xf32, #tpu.memory_space<hbm>>) dst(%arg11 : memref<40x512xf32, #tpu.memory_space<vmem>>)
        %dma_wait3A_109 = tpu.memref_slice %arg18[%mul3A_104] : memref<1000xi32, #tpu.memory_space<vmem>> -> memref<40xi32, #tpu.memory_space<vmem>>
        %dma_wait3A_110 = arith.constant 0 : i32
        %dma_wait3A_111 = arith.constant 0 : i32
        %dma_wait3A_112 = tpu.memref_slice %arg3[%dma_wait3A_110, %dma_wait3A_111] : memref<10000x256xf32, #tpu.memory_space<hbm>> -> memref<10000x256xf32, #tpu.memory_space<hbm>>
        tpu.wait_indirect_dma semaphore(%arg24 : memref<!tpu.dma_semaphore, #tpu.memory_space<semaphore_mem>>) src(%dma_wait3A_112 : memref<10000x256xf32, #tpu.memory_space<hbm>>) dst(%arg13 : memref<40x256xf32, #tpu.memory_space<vmem>>)
        %dma_wait3A_113 = arith.constant 0 : i32
        %dma_wait3A_114 = tpu.memref_slice %arg15[%dma_wait3A_113] : memref<56xf32, #tpu.memory_space<vmem>> -> memref<40xf32, #tpu.memory_space<vmem>>
        %dma_wait3A_115 = tpu.memref_slice %arg18[%mul3A_104] : memref<1000xi32, #tpu.memory_space<vmem>> -> memref<40xi32, #tpu.memory_space<vmem>>
        %dma_wait3A_116 = arith.constant 0 : i32
        %dma_wait3A_117 = tpu.memref_slice %arg4[%dma_wait3A_116] : memref<10000xf32, #tpu.memory_space<hbm>> -> memref<10000xf32, #tpu.memory_space<hbm>>
        tpu.wait_indirect_dma semaphore(%arg24 : memref<!tpu.dma_semaphore, #tpu.memory_space<semaphore_mem>>) src(%dma_wait3A_117 : memref<10000xf32, #tpu.memory_space<hbm>>) dst(%dma_wait3A_114 : memref<40xf32, #tpu.memory_space<vmem>>)
        %mul3A_118 = arith.constant 40 : i32
        %mul3A_119 = arith.muli %mul3A_85, %mul3A_118 : i32
        %parallel_loop3A_120 = arith.constant 0 : i32
        %parallel_loop3A_121 = arith.constant 40 : i32
        %parallel_loop3A_122 = arith.constant 1 : i32
        scf.for %parallel_loop3A_172 = %parallel_loop3A_120 to %parallel_loop3A_121 step %parallel_loop3A_122  : i32 {
          %parallel_loop3A_173 = arith.constant 40 : i32
          %parallel_loop3A_174 = arith.muli %mul3A_85, %parallel_loop3A_173 : i32
          %parallel_loop3A_175 = arith.addi %parallel_loop3A_174, %parallel_loop3A_172 : i32
          %parallel_loop3A_176 = arith.constant 8 : i32
          %parallel_loop3A_177 = arith.muli %parallel_loop3A_175, %parallel_loop3A_176 : i32
          %parallel_loop3A_178 = arith.index_cast %parallel_loop3A_177 : i32 to index
          %parallel_loop3A_179 = tpu.vector_load %arg19[%parallel_loop3A_178] {strides = array<i32>} : memref<8016xf32, #tpu.memory_space<vmem>>, vector<16xf32>,
          %parallel_loop3A_180 = vector.extract_strided_slice %parallel_loop3A_179 {offsets = [0], sizes = [1], strides = [1]} : vector<16xf32> to vector<1xf32>
          %parallel_loop3A_181 = vector.extract %parallel_loop3A_180[0] : f32 from vector<1xf32>
          %parallel_loop3A_182 = vector.extract_strided_slice %parallel_loop3A_179 {offsets = [1], sizes = [1], strides = [1]} : vector<16xf32> to vector<1xf32>
          %parallel_loop3A_183 = vector.extract %parallel_loop3A_182[0] : f32 from vector<1xf32>
          %parallel_loop3A_184 = vector.extract_strided_slice %parallel_loop3A_179 {offsets = [2], sizes = [1], strides = [1]} : vector<16xf32> to vector<1xf32>
          %parallel_loop3A_185 = vector.extract %parallel_loop3A_184[0] : f32 from vector<1xf32>
          %parallel_loop3A_186 = vector.extract_strided_slice %parallel_loop3A_179 {offsets = [4], sizes = [1], strides = [1]} : vector<16xf32> to vector<1xf32>
          %parallel_loop3A_187 = vector.extract %parallel_loop3A_186[0] : f32 from vector<1xf32>
          %parallel_loop3A_188 = arith.constant 0.000000e+00 : f32
          %parallel_loop3A_189 = vector.broadcast %parallel_loop3A_188 : f32 to vector<16xf32>
          %parallel_loop3A_190 = arith.index_cast %parallel_loop3A_172 : i32 to index
          %parallel_loop3A_191 = arith.constant 0 : index
          %parallel_loop3A_192 = tpu.vector_load %arg11[%parallel_loop3A_190, %parallel_loop3A_191] {strides = array<i32>} : memref<40x512xf32, #tpu.memory_space<vmem>>, vector<16xf32>,
          %parallel_loop3A_193 = arith.index_cast %parallel_loop3A_172 : i32 to index
          %parallel_loop3A_194 = arith.constant 0 : index
          %parallel_loop3A_195 = tpu.vector_load %arg13[%parallel_loop3A_193, %parallel_loop3A_194] {strides = array<i32>} : memref<40x256xf32, #tpu.memory_space<vmem>>, vector<16xf32>,
          %parallel_loop3A_196 = arith.index_cast %parallel_loop3A_172 : i32 to index
          %parallel_loop3A_197 = arith.constant 128 : index
          %parallel_loop3A_198 = tpu.vector_load %arg13[%parallel_loop3A_196, %parallel_loop3A_197] {strides = array<i32>} : memref<40x256xf32, #tpu.memory_space<vmem>>, vector<16xf32>,
          %parallel_loop3A_199 = arith.index_cast %parallel_loop3A_172 : i32 to index
          %parallel_loop3A_200 = arith.constant 128 : index
          %parallel_loop3A_201 = tpu.vector_load %arg11[%parallel_loop3A_199, %parallel_loop3A_200] {strides = array<i32>} : memref<40x512xf32, #tpu.memory_space<vmem>>, vector<16xf32>,
          %parallel_loop3A_202 = arith.index_cast %parallel_loop3A_172 : i32 to index
          %parallel_loop3A_203 = arith.constant 256 : index
          %parallel_loop3A_204 = tpu.vector_load %arg11[%parallel_loop3A_202, %parallel_loop3A_203] {strides = array<i32>} : memref<40x512xf32, #tpu.memory_space<vmem>>, vector<16xf32>,
          %parallel_loop3A_205 = arith.index_cast %parallel_loop3A_172 : i32 to index
          %parallel_loop3A_206 = arith.constant 384 : index
          %parallel_loop3A_207 = tpu.vector_load %arg11[%parallel_loop3A_205, %parallel_loop3A_206] {strides = array<i32>} : memref<40x512xf32, #tpu.memory_space<vmem>>, vector<16xf32>,
          %parallel_loop3A_208 = arith.mulf %parallel_loop3A_192, %parallel_loop3A_195 : vector<16xf32>
          %parallel_loop3A_209 = arith.addf %parallel_loop3A_189, %parallel_loop3A_208 : vector<16xf32>
          %parallel_loop3A_210 = vector.broadcast %parallel_loop3A_181 : f32 to vector<16xf32>
          %parallel_loop3A_211 = arith.mulf %parallel_loop3A_210, %parallel_loop3A_201 : vector<16xf32>
          %parallel_loop3A_212 = vector.broadcast %parallel_loop3A_183 : f32 to vector<16xf32>
          %parallel_loop3A_213 = arith.mulf %parallel_loop3A_212, %parallel_loop3A_204 : vector<16xf32>
          %parallel_loop3A_214 = arith.addf %parallel_loop3A_211, %parallel_loop3A_213 : vector<16xf32>
          %parallel_loop3A_215 = vector.broadcast %parallel_loop3A_185 : f32 to vector<16xf32>
          %parallel_loop3A_216 = arith.mulf %parallel_loop3A_215, %parallel_loop3A_207 : vector<16xf32>
          %parallel_loop3A_217 = arith.addf %parallel_loop3A_214, %parallel_loop3A_216 : vector<16xf32>
          %parallel_loop3A_218 = arith.mulf %parallel_loop3A_217, %parallel_loop3A_198 : vector<16xf32>
          %parallel_loop3A_219 = arith.addf %parallel_loop3A_209, %parallel_loop3A_218 : vector<16xf32>
          %parallel_loop3A_220 = arith.index_cast %parallel_loop3A_172 : i32 to index
          %parallel_loop3A_221 = arith.constant 16 : index
          %parallel_loop3A_222 = tpu.vector_load %arg11[%parallel_loop3A_220, %parallel_loop3A_221] {strides = array<i32>} : memref<40x512xf32, #tpu.memory_space<vmem>>, vector<16xf32>,
          %parallel_loop3A_223 = arith.index_cast %parallel_loop3A_172 : i32 to index
          %parallel_loop3A_224 = arith.constant 16 : index
          %parallel_loop3A_225 = tpu.vector_load %arg13[%parallel_loop3A_223, %parallel_loop3A_224] {strides = array<i32>} : memref<40x256xf32, #tpu.memory_space<vmem>>, vector<16xf32>,
          %parallel_loop3A_226 = arith.index_cast %parallel_loop3A_172 : i32 to index
          %parallel_loop3A_227 = arith.constant 144 : index
          %parallel_loop3A_228 = tpu.vector_load %arg13[%parallel_loop3A_226, %parallel_loop3A_227] {strides = array<i32>} : memref<40x256xf32, #tpu.memory_space<vmem>>, vector<16xf32>,
          %parallel_loop3A_229 = arith.index_cast %parallel_loop3A_172 : i32 to index
          %parallel_loop3A_230 = arith.constant 144 : index
          %parallel_loop3A_231 = tpu.vector_load %arg11[%parallel_loop3A_229, %parallel_loop3A_230] {strides = array<i32>} : memref<40x512xf32, #tpu.memory_space<vmem>>, vector<16xf32>,
          %parallel_loop3A_232 = arith.index_cast %parallel_loop3A_172 : i32 to index
          %parallel_loop3A_233 = arith.constant 272 : index
          %parallel_loop3A_234 = tpu.vector_load %arg11[%parallel_loop3A_232, %parallel_loop3A_233] {strides = array<i32>} : memref<40x512xf32, #tpu.memory_space<vmem>>, vector<16xf32>,
          %parallel_loop3A_235 = arith.index_cast %parallel_loop3A_172 : i32 to index
          %parallel_loop3A_236 = arith.constant 400 : index
          %parallel_loop3A_237 = tpu.vector_load %arg11[%parallel_loop3A_235, %parallel_loop3A_236] {strides = array<i32>} : memref<40x512xf32, #tpu.memory_space<vmem>>, vector<16xf32>,
          %parallel_loop3A_238 = arith.mulf %parallel_loop3A_222, %parallel_loop3A_225 : vector<16xf32>
          %parallel_loop3A_239 = arith.addf %parallel_loop3A_219, %parallel_loop3A_238 : vector<16xf32>
          %parallel_loop3A_240 = vector.broadcast %parallel_loop3A_181 : f32 to vector<16xf32>
          %parallel_loop3A_241 = arith.mulf %parallel_loop3A_240, %parallel_loop3A_231 : vector<16xf32>
          %parallel_loop3A_242 = vector.broadcast %parallel_loop3A_183 : f32 to vector<16xf32>
          %parallel_loop3A_243 = arith.mulf %parallel_loop3A_242, %parallel_loop3A_234 : vector<16xf32>
          %parallel_loop3A_244 = arith.addf %parallel_loop3A_241, %parallel_loop3A_243 : vector<16xf32>
          %parallel_loop3A_245 = vector.broadcast %parallel_loop3A_185 : f32 to vector<16xf32>
          %parallel_loop3A_246 = arith.mulf %parallel_loop3A_245, %parallel_loop3A_237 : vector<16xf32>
          %parallel_loop3A_247 = arith.addf %parallel_loop3A_244, %parallel_loop3A_246 : vector<16xf32>
          %parallel_loop3A_248 = arith.mulf %parallel_loop3A_247, %parallel_loop3A_228 : vector<16xf32>
          %parallel_loop3A_249 = arith.addf %parallel_loop3A_239, %parallel_loop3A_248 : vector<16xf32>
          %parallel_loop3A_250 = arith.index_cast %parallel_loop3A_172 : i32 to index
          %parallel_loop3A_251 = arith.constant 32 : index
          %parallel_loop3A_252 = tpu.vector_load %arg11[%parallel_loop3A_250, %parallel_loop3A_251] {strides = array<i32>} : memref<40x512xf32, #tpu.memory_space<vmem>>, vector<16xf32>,
          %parallel_loop3A_253 = arith.index_cast %parallel_loop3A_172 : i32 to index
          %parallel_loop3A_254 = arith.constant 32 : index
          %parallel_loop3A_255 = tpu.vector_load %arg13[%parallel_loop3A_253, %parallel_loop3A_254] {strides = array<i32>} : memref<40x256xf32, #tpu.memory_space<vmem>>, vector<16xf32>,
          %parallel_loop3A_256 = arith.index_cast %parallel_loop3A_172 : i32 to index
          %parallel_loop3A_257 = arith.constant 160 : index
          %parallel_loop3A_258 = tpu.vector_load %arg13[%parallel_loop3A_256, %parallel_loop3A_257] {strides = array<i32>} : memref<40x256xf32, #tpu.memory_space<vmem>>, vector<16xf32>,
          %parallel_loop3A_259 = arith.index_cast %parallel_loop3A_172 : i32 to index
          %parallel_loop3A_260 = arith.constant 160 : index
          %parallel_loop3A_261 = tpu.vector_load %arg11[%parallel_loop3A_259, %parallel_loop3A_260] {strides = array<i32>} : memref<40x512xf32, #tpu.memory_space<vmem>>, vector<16xf32>,
          %parallel_loop3A_262 = arith.index_cast %parallel_loop3A_172 : i32 to index
          %parallel_loop3A_263 = arith.constant 288 : index
          %parallel_loop3A_264 = tpu.vector_load %arg11[%parallel_loop3A_262, %parallel_loop3A_263] {strides = array<i32>} : memref<40x512xf32, #tpu.memory_space<vmem>>, vector<16xf32>,
          %parallel_loop3A_265 = arith.index_cast %parallel_loop3A_172 : i32 to index
          %parallel_loop3A_266 = arith.constant 416 : index
          %parallel_loop3A_267 = tpu.vector_load %arg11[%parallel_loop3A_265, %parallel_loop3A_266] {strides = array<i32>} : memref<40x512xf32, #tpu.memory_space<vmem>>, vector<16xf32>,
          %parallel_loop3A_268 = arith.mulf %parallel_loop3A_252, %parallel_loop3A_255 : vector<16xf32>
          %parallel_loop3A_269 = arith.addf %parallel_loop3A_249, %parallel_loop3A_268 : vector<16xf32>
          %parallel_loop3A_270 = vector.broadcast %parallel_loop3A_181 : f32 to vector<16xf32>
          %parallel_loop3A_271 = arith.mulf %parallel_loop3A_270, %parallel_loop3A_261 : vector<16xf32>
          %parallel_loop3A_272 = vector.broadcast %parallel_loop3A_183 : f32 to vector<16xf32>
          %parallel_loop3A_273 = arith.mulf %parallel_loop3A_272, %parallel_loop3A_264 : vector<16xf32>
          %parallel_loop3A_274 = arith.addf %parallel_loop3A_271, %parallel_loop3A_273 : vector<16xf32>
          %parallel_loop3A_275 = vector.broadcast %parallel_loop3A_185 : f32 to vector<16xf32>
          %parallel_loop3A_276 = arith.mulf %parallel_loop3A_275, %parallel_loop3A_267 : vector<16xf32>
          %parallel_loop3A_277 = arith.addf %parallel_loop3A_274, %parallel_loop3A_276 : vector<16xf32>
          %parallel_loop3A_278 = arith.mulf %parallel_loop3A_277, %parallel_loop3A_258 : vector<16xf32>
          %parallel_loop3A_279 = arith.addf %parallel_loop3A_269, %parallel_loop3A_278 : vector<16xf32>
          %parallel_loop3A_280 = arith.index_cast %parallel_loop3A_172 : i32 to index
          %parallel_loop3A_281 = arith.constant 48 : index
          %parallel_loop3A_282 = tpu.vector_load %arg11[%parallel_loop3A_280, %parallel_loop3A_281] {strides = array<i32>} : memref<40x512xf32, #tpu.memory_space<vmem>>, vector<16xf32>,
          %parallel_loop3A_283 = arith.index_cast %parallel_loop3A_172 : i32 to index
          %parallel_loop3A_284 = arith.constant 48 : index
          %parallel_loop3A_285 = tpu.vector_load %arg13[%parallel_loop3A_283, %parallel_loop3A_284] {strides = array<i32>} : memref<40x256xf32, #tpu.memory_space<vmem>>, vector<16xf32>,
          %parallel_loop3A_286 = arith.index_cast %parallel_loop3A_172 : i32 to index
          %parallel_loop3A_287 = arith.constant 176 : index
          %parallel_loop3A_288 = tpu.vector_load %arg13[%parallel_loop3A_286, %parallel_loop3A_287] {strides = array<i32>} : memref<40x256xf32, #tpu.memory_space<vmem>>, vector<16xf32>,
          %parallel_loop3A_289 = arith.index_cast %parallel_loop3A_172 : i32 to index
          %parallel_loop3A_290 = arith.constant 176 : index
          %parallel_loop3A_291 = tpu.vector_load %arg11[%parallel_loop3A_289, %parallel_loop3A_290] {strides = array<i32>} : memref<40x512xf32, #tpu.memory_space<vmem>>, vector<16xf32>,
          %parallel_loop3A_292 = arith.index_cast %parallel_loop3A_172 : i32 to index
          %parallel_loop3A_293 = arith.constant 304 : index
          %parallel_loop3A_294 = tpu.vector_load %arg11[%parallel_loop3A_292, %parallel_loop3A_293] {strides = array<i32>} : memref<40x512xf32, #tpu.memory_space<vmem>>, vector<16xf32>,
          %parallel_loop3A_295 = arith.index_cast %parallel_loop3A_172 : i32 to index
          %parallel_loop3A_296 = arith.constant 432 : index
          %parallel_loop3A_297 = tpu.vector_load %arg11[%parallel_loop3A_295, %parallel_loop3A_296] {strides = array<i32>} : memref<40x512xf32, #tpu.memory_space<vmem>>, vector<16xf32>,
          %parallel_loop3A_298 = arith.mulf %parallel_loop3A_282, %parallel_loop3A_285 : vector<16xf32>
          %parallel_loop3A_299 = arith.addf %parallel_loop3A_279, %parallel_loop3A_298 : vector<16xf32>
          %parallel_loop3A_300 = vector.broadcast %parallel_loop3A_181 : f32 to vector<16xf32>
          %parallel_loop3A_301 = arith.mulf %parallel_loop3A_300, %parallel_loop3A_291 : vector<16xf32>
          %parallel_loop3A_302 = vector.broadcast %parallel_loop3A_183 : f32 to vector<16xf32>
          %parallel_loop3A_303 = arith.mulf %parallel_loop3A_302, %parallel_loop3A_294 : vector<16xf32>
          %parallel_loop3A_304 = arith.addf %parallel_loop3A_301, %parallel_loop3A_303 : vector<16xf32>
          %parallel_loop3A_305 = vector.broadcast %parallel_loop3A_185 : f32 to vector<16xf32>
          %parallel_loop3A_306 = arith.mulf %parallel_loop3A_305, %parallel_loop3A_297 : vector<16xf32>
          %parallel_loop3A_307 = arith.addf %parallel_loop3A_304, %parallel_loop3A_306 : vector<16xf32>
          %parallel_loop3A_308 = arith.mulf %parallel_loop3A_307, %parallel_loop3A_288 : vector<16xf32>
          %parallel_loop3A_309 = arith.addf %parallel_loop3A_299, %parallel_loop3A_308 : vector<16xf32>
          %parallel_loop3A_310 = arith.index_cast %parallel_loop3A_172 : i32 to index
          %parallel_loop3A_311 = arith.constant 64 : index
          %parallel_loop3A_312 = tpu.vector_load %arg11[%parallel_loop3A_310, %parallel_loop3A_311] {strides = array<i32>} : memref<40x512xf32, #tpu.memory_space<vmem>>, vector<16xf32>,
          %parallel_loop3A_313 = arith.index_cast %parallel_loop3A_172 : i32 to index
          %parallel_loop3A_314 = arith.constant 64 : index
          %parallel_loop3A_315 = tpu.vector_load %arg13[%parallel_loop3A_313, %parallel_loop3A_314] {strides = array<i32>} : memref<40x256xf32, #tpu.memory_space<vmem>>, vector<16xf32>,
          %parallel_loop3A_316 = arith.index_cast %parallel_loop3A_172 : i32 to index
          %parallel_loop3A_317 = arith.constant 192 : index
          %parallel_loop3A_318 = tpu.vector_load %arg13[%parallel_loop3A_316, %parallel_loop3A_317] {strides = array<i32>} : memref<40x256xf32, #tpu.memory_space<vmem>>, vector<16xf32>,
          %parallel_loop3A_319 = arith.index_cast %parallel_loop3A_172 : i32 to index
          %parallel_loop3A_320 = arith.constant 192 : index
          %parallel_loop3A_321 = tpu.vector_load %arg11[%parallel_loop3A_319, %parallel_loop3A_320] {strides = array<i32>} : memref<40x512xf32, #tpu.memory_space<vmem>>, vector<16xf32>,
          %parallel_loop3A_322 = arith.index_cast %parallel_loop3A_172 : i32 to index
          %parallel_loop3A_323 = arith.constant 320 : index
          %parallel_loop3A_324 = tpu.vector_load %arg11[%parallel_loop3A_322, %parallel_loop3A_323] {strides = array<i32>} : memref<40x512xf32, #tpu.memory_space<vmem>>, vector<16xf32>,
          %parallel_loop3A_325 = arith.index_cast %parallel_loop3A_172 : i32 to index
          %parallel_loop3A_326 = arith.constant 448 : index
          %parallel_loop3A_327 = tpu.vector_load %arg11[%parallel_loop3A_325, %parallel_loop3A_326] {strides = array<i32>} : memref<40x512xf32, #tpu.memory_space<vmem>>, vector<16xf32>,
          %parallel_loop3A_328 = arith.mulf %parallel_loop3A_312, %parallel_loop3A_315 : vector<16xf32>
          %parallel_loop3A_329 = arith.addf %parallel_loop3A_309, %parallel_loop3A_328 : vector<16xf32>
          %parallel_loop3A_330 = vector.broadcast %parallel_loop3A_181 : f32 to vector<16xf32>
          %parallel_loop3A_331 = arith.mulf %parallel_loop3A_330, %parallel_loop3A_321 : vector<16xf32>
          %parallel_loop3A_332 = vector.broadcast %parallel_loop3A_183 : f32 to vector<16xf32>
          %parallel_loop3A_333 = arith.mulf %parallel_loop3A_332, %parallel_loop3A_324 : vector<16xf32>
          %parallel_loop3A_334 = arith.addf %parallel_loop3A_331, %parallel_loop3A_333 : vector<16xf32>
          %parallel_loop3A_335 = vector.broadcast %parallel_loop3A_185 : f32 to vector<16xf32>
          %parallel_loop3A_336 = arith.mulf %parallel_loop3A_335, %parallel_loop3A_327 : vector<16xf32>
          %parallel_loop3A_337 = arith.addf %parallel_loop3A_334, %parallel_loop3A_336 : vector<16xf32>
          %parallel_loop3A_338 = arith.mulf %parallel_loop3A_337, %parallel_loop3A_318 : vector<16xf32>
          %parallel_loop3A_339 = arith.addf %parallel_loop3A_329, %parallel_loop3A_338 : vector<16xf32>
          %parallel_loop3A_340 = arith.index_cast %parallel_loop3A_172 : i32 to index
          %parallel_loop3A_341 = arith.constant 80 : index
          %parallel_loop3A_342 = tpu.vector_load %arg11[%parallel_loop3A_340, %parallel_loop3A_341] {strides = array<i32>} : memref<40x512xf32, #tpu.memory_space<vmem>>, vector<16xf32>,
          %parallel_loop3A_343 = arith.index_cast %parallel_loop3A_172 : i32 to index
          %parallel_loop3A_344 = arith.constant 80 : index
          %parallel_loop3A_345 = tpu.vector_load %arg13[%parallel_loop3A_343, %parallel_loop3A_344] {strides = array<i32>} : memref<40x256xf32, #tpu.memory_space<vmem>>, vector<16xf32>,
          %parallel_loop3A_346 = arith.index_cast %parallel_loop3A_172 : i32 to index
          %parallel_loop3A_347 = arith.constant 208 : index
          %parallel_loop3A_348 = tpu.vector_load %arg13[%parallel_loop3A_346, %parallel_loop3A_347] {strides = array<i32>} : memref<40x256xf32, #tpu.memory_space<vmem>>, vector<16xf32>,
          %parallel_loop3A_349 = arith.index_cast %parallel_loop3A_172 : i32 to index
          %parallel_loop3A_350 = arith.constant 208 : index
          %parallel_loop3A_351 = tpu.vector_load %arg11[%parallel_loop3A_349, %parallel_loop3A_350] {strides = array<i32>} : memref<40x512xf32, #tpu.memory_space<vmem>>, vector<16xf32>,
          %parallel_loop3A_352 = arith.index_cast %parallel_loop3A_172 : i32 to index
          %parallel_loop3A_353 = arith.constant 336 : index
          %parallel_loop3A_354 = tpu.vector_load %arg11[%parallel_loop3A_352, %parallel_loop3A_353] {strides = array<i32>} : memref<40x512xf32, #tpu.memory_space<vmem>>, vector<16xf32>,
          %parallel_loop3A_355 = arith.index_cast %parallel_loop3A_172 : i32 to index
          %parallel_loop3A_356 = arith.constant 464 : index
          %parallel_loop3A_357 = tpu.vector_load %arg11[%parallel_loop3A_355, %parallel_loop3A_356] {strides = array<i32>} : memref<40x512xf32, #tpu.memory_space<vmem>>, vector<16xf32>,
          %parallel_loop3A_358 = arith.mulf %parallel_loop3A_342, %parallel_loop3A_345 : vector<16xf32>
          %parallel_loop3A_359 = arith.addf %parallel_loop3A_339, %parallel_loop3A_358 : vector<16xf32>
          %parallel_loop3A_360 = vector.broadcast %parallel_loop3A_181 : f32 to vector<16xf32>
          %parallel_loop3A_361 = arith.mulf %parallel_loop3A_360, %parallel_loop3A_351 : vector<16xf32>
          %parallel_loop3A_362 = vector.broadcast %parallel_loop3A_183 : f32 to vector<16xf32>
          %parallel_loop3A_363 = arith.mulf %parallel_loop3A_362, %parallel_loop3A_354 : vector<16xf32>
          %parallel_loop3A_364 = arith.addf %parallel_loop3A_361, %parallel_loop3A_363 : vector<16xf32>
          %parallel_loop3A_365 = vector.broadcast %parallel_loop3A_185 : f32 to vector<16xf32>
          %parallel_loop3A_366 = arith.mulf %parallel_loop3A_365, %parallel_loop3A_357 : vector<16xf32>
          %parallel_loop3A_367 = arith.addf %parallel_loop3A_364, %parallel_loop3A_366 : vector<16xf32>
          %parallel_loop3A_368 = arith.mulf %parallel_loop3A_367, %parallel_loop3A_348 : vector<16xf32>
          %parallel_loop3A_369 = arith.addf %parallel_loop3A_359, %parallel_loop3A_368 : vector<16xf32>
          %parallel_loop3A_370 = arith.index_cast %parallel_loop3A_172 : i32 to index
          %parallel_loop3A_371 = arith.constant 96 : index
          %parallel_loop3A_372 = tpu.vector_load %arg11[%parallel_loop3A_370, %parallel_loop3A_371] {strides = array<i32>} : memref<40x512xf32, #tpu.memory_space<vmem>>, vector<16xf32>,
          %parallel_loop3A_373 = arith.index_cast %parallel_loop3A_172 : i32 to index
          %parallel_loop3A_374 = arith.constant 96 : index
          %parallel_loop3A_375 = tpu.vector_load %arg13[%parallel_loop3A_373, %parallel_loop3A_374] {strides = array<i32>} : memref<40x256xf32, #tpu.memory_space<vmem>>, vector<16xf32>,
          %parallel_loop3A_376 = arith.index_cast %parallel_loop3A_172 : i32 to index
          %parallel_loop3A_377 = arith.constant 224 : index
          %parallel_loop3A_378 = tpu.vector_load %arg13[%parallel_loop3A_376, %parallel_loop3A_377] {strides = array<i32>} : memref<40x256xf32, #tpu.memory_space<vmem>>, vector<16xf32>,
          %parallel_loop3A_379 = arith.index_cast %parallel_loop3A_172 : i32 to index
          %parallel_loop3A_380 = arith.constant 224 : index
          %parallel_loop3A_381 = tpu.vector_load %arg11[%parallel_loop3A_379, %parallel_loop3A_380] {strides = array<i32>} : memref<40x512xf32, #tpu.memory_space<vmem>>, vector<16xf32>,
          %parallel_loop3A_382 = arith.index_cast %parallel_loop3A_172 : i32 to index
          %parallel_loop3A_383 = arith.constant 352 : index
          %parallel_loop3A_384 = tpu.vector_load %arg11[%parallel_loop3A_382, %parallel_loop3A_383] {strides = array<i32>} : memref<40x512xf32, #tpu.memory_space<vmem>>, vector<16xf32>,
          %parallel_loop3A_385 = arith.index_cast %parallel_loop3A_172 : i32 to index
          %parallel_loop3A_386 = arith.constant 480 : index
          %parallel_loop3A_387 = tpu.vector_load %arg11[%parallel_loop3A_385, %parallel_loop3A_386] {strides = array<i32>} : memref<40x512xf32, #tpu.memory_space<vmem>>, vector<16xf32>,
          %parallel_loop3A_388 = arith.mulf %parallel_loop3A_372, %parallel_loop3A_375 : vector<16xf32>
          %parallel_loop3A_389 = arith.addf %parallel_loop3A_369, %parallel_loop3A_388 : vector<16xf32>
          %parallel_loop3A_390 = vector.broadcast %parallel_loop3A_181 : f32 to vector<16xf32>
          %parallel_loop3A_391 = arith.mulf %parallel_loop3A_390, %parallel_loop3A_381 : vector<16xf32>
          %parallel_loop3A_392 = vector.broadcast %parallel_loop3A_183 : f32 to vector<16xf32>
          %parallel_loop3A_393 = arith.mulf %parallel_loop3A_392, %parallel_loop3A_384 : vector<16xf32>
          %parallel_loop3A_394 = arith.addf %parallel_loop3A_391, %parallel_loop3A_393 : vector<16xf32>
          %parallel_loop3A_395 = vector.broadcast %parallel_loop3A_185 : f32 to vector<16xf32>
          %parallel_loop3A_396 = arith.mulf %parallel_loop3A_395, %parallel_loop3A_387 : vector<16xf32>
          %parallel_loop3A_397 = arith.addf %parallel_loop3A_394, %parallel_loop3A_396 : vector<16xf32>
          %parallel_loop3A_398 = arith.mulf %parallel_loop3A_397, %parallel_loop3A_378 : vector<16xf32>
          %parallel_loop3A_399 = arith.addf %parallel_loop3A_389, %parallel_loop3A_398 : vector<16xf32>
          %parallel_loop3A_400 = arith.index_cast %parallel_loop3A_172 : i32 to index
          %parallel_loop3A_401 = arith.constant 112 : index
          %parallel_loop3A_402 = tpu.vector_load %arg11[%parallel_loop3A_400, %parallel_loop3A_401] {strides = array<i32>} : memref<40x512xf32, #tpu.memory_space<vmem>>, vector<16xf32>,
          %parallel_loop3A_403 = arith.index_cast %parallel_loop3A_172 : i32 to index
          %parallel_loop3A_404 = arith.constant 112 : index
          %parallel_loop3A_405 = tpu.vector_load %arg13[%parallel_loop3A_403, %parallel_loop3A_404] {strides = array<i32>} : memref<40x256xf32, #tpu.memory_space<vmem>>, vector<16xf32>,
          %parallel_loop3A_406 = arith.index_cast %parallel_loop3A_172 : i32 to index
          %parallel_loop3A_407 = arith.constant 240 : index
          %parallel_loop3A_408 = tpu.vector_load %arg13[%parallel_loop3A_406, %parallel_loop3A_407] {strides = array<i32>} : memref<40x256xf32, #tpu.memory_space<vmem>>, vector<16xf32>,
          %parallel_loop3A_409 = arith.index_cast %parallel_loop3A_172 : i32 to index
          %parallel_loop3A_410 = arith.constant 240 : index
          %parallel_loop3A_411 = tpu.vector_load %arg11[%parallel_loop3A_409, %parallel_loop3A_410] {strides = array<i32>} : memref<40x512xf32, #tpu.memory_space<vmem>>, vector<16xf32>,
          %parallel_loop3A_412 = arith.index_cast %parallel_loop3A_172 : i32 to index
          %parallel_loop3A_413 = arith.constant 368 : index
          %parallel_loop3A_414 = tpu.vector_load %arg11[%parallel_loop3A_412, %parallel_loop3A_413] {strides = array<i32>} : memref<40x512xf32, #tpu.memory_space<vmem>>, vector<16xf32>,
          %parallel_loop3A_415 = arith.index_cast %parallel_loop3A_172 : i32 to index
          %parallel_loop3A_416 = arith.constant 496 : index
          %parallel_loop3A_417 = tpu.vector_load %arg11[%parallel_loop3A_415, %parallel_loop3A_416] {strides = array<i32>} : memref<40x512xf32, #tpu.memory_space<vmem>>, vector<16xf32>,
          %parallel_loop3A_418 = arith.mulf %parallel_loop3A_402, %parallel_loop3A_405 : vector<16xf32>
          %parallel_loop3A_419 = arith.addf %parallel_loop3A_399, %parallel_loop3A_418 : vector<16xf32>
          %parallel_loop3A_420 = vector.broadcast %parallel_loop3A_181 : f32 to vector<16xf32>
          %parallel_loop3A_421 = arith.mulf %parallel_loop3A_420, %parallel_loop3A_411 : vector<16xf32>
          %parallel_loop3A_422 = vector.broadcast %parallel_loop3A_183 : f32 to vector<16xf32>
          %parallel_loop3A_423 = arith.mulf %parallel_loop3A_422, %parallel_loop3A_414 : vector<16xf32>
          %parallel_loop3A_424 = arith.addf %parallel_loop3A_421, %parallel_loop3A_423 : vector<16xf32>
          %parallel_loop3A_425 = vector.broadcast %parallel_loop3A_185 : f32 to vector<16xf32>
          %parallel_loop3A_426 = arith.mulf %parallel_loop3A_425, %parallel_loop3A_417 : vector<16xf32>
          %parallel_loop3A_427 = arith.addf %parallel_loop3A_424, %parallel_loop3A_426 : vector<16xf32>
          %parallel_loop3A_428 = arith.mulf %parallel_loop3A_427, %parallel_loop3A_408 : vector<16xf32>
          %parallel_loop3A_429 = arith.addf %parallel_loop3A_419, %parallel_loop3A_428 : vector<16xf32>
          %parallel_loop3A_430 = arith.index_cast %parallel_loop3A_172 : i32 to index
          %parallel_loop3A_431 = tpu.vector_load %arg15[%parallel_loop3A_430] {strides = array<i32>} : memref<56xf32, #tpu.memory_space<vmem>>, vector<16xf32>,
          %parallel_loop3A_432 = arith.constant true
          %parallel_loop3A_433 = vector.broadcast %parallel_loop3A_432 : i1 to vector<16xi1>
          %parallel_loop3A_434 = tpu.scan <sum>, %parallel_loop3A_429 masked %parallel_loop3A_433 : vector<16xf32>, vector<16xi1> -> vector<16xf32>
          %parallel_loop3A_435 = vector.extract %parallel_loop3A_434[15] : f32 from vector<16xf32>
          %parallel_loop3A_436 = vector.extract_strided_slice %parallel_loop3A_431 {offsets = [0], sizes = [1], strides = [1]} : vector<16xf32> to vector<1xf32>
          %parallel_loop3A_437 = vector.extract %parallel_loop3A_436[0] : f32 from vector<1xf32>
          %parallel_loop3A_438 = arith.mulf %parallel_loop3A_187, %parallel_loop3A_437 : f32
          %parallel_loop3A_439 = arith.addf %parallel_loop3A_435, %parallel_loop3A_438 : f32
          %parallel_loop3A_440 = vector.broadcast %parallel_loop3A_439 : f32 to vector<16xf32>
          %parallel_loop3A_441 = math.exp %parallel_loop3A_440 : vector<16xf32>
          %parallel_loop3A_442 = vector.broadcast %parallel_loop3A_175 : i32 to vector<16xi32>
          tpu.vector_store_idx %arg20[%parallel_loop3A_442], %parallel_loop3A_441 masked %eq3A_4 : memref<1000xf32, #tpu.memory_space<vmem>>[vector<16xi32>], vector<16xf32>, vector<16xi1>
        } {sc.loop_unroll_factor = 2 : i64, sc.parallel_access}
        %dma_start3A_123 = tpu.memref_slice %arg20[%mul3A_119] : memref<1000xf32, #tpu.memory_space<vmem>> -> memref<40xf32, #tpu.memory_space<vmem>>
        %dma_start3A_124 = tpu.memref_slice %arg18[%mul3A_119] : memref<1000xi32, #tpu.memory_space<vmem>> -> memref<40xi32, #tpu.memory_space<vmem>>
        %dma_start3A_125 = arith.constant 0 : i32
        %dma_start3A_126 = tpu.memref_slice %arg21[%dma_start3A_125] : memref<10240xf32, #tpu.memory_space<vmem_shared>> -> memref<10240xf32, #tpu.memory_space<vmem_shared>>
        tpu.enqueue_indirect_dma source(%dma_start3A_123 : memref<40xf32, #tpu.memory_space<vmem>>) target(%dma_start3A_126 : memref<10240xf32, #tpu.memory_space<vmem_shared>>) offsets(%dma_start3A_124 : memref<40xi32, #tpu.memory_space<vmem>>) semaphore(%arg26 : memref<!tpu.dma_semaphore, #tpu.memory_space<semaphore_mem>>) {add = true}
        %add3A_127 = arith.constant 2 : i32
        %add3A_128 = arith.addi %mul3A_85, %add3A_127 : i32
        %mul3A_129 = arith.constant 40 : i32
        %mul3A_130 = arith.muli %add3A_128, %mul3A_129 : i32
        %dma_start3A_131 = tpu.memref_slice %arg17[%mul3A_130] : memref<1000xi32, #tpu.memory_space<vmem>> -> memref<40xi32, #tpu.memory_space<vmem>>
        %dma_start3A_132 = arith.constant 0 : i32
        %dma_start3A_133 = arith.constant 0 : i32
        %dma_start3A_134 = tpu.memref_slice %arg2[%dma_start3A_132, %dma_start3A_133] : memref<10000x512xf32, #tpu.memory_space<hbm>> -> memref<10000x512xf32, #tpu.memory_space<hbm>>
        tpu.enqueue_indirect_dma source(%dma_start3A_134 : memref<10000x512xf32, #tpu.memory_space<hbm>>) target(%arg11 : memref<40x512xf32, #tpu.memory_space<vmem>>) offsets(%dma_start3A_131 : memref<40xi32, #tpu.memory_space<vmem>>) semaphore(%arg22 : memref<!tpu.dma_semaphore, #tpu.memory_space<semaphore_mem>>)
        %dma_start3A_135 = tpu.memref_slice %arg18[%mul3A_130] : memref<1000xi32, #tpu.memory_space<vmem>> -> memref<40xi32, #tpu.memory_space<vmem>>
        %dma_start3A_136 = arith.constant 0 : i32
        %dma_start3A_137 = arith.constant 0 : i32
        %dma_start3A_138 = tpu.memref_slice %arg3[%dma_start3A_136, %dma_start3A_137] : memref<10000x256xf32, #tpu.memory_space<hbm>> -> memref<10000x256xf32, #tpu.memory_space<hbm>>
        tpu.enqueue_indirect_dma source(%dma_start3A_138 : memref<10000x256xf32, #tpu.memory_space<hbm>>) target(%arg13 : memref<40x256xf32, #tpu.memory_space<vmem>>) offsets(%dma_start3A_135 : memref<40xi32, #tpu.memory_space<vmem>>) semaphore(%arg24 : memref<!tpu.dma_semaphore, #tpu.memory_space<semaphore_mem>>)
        %dma_start3A_139 = arith.constant 0 : i32
        %dma_start3A_140 = tpu.memref_slice %arg15[%dma_start3A_139] : memref<56xf32, #tpu.memory_space<vmem>> -> memref<40xf32, #tpu.memory_space<vmem>>
        %dma_start3A_141 = tpu.memref_slice %arg18[%mul3A_130] : memref<1000xi32, #tpu.memory_space<vmem>> -> memref<40xi32, #tpu.memory_space<vmem>>
        %dma_start3A_142 = arith.constant 0 : i32
        %dma_start3A_143 = tpu.memref_slice %arg4[%dma_start3A_142] : memref<10000xf32, #tpu.memory_space<hbm>> -> memref<10000xf32, #tpu.memory_space<hbm>>
        tpu.enqueue_indirect_dma source(%dma_start3A_143 : memref<10000xf32, #tpu.memory_space<hbm>>) target(%dma_start3A_140 : memref<40xf32, #tpu.memory_space<vmem>>) offsets(%dma_start3A_141 : memref<40xi32, #tpu.memory_space<vmem>>) semaphore(%arg24 : memref<!tpu.dma_semaphore, #tpu.memory_space<semaphore_mem>>)
        %add3A_144 = arith.constant 1 : i32
        %add3A_145 = arith.addi %mul3A_85, %add3A_144 : i32
        %mul3A_146 = arith.constant 40 : i32
        %mul3A_147 = arith.muli %add3A_145, %mul3A_146 : i32
        %dma_wait3A_148 = tpu.memref_slice %arg17[%mul3A_147] : memref<1000xi32, #tpu.memory_space<vmem>> -> memref<40xi32, #tpu.memory_space<vmem>>
        %dma_wait3A_149 = arith.constant 0 : i32
        %dma_wait3A_150 = arith.constant 0 : i32
        %dma_wait3A_151 = tpu.memref_slice %arg2[%dma_wait3A_149, %dma_wait3A_150] : memref<10000x512xf32, #tpu.memory_space<hbm>> -> memref<10000x512xf32, #tpu.memory_space<hbm>>
        tpu.wait_indirect_dma semaphore(%arg23 : memref<!tpu.dma_semaphore, #tpu.memory_space<semaphore_mem>>) src(%dma_wait3A_151 : memref<10000x512xf32, #tpu.memory_space<hbm>>) dst(%arg12 : memref<40x512xf32, #tpu.memory_space<vmem>>)
        %dma_wait3A_152 = tpu.memref_slice %arg18[%mul3A_147] : memref<1000xi32, #tpu.memory_space<vmem>> -> memref<40xi32, #tpu.memory_space<vmem>>
        %dma_wait3A_153 = arith.constant 0 : i32
        %dma_wait3A_154 = arith.constant 0 : i32
        %dma_wait3A_155 = tpu.memref_slice %arg3[%dma_wait3A_153, %dma_wait3A_154] : memref<10000x256xf32, #tpu.memory_space<hbm>> -> memref<10000x256xf32, #tpu.memory_space<hbm>>
        tpu.wait_indirect_dma semaphore(%arg25 : memref<!tpu.dma_semaphore, #tpu.memory_space<semaphore_mem>>) src(%dma_wait3A_155 : memref<10000x256xf32, #tpu.memory_space<hbm>>) dst(%arg14 : memref<40x256xf32, #tpu.memory_space<vmem>>)
        %dma_wait3A_156 = arith.constant 0 : i32
        %dma_wait3A_157 = tpu.memref_slice %arg16[%dma_wait3A_156] : memref<56xf32, #tpu.memory_space<vmem>> -> memref<40xf32, #tpu.memory_space<vmem>>
        %dma_wait3A_158 = tpu.memref_slice %arg18[%mul3A_147] : memref<1000xi32, #tpu.memory_space<vmem>> -> memref<40xi32, #tpu.memory_space<vmem>>
        %dma_wait3A_159 = arith.constant 0 : i32
        %dma_wait3A_160 = tpu.memref_slice %arg4[%dma_wait3A_159] : memref<10000xf32, #tpu.memory_space<hbm>> -> memref<10000xf32, #tpu.memory_space<hbm>>
        tpu.wait_indirect_dma semaphore(%arg25 : memref<!tpu.dma_semaphore, #tpu.memory_space<semaphore_mem>>) src(%dma_wait3A_160 : memref<10000xf32, #tpu.memory_space<hbm>>) dst(%dma_wait3A_157 : memref<40xf32, #tpu.memory_space<vmem>>)
        %add3A_161 = arith.constant 1 : i32
        %add3A_162 = arith.addi %mul3A_85, %add3A_161 : i32
        %mul3A_163 = arith.constant 40 : i32
        %mul3A_164 = arith.muli %add3A_162, %mul3A_163 : i32
        %parallel_loop3A_165 = arith.constant 0 : i32
        %parallel_loop3A_166 = arith.constant 40 : i32
        %parallel_loop3A_167 = arith.constant 1 : i32
        scf.for %parallel_loop3A_172 = %parallel_loop3A_165 to %parallel_loop3A_166 step %parallel_loop3A_167  : i32 {
          %parallel_loop3A_173 = arith.constant 40 : i32
          %parallel_loop3A_174 = arith.muli %add3A_162, %parallel_loop3A_173 : i32
          %parallel_loop3A_175 = arith.addi %parallel_loop3A_174, %parallel_loop3A_172 : i32
          %parallel_loop3A_176 = arith.constant 8 : i32
          %parallel_loop3A_177 = arith.muli %parallel_loop3A_175, %parallel_loop3A_176 : i32
          %parallel_loop3A_178 = arith.index_cast %parallel_loop3A_177 : i32 to index
          %parallel_loop3A_179 = tpu.vector_load %arg19[%parallel_loop3A_178] {strides = array<i32>} : memref<8016xf32, #tpu.memory_space<vmem>>, vector<16xf32>,
          %parallel_loop3A_180 = vector.extract_strided_slice %parallel_loop3A_179 {offsets = [0], sizes = [1], strides = [1]} : vector<16xf32> to vector<1xf32>
          %parallel_loop3A_181 = vector.extract %parallel_loop3A_180[0] : f32 from vector<1xf32>
          %parallel_loop3A_182 = vector.extract_strided_slice %parallel_loop3A_179 {offsets = [1], sizes = [1], strides = [1]} : vector<16xf32> to vector<1xf32>
          %parallel_loop3A_183 = vector.extract %parallel_loop3A_182[0] : f32 from vector<1xf32>
          %parallel_loop3A_184 = vector.extract_strided_slice %parallel_loop3A_179 {offsets = [2], sizes = [1], strides = [1]} : vector<16xf32> to vector<1xf32>
          %parallel_loop3A_185 = vector.extract %parallel_loop3A_184[0] : f32 from vector<1xf32>
          %parallel_loop3A_186 = vector.extract_strided_slice %parallel_loop3A_179 {offsets = [4], sizes = [1], strides = [1]} : vector<16xf32> to vector<1xf32>
          %parallel_loop3A_187 = vector.extract %parallel_loop3A_186[0] : f32 from vector<1xf32>
          %parallel_loop3A_188 = arith.constant 0.000000e+00 : f32
          %parallel_loop3A_189 = vector.broadcast %parallel_loop3A_188 : f32 to vector<16xf32>
          %parallel_loop3A_190 = arith.index_cast %parallel_loop3A_172 : i32 to index
          %parallel_loop3A_191 = arith.constant 0 : index
          %parallel_loop3A_192 = tpu.vector_load %arg12[%parallel_loop3A_190, %parallel_loop3A_191] {strides = array<i32>} : memref<40x512xf32, #tpu.memory_space<vmem>>, vector<16xf32>,
          %parallel_loop3A_193 = arith.index_cast %parallel_loop3A_172 : i32 to index
          %parallel_loop3A_194 = arith.constant 0 : index
          %parallel_loop3A_195 = tpu.vector_load %arg14[%parallel_loop3A_193, %parallel_loop3A_194] {strides = array<i32>} : memref<40x256xf32, #tpu.memory_space<vmem>>, vector<16xf32>,
          %parallel_loop3A_196 = arith.index_cast %parallel_loop3A_172 : i32 to index
          %parallel_loop3A_197 = arith.constant 128 : index
          %parallel_loop3A_198 = tpu.vector_load %arg14[%parallel_loop3A_196, %parallel_loop3A_197] {strides = array<i32>} : memref<40x256xf32, #tpu.memory_space<vmem>>, vector<16xf32>,
          %parallel_loop3A_199 = arith.index_cast %parallel_loop3A_172 : i32 to index
          %parallel_loop3A_200 = arith.constant 128 : index
          %parallel_loop3A_201 = tpu.vector_load %arg12[%parallel_loop3A_199, %parallel_loop3A_200] {strides = array<i32>} : memref<40x512xf32, #tpu.memory_space<vmem>>, vector<16xf32>,
          %parallel_loop3A_202 = arith.index_cast %parallel_loop3A_172 : i32 to index
          %parallel_loop3A_203 = arith.constant 256 : index
          %parallel_loop3A_204 = tpu.vector_load %arg12[%parallel_loop3A_202, %parallel_loop3A_203] {strides = array<i32>} : memref<40x512xf32, #tpu.memory_space<vmem>>, vector<16xf32>,
          %parallel_loop3A_205 = arith.index_cast %parallel_loop3A_172 : i32 to index
          %parallel_loop3A_206 = arith.constant 384 : index
          %parallel_loop3A_207 = tpu.vector_load %arg12[%parallel_loop3A_205, %parallel_loop3A_206] {strides = array<i32>} : memref<40x512xf32, #tpu.memory_space<vmem>>, vector<16xf32>,
          %parallel_loop3A_208 = arith.mulf %parallel_loop3A_192, %parallel_loop3A_195 : vector<16xf32>
          %parallel_loop3A_209 = arith.addf %parallel_loop3A_189, %parallel_loop3A_208 : vector<16xf32>
          %parallel_loop3A_210 = vector.broadcast %parallel_loop3A_181 : f32 to vector<16xf32>
          %parallel_loop3A_211 = arith.mulf %parallel_loop3A_210, %parallel_loop3A_201 : vector<16xf32>
          %parallel_loop3A_212 = vector.broadcast %parallel_loop3A_183 : f32 to vector<16xf32>
          %parallel_loop3A_213 = arith.mulf %parallel_loop3A_212, %parallel_loop3A_204 : vector<16xf32>
          %parallel_loop3A_214 = arith.addf %parallel_loop3A_211, %parallel_loop3A_213 : vector<16xf32>
          %parallel_loop3A_215 = vector.broadcast %parallel_loop3A_185 : f32 to vector<16xf32>
          %parallel_loop3A_216 = arith.mulf %parallel_loop3A_215, %parallel_loop3A_207 : vector<16xf32>
          %parallel_loop3A_217 = arith.addf %parallel_loop3A_214, %parallel_loop3A_216 : vector<16xf32>
          %parallel_loop3A_218 = arith.mulf %parallel_loop3A_217, %parallel_loop3A_198 : vector<16xf32>
          %parallel_loop3A_219 = arith.addf %parallel_loop3A_209, %parallel_loop3A_218 : vector<16xf32>
          %parallel_loop3A_220 = arith.index_cast %parallel_loop3A_172 : i32 to index
          %parallel_loop3A_221 = arith.constant 16 : index
          %parallel_loop3A_222 = tpu.vector_load %arg12[%parallel_loop3A_220, %parallel_loop3A_221] {strides = array<i32>} : memref<40x512xf32, #tpu.memory_space<vmem>>, vector<16xf32>,
          %parallel_loop3A_223 = arith.index_cast %parallel_loop3A_172 : i32 to index
          %parallel_loop3A_224 = arith.constant 16 : index
          %parallel_loop3A_225 = tpu.vector_load %arg14[%parallel_loop3A_223, %parallel_loop3A_224] {strides = array<i32>} : memref<40x256xf32, #tpu.memory_space<vmem>>, vector<16xf32>,
          %parallel_loop3A_226 = arith.index_cast %parallel_loop3A_172 : i32 to index
          %parallel_loop3A_227 = arith.constant 144 : index
          %parallel_loop3A_228 = tpu.vector_load %arg14[%parallel_loop3A_226, %parallel_loop3A_227] {strides = array<i32>} : memref<40x256xf32, #tpu.memory_space<vmem>>, vector<16xf32>,
          %parallel_loop3A_229 = arith.index_cast %parallel_loop3A_172 : i32 to index
          %parallel_loop3A_230 = arith.constant 144 : index
          %parallel_loop3A_231 = tpu.vector_load %arg12[%parallel_loop3A_229, %parallel_loop3A_230] {strides = array<i32>} : memref<40x512xf32, #tpu.memory_space<vmem>>, vector<16xf32>,
          %parallel_loop3A_232 = arith.index_cast %parallel_loop3A_172 : i32 to index
          %parallel_loop3A_233 = arith.constant 272 : index
          %parallel_loop3A_234 = tpu.vector_load %arg12[%parallel_loop3A_232, %parallel_loop3A_233] {strides = array<i32>} : memref<40x512xf32, #tpu.memory_space<vmem>>, vector<16xf32>,
          %parallel_loop3A_235 = arith.index_cast %parallel_loop3A_172 : i32 to index
          %parallel_loop3A_236 = arith.constant 400 : index
          %parallel_loop3A_237 = tpu.vector_load %arg12[%parallel_loop3A_235, %parallel_loop3A_236] {strides = array<i32>} : memref<40x512xf32, #tpu.memory_space<vmem>>, vector<16xf32>,
          %parallel_loop3A_238 = arith.mulf %parallel_loop3A_222, %parallel_loop3A_225 : vector<16xf32>
          %parallel_loop3A_239 = arith.addf %parallel_loop3A_219, %parallel_loop3A_238 : vector<16xf32>
          %parallel_loop3A_240 = vector.broadcast %parallel_loop3A_181 : f32 to vector<16xf32>
          %parallel_loop3A_241 = arith.mulf %parallel_loop3A_240, %parallel_loop3A_231 : vector<16xf32>
          %parallel_loop3A_242 = vector.broadcast %parallel_loop3A_183 : f32 to vector<16xf32>
          %parallel_loop3A_243 = arith.mulf %parallel_loop3A_242, %parallel_loop3A_234 : vector<16xf32>
          %parallel_loop3A_244 = arith.addf %parallel_loop3A_241, %parallel_loop3A_243 : vector<16xf32>
          %parallel_loop3A_245 = vector.broadcast %parallel_loop3A_185 : f32 to vector<16xf32>
          %parallel_loop3A_246 = arith.mulf %parallel_loop3A_245, %parallel_loop3A_237 : vector<16xf32>
          %parallel_loop3A_247 = arith.addf %parallel_loop3A_244, %parallel_loop3A_246 : vector<16xf32>
          %parallel_loop3A_248 = arith.mulf %parallel_loop3A_247, %parallel_loop3A_228 : vector<16xf32>
          %parallel_loop3A_249 = arith.addf %parallel_loop3A_239, %parallel_loop3A_248 : vector<16xf32>
          %parallel_loop3A_250 = arith.index_cast %parallel_loop3A_172 : i32 to index
          %parallel_loop3A_251 = arith.constant 32 : index
          %parallel_loop3A_252 = tpu.vector_load %arg12[%parallel_loop3A_250, %parallel_loop3A_251] {strides = array<i32>} : memref<40x512xf32, #tpu.memory_space<vmem>>, vector<16xf32>,
          %parallel_loop3A_253 = arith.index_cast %parallel_loop3A_172 : i32 to index
          %parallel_loop3A_254 = arith.constant 32 : index
          %parallel_loop3A_255 = tpu.vector_load %arg14[%parallel_loop3A_253, %parallel_loop3A_254] {strides = array<i32>} : memref<40x256xf32, #tpu.memory_space<vmem>>, vector<16xf32>,
          %parallel_loop3A_256 = arith.index_cast %parallel_loop3A_172 : i32 to index
          %parallel_loop3A_257 = arith.constant 160 : index
          %parallel_loop3A_258 = tpu.vector_load %arg14[%parallel_loop3A_256, %parallel_loop3A_257] {strides = array<i32>} : memref<40x256xf32, #tpu.memory_space<vmem>>, vector<16xf32>,
          %parallel_loop3A_259 = arith.index_cast %parallel_loop3A_172 : i32 to index
          %parallel_loop3A_260 = arith.constant 160 : index
          %parallel_loop3A_261 = tpu.vector_load %arg12[%parallel_loop3A_259, %parallel_loop3A_260] {strides = array<i32>} : memref<40x512xf32, #tpu.memory_space<vmem>>, vector<16xf32>,
          %parallel_loop3A_262 = arith.index_cast %parallel_loop3A_172 : i32 to index
          %parallel_loop3A_263 = arith.constant 288 : index
          %parallel_loop3A_264 = tpu.vector_load %arg12[%parallel_loop3A_262, %parallel_loop3A_263] {strides = array<i32>} : memref<40x512xf32, #tpu.memory_space<vmem>>, vector<16xf32>,
          %parallel_loop3A_265 = arith.index_cast %parallel_loop3A_172 : i32 to index
          %parallel_loop3A_266 = arith.constant 416 : index
          %parallel_loop3A_267 = tpu.vector_load %arg12[%parallel_loop3A_265, %parallel_loop3A_266] {strides = array<i32>} : memref<40x512xf32, #tpu.memory_space<vmem>>, vector<16xf32>,
          %parallel_loop3A_268 = arith.mulf %parallel_loop3A_252, %parallel_loop3A_255 : vector<16xf32>
          %parallel_loop3A_269 = arith.addf %parallel_loop3A_249, %parallel_loop3A_268 : vector<16xf32>
          %parallel_loop3A_270 = vector.broadcast %parallel_loop3A_181 : f32 to vector<16xf32>
          %parallel_loop3A_271 = arith.mulf %parallel_loop3A_270, %parallel_loop3A_261 : vector<16xf32>
          %parallel_loop3A_272 = vector.broadcast %parallel_loop3A_183 : f32 to vector<16xf32>
          %parallel_loop3A_273 = arith.mulf %parallel_loop3A_272, %parallel_loop3A_264 : vector<16xf32>
          %parallel_loop3A_274 = arith.addf %parallel_loop3A_271, %parallel_loop3A_273 : vector<16xf32>
          %parallel_loop3A_275 = vector.broadcast %parallel_loop3A_185 : f32 to vector<16xf32>
          %parallel_loop3A_276 = arith.mulf %parallel_loop3A_275, %parallel_loop3A_267 : vector<16xf32>
          %parallel_loop3A_277 = arith.addf %parallel_loop3A_274, %parallel_loop3A_276 : vector<16xf32>
          %parallel_loop3A_278 = arith.mulf %parallel_loop3A_277, %parallel_loop3A_258 : vector<16xf32>
          %parallel_loop3A_279 = arith.addf %parallel_loop3A_269, %parallel_loop3A_278 : vector<16xf32>
          %parallel_loop3A_280 = arith.index_cast %parallel_loop3A_172 : i32 to index
          %parallel_loop3A_281 = arith.constant 48 : index
          %parallel_loop3A_282 = tpu.vector_load %arg12[%parallel_loop3A_280, %parallel_loop3A_281] {strides = array<i32>} : memref<40x512xf32, #tpu.memory_space<vmem>>, vector<16xf32>,
          %parallel_loop3A_283 = arith.index_cast %parallel_loop3A_172 : i32 to index
          %parallel_loop3A_284 = arith.constant 48 : index
          %parallel_loop3A_285 = tpu.vector_load %arg14[%parallel_loop3A_283, %parallel_loop3A_284] {strides = array<i32>} : memref<40x256xf32, #tpu.memory_space<vmem>>, vector<16xf32>,
          %parallel_loop3A_286 = arith.index_cast %parallel_loop3A_172 : i32 to index
          %parallel_loop3A_287 = arith.constant 176 : index
          %parallel_loop3A_288 = tpu.vector_load %arg14[%parallel_loop3A_286, %parallel_loop3A_287] {strides = array<i32>} : memref<40x256xf32, #tpu.memory_space<vmem>>, vector<16xf32>,
          %parallel_loop3A_289 = arith.index_cast %parallel_loop3A_172 : i32 to index
          %parallel_loop3A_290 = arith.constant 176 : index
          %parallel_loop3A_291 = tpu.vector_load %arg12[%parallel_loop3A_289, %parallel_loop3A_290] {strides = array<i32>} : memref<40x512xf32, #tpu.memory_space<vmem>>, vector<16xf32>,
          %parallel_loop3A_292 = arith.index_cast %parallel_loop3A_172 : i32 to index
          %parallel_loop3A_293 = arith.constant 304 : index
          %parallel_loop3A_294 = tpu.vector_load %arg12[%parallel_loop3A_292, %parallel_loop3A_293] {strides = array<i32>} : memref<40x512xf32, #tpu.memory_space<vmem>>, vector<16xf32>,
          %parallel_loop3A_295 = arith.index_cast %parallel_loop3A_172 : i32 to index
          %parallel_loop3A_296 = arith.constant 432 : index
          %parallel_loop3A_297 = tpu.vector_load %arg12[%parallel_loop3A_295, %parallel_loop3A_296] {strides = array<i32>} : memref<40x512xf32, #tpu.memory_space<vmem>>, vector<16xf32>,
          %parallel_loop3A_298 = arith.mulf %parallel_loop3A_282, %parallel_loop3A_285 : vector<16xf32>
          %parallel_loop3A_299 = arith.addf %parallel_loop3A_279, %parallel_loop3A_298 : vector<16xf32>
          %parallel_loop3A_300 = vector.broadcast %parallel_loop3A_181 : f32 to vector<16xf32>
          %parallel_loop3A_301 = arith.mulf %parallel_loop3A_300, %parallel_loop3A_291 : vector<16xf32>
          %parallel_loop3A_302 = vector.broadcast %parallel_loop3A_183 : f32 to vector<16xf32>
          %parallel_loop3A_303 = arith.mulf %parallel_loop3A_302, %parallel_loop3A_294 : vector<16xf32>
          %parallel_loop3A_304 = arith.addf %parallel_loop3A_301, %parallel_loop3A_303 : vector<16xf32>
          %parallel_loop3A_305 = vector.broadcast %parallel_loop3A_185 : f32 to vector<16xf32>
          %parallel_loop3A_306 = arith.mulf %parallel_loop3A_305, %parallel_loop3A_297 : vector<16xf32>
          %parallel_loop3A_307 = arith.addf %parallel_loop3A_304, %parallel_loop3A_306 : vector<16xf32>
          %parallel_loop3A_308 = arith.mulf %parallel_loop3A_307, %parallel_loop3A_288 : vector<16xf32>
          %parallel_loop3A_309 = arith.addf %parallel_loop3A_299, %parallel_loop3A_308 : vector<16xf32>
          %parallel_loop3A_310 = arith.index_cast %parallel_loop3A_172 : i32 to index
          %parallel_loop3A_311 = arith.constant 64 : index
          %parallel_loop3A_312 = tpu.vector_load %arg12[%parallel_loop3A_310, %parallel_loop3A_311] {strides = array<i32>} : memref<40x512xf32, #tpu.memory_space<vmem>>, vector<16xf32>,
          %parallel_loop3A_313 = arith.index_cast %parallel_loop3A_172 : i32 to index
          %parallel_loop3A_314 = arith.constant 64 : index
          %parallel_loop3A_315 = tpu.vector_load %arg14[%parallel_loop3A_313, %parallel_loop3A_314] {strides = array<i32>} : memref<40x256xf32, #tpu.memory_space<vmem>>, vector<16xf32>,
          %parallel_loop3A_316 = arith.index_cast %parallel_loop3A_172 : i32 to index
          %parallel_loop3A_317 = arith.constant 192 : index
          %parallel_loop3A_318 = tpu.vector_load %arg14[%parallel_loop3A_316, %parallel_loop3A_317] {strides = array<i32>} : memref<40x256xf32, #tpu.memory_space<vmem>>, vector<16xf32>,
          %parallel_loop3A_319 = arith.index_cast %parallel_loop3A_172 : i32 to index
          %parallel_loop3A_320 = arith.constant 192 : index
          %parallel_loop3A_321 = tpu.vector_load %arg12[%parallel_loop3A_319, %parallel_loop3A_320] {strides = array<i32>} : memref<40x512xf32, #tpu.memory_space<vmem>>, vector<16xf32>,
          %parallel_loop3A_322 = arith.index_cast %parallel_loop3A_172 : i32 to index
          %parallel_loop3A_323 = arith.constant 320 : index
          %parallel_loop3A_324 = tpu.vector_load %arg12[%parallel_loop3A_322, %parallel_loop3A_323] {strides = array<i32>} : memref<40x512xf32, #tpu.memory_space<vmem>>, vector<16xf32>,
          %parallel_loop3A_325 = arith.index_cast %parallel_loop3A_172 : i32 to index
          %parallel_loop3A_326 = arith.constant 448 : index
          %parallel_loop3A_327 = tpu.vector_load %arg12[%parallel_loop3A_325, %parallel_loop3A_326] {strides = array<i32>} : memref<40x512xf32, #tpu.memory_space<vmem>>, vector<16xf32>,
          %parallel_loop3A_328 = arith.mulf %parallel_loop3A_312, %parallel_loop3A_315 : vector<16xf32>
          %parallel_loop3A_329 = arith.addf %parallel_loop3A_309, %parallel_loop3A_328 : vector<16xf32>
          %parallel_loop3A_330 = vector.broadcast %parallel_loop3A_181 : f32 to vector<16xf32>
          %parallel_loop3A_331 = arith.mulf %parallel_loop3A_330, %parallel_loop3A_321 : vector<16xf32>
          %parallel_loop3A_332 = vector.broadcast %parallel_loop3A_183 : f32 to vector<16xf32>
          %parallel_loop3A_333 = arith.mulf %parallel_loop3A_332, %parallel_loop3A_324 : vector<16xf32>
          %parallel_loop3A_334 = arith.addf %parallel_loop3A_331, %parallel_loop3A_333 : vector<16xf32>
          %parallel_loop3A_335 = vector.broadcast %parallel_loop3A_185 : f32 to vector<16xf32>
          %parallel_loop3A_336 = arith.mulf %parallel_loop3A_335, %parallel_loop3A_327 : vector<16xf32>
          %parallel_loop3A_337 = arith.addf %parallel_loop3A_334, %parallel_loop3A_336 : vector<16xf32>
          %parallel_loop3A_338 = arith.mulf %parallel_loop3A_337, %parallel_loop3A_318 : vector<16xf32>
          %parallel_loop3A_339 = arith.addf %parallel_loop3A_329, %parallel_loop3A_338 : vector<16xf32>
          %parallel_loop3A_340 = arith.index_cast %parallel_loop3A_172 : i32 to index
          %parallel_loop3A_341 = arith.constant 80 : index
          %parallel_loop3A_342 = tpu.vector_load %arg12[%parallel_loop3A_340, %parallel_loop3A_341] {strides = array<i32>} : memref<40x512xf32, #tpu.memory_space<vmem>>, vector<16xf32>,
          %parallel_loop3A_343 = arith.index_cast %parallel_loop3A_172 : i32 to index
          %parallel_loop3A_344 = arith.constant 80 : index
          %parallel_loop3A_345 = tpu.vector_load %arg14[%parallel_loop3A_343, %parallel_loop3A_344] {strides = array<i32>} : memref<40x256xf32, #tpu.memory_space<vmem>>, vector<16xf32>,
          %parallel_loop3A_346 = arith.index_cast %parallel_loop3A_172 : i32 to index
          %parallel_loop3A_347 = arith.constant 208 : index
          %parallel_loop3A_348 = tpu.vector_load %arg14[%parallel_loop3A_346, %parallel_loop3A_347] {strides = array<i32>} : memref<40x256xf32, #tpu.memory_space<vmem>>, vector<16xf32>,
          %parallel_loop3A_349 = arith.index_cast %parallel_loop3A_172 : i32 to index
          %parallel_loop3A_350 = arith.constant 208 : index
          %parallel_loop3A_351 = tpu.vector_load %arg12[%parallel_loop3A_349, %parallel_loop3A_350] {strides = array<i32>} : memref<40x512xf32, #tpu.memory_space<vmem>>, vector<16xf32>,
          %parallel_loop3A_352 = arith.index_cast %parallel_loop3A_172 : i32 to index
          %parallel_loop3A_353 = arith.constant 336 : index
          %parallel_loop3A_354 = tpu.vector_load %arg12[%parallel_loop3A_352, %parallel_loop3A_353] {strides = array<i32>} : memref<40x512xf32, #tpu.memory_space<vmem>>, vector<16xf32>,
          %parallel_loop3A_355 = arith.index_cast %parallel_loop3A_172 : i32 to index
          %parallel_loop3A_356 = arith.constant 464 : index
          %parallel_loop3A_357 = tpu.vector_load %arg12[%parallel_loop3A_355, %parallel_loop3A_356] {strides = array<i32>} : memref<40x512xf32, #tpu.memory_space<vmem>>, vector<16xf32>,
          %parallel_loop3A_358 = arith.mulf %parallel_loop3A_342, %parallel_loop3A_345 : vector<16xf32>
          %parallel_loop3A_359 = arith.addf %parallel_loop3A_339, %parallel_loop3A_358 : vector<16xf32>
          %parallel_loop3A_360 = vector.broadcast %parallel_loop3A_181 : f32 to vector<16xf32>
          %parallel_loop3A_361 = arith.mulf %parallel_loop3A_360, %parallel_loop3A_351 : vector<16xf32>
          %parallel_loop3A_362 = vector.broadcast %parallel_loop3A_183 : f32 to vector<16xf32>
          %parallel_loop3A_363 = arith.mulf %parallel_loop3A_362, %parallel_loop3A_354 : vector<16xf32>
          %parallel_loop3A_364 = arith.addf %parallel_loop3A_361, %parallel_loop3A_363 : vector<16xf32>
          %parallel_loop3A_365 = vector.broadcast %parallel_loop3A_185 : f32 to vector<16xf32>
          %parallel_loop3A_366 = arith.mulf %parallel_loop3A_365, %parallel_loop3A_357 : vector<16xf32>
          %parallel_loop3A_367 = arith.addf %parallel_loop3A_364, %parallel_loop3A_366 : vector<16xf32>
          %parallel_loop3A_368 = arith.mulf %parallel_loop3A_367, %parallel_loop3A_348 : vector<16xf32>
          %parallel_loop3A_369 = arith.addf %parallel_loop3A_359, %parallel_loop3A_368 : vector<16xf32>
          %parallel_loop3A_370 = arith.index_cast %parallel_loop3A_172 : i32 to index
          %parallel_loop3A_371 = arith.constant 96 : index
          %parallel_loop3A_372 = tpu.vector_load %arg12[%parallel_loop3A_370, %parallel_loop3A_371] {strides = array<i32>} : memref<40x512xf32, #tpu.memory_space<vmem>>, vector<16xf32>,
          %parallel_loop3A_373 = arith.index_cast %parallel_loop3A_172 : i32 to index
          %parallel_loop3A_374 = arith.constant 96 : index
          %parallel_loop3A_375 = tpu.vector_load %arg14[%parallel_loop3A_373, %parallel_loop3A_374] {strides = array<i32>} : memref<40x256xf32, #tpu.memory_space<vmem>>, vector<16xf32>,
          %parallel_loop3A_376 = arith.index_cast %parallel_loop3A_172 : i32 to index
          %parallel_loop3A_377 = arith.constant 224 : index
          %parallel_loop3A_378 = tpu.vector_load %arg14[%parallel_loop3A_376, %parallel_loop3A_377] {strides = array<i32>} : memref<40x256xf32, #tpu.memory_space<vmem>>, vector<16xf32>,
          %parallel_loop3A_379 = arith.index_cast %parallel_loop3A_172 : i32 to index
          %parallel_loop3A_380 = arith.constant 224 : index
          %parallel_loop3A_381 = tpu.vector_load %arg12[%parallel_loop3A_379, %parallel_loop3A_380] {strides = array<i32>} : memref<40x512xf32, #tpu.memory_space<vmem>>, vector<16xf32>,
          %parallel_loop3A_382 = arith.index_cast %parallel_loop3A_172 : i32 to index
          %parallel_loop3A_383 = arith.constant 352 : index
          %parallel_loop3A_384 = tpu.vector_load %arg12[%parallel_loop3A_382, %parallel_loop3A_383] {strides = array<i32>} : memref<40x512xf32, #tpu.memory_space<vmem>>, vector<16xf32>,
          %parallel_loop3A_385 = arith.index_cast %parallel_loop3A_172 : i32 to index
          %parallel_loop3A_386 = arith.constant 480 : index
          %parallel_loop3A_387 = tpu.vector_load %arg12[%parallel_loop3A_385, %parallel_loop3A_386] {strides = array<i32>} : memref<40x512xf32, #tpu.memory_space<vmem>>, vector<16xf32>,
          %parallel_loop3A_388 = arith.mulf %parallel_loop3A_372, %parallel_loop3A_375 : vector<16xf32>
          %parallel_loop3A_389 = arith.addf %parallel_loop3A_369, %parallel_loop3A_388 : vector<16xf32>
          %parallel_loop3A_390 = vector.broadcast %parallel_loop3A_181 : f32 to vector<16xf32>
          %parallel_loop3A_391 = arith.mulf %parallel_loop3A_390, %parallel_loop3A_381 : vector<16xf32>
          %parallel_loop3A_392 = vector.broadcast %parallel_loop3A_183 : f32 to vector<16xf32>
          %parallel_loop3A_393 = arith.mulf %parallel_loop3A_392, %parallel_loop3A_384 : vector<16xf32>
          %parallel_loop3A_394 = arith.addf %parallel_loop3A_391, %parallel_loop3A_393 : vector<16xf32>
          %parallel_loop3A_395 = vector.broadcast %parallel_loop3A_185 : f32 to vector<16xf32>
          %parallel_loop3A_396 = arith.mulf %parallel_loop3A_395, %parallel_loop3A_387 : vector<16xf32>
          %parallel_loop3A_397 = arith.addf %parallel_loop3A_394, %parallel_loop3A_396 : vector<16xf32>
          %parallel_loop3A_398 = arith.mulf %parallel_loop3A_397, %parallel_loop3A_378 : vector<16xf32>
          %parallel_loop3A_399 = arith.addf %parallel_loop3A_389, %parallel_loop3A_398 : vector<16xf32>
          %parallel_loop3A_400 = arith.index_cast %parallel_loop3A_172 : i32 to index
          %parallel_loop3A_401 = arith.constant 112 : index
          %parallel_loop3A_402 = tpu.vector_load %arg12[%parallel_loop3A_400, %parallel_loop3A_401] {strides = array<i32>} : memref<40x512xf32, #tpu.memory_space<vmem>>, vector<16xf32>,
          %parallel_loop3A_403 = arith.index_cast %parallel_loop3A_172 : i32 to index
          %parallel_loop3A_404 = arith.constant 112 : index
          %parallel_loop3A_405 = tpu.vector_load %arg14[%parallel_loop3A_403, %parallel_loop3A_404] {strides = array<i32>} : memref<40x256xf32, #tpu.memory_space<vmem>>, vector<16xf32>,
          %parallel_loop3A_406 = arith.index_cast %parallel_loop3A_172 : i32 to index
          %parallel_loop3A_407 = arith.constant 240 : index
          %parallel_loop3A_408 = tpu.vector_load %arg14[%parallel_loop3A_406, %parallel_loop3A_407] {strides = array<i32>} : memref<40x256xf32, #tpu.memory_space<vmem>>, vector<16xf32>,
          %parallel_loop3A_409 = arith.index_cast %parallel_loop3A_172 : i32 to index
          %parallel_loop3A_410 = arith.constant 240 : index
          %parallel_loop3A_411 = tpu.vector_load %arg12[%parallel_loop3A_409, %parallel_loop3A_410] {strides = array<i32>} : memref<40x512xf32, #tpu.memory_space<vmem>>, vector<16xf32>,
          %parallel_loop3A_412 = arith.index_cast %parallel_loop3A_172 : i32 to index
          %parallel_loop3A_413 = arith.constant 368 : index
          %parallel_loop3A_414 = tpu.vector_load %arg12[%parallel_loop3A_412, %parallel_loop3A_413] {strides = array<i32>} : memref<40x512xf32, #tpu.memory_space<vmem>>, vector<16xf32>,
          %parallel_loop3A_415 = arith.index_cast %parallel_loop3A_172 : i32 to index
          %parallel_loop3A_416 = arith.constant 496 : index
          %parallel_loop3A_417 = tpu.vector_load %arg12[%parallel_loop3A_415, %parallel_loop3A_416] {strides = array<i32>} : memref<40x512xf32, #tpu.memory_space<vmem>>, vector<16xf32>,
          %parallel_loop3A_418 = arith.mulf %parallel_loop3A_402, %parallel_loop3A_405 : vector<16xf32>
          %parallel_loop3A_419 = arith.addf %parallel_loop3A_399, %parallel_loop3A_418 : vector<16xf32>
          %parallel_loop3A_420 = vector.broadcast %parallel_loop3A_181 : f32 to vector<16xf32>
          %parallel_loop3A_421 = arith.mulf %parallel_loop3A_420, %parallel_loop3A_411 : vector<16xf32>
          %parallel_loop3A_422 = vector.broadcast %parallel_loop3A_183 : f32 to vector<16xf32>
          %parallel_loop3A_423 = arith.mulf %parallel_loop3A_422, %parallel_loop3A_414 : vector<16xf32>
          %parallel_loop3A_424 = arith.addf %parallel_loop3A_421, %parallel_loop3A_423 : vector<16xf32>
          %parallel_loop3A_425 = vector.broadcast %parallel_loop3A_185 : f32 to vector<16xf32>
          %parallel_loop3A_426 = arith.mulf %parallel_loop3A_425, %parallel_loop3A_417 : vector<16xf32>
          %parallel_loop3A_427 = arith.addf %parallel_loop3A_424, %parallel_loop3A_426 : vector<16xf32>
          %parallel_loop3A_428 = arith.mulf %parallel_loop3A_427, %parallel_loop3A_408 : vector<16xf32>
          %parallel_loop3A_429 = arith.addf %parallel_loop3A_419, %parallel_loop3A_428 : vector<16xf32>
          %parallel_loop3A_430 = arith.index_cast %parallel_loop3A_172 : i32 to index
          %parallel_loop3A_431 = tpu.vector_load %arg16[%parallel_loop3A_430] {strides = array<i32>} : memref<56xf32, #tpu.memory_space<vmem>>, vector<16xf32>,
          %parallel_loop3A_432 = arith.constant true
          %parallel_loop3A_433 = vector.broadcast %parallel_loop3A_432 : i1 to vector<16xi1>
          %parallel_loop3A_434 = tpu.scan <sum>, %parallel_loop3A_429 masked %parallel_loop3A_433 : vector<16xf32>, vector<16xi1> -> vector<16xf32>
          %parallel_loop3A_435 = vector.extract %parallel_loop3A_434[15] : f32 from vector<16xf32>
          %parallel_loop3A_436 = vector.extract_strided_slice %parallel_loop3A_431 {offsets = [0], sizes = [1], strides = [1]} : vector<16xf32> to vector<1xf32>
          %parallel_loop3A_437 = vector.extract %parallel_loop3A_436[0] : f32 from vector<1xf32>
          %parallel_loop3A_438 = arith.mulf %parallel_loop3A_187, %parallel_loop3A_437 : f32
          %parallel_loop3A_439 = arith.addf %parallel_loop3A_435, %parallel_loop3A_438 : f32
          %parallel_loop3A_440 = vector.broadcast %parallel_loop3A_439 : f32 to vector<16xf32>
          %parallel_loop3A_441 = math.exp %parallel_loop3A_440 : vector<16xf32>
          %parallel_loop3A_442 = vector.broadcast %parallel_loop3A_175 : i32 to vector<16xi32>
          tpu.vector_store_idx %arg20[%parallel_loop3A_442], %parallel_loop3A_441 masked %eq3A_4 : memref<1000xf32, #tpu.memory_space<vmem>>[vector<16xi32>], vector<16xf32>, vector<16xi1>
        } {sc.loop_unroll_factor = 2 : i64, sc.parallel_access}
        %dma_start3A_168 = tpu.memref_slice %arg20[%mul3A_164] : memref<1000xf32, #tpu.memory_space<vmem>> -> memref<40xf32, #tpu.memory_space<vmem>>
        %dma_start3A_169 = tpu.memref_slice %arg18[%mul3A_164] : memref<1000xi32, #tpu.memory_space<vmem>> -> memref<40xi32, #tpu.memory_space<vmem>>
        %dma_start3A_170 = arith.constant 0 : i32
        %dma_start3A_171 = tpu.memref_slice %arg21[%dma_start3A_170] : memref<10240xf32, #tpu.memory_space<vmem_shared>> -> memref<10240xf32, #tpu.memory_space<vmem_shared>>
        tpu.enqueue_indirect_dma source(%dma_start3A_168 : memref<40xf32, #tpu.memory_space<vmem>>) target(%dma_start3A_171 : memref<10240xf32, #tpu.memory_space<vmem_shared>>) offsets(%dma_start3A_169 : memref<40xi32, #tpu.memory_space<vmem>>) semaphore(%arg26 : memref<!tpu.dma_semaphore, #tpu.memory_space<semaphore_mem>>) {add = true}
      }
      %scan3A_50 = arith.constant 12 : i32
      %dma_wait3A = arith.constant 960 : i32
      %dma_wait3A_51 = tpu.memref_slice %arg17[%dma_wait3A] : memref<1000xi32, #tpu.memory_space<vmem>> -> memref<40xi32, #tpu.memory_space<vmem>>
      %dma_wait3A_52 = arith.constant 0 : i32
      %dma_wait3A_53 = arith.constant 0 : i32
      %dma_wait3A_54 = tpu.memref_slice %arg2[%dma_wait3A_52, %dma_wait3A_53] : memref<10000x512xf32, #tpu.memory_space<hbm>> -> memref<10000x512xf32, #tpu.memory_space<hbm>>
      tpu.wait_indirect_dma semaphore(%arg22 : memref<!tpu.dma_semaphore, #tpu.memory_space<semaphore_mem>>) src(%dma_wait3A_54 : memref<10000x512xf32, #tpu.memory_space<hbm>>) dst(%arg11 : memref<40x512xf32, #tpu.memory_space<vmem>>)
      %dma_wait3A_55 = arith.constant 960 : i32
      %dma_wait3A_56 = tpu.memref_slice %arg18[%dma_wait3A_55] : memref<1000xi32, #tpu.memory_space<vmem>> -> memref<40xi32, #tpu.memory_space<vmem>>
      %dma_wait3A_57 = arith.constant 0 : i32
      %dma_wait3A_58 = arith.constant 0 : i32
      %dma_wait3A_59 = tpu.memref_slice %arg3[%dma_wait3A_57, %dma_wait3A_58] : memref<10000x256xf32, #tpu.memory_space<hbm>> -> memref<10000x256xf32, #tpu.memory_space<hbm>>
      tpu.wait_indirect_dma semaphore(%arg24 : memref<!tpu.dma_semaphore, #tpu.memory_space<semaphore_mem>>) src(%dma_wait3A_59 : memref<10000x256xf32, #tpu.memory_space<hbm>>) dst(%arg13 : memref<40x256xf32, #tpu.memory_space<vmem>>)
      %dma_wait3A_60 = arith.constant 0 : i32
      %dma_wait3A_61 = tpu.memref_slice %arg15[%dma_wait3A_60] : memref<56xf32, #tpu.memory_space<vmem>> -> memref<40xf32, #tpu.memory_space<vmem>>
      %dma_wait3A_62 = arith.constant 960 : i32
      %dma_wait3A_63 = tpu.memref_slice %arg18[%dma_wait3A_62] : memref<1000xi32, #tpu.memory_space<vmem>> -> memref<40xi32, #tpu.memory_space<vmem>>
      %dma_wait3A_64 = arith.constant 0 : i32
      %dma_wait3A_65 = tpu.memref_slice %arg4[%dma_wait3A_64] : memref<10000xf32, #tpu.memory_space<hbm>> -> memref<10000xf32, #tpu.memory_space<hbm>>
      tpu.wait_indirect_dma semaphore(%arg24 : memref<!tpu.dma_semaphore, #tpu.memory_space<semaphore_mem>>) src(%dma_wait3A_65 : memref<10000xf32, #tpu.memory_space<hbm>>) dst(%dma_wait3A_61 : memref<40xf32, #tpu.memory_space<vmem>>)
      %parallel_loop3A = arith.constant 0 : i32
      %parallel_loop3A_66 = arith.constant 40 : i32
      %parallel_loop3A_67 = arith.constant 1 : i32
      scf.for %parallel_loop3A_79 = %parallel_loop3A to %parallel_loop3A_66 step %parallel_loop3A_67  : i32 {
        %parallel_loop3A_80 = arith.constant 960 : i32
        %parallel_loop3A_81 = arith.addi %parallel_loop3A_80, %parallel_loop3A_79 : i32
        %parallel_loop3A_82 = arith.constant 8 : i32
        %parallel_loop3A_83 = arith.muli %parallel_loop3A_81, %parallel_loop3A_82 : i32
        %parallel_loop3A_84 = arith.index_cast %parallel_loop3A_83 : i32 to index
        %parallel_loop3A_85 = tpu.vector_load %arg19[%parallel_loop3A_84] {strides = array<i32>} : memref<8016xf32, #tpu.memory_space<vmem>>, vector<16xf32>,
        %parallel_loop3A_86 = vector.extract_strided_slice %parallel_loop3A_85 {offsets = [0], sizes = [1], strides = [1]} : vector<16xf32> to vector<1xf32>
        %parallel_loop3A_87 = vector.extract %parallel_loop3A_86[0] : f32 from vector<1xf32>
        %parallel_loop3A_88 = vector.extract_strided_slice %parallel_loop3A_85 {offsets = [1], sizes = [1], strides = [1]} : vector<16xf32> to vector<1xf32>
        %parallel_loop3A_89 = vector.extract %parallel_loop3A_88[0] : f32 from vector<1xf32>
        %parallel_loop3A_90 = vector.extract_strided_slice %parallel_loop3A_85 {offsets = [2], sizes = [1], strides = [1]} : vector<16xf32> to vector<1xf32>
        %parallel_loop3A_91 = vector.extract %parallel_loop3A_90[0] : f32 from vector<1xf32>
        %parallel_loop3A_92 = vector.extract_strided_slice %parallel_loop3A_85 {offsets = [4], sizes = [1], strides = [1]} : vector<16xf32> to vector<1xf32>
        %parallel_loop3A_93 = vector.extract %parallel_loop3A_92[0] : f32 from vector<1xf32>
        %parallel_loop3A_94 = arith.constant 0.000000e+00 : f32
        %parallel_loop3A_95 = vector.broadcast %parallel_loop3A_94 : f32 to vector<16xf32>
        %parallel_loop3A_96 = arith.index_cast %parallel_loop3A_79 : i32 to index
        %parallel_loop3A_97 = arith.constant 0 : index
        %parallel_loop3A_98 = tpu.vector_load %arg11[%parallel_loop3A_96, %parallel_loop3A_97] {strides = array<i32>} : memref<40x512xf32, #tpu.memory_space<vmem>>, vector<16xf32>,
        %parallel_loop3A_99 = arith.index_cast %parallel_loop3A_79 : i32 to index
        %parallel_loop3A_100 = arith.constant 0 : index
        %parallel_loop3A_101 = tpu.vector_load %arg13[%parallel_loop3A_99, %parallel_loop3A_100] {strides = array<i32>} : memref<40x256xf32, #tpu.memory_space<vmem>>, vector<16xf32>,
        %parallel_loop3A_102 = arith.index_cast %parallel_loop3A_79 : i32 to index
        %parallel_loop3A_103 = arith.constant 128 : index
        %parallel_loop3A_104 = tpu.vector_load %arg13[%parallel_loop3A_102, %parallel_loop3A_103] {strides = array<i32>} : memref<40x256xf32, #tpu.memory_space<vmem>>, vector<16xf32>,
        %parallel_loop3A_105 = arith.index_cast %parallel_loop3A_79 : i32 to index
        %parallel_loop3A_106 = arith.constant 128 : index
        %parallel_loop3A_107 = tpu.vector_load %arg11[%parallel_loop3A_105, %parallel_loop3A_106] {strides = array<i32>} : memref<40x512xf32, #tpu.memory_space<vmem>>, vector<16xf32>,
        %parallel_loop3A_108 = arith.index_cast %parallel_loop3A_79 : i32 to index
        %parallel_loop3A_109 = arith.constant 256 : index
        %parallel_loop3A_110 = tpu.vector_load %arg11[%parallel_loop3A_108, %parallel_loop3A_109] {strides = array<i32>} : memref<40x512xf32, #tpu.memory_space<vmem>>, vector<16xf32>,
        %parallel_loop3A_111 = arith.index_cast %parallel_loop3A_79 : i32 to index
        %parallel_loop3A_112 = arith.constant 384 : index
        %parallel_loop3A_113 = tpu.vector_load %arg11[%parallel_loop3A_111, %parallel_loop3A_112] {strides = array<i32>} : memref<40x512xf32, #tpu.memory_space<vmem>>, vector<16xf32>,
        %parallel_loop3A_114 = arith.mulf %parallel_loop3A_98, %parallel_loop3A_101 : vector<16xf32>
        %parallel_loop3A_115 = arith.addf %parallel_loop3A_95, %parallel_loop3A_114 : vector<16xf32>
        %parallel_loop3A_116 = vector.broadcast %parallel_loop3A_87 : f32 to vector<16xf32>
        %parallel_loop3A_117 = arith.mulf %parallel_loop3A_116, %parallel_loop3A_107 : vector<16xf32>
        %parallel_loop3A_118 = vector.broadcast %parallel_loop3A_89 : f32 to vector<16xf32>
        %parallel_loop3A_119 = arith.mulf %parallel_loop3A_118, %parallel_loop3A_110 : vector<16xf32>
        %parallel_loop3A_120 = arith.addf %parallel_loop3A_117, %parallel_loop3A_119 : vector<16xf32>
        %parallel_loop3A_121 = vector.broadcast %parallel_loop3A_91 : f32 to vector<16xf32>
        %parallel_loop3A_122 = arith.mulf %parallel_loop3A_121, %parallel_loop3A_113 : vector<16xf32>
        %parallel_loop3A_123 = arith.addf %parallel_loop3A_120, %parallel_loop3A_122 : vector<16xf32>
        %parallel_loop3A_124 = arith.mulf %parallel_loop3A_123, %parallel_loop3A_104 : vector<16xf32>
        %parallel_loop3A_125 = arith.addf %parallel_loop3A_115, %parallel_loop3A_124 : vector<16xf32>
        %parallel_loop3A_126 = arith.index_cast %parallel_loop3A_79 : i32 to index
        %parallel_loop3A_127 = arith.constant 16 : index
        %parallel_loop3A_128 = tpu.vector_load %arg11[%parallel_loop3A_126, %parallel_loop3A_127] {strides = array<i32>} : memref<40x512xf32, #tpu.memory_space<vmem>>, vector<16xf32>,
        %parallel_loop3A_129 = arith.index_cast %parallel_loop3A_79 : i32 to index
        %parallel_loop3A_130 = arith.constant 16 : index
        %parallel_loop3A_131 = tpu.vector_load %arg13[%parallel_loop3A_129, %parallel_loop3A_130] {strides = array<i32>} : memref<40x256xf32, #tpu.memory_space<vmem>>, vector<16xf32>,
        %parallel_loop3A_132 = arith.index_cast %parallel_loop3A_79 : i32 to index
        %parallel_loop3A_133 = arith.constant 144 : index
        %parallel_loop3A_134 = tpu.vector_load %arg13[%parallel_loop3A_132, %parallel_loop3A_133] {strides = array<i32>} : memref<40x256xf32, #tpu.memory_space<vmem>>, vector<16xf32>,
        %parallel_loop3A_135 = arith.index_cast %parallel_loop3A_79 : i32 to index
        %parallel_loop3A_136 = arith.constant 144 : index
        %parallel_loop3A_137 = tpu.vector_load %arg11[%parallel_loop3A_135, %parallel_loop3A_136] {strides = array<i32>} : memref<40x512xf32, #tpu.memory_space<vmem>>, vector<16xf32>,
        %parallel_loop3A_138 = arith.index_cast %parallel_loop3A_79 : i32 to index
        %parallel_loop3A_139 = arith.constant 272 : index
        %parallel_loop3A_140 = tpu.vector_load %arg11[%parallel_loop3A_138, %parallel_loop3A_139] {strides = array<i32>} : memref<40x512xf32, #tpu.memory_space<vmem>>, vector<16xf32>,
        %parallel_loop3A_141 = arith.index_cast %parallel_loop3A_79 : i32 to index
        %parallel_loop3A_142 = arith.constant 400 : index
        %parallel_loop3A_143 = tpu.vector_load %arg11[%parallel_loop3A_141, %parallel_loop3A_142] {strides = array<i32>} : memref<40x512xf32, #tpu.memory_space<vmem>>, vector<16xf32>,
        %parallel_loop3A_144 = arith.mulf %parallel_loop3A_128, %parallel_loop3A_131 : vector<16xf32>
        %parallel_loop3A_145 = arith.addf %parallel_loop3A_125, %parallel_loop3A_144 : vector<16xf32>
        %parallel_loop3A_146 = vector.broadcast %parallel_loop3A_87 : f32 to vector<16xf32>
        %parallel_loop3A_147 = arith.mulf %parallel_loop3A_146, %parallel_loop3A_137 : vector<16xf32>
        %parallel_loop3A_148 = vector.broadcast %parallel_loop3A_89 : f32 to vector<16xf32>
        %parallel_loop3A_149 = arith.mulf %parallel_loop3A_148, %parallel_loop3A_140 : vector<16xf32>
        %parallel_loop3A_150 = arith.addf %parallel_loop3A_147, %parallel_loop3A_149 : vector<16xf32>
        %parallel_loop3A_151 = vector.broadcast %parallel_loop3A_91 : f32 to vector<16xf32>
        %parallel_loop3A_152 = arith.mulf %parallel_loop3A_151, %parallel_loop3A_143 : vector<16xf32>
        %parallel_loop3A_153 = arith.addf %parallel_loop3A_150, %parallel_loop3A_152 : vector<16xf32>
        %parallel_loop3A_154 = arith.mulf %parallel_loop3A_153, %parallel_loop3A_134 : vector<16xf32>
        %parallel_loop3A_155 = arith.addf %parallel_loop3A_145, %parallel_loop3A_154 : vector<16xf32>
        %parallel_loop3A_156 = arith.index_cast %parallel_loop3A_79 : i32 to index
        %parallel_loop3A_157 = arith.constant 32 : index
        %parallel_loop3A_158 = tpu.vector_load %arg11[%parallel_loop3A_156, %parallel_loop3A_157] {strides = array<i32>} : memref<40x512xf32, #tpu.memory_space<vmem>>, vector<16xf32>,
        %parallel_loop3A_159 = arith.index_cast %parallel_loop3A_79 : i32 to index
        %parallel_loop3A_160 = arith.constant 32 : index
        %parallel_loop3A_161 = tpu.vector_load %arg13[%parallel_loop3A_159, %parallel_loop3A_160] {strides = array<i32>} : memref<40x256xf32, #tpu.memory_space<vmem>>, vector<16xf32>,
        %parallel_loop3A_162 = arith.index_cast %parallel_loop3A_79 : i32 to index
        %parallel_loop3A_163 = arith.constant 160 : index
        %parallel_loop3A_164 = tpu.vector_load %arg13[%parallel_loop3A_162, %parallel_loop3A_163] {strides = array<i32>} : memref<40x256xf32, #tpu.memory_space<vmem>>, vector<16xf32>,
        %parallel_loop3A_165 = arith.index_cast %parallel_loop3A_79 : i32 to index
        %parallel_loop3A_166 = arith.constant 160 : index
        %parallel_loop3A_167 = tpu.vector_load %arg11[%parallel_loop3A_165, %parallel_loop3A_166] {strides = array<i32>} : memref<40x512xf32, #tpu.memory_space<vmem>>, vector<16xf32>,
        %parallel_loop3A_168 = arith.index_cast %parallel_loop3A_79 : i32 to index
        %parallel_loop3A_169 = arith.constant 288 : index
        %parallel_loop3A_170 = tpu.vector_load %arg11[%parallel_loop3A_168, %parallel_loop3A_169] {strides = array<i32>} : memref<40x512xf32, #tpu.memory_space<vmem>>, vector<16xf32>,
        %parallel_loop3A_171 = arith.index_cast %parallel_loop3A_79 : i32 to index
        %parallel_loop3A_172 = arith.constant 416 : index
        %parallel_loop3A_173 = tpu.vector_load %arg11[%parallel_loop3A_171, %parallel_loop3A_172] {strides = array<i32>} : memref<40x512xf32, #tpu.memory_space<vmem>>, vector<16xf32>,
        %parallel_loop3A_174 = arith.mulf %parallel_loop3A_158, %parallel_loop3A_161 : vector<16xf32>
        %parallel_loop3A_175 = arith.addf %parallel_loop3A_155, %parallel_loop3A_174 : vector<16xf32>
        %parallel_loop3A_176 = vector.broadcast %parallel_loop3A_87 : f32 to vector<16xf32>
        %parallel_loop3A_177 = arith.mulf %parallel_loop3A_176, %parallel_loop3A_167 : vector<16xf32>
        %parallel_loop3A_178 = vector.broadcast %parallel_loop3A_89 : f32 to vector<16xf32>
        %parallel_loop3A_179 = arith.mulf %parallel_loop3A_178, %parallel_loop3A_170 : vector<16xf32>
        %parallel_loop3A_180 = arith.addf %parallel_loop3A_177, %parallel_loop3A_179 : vector<16xf32>
        %parallel_loop3A_181 = vector.broadcast %parallel_loop3A_91 : f32 to vector<16xf32>
        %parallel_loop3A_182 = arith.mulf %parallel_loop3A_181, %parallel_loop3A_173 : vector<16xf32>
        %parallel_loop3A_183 = arith.addf %parallel_loop3A_180, %parallel_loop3A_182 : vector<16xf32>
        %parallel_loop3A_184 = arith.mulf %parallel_loop3A_183, %parallel_loop3A_164 : vector<16xf32>
        %parallel_loop3A_185 = arith.addf %parallel_loop3A_175, %parallel_loop3A_184 : vector<16xf32>
        %parallel_loop3A_186 = arith.index_cast %parallel_loop3A_79 : i32 to index
        %parallel_loop3A_187 = arith.constant 48 : index
        %parallel_loop3A_188 = tpu.vector_load %arg11[%parallel_loop3A_186, %parallel_loop3A_187] {strides = array<i32>} : memref<40x512xf32, #tpu.memory_space<vmem>>, vector<16xf32>,
        %parallel_loop3A_189 = arith.index_cast %parallel_loop3A_79 : i32 to index
        %parallel_loop3A_190 = arith.constant 48 : index
        %parallel_loop3A_191 = tpu.vector_load %arg13[%parallel_loop3A_189, %parallel_loop3A_190] {strides = array<i32>} : memref<40x256xf32, #tpu.memory_space<vmem>>, vector<16xf32>,
        %parallel_loop3A_192 = arith.index_cast %parallel_loop3A_79 : i32 to index
        %parallel_loop3A_193 = arith.constant 176 : index
        %parallel_loop3A_194 = tpu.vector_load %arg13[%parallel_loop3A_192, %parallel_loop3A_193] {strides = array<i32>} : memref<40x256xf32, #tpu.memory_space<vmem>>, vector<16xf32>,
        %parallel_loop3A_195 = arith.index_cast %parallel_loop3A_79 : i32 to index
        %parallel_loop3A_196 = arith.constant 176 : index
        %parallel_loop3A_197 = tpu.vector_load %arg11[%parallel_loop3A_195, %parallel_loop3A_196] {strides = array<i32>} : memref<40x512xf32, #tpu.memory_space<vmem>>, vector<16xf32>,
        %parallel_loop3A_198 = arith.index_cast %parallel_loop3A_79 : i32 to index
        %parallel_loop3A_199 = arith.constant 304 : index
        %parallel_loop3A_200 = tpu.vector_load %arg11[%parallel_loop3A_198, %parallel_loop3A_199] {strides = array<i32>} : memref<40x512xf32, #tpu.memory_space<vmem>>, vector<16xf32>,
        %parallel_loop3A_201 = arith.index_cast %parallel_loop3A_79 : i32 to index
        %parallel_loop3A_202 = arith.constant 432 : index
        %parallel_loop3A_203 = tpu.vector_load %arg11[%parallel_loop3A_201, %parallel_loop3A_202] {strides = array<i32>} : memref<40x512xf32, #tpu.memory_space<vmem>>, vector<16xf32>,
        %parallel_loop3A_204 = arith.mulf %parallel_loop3A_188, %parallel_loop3A_191 : vector<16xf32>
        %parallel_loop3A_205 = arith.addf %parallel_loop3A_185, %parallel_loop3A_204 : vector<16xf32>
        %parallel_loop3A_206 = vector.broadcast %parallel_loop3A_87 : f32 to vector<16xf32>
        %parallel_loop3A_207 = arith.mulf %parallel_loop3A_206, %parallel_loop3A_197 : vector<16xf32>
        %parallel_loop3A_208 = vector.broadcast %parallel_loop3A_89 : f32 to vector<16xf32>
        %parallel_loop3A_209 = arith.mulf %parallel_loop3A_208, %parallel_loop3A_200 : vector<16xf32>
        %parallel_loop3A_210 = arith.addf %parallel_loop3A_207, %parallel_loop3A_209 : vector<16xf32>
        %parallel_loop3A_211 = vector.broadcast %parallel_loop3A_91 : f32 to vector<16xf32>
        %parallel_loop3A_212 = arith.mulf %parallel_loop3A_211, %parallel_loop3A_203 : vector<16xf32>
        %parallel_loop3A_213 = arith.addf %parallel_loop3A_210, %parallel_loop3A_212 : vector<16xf32>
        %parallel_loop3A_214 = arith.mulf %parallel_loop3A_213, %parallel_loop3A_194 : vector<16xf32>
        %parallel_loop3A_215 = arith.addf %parallel_loop3A_205, %parallel_loop3A_214 : vector<16xf32>
        %parallel_loop3A_216 = arith.index_cast %parallel_loop3A_79 : i32 to index
        %parallel_loop3A_217 = arith.constant 64 : index
        %parallel_loop3A_218 = tpu.vector_load %arg11[%parallel_loop3A_216, %parallel_loop3A_217] {strides = array<i32>} : memref<40x512xf32, #tpu.memory_space<vmem>>, vector<16xf32>,
        %parallel_loop3A_219 = arith.index_cast %parallel_loop3A_79 : i32 to index
        %parallel_loop3A_220 = arith.constant 64 : index
        %parallel_loop3A_221 = tpu.vector_load %arg13[%parallel_loop3A_219, %parallel_loop3A_220] {strides = array<i32>} : memref<40x256xf32, #tpu.memory_space<vmem>>, vector<16xf32>,
        %parallel_loop3A_222 = arith.index_cast %parallel_loop3A_79 : i32 to index
        %parallel_loop3A_223 = arith.constant 192 : index
        %parallel_loop3A_224 = tpu.vector_load %arg13[%parallel_loop3A_222, %parallel_loop3A_223] {strides = array<i32>} : memref<40x256xf32, #tpu.memory_space<vmem>>, vector<16xf32>,
        %parallel_loop3A_225 = arith.index_cast %parallel_loop3A_79 : i32 to index
        %parallel_loop3A_226 = arith.constant 192 : index
        %parallel_loop3A_227 = tpu.vector_load %arg11[%parallel_loop3A_225, %parallel_loop3A_226] {strides = array<i32>} : memref<40x512xf32, #tpu.memory_space<vmem>>, vector<16xf32>,
        %parallel_loop3A_228 = arith.index_cast %parallel_loop3A_79 : i32 to index
        %parallel_loop3A_229 = arith.constant 320 : index
        %parallel_loop3A_230 = tpu.vector_load %arg11[%parallel_loop3A_228, %parallel_loop3A_229] {strides = array<i32>} : memref<40x512xf32, #tpu.memory_space<vmem>>, vector<16xf32>,
        %parallel_loop3A_231 = arith.index_cast %parallel_loop3A_79 : i32 to index
        %parallel_loop3A_232 = arith.constant 448 : index
        %parallel_loop3A_233 = tpu.vector_load %arg11[%parallel_loop3A_231, %parallel_loop3A_232] {strides = array<i32>} : memref<40x512xf32, #tpu.memory_space<vmem>>, vector<16xf32>,
        %parallel_loop3A_234 = arith.mulf %parallel_loop3A_218, %parallel_loop3A_221 : vector<16xf32>
        %parallel_loop3A_235 = arith.addf %parallel_loop3A_215, %parallel_loop3A_234 : vector<16xf32>
        %parallel_loop3A_236 = vector.broadcast %parallel_loop3A_87 : f32 to vector<16xf32>
        %parallel_loop3A_237 = arith.mulf %parallel_loop3A_236, %parallel_loop3A_227 : vector<16xf32>
        %parallel_loop3A_238 = vector.broadcast %parallel_loop3A_89 : f32 to vector<16xf32>
        %parallel_loop3A_239 = arith.mulf %parallel_loop3A_238, %parallel_loop3A_230 : vector<16xf32>
        %parallel_loop3A_240 = arith.addf %parallel_loop3A_237, %parallel_loop3A_239 : vector<16xf32>
        %parallel_loop3A_241 = vector.broadcast %parallel_loop3A_91 : f32 to vector<16xf32>
        %parallel_loop3A_242 = arith.mulf %parallel_loop3A_241, %parallel_loop3A_233 : vector<16xf32>
        %parallel_loop3A_243 = arith.addf %parallel_loop3A_240, %parallel_loop3A_242 : vector<16xf32>
        %parallel_loop3A_244 = arith.mulf %parallel_loop3A_243, %parallel_loop3A_224 : vector<16xf32>
        %parallel_loop3A_245 = arith.addf %parallel_loop3A_235, %parallel_loop3A_244 : vector<16xf32>
        %parallel_loop3A_246 = arith.index_cast %parallel_loop3A_79 : i32 to index
        %parallel_loop3A_247 = arith.constant 80 : index
        %parallel_loop3A_248 = tpu.vector_load %arg11[%parallel_loop3A_246, %parallel_loop3A_247] {strides = array<i32>} : memref<40x512xf32, #tpu.memory_space<vmem>>, vector<16xf32>,
        %parallel_loop3A_249 = arith.index_cast %parallel_loop3A_79 : i32 to index
        %parallel_loop3A_250 = arith.constant 80 : index
        %parallel_loop3A_251 = tpu.vector_load %arg13[%parallel_loop3A_249, %parallel_loop3A_250] {strides = array<i32>} : memref<40x256xf32, #tpu.memory_space<vmem>>, vector<16xf32>,
        %parallel_loop3A_252 = arith.index_cast %parallel_loop3A_79 : i32 to index
        %parallel_loop3A_253 = arith.constant 208 : index
        %parallel_loop3A_254 = tpu.vector_load %arg13[%parallel_loop3A_252, %parallel_loop3A_253] {strides = array<i32>} : memref<40x256xf32, #tpu.memory_space<vmem>>, vector<16xf32>,
        %parallel_loop3A_255 = arith.index_cast %parallel_loop3A_79 : i32 to index
        %parallel_loop3A_256 = arith.constant 208 : index
        %parallel_loop3A_257 = tpu.vector_load %arg11[%parallel_loop3A_255, %parallel_loop3A_256] {strides = array<i32>} : memref<40x512xf32, #tpu.memory_space<vmem>>, vector<16xf32>,
        %parallel_loop3A_258 = arith.index_cast %parallel_loop3A_79 : i32 to index
        %parallel_loop3A_259 = arith.constant 336 : index
        %parallel_loop3A_260 = tpu.vector_load %arg11[%parallel_loop3A_258, %parallel_loop3A_259] {strides = array<i32>} : memref<40x512xf32, #tpu.memory_space<vmem>>, vector<16xf32>,
        %parallel_loop3A_261 = arith.index_cast %parallel_loop3A_79 : i32 to index
        %parallel_loop3A_262 = arith.constant 464 : index
        %parallel_loop3A_263 = tpu.vector_load %arg11[%parallel_loop3A_261, %parallel_loop3A_262] {strides = array<i32>} : memref<40x512xf32, #tpu.memory_space<vmem>>, vector<16xf32>,
        %parallel_loop3A_264 = arith.mulf %parallel_loop3A_248, %parallel_loop3A_251 : vector<16xf32>
        %parallel_loop3A_265 = arith.addf %parallel_loop3A_245, %parallel_loop3A_264 : vector<16xf32>
        %parallel_loop3A_266 = vector.broadcast %parallel_loop3A_87 : f32 to vector<16xf32>
        %parallel_loop3A_267 = arith.mulf %parallel_loop3A_266, %parallel_loop3A_257 : vector<16xf32>
        %parallel_loop3A_268 = vector.broadcast %parallel_loop3A_89 : f32 to vector<16xf32>
        %parallel_loop3A_269 = arith.mulf %parallel_loop3A_268, %parallel_loop3A_260 : vector<16xf32>
        %parallel_loop3A_270 = arith.addf %parallel_loop3A_267, %parallel_loop3A_269 : vector<16xf32>
        %parallel_loop3A_271 = vector.broadcast %parallel_loop3A_91 : f32 to vector<16xf32>
        %parallel_loop3A_272 = arith.mulf %parallel_loop3A_271, %parallel_loop3A_263 : vector<16xf32>
        %parallel_loop3A_273 = arith.addf %parallel_loop3A_270, %parallel_loop3A_272 : vector<16xf32>
        %parallel_loop3A_274 = arith.mulf %parallel_loop3A_273, %parallel_loop3A_254 : vector<16xf32>
        %parallel_loop3A_275 = arith.addf %parallel_loop3A_265, %parallel_loop3A_274 : vector<16xf32>
        %parallel_loop3A_276 = arith.index_cast %parallel_loop3A_79 : i32 to index
        %parallel_loop3A_277 = arith.constant 96 : index
        %parallel_loop3A_278 = tpu.vector_load %arg11[%parallel_loop3A_276, %parallel_loop3A_277] {strides = array<i32>} : memref<40x512xf32, #tpu.memory_space<vmem>>, vector<16xf32>,
        %parallel_loop3A_279 = arith.index_cast %parallel_loop3A_79 : i32 to index
        %parallel_loop3A_280 = arith.constant 96 : index
        %parallel_loop3A_281 = tpu.vector_load %arg13[%parallel_loop3A_279, %parallel_loop3A_280] {strides = array<i32>} : memref<40x256xf32, #tpu.memory_space<vmem>>, vector<16xf32>,
        %parallel_loop3A_282 = arith.index_cast %parallel_loop3A_79 : i32 to index
        %parallel_loop3A_283 = arith.constant 224 : index
        %parallel_loop3A_284 = tpu.vector_load %arg13[%parallel_loop3A_282, %parallel_loop3A_283] {strides = array<i32>} : memref<40x256xf32, #tpu.memory_space<vmem>>, vector<16xf32>,
        %parallel_loop3A_285 = arith.index_cast %parallel_loop3A_79 : i32 to index
        %parallel_loop3A_286 = arith.constant 224 : index
        %parallel_loop3A_287 = tpu.vector_load %arg11[%parallel_loop3A_285, %parallel_loop3A_286] {strides = array<i32>} : memref<40x512xf32, #tpu.memory_space<vmem>>, vector<16xf32>,
        %parallel_loop3A_288 = arith.index_cast %parallel_loop3A_79 : i32 to index
        %parallel_loop3A_289 = arith.constant 352 : index
        %parallel_loop3A_290 = tpu.vector_load %arg11[%parallel_loop3A_288, %parallel_loop3A_289] {strides = array<i32>} : memref<40x512xf32, #tpu.memory_space<vmem>>, vector<16xf32>,
        %parallel_loop3A_291 = arith.index_cast %parallel_loop3A_79 : i32 to index
        %parallel_loop3A_292 = arith.constant 480 : index
        %parallel_loop3A_293 = tpu.vector_load %arg11[%parallel_loop3A_291, %parallel_loop3A_292] {strides = array<i32>} : memref<40x512xf32, #tpu.memory_space<vmem>>, vector<16xf32>,
        %parallel_loop3A_294 = arith.mulf %parallel_loop3A_278, %parallel_loop3A_281 : vector<16xf32>
        %parallel_loop3A_295 = arith.addf %parallel_loop3A_275, %parallel_loop3A_294 : vector<16xf32>
        %parallel_loop3A_296 = vector.broadcast %parallel_loop3A_87 : f32 to vector<16xf32>
        %parallel_loop3A_297 = arith.mulf %parallel_loop3A_296, %parallel_loop3A_287 : vector<16xf32>
        %parallel_loop3A_298 = vector.broadcast %parallel_loop3A_89 : f32 to vector<16xf32>
        %parallel_loop3A_299 = arith.mulf %parallel_loop3A_298, %parallel_loop3A_290 : vector<16xf32>
        %parallel_loop3A_300 = arith.addf %parallel_loop3A_297, %parallel_loop3A_299 : vector<16xf32>
        %parallel_loop3A_301 = vector.broadcast %parallel_loop3A_91 : f32 to vector<16xf32>
        %parallel_loop3A_302 = arith.mulf %parallel_loop3A_301, %parallel_loop3A_293 : vector<16xf32>
        %parallel_loop3A_303 = arith.addf %parallel_loop3A_300, %parallel_loop3A_302 : vector<16xf32>
        %parallel_loop3A_304 = arith.mulf %parallel_loop3A_303, %parallel_loop3A_284 : vector<16xf32>
        %parallel_loop3A_305 = arith.addf %parallel_loop3A_295, %parallel_loop3A_304 : vector<16xf32>
        %parallel_loop3A_306 = arith.index_cast %parallel_loop3A_79 : i32 to index
        %parallel_loop3A_307 = arith.constant 112 : index
        %parallel_loop3A_308 = tpu.vector_load %arg11[%parallel_loop3A_306, %parallel_loop3A_307] {strides = array<i32>} : memref<40x512xf32, #tpu.memory_space<vmem>>, vector<16xf32>,
        %parallel_loop3A_309 = arith.index_cast %parallel_loop3A_79 : i32 to index
        %parallel_loop3A_310 = arith.constant 112 : index
        %parallel_loop3A_311 = tpu.vector_load %arg13[%parallel_loop3A_309, %parallel_loop3A_310] {strides = array<i32>} : memref<40x256xf32, #tpu.memory_space<vmem>>, vector<16xf32>,
        %parallel_loop3A_312 = arith.index_cast %parallel_loop3A_79 : i32 to index
        %parallel_loop3A_313 = arith.constant 240 : index
        %parallel_loop3A_314 = tpu.vector_load %arg13[%parallel_loop3A_312, %parallel_loop3A_313] {strides = array<i32>} : memref<40x256xf32, #tpu.memory_space<vmem>>, vector<16xf32>,
        %parallel_loop3A_315 = arith.index_cast %parallel_loop3A_79 : i32 to index
        %parallel_loop3A_316 = arith.constant 240 : index
        %parallel_loop3A_317 = tpu.vector_load %arg11[%parallel_loop3A_315, %parallel_loop3A_316] {strides = array<i32>} : memref<40x512xf32, #tpu.memory_space<vmem>>, vector<16xf32>,
        %parallel_loop3A_318 = arith.index_cast %parallel_loop3A_79 : i32 to index
        %parallel_loop3A_319 = arith.constant 368 : index
        %parallel_loop3A_320 = tpu.vector_load %arg11[%parallel_loop3A_318, %parallel_loop3A_319] {strides = array<i32>} : memref<40x512xf32, #tpu.memory_space<vmem>>, vector<16xf32>,
        %parallel_loop3A_321 = arith.index_cast %parallel_loop3A_79 : i32 to index
        %parallel_loop3A_322 = arith.constant 496 : index
        %parallel_loop3A_323 = tpu.vector_load %arg11[%parallel_loop3A_321, %parallel_loop3A_322] {strides = array<i32>} : memref<40x512xf32, #tpu.memory_space<vmem>>, vector<16xf32>,
        %parallel_loop3A_324 = arith.mulf %parallel_loop3A_308, %parallel_loop3A_311 : vector<16xf32>
        %parallel_loop3A_325 = arith.addf %parallel_loop3A_305, %parallel_loop3A_324 : vector<16xf32>
        %parallel_loop3A_326 = vector.broadcast %parallel_loop3A_87 : f32 to vector<16xf32>
        %parallel_loop3A_327 = arith.mulf %parallel_loop3A_326, %parallel_loop3A_317 : vector<16xf32>
        %parallel_loop3A_328 = vector.broadcast %parallel_loop3A_89 : f32 to vector<16xf32>
        %parallel_loop3A_329 = arith.mulf %parallel_loop3A_328, %parallel_loop3A_320 : vector<16xf32>
        %parallel_loop3A_330 = arith.addf %parallel_loop3A_327, %parallel_loop3A_329 : vector<16xf32>
        %parallel_loop3A_331 = vector.broadcast %parallel_loop3A_91 : f32 to vector<16xf32>
        %parallel_loop3A_332 = arith.mulf %parallel_loop3A_331, %parallel_loop3A_323 : vector<16xf32>
        %parallel_loop3A_333 = arith.addf %parallel_loop3A_330, %parallel_loop3A_332 : vector<16xf32>
        %parallel_loop3A_334 = arith.mulf %parallel_loop3A_333, %parallel_loop3A_314 : vector<16xf32>
        %parallel_loop3A_335 = arith.addf %parallel_loop3A_325, %parallel_loop3A_334 : vector<16xf32>
        %parallel_loop3A_336 = arith.index_cast %parallel_loop3A_79 : i32 to index
        %parallel_loop3A_337 = tpu.vector_load %arg15[%parallel_loop3A_336] {strides = array<i32>} : memref<56xf32, #tpu.memory_space<vmem>>, vector<16xf32>,
        %parallel_loop3A_338 = arith.constant true
        %parallel_loop3A_339 = vector.broadcast %parallel_loop3A_338 : i1 to vector<16xi1>
        %parallel_loop3A_340 = tpu.scan <sum>, %parallel_loop3A_335 masked %parallel_loop3A_339 : vector<16xf32>, vector<16xi1> -> vector<16xf32>
        %parallel_loop3A_341 = vector.extract %parallel_loop3A_340[15] : f32 from vector<16xf32>
        %parallel_loop3A_342 = vector.extract_strided_slice %parallel_loop3A_337 {offsets = [0], sizes = [1], strides = [1]} : vector<16xf32> to vector<1xf32>
        %parallel_loop3A_343 = vector.extract %parallel_loop3A_342[0] : f32 from vector<1xf32>
        %parallel_loop3A_344 = arith.mulf %parallel_loop3A_93, %parallel_loop3A_343 : f32
        %parallel_loop3A_345 = arith.addf %parallel_loop3A_341, %parallel_loop3A_344 : f32
        %parallel_loop3A_346 = vector.broadcast %parallel_loop3A_345 : f32 to vector<16xf32>
        %parallel_loop3A_347 = math.exp %parallel_loop3A_346 : vector<16xf32>
        %parallel_loop3A_348 = vector.broadcast %parallel_loop3A_81 : i32 to vector<16xi32>
        tpu.vector_store_idx %arg20[%parallel_loop3A_348], %parallel_loop3A_347 masked %eq3A_4 : memref<1000xf32, #tpu.memory_space<vmem>>[vector<16xi32>], vector<16xf32>, vector<16xi1>
      } {sc.loop_unroll_factor = 2 : i64, sc.parallel_access}
      %dma_start3A_68 = arith.constant 960 : i32
      %dma_start3A_69 = tpu.memref_slice %arg20[%dma_start3A_68] : memref<1000xf32, #tpu.memory_space<vmem>> -> memref<40xf32, #tpu.memory_space<vmem>>
      %dma_start3A_70 = arith.constant 960 : i32
      %dma_start3A_71 = tpu.memref_slice %arg18[%dma_start3A_70] : memref<1000xi32, #tpu.memory_space<vmem>> -> memref<40xi32, #tpu.memory_space<vmem>>
      %dma_start3A_72 = arith.constant 0 : i32
      %dma_start3A_73 = tpu.memref_slice %arg21[%dma_start3A_72] : memref<10240xf32, #tpu.memory_space<vmem_shared>> -> memref<10240xf32, #tpu.memory_space<vmem_shared>>
      tpu.enqueue_indirect_dma source(%dma_start3A_69 : memref<40xf32, #tpu.memory_space<vmem>>) target(%dma_start3A_73 : memref<10240xf32, #tpu.memory_space<vmem_shared>>) offsets(%dma_start3A_71 : memref<40xi32, #tpu.memory_space<vmem>>) semaphore(%arg26 : memref<!tpu.dma_semaphore, #tpu.memory_space<semaphore_mem>>) {add = true}
      %scan3A_74 = arith.constant 0 : i32
      %scan3A_75 = arith.constant 25 : i32
      %scan3A_76 = arith.addi %scan3A_74, %scan3A_75 : i32
      %scan3A_77 = arith.constant 1 : i32
      scf.for %scan3A_79 = %scan3A_74 to %scan3A_76 step %scan3A_77  : i32 {
        %mul3A_80 = arith.constant 1 : i32
        %mul3A_81 = arith.muli %scan3A_79, %mul3A_80 : i32
        %add3A_82 = arith.constant 0 : i32
        %add3A_83 = arith.addi %add3A_82, %mul3A_81 : i32
        %mul3A_84 = arith.constant 40 : i32
        %mul3A_85 = arith.muli %add3A_83, %mul3A_84 : i32
        %dma_wait3A_86 = tpu.memref_slice %arg20[%mul3A_85] : memref<1000xf32, #tpu.memory_space<vmem>> -> memref<40xf32, #tpu.memory_space<vmem>>
        %dma_wait3A_87 = tpu.memref_slice %arg18[%mul3A_85] : memref<1000xi32, #tpu.memory_space<vmem>> -> memref<40xi32, #tpu.memory_space<vmem>>
        %dma_wait3A_88 = arith.constant 0 : i32
        %dma_wait3A_89 = tpu.memref_slice %arg21[%dma_wait3A_88] : memref<10240xf32, #tpu.memory_space<vmem_shared>> -> memref<10240xf32, #tpu.memory_space<vmem_shared>>
        tpu.wait_indirect_dma semaphore(%arg26 : memref<!tpu.dma_semaphore, #tpu.memory_space<semaphore_mem>>) src(%dma_wait3A_86 : memref<40xf32, #tpu.memory_space<vmem>>) dst(%dma_wait3A_89 : memref<10240xf32, #tpu.memory_space<vmem_shared>>)
      }
      %scan3A_78 = arith.constant 25 : i32
      "tpu.region"() ({
        %run_scoped3A = tpu.sem_alloc : memref<!tpu.dma_semaphore, #tpu.memory_space<semaphore_mem>>
        %dma_start3A_79 = tpu.memref_slice %arg9[%add3A_28] : memref<160000xf32, #tpu.memory_space<hbm>> -> memref<1000xf32, #tpu.memory_space<hbm>>
        %dma_start3A_80 = tpu.memref_slice %arg9[%add3A_28] : memref<160000xf32, #tpu.memory_space<hbm>> -> memref<1000xf32, #tpu.memory_space<hbm>>
        tpu.enqueue_dma source(%arg20 : memref<1000xf32, #tpu.memory_space<vmem>>) target(%dma_start3A_80 : memref<1000xf32, #tpu.memory_space<hbm>>) target_semaphore(%run_scoped3A : memref<!tpu.dma_semaphore, #tpu.memory_space<semaphore_mem>>)
        %dma_wait3A_81 = tpu.memref_slice %arg9[%add3A_28] : memref<160000xf32, #tpu.memory_space<hbm>> -> memref<1000xf32, #tpu.memory_space<hbm>>
        %dma_wait3A_82 = tpu.memref_slice %arg9[%add3A_28] : memref<160000xf32, #tpu.memory_space<hbm>> -> memref<1000xf32, #tpu.memory_space<hbm>>
        tpu.wait_dma2 semaphore(%run_scoped3A : memref<!tpu.dma_semaphore, #tpu.memory_space<semaphore_mem>>) src(%arg20 : memref<1000xf32, #tpu.memory_space<vmem>>) dst(%dma_wait3A_82 : memref<1000xf32, #tpu.memory_space<hbm>>)
        tpu.yield
      }) : () -> ()
    }
    %scan3A_12 = arith.constant 5 : i32
    %barrier3A_13 = arith.constant 0 : index
    tpu.barrier barrier_id(%barrier3A_13)
    %mul3A_14 = arith.constant 640 : i32
    %mul3A_15 = arith.muli %arg1, %mul3A_14 : i32
    %mul3A_16 = arith.constant 10240 : i32
    %mul3A_17 = arith.muli %arg0, %mul3A_16 : i32
    %mul3A_18 = arith.constant 640 : i32
    %mul3A_19 = arith.muli %arg1, %mul3A_18 : i32
    %add3A_20 = arith.addi %mul3A_17, %mul3A_19 : i32
    "tpu.region"() ({
      %run_scoped3A = tpu.sem_alloc : memref<!tpu.dma_semaphore, #tpu.memory_space<semaphore_mem>>
      %dma_start3A = tpu.memref_slice %arg10[%add3A_20] : memref<20480xf32, #tpu.memory_space<hbm>> -> memref<640xf32, #tpu.memory_space<hbm>>
      %dma_start3A_21 = tpu.memref_slice %arg21[%mul3A_15] : memref<10240xf32, #tpu.memory_space<vmem_shared>> -> memref<640xf32, #tpu.memory_space<vmem_shared>>
      tpu.enqueue_dma source(%dma_start3A_21 : memref<640xf32, #tpu.memory_space<vmem_shared>>) target(%dma_start3A : memref<640xf32, #tpu.memory_space<hbm>>) target_semaphore(%run_scoped3A : memref<!tpu.dma_semaphore, #tpu.memory_space<semaphore_mem>>)
      %dma_wait3A = tpu.memref_slice %arg10[%add3A_20] : memref<20480xf32, #tpu.memory_space<hbm>> -> memref<640xf32, #tpu.memory_space<hbm>>
      %dma_wait3A_22 = tpu.memref_slice %arg21[%mul3A_15] : memref<10240xf32, #tpu.memory_space<vmem_shared>> -> memref<640xf32, #tpu.memory_space<vmem_shared>>
      tpu.wait_dma2 semaphore(%run_scoped3A : memref<!tpu.dma_semaphore, #tpu.memory_space<semaphore_mem>>) src(%dma_wait3A_22 : memref<640xf32, #tpu.memory_space<vmem_shared>>) dst(%dma_wait3A : memref<640xf32, #tpu.memory_space<hbm>>)
      tpu.yield
    }) : () -> ()
    return
  }
}

module attributes {stable_mosaic.version = 14 : i64} {
  func.func @body(%arg0: i32, %arg1: memref<4000x3xf32, #tpu.memory_space<vmem>>, %arg2: memref<4000x1xf32, #tpu.memory_space<vmem>>, %arg3: memref<4000x8xf32, #tpu.memory_space<vmem>>) attributes {dimension_semantics = [#tpu.dimension_semantics<arbitrary>], iteration_bounds = array<i64: 40>, scalar_prefetch = 0 : i64, scratch_operands = 0 : i64, tpu.core_type = #tpu.core_type<tc>, window_params = [{transform_indices = @transform_0, window_bounds = array<i64: 4000, 3>}, {transform_indices = @transform_1, window_bounds = array<i64: 4000, 1>}, {transform_indices = @transform_2, window_bounds = array<i64: 4000, 8>}]} {
    %get3A = arith.constant 0 : index
    %get3A_0 = arith.constant 0 : index
    %get3A_1 = vector.load %arg1[%get3A, %get3A_0] : memref<4000x3xf32, #tpu.memory_space<vmem>>, vector<4000x3xf32>
    %mul3A = arith.mulf %get3A_1, %get3A_1 : vector<4000x3xf32>
    %reduce_sum3A = arith.constant dense<0.000000e+00> : vector<4000xf32>
    %reduce_sum3A_2 = vector.multi_reduction <add>, %mul3A, %reduce_sum3A [1] : vector<4000x3xf32> to vector<4000xf32>
    %broadcast_in_dim3A = vector.shape_cast %reduce_sum3A_2 : vector<4000xf32> to vector<4000x1xf32>
    %sqrt3A = math.sqrt %broadcast_in_dim3A : vector<4000x1xf32>
    %add3A = arith.constant 9.99999997E-7 : f32
    %add3A_3 = vector.broadcast %add3A : f32 to vector<4000x1xf32>
    %add3A_4 = arith.addf %sqrt3A, %add3A_3 : vector<4000x1xf32>
    %div3A = vector.broadcast %add3A_4 : vector<4000x1xf32> to vector<4000x3xf32>
    %div3A_5 = arith.divf %get3A_1, %div3A : vector<4000x3xf32>
    %broadcast_in_dim3A_6 = arith.constant 1.000000e+00 : f32
    %broadcast_in_dim3A_7 = vector.broadcast %broadcast_in_dim3A_6 : f32 to vector<4000x1xf32>
    %broadcast_in_dim3A_8 = arith.constant 0.000000e+00 : f32
    %broadcast_in_dim3A_9 = vector.broadcast %broadcast_in_dim3A_8 : f32 to vector<4000x3xf32>
    %get3A_10 = arith.constant 0 : index
    %get3A_11 = arith.constant 0 : index
    %get3A_12 = vector.load %arg2[%get3A_10, %get3A_11] : memref<4000x1xf32, #tpu.memory_space<vmem>>, vector<4000x1xf32>
    %concatenate3A = tpu.concatenate %div3A_5, %broadcast_in_dim3A_7, %get3A_12, %broadcast_in_dim3A_9 in 1 : vector<4000x3xf32>, vector<4000x1xf32>, vector<4000x1xf32>, vector<4000x3xf32> -> vector<4000x8xf32>
    %swap3A = arith.constant 0 : index
    %swap3A_13 = arith.constant 0 : index
    %swap3A_14 = vector.load %arg3[%swap3A, %swap3A_13] : memref<4000x8xf32, #tpu.memory_space<vmem>>, vector<4000x8xf32>
    tpu.vector_store %arg3[%swap3A, %swap3A_13], %concatenate3A {strides = array<i32>} : memref<4000x8xf32, #tpu.memory_space<vmem>>, vector<4000x8xf32>,
    return
  }
  func.func @transform_0(%arg0: i32) -> (i32, i32) {
    %c0_i32 = arith.constant 0 : i32
    %c0_i32_0 = arith.constant 0 : i32
    return %arg0, %c0_i32 : i32, i32
  }
  func.func @transform_1(%arg0: i32) -> (i32, i32) {
    %c0_i32 = arith.constant 0 : i32
    %c0_i32_0 = arith.constant 0 : i32
    return %arg0, %c0_i32 : i32, i32
  }
  func.func @transform_2(%arg0: i32) -> (i32, i32) {
    %c0_i32 = arith.constant 0 : i32
    %c0_i32_0 = arith.constant 0 : i32
    return %arg0, %c0_i32 : i32, i32
  }
}

module attributes {stable_mosaic.version = 14 : i64} {
  func.func @body(%arg0: i32, %arg1: memref<1000x128xf32, #tpu.memory_space<vmem>>, %arg2: memref<128x128xf32, #tpu.memory_space<vmem>>, %arg3: memref<128x128xf32, #tpu.memory_space<vmem>>, %arg4: memref<128x128xf32, #tpu.memory_space<vmem>>, %arg5: memref<1000x128xf32, #tpu.memory_space<vmem>>, %arg6: memref<1000x256xf32, #tpu.memory_space<vmem>>, %arg7: memref<1000x1xf32, #tpu.memory_space<vmem>>) attributes {dimension_semantics = [#tpu.dimension_semantics<arbitrary>], iteration_bounds = array<i64: 10>, scalar_prefetch = 0 : i64, scratch_operands = 0 : i64, tpu.core_type = #tpu.core_type<tc>, window_params = [{transform_indices = @transform_0, window_bounds = array<i64: 1000, 128>}, {pipeline_mode = #tpu.pipeline_mode<synchronous>, transform_indices = @transform_1, window_bounds = array<i64: 128, 128>}, {pipeline_mode = #tpu.pipeline_mode<synchronous>, transform_indices = @transform_2, window_bounds = array<i64: 128, 128>}, {pipeline_mode = #tpu.pipeline_mode<synchronous>, transform_indices = @transform_3, window_bounds = array<i64: 128, 128>}, {transform_indices = @transform_4, window_bounds = array<i64: 1000, 128>}, {transform_indices = @transform_5, window_bounds = array<i64: 1000, 256>}, {transform_indices = @transform_6, window_bounds = array<i64: 1000, 1>}]} {
    %get3A = arith.constant 0 : index
    %get3A_0 = arith.constant 0 : index
    %get3A_1 = vector.load %arg1[%get3A, %get3A_0] : memref<1000x128xf32, #tpu.memory_space<vmem>>, vector<1000x128xf32>
    %get3A_2 = arith.constant 0 : index
    %get3A_3 = arith.constant 0 : index
    %get3A_4 = vector.load %arg2[%get3A_2, %get3A_3] : memref<128x128xf32, #tpu.memory_space<vmem>>, vector<128x128xf32>
    %dot_general3A = arith.constant dense<0.000000e+00> : vector<1000x128xf32>
    %dot_general3A_5 = tpu.matmul %get3A_1, %get3A_4, %dot_general3A {dimension_numbers = #tpu.dot_dimension_numbers<[1], [0], [0], [1], [0, 0, 1, 1], [], []>, transpose_lhs_hint = false} : vector<1000x128xf32>, vector<128x128xf32>, vector<1000x128xf32> -> vector<1000x128xf32>
    %get3A_6 = arith.constant 0 : index
    %get3A_7 = arith.constant 0 : index
    %get3A_8 = vector.load %arg3[%get3A_6, %get3A_7] : memref<128x128xf32, #tpu.memory_space<vmem>>, vector<128x128xf32>
    %dot_general3A_9 = arith.constant dense<0.000000e+00> : vector<1000x128xf32>
    %dot_general3A_10 = tpu.matmul %get3A_1, %get3A_8, %dot_general3A_9 {dimension_numbers = #tpu.dot_dimension_numbers<[1], [0], [0], [1], [0, 0, 1, 1], [], []>, transpose_lhs_hint = false} : vector<1000x128xf32>, vector<128x128xf32>, vector<1000x128xf32> -> vector<1000x128xf32>
    %swap3A = arith.constant 0 : index
    %swap3A_11 = arith.constant 0 : index
    %swap3A_12 = vector.load %arg5[%swap3A, %swap3A_11] : memref<1000x128xf32, #tpu.memory_space<vmem>>, vector<1000x128xf32>
    tpu.vector_store %arg5[%swap3A, %swap3A_11], %dot_general3A_10 {strides = array<i32>} : memref<1000x128xf32, #tpu.memory_space<vmem>>, vector<1000x128xf32>,
    %get3A_13 = arith.constant 0 : index
    %get3A_14 = arith.constant 0 : index
    %get3A_15 = vector.load %arg4[%get3A_13, %get3A_14] : memref<128x128xf32, #tpu.memory_space<vmem>>, vector<128x128xf32>
    %dot_general3A_16 = arith.constant dense<0.000000e+00> : vector<1000x128xf32>
    %dot_general3A_17 = tpu.matmul %dot_general3A_5, %get3A_15, %dot_general3A_16 {dimension_numbers = #tpu.dot_dimension_numbers<[1], [1], [0], [0], [0, 0, 1, 0], [], []>, transpose_lhs_hint = false} : vector<1000x128xf32>, vector<128x128xf32>, vector<1000x128xf32> -> vector<1000x128xf32>
    %concatenate3A = tpu.concatenate %dot_general3A_5, %dot_general3A_17 in 1 : vector<1000x128xf32>, vector<1000x128xf32> -> vector<1000x256xf32>
    %mul3A = arith.constant 0.0883883461 : f32
    %mul3A_18 = vector.broadcast %mul3A : f32 to vector<1000x256xf32>
    %mul3A_19 = arith.mulf %concatenate3A, %mul3A_18 : vector<1000x256xf32>
    %swap3A_20 = arith.constant 0 : index
    %swap3A_21 = arith.constant 0 : index
    %swap3A_22 = vector.load %arg6[%swap3A_20, %swap3A_21] : memref<1000x256xf32, #tpu.memory_space<vmem>>, vector<1000x256xf32>
    tpu.vector_store %arg6[%swap3A_20, %swap3A_21], %mul3A_19 {strides = array<i32>} : memref<1000x256xf32, #tpu.memory_space<vmem>>, vector<1000x256xf32>,
    %reduce_sum3A = arith.constant dense<0.000000e+00> : vector<1000xf32>
    %reduce_sum3A_23 = vector.multi_reduction <add>, %dot_general3A_5, %reduce_sum3A [1] : vector<1000x128xf32> to vector<1000xf32>
    %broadcast_in_dim3A = vector.shape_cast %reduce_sum3A_23 : vector<1000xf32> to vector<1000x1xf32>
    %mul3A_24 = arith.constant 0.0883883461 : f32
    %mul3A_25 = vector.broadcast %mul3A_24 : f32 to vector<1000x1xf32>
    %mul3A_26 = arith.mulf %broadcast_in_dim3A, %mul3A_25 : vector<1000x1xf32>
    %swap3A_27 = arith.constant 0 : index
    %swap3A_28 = arith.constant 0 : index
    %swap3A_29 = vector.load %arg7[%swap3A_27, %swap3A_28] : memref<1000x1xf32, #tpu.memory_space<vmem>>, vector<1000x1xf32>
    tpu.vector_store %arg7[%swap3A_27, %swap3A_28], %mul3A_26 {strides = array<i32>} : memref<1000x1xf32, #tpu.memory_space<vmem>>, vector<1000x1xf32>,
    return
  }
  func.func @transform_0(%arg0: i32) -> (i32, i32) {
    %c0_i32 = arith.constant 0 : i32
    %c0_i32_0 = arith.constant 0 : i32
    return %arg0, %c0_i32 : i32, i32
  }
  func.func @transform_1(%arg0: i32) -> (i32, i32) {
    %c0_i32 = arith.constant 0 : i32
    %c0_i32_0 = arith.constant 0 : i32
    %c0_i32_1 = arith.constant 0 : i32
    return %c0_i32, %c0_i32_0 : i32, i32
  }
  func.func @transform_2(%arg0: i32) -> (i32, i32) {
    %c0_i32 = arith.constant 0 : i32
    %c0_i32_0 = arith.constant 0 : i32
    %c0_i32_1 = arith.constant 0 : i32
    return %c0_i32, %c0_i32_0 : i32, i32
  }
  func.func @transform_3(%arg0: i32) -> (i32, i32) {
    %c0_i32 = arith.constant 0 : i32
    %c0_i32_0 = arith.constant 0 : i32
    %c0_i32_1 = arith.constant 0 : i32
    return %c0_i32, %c0_i32_0 : i32, i32
  }
  func.func @transform_4(%arg0: i32) -> (i32, i32) {
    %c0_i32 = arith.constant 0 : i32
    %c0_i32_0 = arith.constant 0 : i32
    return %arg0, %c0_i32 : i32, i32
  }
  func.func @transform_5(%arg0: i32) -> (i32, i32) {
    %c0_i32 = arith.constant 0 : i32
    %c0_i32_0 = arith.constant 0 : i32
    return %arg0, %c0_i32 : i32, i32
  }
  func.func @transform_6(%arg0: i32) -> (i32, i32) {
    %c0_i32 = arith.constant 0 : i32
    %c0_i32_0 = arith.constant 0 : i32
    return %arg0, %c0_i32 : i32, i32
  }
}

module attributes {stable_mosaic.version = 14 : i64} {
  func.func @body(%arg0: i32, %arg1: memref<4x1000x128xf32, #tpu.memory_space<vmem>>, %arg2: memref<2x1000x1xf32, #tpu.memory_space<vmem>>, %arg3: memref<128x201xf32, #tpu.memory_space<vmem>>, %arg4: memref<128x201xf32, #tpu.memory_space<vmem>>, %arg5: memref<1000x201xf32, #tpu.memory_space<vmem>>) attributes {dimension_semantics = [#tpu.dimension_semantics<arbitrary>], iteration_bounds = array<i64: 10>, scalar_prefetch = 0 : i64, scratch_operands = 0 : i64, tpu.core_type = #tpu.core_type<tc>, window_params = [{transform_indices = @transform_0, window_bounds = array<i64: 4, 1000, 128>}, {transform_indices = @transform_1, window_bounds = array<i64: 2, 1000, 1>}, {pipeline_mode = #tpu.pipeline_mode<synchronous>, transform_indices = @transform_2, window_bounds = array<i64: 128, 201>}, {pipeline_mode = #tpu.pipeline_mode<synchronous>, transform_indices = @transform_3, window_bounds = array<i64: 128, 201>}, {transform_indices = @transform_4, window_bounds = array<i64: 1000, 201>}]} {
    %get3A = arith.constant 0 : index
    %get3A_0 = arith.constant 0 : index
    %get3A_1 = arith.constant 0 : index
    %get3A_2 = vector.load %arg1[%get3A, %get3A_0, %get3A_1] : memref<4x1000x128xf32, #tpu.memory_space<vmem>>, vector<4x1000x128xf32>
    %slice3A = vector.extract_strided_slice %get3A_2 {offsets = [0, 0, 0], sizes = [1, 1000, 128], strides = [1, 1, 1]} : vector<4x1000x128xf32> to vector<1x1000x128xf32>
    %squeeze3A = vector.shape_cast %slice3A : vector<1x1000x128xf32> to vector<1000x128xf32>
    %slice3A_3 = vector.extract_strided_slice %get3A_2 {offsets = [1, 0, 0], sizes = [1, 1000, 128], strides = [1, 1, 1]} : vector<4x1000x128xf32> to vector<1x1000x128xf32>
    %squeeze3A_4 = vector.shape_cast %slice3A_3 : vector<1x1000x128xf32> to vector<1000x128xf32>
    %add3A = arith.addf %squeeze3A, %squeeze3A_4 : vector<1000x128xf32>
    %slice3A_5 = vector.extract_strided_slice %get3A_2 {offsets = [2, 0, 0], sizes = [1, 1000, 128], strides = [1, 1, 1]} : vector<4x1000x128xf32> to vector<1x1000x128xf32>
    %squeeze3A_6 = vector.shape_cast %slice3A_5 : vector<1x1000x128xf32> to vector<1000x128xf32>
    %add3A_7 = arith.addf %add3A, %squeeze3A_6 : vector<1000x128xf32>
    %get3A_8 = arith.constant 0 : index
    %get3A_9 = arith.constant 0 : index
    %get3A_10 = vector.load %arg4[%get3A_8, %get3A_9] : memref<128x201xf32, #tpu.memory_space<vmem>>, vector<128x201xf32>
    %dot_general3A = arith.constant dense<0.000000e+00> : vector<1000x201xf32>
    %dot_general3A_11 = tpu.matmul %add3A_7, %get3A_10, %dot_general3A {dimension_numbers = #tpu.dot_dimension_numbers<[1], [0], [0], [1], [0, 0, 1, 1], [], []>, transpose_lhs_hint = false} : vector<1000x128xf32>, vector<128x201xf32>, vector<1000x201xf32> -> vector<1000x201xf32>
    %slice3A_12 = vector.extract_strided_slice %get3A_2 {offsets = [3, 0, 0], sizes = [1, 1000, 128], strides = [1, 1, 1]} : vector<4x1000x128xf32> to vector<1x1000x128xf32>
    %squeeze3A_13 = vector.shape_cast %slice3A_12 : vector<1x1000x128xf32> to vector<1000x128xf32>
    %get3A_14 = arith.constant 0 : index
    %get3A_15 = arith.constant 0 : index
    %get3A_16 = vector.load %arg3[%get3A_14, %get3A_15] : memref<128x201xf32, #tpu.memory_space<vmem>>, vector<128x201xf32>
    %dot_general3A_17 = arith.constant dense<0.000000e+00> : vector<1000x201xf32>
    %dot_general3A_18 = tpu.matmul %squeeze3A_13, %get3A_16, %dot_general3A_17 {dimension_numbers = #tpu.dot_dimension_numbers<[1], [0], [0], [1], [0, 0, 1, 1], [], []>, transpose_lhs_hint = false} : vector<1000x128xf32>, vector<128x201xf32>, vector<1000x201xf32> -> vector<1000x201xf32>
    %add3A_19 = arith.addf %dot_general3A_11, %dot_general3A_18 : vector<1000x201xf32>
    %get3A_20 = arith.constant 0 : index
    %get3A_21 = arith.constant 0 : index
    %get3A_22 = arith.constant 0 : index
    %get3A_23 = vector.load %arg2[%get3A_20, %get3A_21, %get3A_22] : memref<2x1000x1xf32, #tpu.memory_space<vmem>>, vector<1x1000x1xf32>
    %get3A_24 = vector.shape_cast %get3A_23 : vector<1x1000x1xf32> to vector<1000x1xf32>
    %get3A_25 = arith.constant 1 : index
    %get3A_26 = arith.constant 0 : index
    %get3A_27 = arith.constant 0 : index
    %get3A_28 = vector.load %arg2[%get3A_25, %get3A_26, %get3A_27] : memref<2x1000x1xf32, #tpu.memory_space<vmem>>, vector<1x1000x1xf32>
    %get3A_29 = vector.shape_cast %get3A_28 : vector<1x1000x1xf32> to vector<1000x1xf32>
    %add3A_30 = arith.addf %get3A_24, %get3A_29 : vector<1000x1xf32>
    %add3A_31 = arith.constant 9.99999971E-10 : f32
    %add3A_32 = vector.broadcast %add3A_31 : f32 to vector<1000x1xf32>
    %add3A_33 = arith.addf %add3A_30, %add3A_32 : vector<1000x1xf32>
    %div3A = vector.broadcast %add3A_33 : vector<1000x1xf32> to vector<1000x201xf32>
    %div3A_34 = arith.divf %add3A_19, %div3A : vector<1000x201xf32>
    %swap3A = arith.constant 0 : index
    %swap3A_35 = arith.constant 0 : index
    %swap3A_36 = vector.load %arg5[%swap3A, %swap3A_35] : memref<1000x201xf32, #tpu.memory_space<vmem>>, vector<1000x201xf32>
    tpu.vector_store %arg5[%swap3A, %swap3A_35], %div3A_34 {strides = array<i32>} : memref<1000x201xf32, #tpu.memory_space<vmem>>, vector<1000x201xf32>,
    return
  }
  func.func @transform_0(%arg0: i32) -> (i32, i32, i32) {
    %c0_i32 = arith.constant 0 : i32
    %c0_i32_0 = arith.constant 0 : i32
    %c0_i32_1 = arith.constant 0 : i32
    return %c0_i32, %arg0, %c0_i32_0 : i32, i32, i32
  }
  func.func @transform_1(%arg0: i32) -> (i32, i32, i32) {
    %c0_i32 = arith.constant 0 : i32
    %c0_i32_0 = arith.constant 0 : i32
    %c0_i32_1 = arith.constant 0 : i32
    return %c0_i32, %arg0, %c0_i32_0 : i32, i32, i32
  }
  func.func @transform_2(%arg0: i32) -> (i32, i32) {
    %c0_i32 = arith.constant 0 : i32
    %c0_i32_0 = arith.constant 0 : i32
    %c0_i32_1 = arith.constant 0 : i32
    return %c0_i32, %c0_i32_0 : i32, i32
  }
  func.func @transform_3(%arg0: i32) -> (i32, i32) {
    %c0_i32 = arith.constant 0 : i32
    %c0_i32_0 = arith.constant 0 : i32
    %c0_i32_1 = arith.constant 0 : i32
    return %c0_i32, %c0_i32_0 : i32, i32
  }
  func.func @transform_4(%arg0: i32) -> (i32, i32) {
    %c0_i32 = arith.constant 0 : i32
    %c0_i32_0 = arith.constant 0 : i32
    return %arg0, %c0_i32 : i32, i32
  }
}

</mosaic_0001>

<sc_bundles>
// kernel: kernel.10.cloned.1.call-start
scs
__scs_entry_jumppad:
0x0: {  	(pc) =	sbr.rel $0x88, $3  }
0x1: {  	(tag) =	ssettag $0x0;
	lr =	simm.s32 $0x1  }
0x2: {  	[smem:$0x3F96] =	sst lr;
	_ =	strace $0xD0000000  }
0x3: {  	_ = 	snop  }
0x4: {  	_ = 	snop  }
0x5: {  	_ = 	snop  }
0x6: {  	_ = 	snop  }
0x7: {  	_ = 	snop  }
__scs_overlays_trampoline_lowered:
0x8: {  	[smem:$0x3FA5] =	sst s0  }
0x9: {  	[smem:$0x3FA6] =	sst s1  }
0xa: {  	[smem:$0x3FA7] =	sst s2  }
0xb: {  	[smem:$0x3FA8] =	sst s3  }
0xc: {  	[smem:$0x3FA9] =	sst s4  }
0xd: {  	[smem:$0x3FAA] =	sst s5  }
0xe: {  	[smem:$0x3FAB] =	sst s6  }
0xf: {  	[smem:$0x3FAC] =	sst s7  }
0x10: {  	[smem:$0x3FAD] =	sst s8  }
0x11: {  	[smem:$0x3FAE] =	sst s9;
	s0 =	simm.s32 @!p0 $0x0  }
0x12: {  	s1 =	sld [smem:$0x3F94];
	s0 =	simm.s32 @p0 $0x1  }
0x13: {  	[smem:$0x3FAF] =	sst s0;
	s0 =	simm.s32 @!p1 $0x0  }
0x14: {  	s2 =	sld [smem:$0x3F93];
	s0 =	simm.s32 @p1 $0x1  }
0x15: {  	[smem:$0x3FB0] =	sst s0;
	s0 =	simm.s32 @!p2 $0x0  }
0x16: {  	s3 =	sld [smem:$0x3FDB];
	s0 =	simm.s32 @p2 $0x1  }
0x17: {  	s4 =	simm.s32 $0x1BF5;
	[smem:$0x3FB2] =	sst s0  }
0x18: {  	s0 =	sld [smem:$0x3F95];
	_ =	swait.ge [sflag:s4], $0x0  }
0x19: {  	s7 =	sld [smem:$0x3F96]  }
0x1a: {  	s8 =	sadd.s32 $0xFFFFE003, lr  }
0x1b: {  	s9 =	sadd.s32 $0xFFFFFEF7, lr;
	s5 =	simm.s32 $0xFFFFFFFF;
	p2 =	slt.u32 s8, $0xFFFFF086  }
0x1c: {  	p1 =	slt.u32 s9, $0xF7A;
	s5 =	simm.s32 @!p2 $0x0  }
0x1d: {  	s5 =	simm.s32 @p1 $0x1;
	p0 =	seq.s32 s7, s2  }
0x1e: {  	s7 =	smul.u32 @!p0 $0xF7A, s2;
	p2 =	seq.s32 @!p0 s5, $0x0  }
0x1f: {  	s9 =	smul.u32 $0xF7A, s1;
	s8 =	simm.s32 @!p0 $0x1BF5;
	p2 =	por !p2, p0  }
0x20: {  	[sflag:s8] =	ssyncset.s32 @!p0 $0xFFFFF086;
	s6 =	sadd.s32 @!p0 s3, s7;
	s7 =	simm.s32 @!p0 $0x108  }
0x21: {  	s3 =	sadd.s32 s3, s9;
	s6 =	sadd.s32 @!p0 $0x88, s6;
	s7 =	simm.s32 @p2 $0x1082  }
0x22: {  	[simem:s7], [sflag:s8] =	dma.local @!p0 [hbm:s6], $0xF7A  }
0x23: {  	s9 =	sor.u32 $0xD0000000, s2;
	s6 =	simm.s32 $0x108;
	_ =	swait.ge @!p0 [sflag:s8], $0x0  }
0x24: {  	s3 =	sadd.s32 $0x88, s3;
	s6 =	simm.s32 @!p1 $0x1082;
	[sflag:s4] =	ssyncset.s32 $0xFFFFF086  }
0x25: {  	[simem:s6], [sflag:s4] =	dma.local [hbm:s3], $0xF7A  }
0x26: {  	[smem:$0x3F96] =	sst s1;
	(tag) =	ssettag s2;
	_ =	strace s9  }
0x27: {  	s1 =	sld [smem:$0x3FA6]  }
0x28: {  	s2 =	sld [smem:$0x3FA7]  }
0x29: {  	s4 =	sld [smem:$0x3FA9]  }
0x2a: {  	p0 =	seq.s32 s5, $0x0;
	s5 =	sld [smem:$0x3FAA]  }
0x2b: {  	s6 =	sld [smem:$0x3FAB]  }
0x2c: {  	s7 =	sld [smem:$0x3FAC]  }
0x2d: {  	s3 =	simm.s32 $0x108;
	s8 =	sld [smem:$0x3FAD]  }
0x2e: {  	s3 =	simm.s32 @!p0 $0x1082;
	s9 =	sld [smem:$0x3FAE]  }
0x2f: {  	lr =	sadd.s32 s0, s3;
	s0 =	sld [smem:$0x3FA5]  }
0x30: {  	s3 =	sld [smem:$0x3FA8]  }
0x31: {  	[smem:$0x3FB1] =	sst s10  }
0x32: {  	s10 =	sld [smem:$0x3FAF];
	_ =	sdelay $0x3  }
0x33: {  	p0 =	seq.s32 s10, $0x1;
	s10 =	sld [smem:$0x3FB1];
	_ =	sdelay $0x3  }
0x34: {  	[smem:$0x3FB1] =	sst s10  }
0x35: {  	s10 =	sld [smem:$0x3FB0];
	_ =	sdelay $0x3  }
0x36: {  	p1 =	seq.s32 s10, $0x1;
	s10 =	sld [smem:$0x3FB1];
	_ =	sdelay $0x3  }
0x37: {  	[smem:$0x3FB1] =	sst s10  }
0x38: {  	s10 =	sld [smem:$0x3FB2]  }
0x39: {  	_ = 	snop;
	(pc) =	sbr.ind lr, $3  }
0x3a: {  	_ = 	snop  }
0x3b: {  	_ = 	snop  }
0x3c: {  	p2 =	seq.s32 s10, $0x1;
	s10 =	sld [smem:$0x3FB1]  }
0x3d: {  	_ =	shalt  }
0x3e: {  	_ =	shalt  }
0x3f: {  	_ =	shalt  }
0x40: {  	_ =	shalt  }
0x41: {  	_ =	shalt  }
0x42: {  	_ =	shalt  }
0x43: {  	_ =	shalt  }
0x44: {  	_ =	shalt  }
0x45: {  	_ =	shalt  }
0x46: {  	_ =	shalt  }
0x47: {  	_ =	shalt  }
0x48: {  	_ =	shalt  }
0x49: {  	_ =	shalt  }
0x4a: {  	_ =	shalt  }
0x4b: {  	_ =	shalt  }
0x4c: {  	_ =	shalt  }
0x4d: {  	_ =	shalt  }
0x4e: {  	_ =	shalt  }
0x4f: {  	_ =	shalt  }
0x50: {  	_ =	shalt  }
0x51: {  	_ =	shalt  }
0x52: {  	_ =	shalt  }
0x53: {  	_ =	shalt  }
0x54: {  	_ =	shalt  }
0x55: {  	_ =	shalt  }
0x56: {  	_ =	shalt  }
0x57: {  	_ =	shalt  }
0x58: {  	_ =	shalt  }
0x59: {  	_ =	shalt  }
0x5a: {  	_ =	shalt  }
0x5b: {  	_ =	shalt  }
0x5c: {  	_ =	shalt  }
0x5d: {  	_ =	shalt  }
0x5e: {  	_ =	shalt  }
0x5f: {  	_ =	shalt  }
0x60: {  	_ =	shalt  }
0x61: {  	_ =	shalt  }
0x62: {  	_ =	shalt  }
0x63: {  	_ =	shalt  }
0x64: {  	_ =	shalt  }
0x65: {  	_ =	shalt  }
0x66: {  	_ =	shalt  }
0x67: {  	_ =	shalt  }
0x68: {  	_ =	shalt  }
0x69: {  	_ =	shalt  }
0x6a: {  	_ =	shalt  }
0x6b: {  	_ =	shalt  }
0x6c: {  	_ =	shalt  }
0x6d: {  	_ =	shalt  }
0x6e: {  	_ =	shalt  }
0x6f: {  	_ =	shalt  }
0x70: {  	_ =	shalt  }
0x71: {  	_ =	shalt  }
0x72: {  	_ =	shalt  }
0x73: {  	_ =	shalt  }
0x74: {  	_ =	shalt  }
0x75: {  	_ =	shalt  }
0x76: {  	_ =	shalt  }
0x77: {  	_ =	shalt  }
0x78: {  	_ =	shalt  }
0x79: {  	_ =	shalt  }
0x7a: {  	_ =	shalt  }
0x7b: {  	_ =	shalt  }
0x7c: {  	_ =	shalt  }
0x7d: {  	_ =	shalt  }
0x7e: {  	_ =	shalt  }
0x7f: {  	_ =	shalt  }
0x80: {  	_ =	shalt  }
0x81: {  	_ =	shalt  }
0x82: {  	_ =	shalt  }
0x83: {  	_ =	shalt  }
0x84: {  	_ =	shalt  }
0x85: {  	_ =	shalt  }
0x86: {  	_ =	shalt  }
0x87: {  	_ =	shalt  }
.Lfunc_end0:
.L_simem_size_0:
called_computation.1_lowered:
.L_overlay_start_0:
0x88: {  	s2 =	sld [smem:$0x3FD9]  }
0x89: {  	s3 =	sld [smem:$0x3FFE];
	_ =	sdelay $0x1  }
0x8a: {  	s1 =	srdreg.scid  }
0x8b: {  	s0 =	sand.u32 $0x1, s1  }
0x8c: {  	s17 =	sshll.u32 s0, $0xA;
	s2 =	sadd.s32 s3, s2  }
0x8d: {  	s2 =	sadd.s32 s2, s17  }
0x8e: {  	[smem:$0x3FBD] =	sst s2  }
0x8f: {  	_ = 	snop  }
0x90: {  	s2 =	sld [smem:$0x3FD0];
	(tm) =	ssettm $0x1  }
0x91: {  	s18 =	sld [smem:$0x3FFB];
	_ =	sdelay $0x3  }
0x92: {  	_ =	strace s18  }
0x93: {  	s3 =	sld [smem:$0x3FFC];
	_ =	sdelay $0x3  }
0x94: {  	_ =	strace s3  }
0x95: {  	s3 =	sld [smem:$0x3FFD];
	_ =	sdelay $0x3  }
0x96: {  	_ =	strace s3  }
0x97: {  	_ =	strace $0x8FFFFFFF  }
0x98: {  	s19 =	sld [smem:$0x3FDB];
	_ =	sdelay $0x1  }
0x99: {  	s4 =	simm.s32 $_scs_section_size  }
0x9a: {  	s5 =	simm.s32 $_size__tile_overlayer_lowered;
	s6 =	simm.s32 $_tile_overlayer_lowered  }
0x9b: {  	s22 =	simm.s32 $0x1BFF;
	s21 =	sshll.u32 s6, $0x1;
	s3 =	sadd.s32 s4, s19  }
0x9c: {  	s7 =	simm.s32 $0x0;
	s20 =	sshll.u32 s5, $0x1;
	s5 =	sadd.s32 s21, s3  }
0x9d: {  	[timem:s7], [sflag:s22] =	dma.local [hbm:s5], s20  }
0x9e: {  	_ =	swait.ge [sflag:s22], s20  }
0x9f: {  	s4 =	ssub.s32 $0x0, s20;
	[sflag:s22] =	ssyncset.done $0x0  }
0xa0: {  	[sflag:s22] =	ssyncadd.s32 s4;
	_ =	sdelay $0x1  }
0xa1: {  	s23 =	simm.s32 $0x1B8B  }
0xa2: {  	_ =	swait.ge [sflag:s23], $0x1  }
0xa3: {  	[sflag:s23] =	ssyncset.done $0x0  }
0xa4: {  	s25 =	simm.s32 $0x1B8E;
	s24 =	sld [smem:$0x3FFE];
	[sflag:s23] =	ssyncadd.s32 $0xFFFFFFFF  }
0xa5: {  	s26 =	simm.s32 $execute0_lowered;
	[smem:$0x3FD2] =	sst s25  }
0xa6: {  	s5 =	sshll.u32 s26, $0x1;
	_ =	strace $0x80000049;
	[dreg:$0x1] =	wrdreg $0xFFFFFFFF  }
0xa7: {  	s28 =	simm.s32 $_size_execute0_lowered;
	s3 =	sadd.s32 s3, s5;
	[dreg:$0x0] =	wrdreg $0x0  }
0xa8: {  	s5 =	sshll.u32 s28, $0x1;
	[dreg:$0x2] =	wrdreg s3  }
0xa9: {  	[dreg:$0x3] =	wrdreg s5  }
0xaa: {  	[dreg:$0x4] =	wrdreg $0xC0  }
0xab: {  	_ =	task [dreg:s7], $0x5FFFF  }
0xac: {  	[dreg:$0x1] =	wrdreg $0xFFFFFFFF  }
0xad: {  	[dreg:$0x0] =	wrdreg $0x60  }
0xae: {  	[dreg:$0x2] =	wrdreg s24  }
0xaf: {  	[dreg:$0x3] =	wrdreg s2  }
0xb0: {  	[dreg:$0x4] =	wrdreg $0x7F800  }
0xb1: {  	[dreg:$0x5] =	wrdreg $0x9  }
0xb2: {  	_ =	task.clear_ibuf [dreg:s7], $0x6FFFF;
	_ =	strace $0x90000049  }
0xb3: {  	s29 =	simm.s32 $0x9;
	_ =	strace $0x8000004B  }
0xb4: {  	_ =	swait.ge [sflag:s29], $0x1  }
0xb5: {  	[sflag:s29] =	ssyncadd.s32 $0xFFFFFFFF  }
0xb6: {  	_ =	strace $0x9000004B  }
0xb7: {  	_ =	sfence  }
0xb8: {  	s30 =	sld [smem:$0x0];
	_ =	sdelay $0x2  }
0xb9: {  	s31 =	sshll.u32 s1, $0xD;
	s1 =	sshrl.u32 s1, $0x2  }
0xba: {  	s3 =	sand.u32 $0x4000, s31;
	s1 =	sadd.s32 s1, s30  }
0xbb: {  	s0 =	sor.u32 s3, s0;
	s1 =	sshll.u32 s1, $0x11  }
0xbc: {  	s0 =	sor.u32 s1, s0  }
0xbd: {  	s0 =	sadd.s32 $0x8F2B, s0  }
0xbe: {  	[sflag:s0] =	ssyncadd.remote.s32 $0x1  }
0xbf: {  	_ =	sfence.sel $0xFFFF  }
0xc0: {  	[dreg:$0x0] =	wrdreg $0xFFFFFFFF;
	(pc) =	sbr.abs _section_cstart, $3  }
0xc1: {  	[dreg:$0x1] =	wrdreg $0xFFFFFFFF  }
0xc2: {  	_ =	task.clear_ibuf [dreg:s7], $0x2FFFF;
	_ =	strace $0x9FFFFFFF  }
0xc3: {  	(tm) =	ssettm $0x7FFFFFFF  }
tec
execute0_lowered:
.L_overlay_start_1:
0x0: {  	(tag) =	ssettag $0x1  }
0x1: {  	s0 =	rddreg [dreg:$0x0]  }
0x2: {  	s1 =	rddreg [dreg:$0x1]  }
0x3: {  	s4 =	rddreg [dreg:$0x2];
	s2 =	simm.s32 $0x0;
	s17 =	srdreg.scid  }
0x4: {  	s12 =	stileid.u32;
	[smem:$0x7FF] =	sst s2;
	s3 =	sadd.s32 $0x123400, s0  }
0x5: {  	s2 =	sand.u32 $0x1, s17;
	s18 =	sadd.s32 $0x11E400, s0;
	s5 =	sadd.s32 $0x6C00, s0  }
0x6: {  	s21 =	smul.u32 $0x280, s12;
	_ =	strace $0x8000004A;
	[dreg:$0x4] =	wrdreg s3  }
0x7: {  	s20 =	sadd.s32 $0x1C00, s0;
	s7 =	smul.u32 $0x50000, s12;
	[dreg:$0x5] =	wrdreg s18  }
0x8: {  	s6 =	sadd.s32 $0xBC00, s0;
	s9 =	smul.u32 $0x2800, s12;
	[dreg:$0x6] =	wrdreg s5  }
0x9: {  	s0 =	sadd.s32 $0x32E00, s0;
	s28 =	smul.u32 $0x2710, s12;
	[dreg:$0x7] =	wrdreg s20  }
0xa: {  	s24 =	sshll.u32 s12, $0x6;
	s19 =	smul.u32 $0x4E20, s2;
	[dreg:$0x8] =	wrdreg s6  }
0xb: {  	s22 =	ssub.s32 $0x2, s2;
	s10 =	smul.u32 $0x5000, s2;
	s11 =	sshllo.u32 s2, $0x1  }
0xc: {  	p0 =	seq.s32 s2, $0x0;
	s8 =	sshrl.u32 s22, $0x1;
	s7 =	sshrl.u32 s7, $0x2  }
0xd: {  	s23 =	smul.u32 $0x2800, s11;
	s1 =	sadd.s32 s1, s9;
	[dreg:$0xb] =	wrdreg s28  }
0xe: {  	s6 =	ssub.s32 s22, s8;
	s7 =	sadd.s32 s7, s4;
	s25 =	sadd.s32 s21, s10  }
0xf: {  	[dreg:$0x9] =	wrdreg s1;
	s4 =	sor.u32 $0x1C05, s24;
	s26 =	sshll.u32 s25, $0x4  }
0x10: {  	s5 =	sadd.s32 s21, s23;
	s31 =	smax.u32 s6, $0x1;
	[dreg:$0xa] =	wrdreg s4  }
0x11: {  	s1 =	sadd.s32 s0, s26;
	s29 =	sshll.u32 s5, $0x4;
	[dreg:$0xe] =	wrdreg s31  }
0x12: {  	s30 =	smul.u32 $0x2710, s11;
	[dreg:$0xc] =	wrdreg s1;
	s0 =	sadd.s32 s0, s29  }
0x13: {  	s2 =	simm.s32 $0x0;
	s1 =	sshrl.u32 s7, $0x3;
	[dreg:$0xd] =	wrdreg s0  }
0x14: {  	v0 =	vmov s19;
	s6 =	simm.s32 $0x5;
	s21 =	simm.s32 $0x28;
	v1 =	vmov s30;
	[dreg:$0xf] =	wrdreg s1  }
.LBB2_1:
0x15: {  	[dreg:$0x10] =	wrdreg s2  }
0x16: {  	s0 =	rddreg [dreg:$0x9]  }
0x17: {  	[spmem:s1], [sflag:s4] =	dma.local [hbm:s0], $0x2800  }
0x18: {  	_ =	swait.ge [sflag:s6], $0x2800  }
0x19: {  	[sflag:s6] =	ssyncset.done $0x0  }
0x1a: {  	[sflag:s6] =	ssyncadd.s32 $0xFFFFD800  }
0x1b: {  	s0 =	simm.s32 $0x0;
	[bflag:$0x0] =	sbarrier.arrive $0xFFFF  }
.LBB2_2:
0x1c: {  	s24 =	smul.u32 $0x3E8, s0  }
0x1d: {  	s1 =	rddreg [dreg:$0xb]  }
0x1e: {  	[dreg:$0x11] =	wrdreg s0;
	s0 =	sadd.s32 s1, s24  }
0x1f: {  	s2 =	rddreg [dreg:$0x6];
	s1 =	sshrl.u32 s0, $0x3  }
0x20: {  	s3 =	simm.s32 $0x0;
	s4 =	simm.s32 $0x5000;
	s2 =	sadd.s32 s2, s1  }
0x21: {  	[tilespmem:s4], [sflag:$0x5] =	stream.linear.gather [hbm4b:s2+s3], $0x3E8, $0x38;
	[tilespmem:$0x1BF80] =	vst v63  }
0x22: {  	_ =	swait.ge [sflag:s6], $0x3E8  }
0x23: {  	[sflag:s6] =	ssyncset.done $0x0;
	s25 =	rddreg [dreg:$0x7]  }
0x24: {  	s26 =	simm.s32 $0x5400;
	[sflag:s6] =	ssyncadd.s32 $0xFFFFFC18;
	s2 =	sadd.s32 s25, s1  }
0x25: {  	[tilespmem:s26], [sflag:$0x5] =	stream.linear.gather [hbm4b:s2+s3], $0x3E8, $0x38;
	[tilespmem:$0x1BF80] =	vst v63  }
0x26: {  	_ =	swait.ge [sflag:s6], $0x3E8  }
0x27: {  	[sflag:s6] =	ssyncset.done $0x0;
	s28 =	rddreg [dreg:$0x5]  }
0x28: {  	s29 =	simm.s32 $0x5C00;
	[sflag:s6] =	ssyncadd.s32 $0xFFFFFC18;
	s1 =	sadd.s32 s28, s1  }
0x29: {  	[tilespmem:s29], [sflag:$0x5] =	stream.linear.gather [hbm4b:s1+s3], $0x3E8, $0x38;
	[tilespmem:$0x1BF80] =	vst v63  }
0x2a: {  	_ =	swait.ge [sflag:s6], $0x3E8  }
0x2b: {  	[sflag:s6] =	ssyncset.done $0x0;
	s30 =	rddreg [dreg:$0x8]  }
0x2c: {  	s31 =	simm.s32 $0x6000;
	[sflag:s6] =	ssyncadd.s32 $0xFFFFFC18;
	s0 =	sadd.s32 s30, s0  }
0x2d: {  	[tilespmem:s31], [sflag:$0x5] =	stream.linear.gather [hbm4b:s0+s3], $0x1F40, $0x38;
	[tilespmem:$0x1BF80] =	vst v63  }
0x2e: {  	_ =	swait.ge [sflag:s6], $0x1F40  }
0x2f: {  	[sflag:s6] =	ssyncset.done $0x0  }
0x30: {  	s0 =	simm.s32 $0x0;
	[sflag:s6] =	ssyncadd.s32 $0xFFFFE0C0  }
0x31: {  	s1 =	simm.s32 $0x40;
	v2 =	vld [tilespmem:s0+$0x5000]  }
.LBB2_3:
0x32: {  	p1 =	sne.s32 s1, $0xF80  }
.Ltmp0:
0x33: {  	_ = 	snop;
	(pc) =	sbr.rel @p1 .LBB2_3-.Ltmp0, $3  }
0x34: {  	_ =	sdelay $0x1  }
0x35: {  	s2 =	sshra.s32 s1, $0x2;
	s1 =	sadd.s32 $0x40, s1;
	v3 =	vadd.s32 v0, v2  }
0x36: {  	v2 =	vld [tilespmem:s2+$0x5000];
	[tilespmem:s0+$0x5800] =	vst v3;
	s0 =	smov.u32 s2  }
0x37: {  	_ =	sdelay $0x2  }
0x38: {  	s12 =	simm.s32 $0x0  }
0x39: {  	s31 =	rddreg [dreg:$0x4];
	s1 =	simm.s32 $0x5800;
	s13 =	simm.s32 $0x6008;
	v2 =	vadd.s32 v0, v2  }
0x3a: {  	s14 =	simm.s32 $0x5C01;
	s9 =	simm.s32 $0x6148;
	s10 =	simm.s32 $0x5C29;
	[tilespmem:s0+$0x5800] =	vst v2  }
0x3b: {  	[tilespmem:s12], [sflag:$0x1] =	stream.indirect.gather [hbm4b:s31+s21], $0x80, s1, s21, $0xb8;
	[tilespmem:$0x1BF80] =	vst v63  }
.LBB2_5:
0x3c: {  	s0 =	smul.u32 $0x50, s12;
	_ =	sdelay $0x1  }
0x3d: {  	s2 =	rddreg [dreg:$0x4];
	s3 =	simm.s32 $0x1400;
	s1 =	sadd.s32 $0x5828, s0  }
0x3e: {  	[tilespmem:s3], [sflag:$0x2] =	stream.indirect.gather [hbm4b:s2+s21], $0x80, s1, s21, $0xb8;
	[tilespmem:$0x1BF80] =	vst v63  }
0x3f: {  	s3 =	simm.s32 $0x1  }
0x40: {  	_ =	swait.ge [sflag:s3], $0x1400  }
0x41: {  	p1 =	seq.s32 s12, $0x0;
	[sflag:s3] =	ssyncset.done $0x0  }
0x42: {  	s1 =	simm.s32 @!p1 $0x3;
	[sflag:s3] =	ssyncadd.s32 $0xFFFFEC00  }
0x43: {  	_ =	swait.ge @!p1 [sflag:s1], $0x1400  }
0x44: {  	[sflag:s1] =	ssyncset.done @!p1 $0x0  }
0x45: {  	[sflag:s1] =	ssyncadd.s32 @!p1 $0xFFFFEC00  }
0x46: {  	v2 =	vld [tilespmem:s13+$0x0];
	_ =	sdelay $0x1  }
0x47: {  	v3 =	vld [tilespmem:s14+$0x0];
	_ =	sdelay $0x2  }
0x48: {  	(v2sf) =	vpush v2, $0x0  }
0x49: {  	(v2sf) =	vpush v2, $0x2  }
0x4a: {  	(v2sf) =	vpush v3, $0x0;
	_ =	sdelay $0x7  }
0x4b: {  	v2 =	vld [tilespmem:s13+$0xFFFFFFF8];
	_ =	sdelay $0x1  }
0x4c: {  	s4 =	sadd.s32 $0x10, s13;
	v3 =	vld [tilespmem:s14+$0xFFFFFFFF]  }
0x4d: {  	v5 =	vld [tilespmem:s4+$0x0]  }
0x4e: {  	s8 =	sadd.s32 $0x2, s14  }
0x4f: {  	v6 =	vld [tilespmem:s8+$0x0];
	s2 =	spop (v2sf);
	(v2sf) =	vpush v2, $0x0  }
0x50: {  	s5 =	spop (v2sf);
	(v2sf) =	vpush v2, $0x2  }
0x51: {  	s11 =	spop (v2sf);
	(v2sf) =	vpush v3, $0x0  }
0x52: {  	(v2sf) =	vpush v5, $0x0  }
0x53: {  	(v2sf) =	vpush v5, $0x2  }
0x54: {  	s18 =	simm.s32 $0x80;
	(v2sf) =	vpush v6, $0x0  }
0x55: {  	v4 =	vld [tilespmem:s18+$0x0];
	_ =	sdelay $0x1  }
0x56: {  	s5 =	smov.u32 @p0 s2  }
0x57: {  	v3 =	vld [tilespmem:s4+$0xFFFFFFF8];
	s2 =	smul.f32 s5, s11;
	_ =	sdelay $0x1  }
0x58: {  	v2 =	vmul.f32 s2, v4;
	v4 =	vld [tilespmem:s8+$0xFFFFFFFF];
	_ =	sdelay $0x2  }
0x59: {  	(v2sf) =	vpush v3, $0x0  }
0x5a: {  	(v2sf) =	vpush v3, $0x2;
	s5 =	spop (v2sf)  }
0x5b: {  	s1 =	sadd.s32 $0x10, s4;
	v3 =	vld [tilespmem:s18+$0xFFFFFF80];
	(v2sf) =	vpush v4, $0x0;
	s6 =	spop (v2sf)  }
0x5c: {  	s17 =	simm.s32 $0x2880;
	s20 =	simm.s32 $0x180;
	v5 =	vld [tilespmem:s1+$0x0];
	s7 =	spop (v2sf)  }
0x5d: {  	[tilespmem:s17+$0x0] =	vst v2;
	v4 =	vld [tilespmem:s20+$0x0];
	s6 =	smov.u32 @p0 s5;
	s5 =	spop (v2sf)  }
0x5e: {  	s3 =	sadd.s32 $0x2, s8;
	v2 =	vld [tilespmem:s18+$0x10];
	s19 =	smul.f32 s6, s7;
	s6 =	spop (v2sf)  }
0x5f: {  	v6 =	vld [tilespmem:s3+$0x0];
	s6 =	smov.u32 @p0 s5;
	s15 =	spop (v2sf)  }
0x60: {  	v3 =	vmul.f32 s19, v3;
	s5 =	smul.f32 s6, s15;
	_ =	sdelay $0x1  }
0x61: {  	v7 =	vld [tilespmem:s1+$0xFFFFFFF8];
	(v2sf) =	vpush v5, $0x0;
	[tilespmem:s17+$0xFFFFFF80] =	vst v3;
	v4 =	vmul.f32 s5, v4  }
0x62: {  	s22 =	simm.s32 $0x2980;
	v2 =	vmul.f32 s2, v2;
	(v2sf) =	vpush v5, $0x2;
	v3 =	vld [tilespmem:s18+$0xFFFFFF90]  }
0x63: {  	v5 =	vld [tilespmem:s3+$0xFFFFFFFF];
	(v2sf) =	vpush v6, $0x0;
	[tilespmem:s22+$0x0] =	vst v4  }
0x64: {  	[tilespmem:s17+$0x10] =	vst v2;
	v4 =	vld [tilespmem:s20+$0x10]  }
0x65: {  	v2 =	vld [tilespmem:s18+$0x20];
	_ =	sdelay $0x1  }
0x66: {  	v6 =	vld [tilespmem:s20+$0xFFFFFF80];
	(v2sf) =	vpush v7, $0x0;
	s6 =	spop (v2sf);
	v3 =	vmul.f32 s19, v3  }
0x67: {  	(v2sf) =	vpush v7, $0x2;
	s7 =	spop (v2sf)  }
0x68: {  	(v2sf) =	vpush v5, $0x0;
	s7 =	smov.u32 @p0 s6;
	s16 =	spop (v2sf);
	[tilespmem:s17+$0xFFFFFF90] =	vst v3;
	v3 =	vmul.f32 s5, v4  }
0x69: {  	s1 =	sadd.s32 $0x10, s1;
	v2 =	vmul.f32 s2, v2;
	s30 =	smul.f32 s7, s16;
	v4 =	vld [tilespmem:s18+$0xFFFFFFA0]  }
0x6a: {  	v9 =	vld [tilespmem:s1+$0xFFFFFFF8];
	[tilespmem:s22+$0x10] =	vst v3  }
0x6b: {  	[tilespmem:s17+$0x20] =	vst v2;
	v5 =	vmul.f32 s30, v6;
	v3 =	vld [tilespmem:s20+$0x20]  }
0x6c: {  	v2 =	vld [tilespmem:s18+$0x30]  }
0x6d: {  	v7 =	vld [tilespmem:s1+$0x0];
	[tilespmem:s22+$0xFFFFFF80] =	vst v5  }
0x6e: {  	s6 =	simm.s32 $0x280;
	v5 =	vld [tilespmem:s20+$0xFFFFFF90];
	v4 =	vmul.f32 s19, v4  }
0x6f: {  	s3 =	sadd.s32 $0x2, s3;
	v6 =	vld [tilespmem:s6+$0x0];
	s7 =	spop (v2sf)  }
0x70: {  	s8 =	spop (v2sf);
	[tilespmem:s17+$0xFFFFFFA0] =	vst v4;
	v4 =	vld [tilespmem:s3+$0x0];
	v3 =	vmul.f32 s5, v3  }
0x71: {  	v2 =	vmul.f32 s2, v2;
	s8 =	smov.u32 @p0 s7;
	s23 =	spop (v2sf);
	v8 =	vld [tilespmem:s18+$0xFFFFFFB0]  }
0x72: {  	v10 =	vld [tilespmem:s3+$0xFFFFFFFF];
	s8 =	smul.f32 s8, s23;
	[tilespmem:s22+$0x20] =	vst v3  }
0x73: {  	(v2sf) =	vpush v7, $0x0;
	[tilespmem:s17+$0x30] =	vst v2;
	v3 =	vmul.f32 s30, v5;
	v5 =	vld [tilespmem:s20+$0x30]  }
0x74: {  	(v2sf) =	vpush v7, $0x2;
	v2 =	vld [tilespmem:s18+$0x40];
	v6 =	vmul.f32 s8, v6  }
0x75: {  	s7 =	simm.s32 $0x2A80;
	s11 =	spop (v2sf);
	[tilespmem:s22+$0xFFFFFF90] =	vst v3;
	v3 =	vld [tilespmem:s6+$0xFFFFFF80];
	(v2sf) =	vpush v4, $0x0  }
0x76: {  	s15 =	spop (v2sf);
	[tilespmem:s7+$0x0] =	vst v6;
	v4 =	vmul.f32 s19, v8;
	v6 =	vld [tilespmem:s20+$0xFFFFFFA0]  }
0x77: {  	s15 =	smov.u32 @p0 s11;
	s24 =	spop (v2sf);
	v7 =	vld [tilespmem:s6+$0x10]  }
0x78: {  	s11 =	smul.f32 s15, s24;
	[tilespmem:s17+$0xFFFFFFB0] =	vst v4;
	v4 =	vmul.f32 s5, v5  }
0x79: {  	s1 =	sadd.s32 $0x10, s1;
	v2 =	vmul.f32 s2, v2;
	(v2sf) =	vpush v9, $0x0;
	v5 =	vld [tilespmem:s18+$0xFFFFFFC0]  }
0x7a: {  	v11 =	vld [tilespmem:s1+$0xFFFFFFF8];
	(v2sf) =	vpush v9, $0x2;
	v3 =	vmul.f32 s11, v3;
	[tilespmem:s22+$0x30] =	vst v4  }
0x7b: {  	s23 =	sadd.s32 $0x2, s3;
	[tilespmem:s17+$0x40] =	vst v2;
	(v2sf) =	vpush v10, $0x0;
	v4 =	vmul.f32 s30, v6;
	v6 =	vld [tilespmem:s20+$0x40]  }
0x7c: {  	v13 =	vld [tilespmem:s23+$0xFFFFFFFF];
	[tilespmem:s7+$0xFFFFFF80] =	vst v3;
	v3 =	vmul.f32 s8, v7  }
0x7d: {  	s31 =	simm.s32 $0x380;
	v2 =	vld [tilespmem:s18+$0x50];
	[tilespmem:s22+$0xFFFFFFA0] =	vst v4  }
0x7e: {  	v8 =	vld [tilespmem:s31+$0x0];
	[tilespmem:s7+$0x10] =	vst v3;
	v4 =	vmul.f32 s19, v5  }
0x7f: {  	v5 =	vld [tilespmem:s6+$0x20]  }
0x80: {  	v9 =	vld [tilespmem:s1+$0x0];
	[tilespmem:s17+$0xFFFFFFC0] =	vst v4;
	v4 =	vmul.f32 s5, v6  }
0x81: {  	v7 =	vld [tilespmem:s6+$0xFFFFFF90]  }
0x82: {  	v2 =	vmul.f32 s2, v2;
	s15 =	spop (v2sf);
	v10 =	vld [tilespmem:s23+$0x0];
	[tilespmem:s22+$0x40] =	vst v4  }
0x83: {  	s16 =	spop (v2sf);
	v4 =	vld [tilespmem:s20+$0x50]  }
0x84: {  	[tilespmem:s17+$0x50] =	vst v2;
	s16 =	smov.u32 @p0 s15;
	v3 =	vld [tilespmem:s20+$0xFFFFFFB0];
	v5 =	vmul.f32 s8, v5;
	s25 =	spop (v2sf)  }
0x85: {  	v2 =	vld [tilespmem:s18+$0x60];
	s16 =	smul.f32 s16, s25  }
0x86: {  	v6 =	vld [tilespmem:s18+$0xFFFFFFD0];
	v7 =	vmul.f32 s11, v7;
	[tilespmem:s7+$0x20] =	vst v5  }
0x87: {  	(v2sf) =	vpush v9, $0x0;
	v5 =	vmul.f32 s16, v8;
	v8 =	vld [tilespmem:s6+$0x30]  }
0x88: {  	s29 =	simm.s32 $0x2B80;
	[tilespmem:s7+$0xFFFFFF90] =	vst v7;
	v7 =	vld [tilespmem:s31+$0xFFFFFF80];
	(v2sf) =	vpush v9, $0x2;
	s3 =	spop (v2sf);
	v4 =	vmul.f32 s5, v4  }
0x89: {  	v3 =	vmul.f32 s30, v3;
	s15 =	spop (v2sf);
	(v2sf) =	vpush v10, $0x0;
	[tilespmem:s29+$0x0] =	vst v5;
	v5 =	vld [tilespmem:s6+$0xFFFFFFA0]  }
0x8a: {  	v2 =	vmul.f32 s2, v2;
	s15 =	smov.u32 @p0 s3;
	s26 =	spop (v2sf);
	(v2sf) =	vpush v11, $0x0;
	v12 =	vld [tilespmem:s31+$0x10];
	[tilespmem:s22+$0x50] =	vst v4  }
0x8b: {  	[tilespmem:s22+$0xFFFFFFB0] =	vst v3;
	v3 =	vmul.f32 s19, v6;
	s3 =	smul.f32 s15, s26;
	(v2sf) =	vpush v11, $0x2;
	v4 =	vld [tilespmem:s20+$0x60]  }
0x8c: {  	[tilespmem:s17+$0x60] =	vst v2;
	(v2sf) =	vpush v13, $0x0;
	v6 =	vmul.f32 s8, v8;
	v8 =	vld [tilespmem:s20+$0xFFFFFFC0]  }
0x8d: {  	v2 =	vld [tilespmem:s18+$0x70];
	[tilespmem:s17+$0xFFFFFFD0] =	vst v3;
	v3 =	vmul.f32 s3, v7  }
0x8e: {  	[tilespmem:s7+$0x30] =	vst v6;
	v6 =	vld [tilespmem:s18+$0xFFFFFFE0];
	v5 =	vmul.f32 s11, v5  }
0x8f: {  	[tilespmem:s29+$0xFFFFFF80] =	vst v3;
	v3 =	vmul.f32 s16, v12;
	v7 =	vld [tilespmem:s6+$0x40]  }
0x90: {  	v63 =	vld [tilespmem:s31+$0xFFFFFF90];
	[tilespmem:s7+$0xFFFFFFA0] =	vst v5;
	v5 =	vmul.f32 s5, v4  }
0x91: {  	[tilespmem:s29+$0x10] =	vst v3;
	v4 =	vld [tilespmem:s6+$0xFFFFFFB0];
	v3 =	vmul.f32 s30, v8  }
0x92: {  	v8 =	vmul.f32 s2, v2;
	[tilespmem:s22+$0x60] =	vst v5;
	v5 =	vld [tilespmem:s31+$0x20]  }
0x93: {  	v9 =	vmul.f32 s19, v6;
	[tilespmem:s22+$0xFFFFFFC0] =	vst v3;
	v2 =	vld [tilespmem:s20+$0x70]  }
0x94: {  	s2 =	simm.s32 $0x480;
	[tilespmem:s17+$0x70] =	vst v8;
	v3 =	vld [tilespmem:s20+$0xFFFFFFD0];
	v6 =	vmul.f32 s8, v7  }
0x95: {  	s28 =	simm.s32 $0x8;
	s25 =	sadd.s32 $0x10, s1;
	s15 =	sadd.s32 $0x28, s0;
	v8 =	vmul.f32 s3, v63;
	v7 =	vld [tilespmem:s2+$0x0];
	[tilespmem:s17+$0xFFFFFFE0] =	vst v9  }
.LBB2_6:
0x96: {  	v9 =	vld [tilespmem:s25+$0x0];
	s26 =	spop (v2sf);
	v4 =	vmul.f32 s11, v4;
	[tilespmem:s7+$0x40] =	vst v6;
	s1 =	smov.u32 s7;
	s7 =	smov.u32 s29  }
0x97: {  	s23 =	sadd.s32 $0x2, s23;
	s24 =	spop (v2sf);
	[tilespmem:s29+$0xFFFFFF90] =	vst v8;
	v5 =	vmul.f32 s16, v5;
	v6 =	vld [tilespmem:s6+$0x50]  }
0x98: {  	s28 =	sadd.s32 $0x2, s28;
	v8 =	vld [tilespmem:s23+$0x0];
	s24 =	smov.u32 @p0 s26;
	s26 =	spop (v2sf);
	[tilespmem:s1+$0xFFFFFFB0] =	vst v4;
	v2 =	vmul.f32 s5, v2  }
0x99: {  	p2 =	slt.u32 s28, $0x26;
	v4 =	vld [tilespmem:s25+$0xFFFFFFF8];
	s24 =	smul.f32 s24, s26;
	s26 =	spop (v2sf);
	[tilespmem:s29+$0x20] =	vst v5;
	v3 =	vmul.f32 s30, v3  }
0x9a: {  	s5 =	smov.u32 s8;
	s8 =	smov.u32 s16;
	v5 =	vld [tilespmem:s23+$0xFFFFFFFF];
	s4 =	spop (v2sf);
	[tilespmem:s22+$0x70] =	vst v2  }
0x9b: {  	(v2sf) =	vpush v9, $0x0;
	s4 =	smov.u32 @p0 s26;
	v2 =	vmul.f32 s24, v7;
	s26 =	spop (v2sf);
	v7 =	vld [tilespmem:s31+$0x30];
	[tilespmem:s22+$0xFFFFFFD0] =	vst v3;
	s16 =	smov.u32 s24  }
0x9c: {  	s29 =	sadd.s32 $0x100, s29;
	(v2sf) =	vpush v9, $0x2;
	s4 =	smul.f32 s4, s26;
	v3 =	vld [tilespmem:s2+$0xFFFFFF80];
	v6 =	vmul.f32 s5, v6  }
0x9d: {  	(v2sf) =	vpush v8, $0x0;
	[tilespmem:s29+$0x0] =	vst v2;
	v2 =	vld [tilespmem:s31+$0xFFFFFFA0]  }
0x9e: {  	(v2sf) =	vpush v4, $0x0;
	v8 =	vld [tilespmem:s2+$0x10];
	[tilespmem:s1+$0x50] =	vst v6  }
0x9f: {  	(v2sf) =	vpush v4, $0x2;
	v4 =	vld [tilespmem:s6+$0x60]  }
0xa0: {  	(v2sf) =	vpush v5, $0x0;
	v5 =	vmul.f32 s8, v7;
	v6 =	vld [tilespmem:s6+$0xFFFFFFC0]  }
0xa1: {  	v3 =	vmul.f32 s4, v3;
	v7 =	vld [tilespmem:s20+$0xFFFFFFE0]  }
0xa2: {  	v2 =	vmul.f32 s3, v2;
	[tilespmem:s7+$0x30] =	vst v5;
	v9 =	vld [tilespmem:s18+$0xFFFFFFF0];
	s18 =	smov.u32 s20;
	s20 =	smov.u32 s6;
	s6 =	smov.u32 s31  }
0xa3: {  	s31 =	smov.u32 s2;
	[tilespmem:s29+$0xFFFFFF80] =	vst v3;
	v3 =	vmul.f32 s16, v8;
	v8 =	vld [tilespmem:s6+$0x40]  }
0xa4: {  	v10 =	vld [tilespmem:s2+$0xFFFFFF90];
	[tilespmem:s7+$0xFFFFFFA0] =	vst v2;
	v2 =	vmul.f32 s5, v4  }
.Ltmp1:
0xa5: {  	[tilespmem:s29+$0x10] =	vst v3;
	v4 =	vld [tilespmem:s6+$0xFFFFFFB0];
	v3 =	vmul.f32 s11, v6;
	(pc) =	sbr.rel @p2 .LBB2_6-.Ltmp1, $4  }
0xa6: {  	v5 =	vld [tilespmem:s2+$0x20];
	[tilespmem:s1+$0x60] =	vst v2;
	v7 =	vmul.f32 s30, v7  }
0xa7: {  	[tilespmem:s1+$0xFFFFFFC0] =	vst v3;
	v2 =	vld [tilespmem:s20+$0x70];
	v9 =	vmul.f32 s19, v9;
	s19 =	smov.u32 s30;
	s30 =	smov.u32 s11;
	s11 =	smov.u32 s3  }
0xa8: {  	s2 =	sadd.s32 $0x100, s2;
	s3 =	smov.u32 s4;
	v6 =	vmul.f32 s8, v8;
	v3 =	vld [tilespmem:s20+$0xFFFFFFD0];
	[tilespmem:s22+$0xFFFFFFE0] =	vst v7  }
0xa9: {  	s25 =	sadd.s32 $0x10, s25;
	v7 =	vld [tilespmem:s2+$0x0];
	v8 =	vmul.f32 s3, v10;
	[tilespmem:s17+$0xFFFFFFF0] =	vst v9;
	s17 =	smov.u32 s22;
	s22 =	smov.u32 s1  }
0xaa: {  	s1 =	spop (v2sf)  }
0xab: {  	s4 =	spop (v2sf)  }
0xac: {  	s23 =	spop (v2sf)  }
0xad: {  	v9 =	vld [tilespmem:s2+$0xFFFFFF80];
	s4 =	smov.u32 @p0 s1;
	s1 =	spop (v2sf)  }
0xae: {  	s23 =	smul.f32 s4, s23;
	s4 =	spop (v2sf)  }
0xaf: {  	s4 =	smov.u32 @p0 s1;
	s26 =	spop (v2sf)  }
0xb0: {  	v7 =	vmul.f32 s23, v7;
	s25 =	smul.f32 s4, s26  }
0xb1: {  	s28 =	sadd.s32 $0x100, s29  }
0xb2: {  	[tilespmem:s28+$0x0] =	vst v7;
	v7 =	vmul.f32 s25, v9  }
0xb3: {  	v9 =	vld [tilespmem:s2+$0x10]  }
0xb4: {  	[tilespmem:s28+$0xFFFFFF80] =	vst v7  }
0xb5: {  	v7 =	vld [tilespmem:s2+$0xFFFFFF90];
	_ =	sdelay $0x2  }
0xb6: {  	v9 =	vmul.f32 s23, v9;
	_ =	sdelay $0x1  }
0xb7: {  	[tilespmem:s28+$0x10] =	vst v9;
	v7 =	vmul.f32 s25, v7  }
0xb8: {  	[tilespmem:s29+$0xFFFFFF90] =	vst v8;
	v8 =	vld [tilespmem:s2+$0x20]  }
0xb9: {  	v9 =	vld [tilespmem:s31+$0xFFFFFFA0];
	[tilespmem:s28+$0xFFFFFF90] =	vst v7  }
0xba: {  	v7 =	vld [tilespmem:s2+$0xFFFFFFA0]  }
0xbb: {  	v5 =	vmul.f32 s16, v5;
	_ =	sdelay $0x1  }
0xbc: {  	[tilespmem:s29+$0x20] =	vst v5;
	v5 =	vmul.f32 s23, v8  }
0xbd: {  	v9 =	vmul.f32 s3, v9;
	v8 =	vld [tilespmem:s31+$0x30]  }
0xbe: {  	[tilespmem:s28+$0x20] =	vst v5;
	v5 =	vmul.f32 s25, v7  }
0xbf: {  	[tilespmem:s29+$0xFFFFFFA0] =	vst v9;
	v7 =	vld [tilespmem:s2+$0x30]  }
0xc0: {  	v9 =	vld [tilespmem:s31+$0xFFFFFFB0];
	[tilespmem:s28+$0xFFFFFFA0] =	vst v5  }
0xc1: {  	v5 =	vld [tilespmem:s2+$0xFFFFFFB0]  }
0xc2: {  	v8 =	vmul.f32 s16, v8  }
0xc3: {  	v4 =	vmul.f32 s11, v4  }
0xc4: {  	[tilespmem:s29+$0x30] =	vst v8;
	v7 =	vmul.f32 s23, v7  }
0xc5: {  	[tilespmem:s7+$0xFFFFFFB0] =	vst v4;
	v8 =	vmul.f32 s3, v9;
	v4 =	vld [tilespmem:s31+$0x40]  }
0xc6: {  	v9 =	vld [tilespmem:s6+$0xFFFFFFC0];
	[tilespmem:s28+$0x30] =	vst v7;
	v5 =	vmul.f32 s25, v5  }
0xc7: {  	[tilespmem:s29+$0xFFFFFFB0] =	vst v8;
	v7 =	vld [tilespmem:s2+$0x40]  }
0xc8: {  	v8 =	vld [tilespmem:s31+$0xFFFFFFC0];
	[tilespmem:s28+$0xFFFFFFB0] =	vst v5  }
0xc9: {  	v5 =	vld [tilespmem:s2+$0xFFFFFFC0]  }
0xca: {  	[tilespmem:s7+$0x40] =	vst v6;
	v4 =	vmul.f32 s16, v4  }
0xcb: {  	v6 =	vld [tilespmem:s6+$0x50];
	v9 =	vmul.f32 s11, v9  }
0xcc: {  	[tilespmem:s29+$0x40] =	vst v4;
	v4 =	vmul.f32 s23, v7  }
0xcd: {  	[tilespmem:s7+$0xFFFFFFC0] =	vst v9;
	v8 =	vmul.f32 s3, v8;
	v7 =	vld [tilespmem:s31+$0x50]  }
0xce: {  	v9 =	vld [tilespmem:s6+$0xFFFFFFD0];
	[tilespmem:s28+$0x40] =	vst v4;
	v4 =	vmul.f32 s25, v5  }
0xcf: {  	[tilespmem:s29+$0xFFFFFFC0] =	vst v8;
	v5 =	vld [tilespmem:s2+$0x50]  }
0xd0: {  	v6 =	vmul.f32 s8, v6;
	v8 =	vld [tilespmem:s31+$0xFFFFFFD0];
	[tilespmem:s28+$0xFFFFFFC0] =	vst v4  }
0xd1: {  	v3 =	vmul.f32 s30, v3;
	v4 =	vld [tilespmem:s2+$0xFFFFFFD0]  }
0xd2: {  	[tilespmem:s7+$0x50] =	vst v6;
	v6 =	vmul.f32 s16, v7  }
0xd3: {  	[tilespmem:s22+$0xFFFFFFD0] =	vst v3;
	v3 =	vld [tilespmem:s6+$0x60];
	v7 =	vmul.f32 s11, v9  }
0xd4: {  	v9 =	vld [tilespmem:s20+$0xFFFFFFE0];
	[tilespmem:s29+$0x50] =	vst v6;
	v5 =	vmul.f32 s23, v5  }
0xd5: {  	[tilespmem:s7+$0xFFFFFFD0] =	vst v7;
	v7 =	vmul.f32 s3, v8;
	v6 =	vld [tilespmem:s31+$0x60]  }
0xd6: {  	v8 =	vld [tilespmem:s6+$0xFFFFFFE0];
	[tilespmem:s28+$0x50] =	vst v5;
	v4 =	vmul.f32 s25, v4  }
0xd7: {  	v2 =	vmul.f32 s5, v2;
	[tilespmem:s29+$0xFFFFFFD0] =	vst v7;
	v5 =	vld [tilespmem:s2+$0x60]  }
0xd8: {  	v3 =	vmul.f32 s8, v3;
	v7 =	vld [tilespmem:s31+$0xFFFFFFE0];
	[tilespmem:s28+$0xFFFFFFD0] =	vst v4  }
0xd9: {  	[tilespmem:s22+$0x70] =	vst v2;
	v2 =	vmul.f32 s30, v9;
	v4 =	vld [tilespmem:s2+$0xFFFFFFE0]  }
0xda: {  	[tilespmem:s7+$0x60] =	vst v3;
	v9 =	vld [tilespmem:s18+$0xFFFFFFF0];
	v3 =	vmul.f32 s16, v6  }
0xdb: {  	[tilespmem:s22+$0xFFFFFFE0] =	vst v2;
	v6 =	vld [tilespmem:s6+$0x70];
	v2 =	vmul.f32 s11, v8  }
0xdc: {  	v8 =	vld [tilespmem:s20+$0xFFFFFFF0];
	[tilespmem:s29+$0x60] =	vst v3;
	v3 =	vmul.f32 s23, v5  }
0xdd: {  	[tilespmem:s7+$0xFFFFFFE0] =	vst v2;
	v2 =	vmul.f32 s3, v7;
	v5 =	vld [tilespmem:s31+$0x70]  }
0xde: {  	v7 =	vld [tilespmem:s6+$0xFFFFFFF0];
	[tilespmem:s28+$0x60] =	vst v3;
	v3 =	vmul.f32 s25, v4  }
0xdf: {  	[tilespmem:s29+$0xFFFFFFE0] =	vst v2;
	v4 =	vmul.f32 s19, v9;
	v9 =	vld [tilespmem:s2+$0x70]  }
0xe0: {  	v2 =	vmul.f32 s8, v6;
	v6 =	vld [tilespmem:s31+$0xFFFFFFF0];
	[tilespmem:s28+$0xFFFFFFE0] =	vst v3  }
0xe1: {  	[tilespmem:s17+$0xFFFFFFF0] =	vst v4;
	v3 =	vmul.f32 s30, v8;
	v4 =	vld [tilespmem:s2+$0xFFFFFFF0]  }
0xe2: {  	[tilespmem:s7+$0x70] =	vst v2;
	v2 =	vmul.f32 s16, v5  }
0xe3: {  	[tilespmem:s22+$0xFFFFFFF0] =	vst v3;
	v3 =	vmul.f32 s11, v7  }
0xe4: {  	[tilespmem:s29+$0x70] =	vst v2;
	v2 =	vmul.f32 s23, v9  }
0xe5: {  	[tilespmem:s7+$0xFFFFFFF0] =	vst v3;
	v3 =	vmul.f32 s3, v6  }
0xe6: {  	s31 =	smul.u32 $0x140, s12;
	[tilespmem:s28+$0x70] =	vst v2;
	v2 =	vmul.f32 s25, v4  }
0xe7: {  	s0 =	sadd.s32 $0x5400, s0;
	s4 =	simm.s32 $0x2800;
	[tilespmem:s29+$0xFFFFFFF0] =	vst v3  }
0xe8: {  	s6 =	simm.s32 $0x0;
	s5 =	sshra.s32 s31, $0x2;
	s3 =	rddreg [dreg:$0x2];
	[tilespmem:s28+$0xFFFFFFF0] =	vst v2  }
0xe9: {  	[spmem:s3] =	stream.indirect.scatter.add.f32 [tilespmem:s4], [sflag:$0x3], $0x80, s0, s21, $0xb8;
	[tilespmem:$0x1BF80] =	vst v63  }
0xea: {  	s8 =	simm.s32 $0x2;
	s0 =	sadd.s32 $0x5850, s5;
	s7 =	rddreg [dreg:$0x4]  }
0xeb: {  	[tilespmem:s6], [sflag:$0x1] =	stream.indirect.gather [hbm4b:s7+s21], $0x80, s0, s21, $0xb8;
	[tilespmem:$0x1BF80] =	vst v63  }
0xec: {  	_ =	swait.ge [sflag:s8], $0x1400  }
0xed: {  	[sflag:s8] =	ssyncset.done $0x0  }
0xee: {  	s0 =	simm.s32 @!p1 $0x4;
	[sflag:s8] =	ssyncadd.s32 $0xFFFFEC00  }
0xef: {  	_ =	swait.ge @!p1 [sflag:s0], $0x1400  }
0xf0: {  	[sflag:s0] =	ssyncset.done @!p1 $0x0  }
0xf1: {  	[sflag:s0] =	ssyncadd.s32 @!p1 $0xFFFFEC00  }
0xf2: {  	v2 =	vld [tilespmem:s9+$0x0];
	_ =	sdelay $0x1  }
0xf3: {  	v3 =	vld [tilespmem:s10+$0x0];
	_ =	sdelay $0x2  }
0xf4: {  	(v2sf) =	vpush v2, $0x0  }
0xf5: {  	(v2sf) =	vpush v2, $0x2  }
0xf6: {  	(v2sf) =	vpush v3, $0x0;
	_ =	sdelay $0x1  }
0xf7: {  	v2 =	vld [tilespmem:s9+$0xFFFFFFF8];
	_ =	sdelay $0x1  }
0xf8: {  	s11 =	sadd.s32 $0x10, s9;
	v3 =	vld [tilespmem:s10+$0xFFFFFFFF]  }
0xf9: {  	v5 =	vld [tilespmem:s11+$0x0]  }
0xfa: {  	s16 =	sadd.s32 $0x2, s10  }
0xfb: {  	v6 =	vld [tilespmem:s16+$0x0];
	(v2sf) =	vpush v2, $0x0  }
0xfc: {  	(v2sf) =	vpush v2, $0x2  }
0xfd: {  	(v2sf) =	vpush v3, $0x0  }
0xfe: {  	(v2sf) =	vpush v5, $0x0  }
0xff: {  	(v2sf) =	vpush v5, $0x2  }
0x100: {  	s17 =	simm.s32 $0x1480;
	(v2sf) =	vpush v6, $0x0  }
0x101: {  	v4 =	vld [tilespmem:s17+$0x0];
	s0 =	spop (v2sf)  }
0x102: {  	s2 =	spop (v2sf)  }
0x103: {  	s2 =	smov.u32 @p0 s0;
	s18 =	spop (v2sf)  }
0x104: {  	v3 =	vld [tilespmem:s11+$0xFFFFFFF8];
	s2 =	smul.f32 s2, s18;
	_ =	sdelay $0x1  }
0x105: {  	v2 =	vmul.f32 s2, v4;
	v4 =	vld [tilespmem:s16+$0xFFFFFFFF];
	_ =	sdelay $0x2  }
0x106: {  	(v2sf) =	vpush v3, $0x0  }
0x107: {  	(v2sf) =	vpush v3, $0x2;
	s4 =	spop (v2sf)  }
0x108: {  	s1 =	sadd.s32 $0x10, s11;
	v3 =	vld [tilespmem:s17+$0xFFFFFF80];
	s5 =	spop (v2sf);
	(v2sf) =	vpush v4, $0x0  }
0x109: {  	v5 =	vld [tilespmem:s1+$0x0];
	s0 =	simm.s32 $0x3C80;
	s18 =	simm.s32 $0x1580;
	s19 =	spop (v2sf)  }
0x10a: {  	[tilespmem:s0+$0x0] =	vst v2;
	s5 =	smov.u32 @p0 s4;
	s4 =	spop (v2sf);
	v4 =	vld [tilespmem:s18+$0x0]  }
0x10b: {  	s3 =	sadd.s32 $0x2, s16;
	v2 =	vld [tilespmem:s17+$0x10];
	s22 =	smul.f32 s5, s19;
	s5 =	spop (v2sf)  }
0x10c: {  	v6 =	vld [tilespmem:s3+$0x0];
	s5 =	smov.u32 @p0 s4;
	s20 =	spop (v2sf)  }
0x10d: {  	v3 =	vmul.f32 s22, v3;
	s20 =	smul.f32 s5, s20;
	_ =	sdelay $0x1  }
0x10e: {  	v7 =	vld [tilespmem:s1+$0xFFFFFFF8];
	(v2sf) =	vpush v5, $0x0;
	[tilespmem:s0+$0xFFFFFF80] =	vst v3;
	v4 =	vmul.f32 s20, v4  }
0x10f: {  	s19 =	simm.s32 $0x3D80;
	(v2sf) =	vpush v5, $0x2;
	v2 =	vmul.f32 s2, v2;
	v3 =	vld [tilespmem:s17+$0xFFFFFF90]  }
0x110: {  	v5 =	vld [tilespmem:s3+$0xFFFFFFFF];
	(v2sf) =	vpush v6, $0x0;
	[tilespmem:s19+$0x0] =	vst v4  }
0x111: {  	[tilespmem:s0+$0x10] =	vst v2;
	v4 =	vld [tilespmem:s18+$0x10]  }
0x112: {  	v2 =	vld [tilespmem:s17+$0x20];
	_ =	sdelay $0x1  }
0x113: {  	v6 =	vld [tilespmem:s18+$0xFFFFFF80];
	(v2sf) =	vpush v7, $0x0;
	s4 =	spop (v2sf);
	v3 =	vmul.f32 s22, v3  }
0x114: {  	(v2sf) =	vpush v7, $0x2;
	s5 =	spop (v2sf)  }
0x115: {  	s5 =	smov.u32 @p0 s4;
	(v2sf) =	vpush v5, $0x0;
	[tilespmem:s0+$0xFFFFFF90] =	vst v3;
	v3 =	vmul.f32 s20, v4;
	s23 =	spop (v2sf)  }
0x116: {  	s1 =	sadd.s32 $0x10, s1;
	v2 =	vmul.f32 s2, v2;
	v4 =	vld [tilespmem:s17+$0xFFFFFFA0];
	s5 =	smul.f32 s5, s23  }
0x117: {  	v9 =	vld [tilespmem:s1+$0xFFFFFFF8];
	[tilespmem:s19+$0x10] =	vst v3  }
0x118: {  	[tilespmem:s0+$0x20] =	vst v2;
	v3 =	vld [tilespmem:s18+$0x20];
	v5 =	vmul.f32 s5, v6  }
0x119: {  	v2 =	vld [tilespmem:s17+$0x30]  }
0x11a: {  	v7 =	vld [tilespmem:s1+$0x0];
	[tilespmem:s19+$0xFFFFFF80] =	vst v5  }
0x11b: {  	s6 =	simm.s32 $0x1680;
	v4 =	vmul.f32 s22, v4;
	v5 =	vld [tilespmem:s18+$0xFFFFFF90]  }
0x11c: {  	s3 =	sadd.s32 $0x2, s3;
	s4 =	spop (v2sf);
	v6 =	vld [tilespmem:s6+$0x0]  }
0x11d: {  	s7 =	spop (v2sf);
	[tilespmem:s0+$0xFFFFFFA0] =	vst v4;
	v4 =	vld [tilespmem:s3+$0x0];
	v3 =	vmul.f32 s20, v3  }
0x11e: {  	s7 =	smov.u32 @p0 s4;
	s24 =	spop (v2sf);
	v2 =	vmul.f32 s2, v2;
	v8 =	vld [tilespmem:s17+$0xFFFFFFB0]  }
0x11f: {  	v10 =	vld [tilespmem:s3+$0xFFFFFFFF];
	s7 =	smul.f32 s7, s24;
	[tilespmem:s19+$0x20] =	vst v3  }
0x120: {  	(v2sf) =	vpush v7, $0x0;
	[tilespmem:s0+$0x30] =	vst v2;
	v3 =	vmul.f32 s5, v5;
	v5 =	vld [tilespmem:s18+$0x30]  }
0x121: {  	(v2sf) =	vpush v7, $0x2;
	v2 =	vld [tilespmem:s17+$0x40];
	v6 =	vmul.f32 s7, v6  }
0x122: {  	s8 =	simm.s32 $0x3E80;
	s4 =	spop (v2sf);
	(v2sf) =	vpush v4, $0x0;
	[tilespmem:s19+$0xFFFFFF90] =	vst v3;
	v3 =	vld [tilespmem:s6+$0xFFFFFF80]  }
0x123: {  	s11 =	spop (v2sf);
	[tilespmem:s8+$0x0] =	vst v6;
	v4 =	vmul.f32 s22, v8;
	v6 =	vld [tilespmem:s18+$0xFFFFFFA0]  }
0x124: {  	s11 =	smov.u32 @p0 s4;
	s25 =	spop (v2sf);
	v7 =	vld [tilespmem:s6+$0x10]  }
0x125: {  	s11 =	smul.f32 s11, s25;
	[tilespmem:s0+$0xFFFFFFB0] =	vst v4;
	v4 =	vmul.f32 s20, v5  }
0x126: {  	s1 =	sadd.s32 $0x10, s1;
	(v2sf) =	vpush v9, $0x0;
	v2 =	vmul.f32 s2, v2;
	v5 =	vld [tilespmem:s17+$0xFFFFFFC0]  }
0x127: {  	v11 =	vld [tilespmem:s1+$0xFFFFFFF8];
	(v2sf) =	vpush v9, $0x2;
	v3 =	vmul.f32 s11, v3;
	[tilespmem:s19+$0x30] =	vst v4  }
0x128: {  	s23 =	sadd.s32 $0x2, s3;
	(v2sf) =	vpush v10, $0x0;
	[tilespmem:s0+$0x40] =	vst v2;
	v4 =	vmul.f32 s5, v6;
	v6 =	vld [tilespmem:s18+$0x40]  }
0x129: {  	v13 =	vld [tilespmem:s23+$0xFFFFFFFF];
	[tilespmem:s8+$0xFFFFFF80] =	vst v3;
	v3 =	vmul.f32 s7, v7  }
0x12a: {  	s29 =	simm.s32 $0x1780;
	v2 =	vld [tilespmem:s17+$0x50];
	[tilespmem:s19+$0xFFFFFFA0] =	vst v4  }
0x12b: {  	v8 =	vld [tilespmem:s29+$0x0];
	v4 =	vmul.f32 s22, v5;
	[tilespmem:s8+$0x10] =	vst v3  }
0x12c: {  	v5 =	vld [tilespmem:s6+$0x20]  }
0x12d: {  	v9 =	vld [tilespmem:s1+$0x0];
	[tilespmem:s0+$0xFFFFFFC0] =	vst v4;
	v4 =	vmul.f32 s20, v6  }
0x12e: {  	v7 =	vld [tilespmem:s6+$0xFFFFFF90]  }
0x12f: {  	v10 =	vld [tilespmem:s23+$0x0];
	s4 =	spop (v2sf);
	v2 =	vmul.f32 s2, v2;
	[tilespmem:s19+$0x40] =	vst v4  }
0x130: {  	s16 =	spop (v2sf);
	v4 =	vld [tilespmem:s18+$0x50]  }
0x131: {  	s16 =	smov.u32 @p0 s4;
	[tilespmem:s0+$0x50] =	vst v2;
	v3 =	vld [tilespmem:s18+$0xFFFFFFB0];
	s26 =	spop (v2sf);
	v5 =	vmul.f32 s7, v5  }
0x132: {  	v2 =	vld [tilespmem:s17+$0x60];
	s16 =	smul.f32 s16, s26  }
0x133: {  	v6 =	vld [tilespmem:s17+$0xFFFFFFD0];
	v7 =	vmul.f32 s11, v7;
	[tilespmem:s8+$0x20] =	vst v5  }
0x134: {  	(v2sf) =	vpush v9, $0x0;
	v5 =	vmul.f32 s16, v8;
	v8 =	vld [tilespmem:s6+$0x30]  }
0x135: {  	s30 =	simm.s32 $0x3F80;
	(v2sf) =	vpush v9, $0x2;
	s3 =	spop (v2sf);
	[tilespmem:s8+$0xFFFFFF90] =	vst v7;
	v7 =	vld [tilespmem:s29+$0xFFFFFF80];
	v4 =	vmul.f32 s20, v4  }
0x136: {  	v3 =	vmul.f32 s5, v3;
	s4 =	spop (v2sf);
	(v2sf) =	vpush v10, $0x0;
	[tilespmem:s30+$0x0] =	vst v5;
	v5 =	vld [tilespmem:s6+$0xFFFFFFA0]  }
0x137: {  	v2 =	vmul.f32 s2, v2;
	s4 =	smov.u32 @p0 s3;
	s31 =	spop (v2sf);
	(v2sf) =	vpush v11, $0x0;
	v12 =	vld [tilespmem:s29+$0x10];
	[tilespmem:s19+$0x50] =	vst v4  }
0x138: {  	[tilespmem:s19+$0xFFFFFFB0] =	vst v3;
	v3 =	vmul.f32 s22, v6;
	s3 =	smul.f32 s4, s31;
	(v2sf) =	vpush v11, $0x2;
	v4 =	vld [tilespmem:s18+$0x60]  }
0x139: {  	[tilespmem:s0+$0x60] =	vst v2;
	(v2sf) =	vpush v13, $0x0;
	v6 =	vmul.f32 s7, v8;
	v8 =	vld [tilespmem:s18+$0xFFFFFFC0]  }
0x13a: {  	v2 =	vld [tilespmem:s17+$0x70];
	[tilespmem:s0+$0xFFFFFFD0] =	vst v3;
	v3 =	vmul.f32 s3, v7  }
0x13b: {  	v5 =	vmul.f32 s11, v5;
	[tilespmem:s8+$0x30] =	vst v6;
	v6 =	vld [tilespmem:s17+$0xFFFFFFE0]  }
0x13c: {  	[tilespmem:s30+$0xFFFFFF80] =	vst v3;
	v3 =	vmul.f32 s16, v12;
	v7 =	vld [tilespmem:s6+$0x40]  }
0x13d: {  	v63 =	vld [tilespmem:s29+$0xFFFFFF90];
	[tilespmem:s8+$0xFFFFFFA0] =	vst v5;
	v5 =	vmul.f32 s20, v4  }
0x13e: {  	[tilespmem:s30+$0x10] =	vst v3;
	v4 =	vld [tilespmem:s6+$0xFFFFFFB0];
	v3 =	vmul.f32 s5, v8  }
0x13f: {  	v8 =	vmul.f32 s2, v2;
	[tilespmem:s19+$0x60] =	vst v5;
	v5 =	vld [tilespmem:s29+$0x20]  }
0x140: {  	v9 =	vmul.f32 s22, v6;
	[tilespmem:s19+$0xFFFFFFC0] =	vst v3;
	v2 =	vld [tilespmem:s18+$0x70]  }
0x141: {  	s2 =	simm.s32 $0x1880;
	[tilespmem:s0+$0x70] =	vst v8;
	v3 =	vld [tilespmem:s18+$0xFFFFFFD0];
	v6 =	vmul.f32 s7, v7  }
0x142: {  	s28 =	simm.s32 $0x8;
	s25 =	sadd.s32 $0x10, s1;
	v8 =	vmul.f32 s3, v63;
	v7 =	vld [tilespmem:s2+$0x0];
	[tilespmem:s0+$0xFFFFFFE0] =	vst v9  }
.LBB2_8:
0x143: {  	v9 =	vld [tilespmem:s25+$0x0];
	s4 =	spop (v2sf);
	v4 =	vmul.f32 s11, v4;
	[tilespmem:s8+$0x40] =	vst v6;
	s1 =	smov.u32 s8;
	s8 =	smov.u32 s30  }
0x144: {  	s23 =	sadd.s32 $0x2, s23;
	s24 =	spop (v2sf);
	[tilespmem:s30+$0xFFFFFF90] =	vst v8;
	v5 =	vmul.f32 s16, v5;
	v6 =	vld [tilespmem:s6+$0x50]  }
0x145: {  	s28 =	sadd.s32 $0x2, s28;
	v8 =	vld [tilespmem:s23+$0x0];
	s24 =	smov.u32 @p0 s4;
	s4 =	spop (v2sf);
	[tilespmem:s1+$0xFFFFFFB0] =	vst v4;
	v2 =	vmul.f32 s20, v2  }
0x146: {  	p1 =	slt.u32 s28, $0x26;
	v4 =	vld [tilespmem:s25+$0xFFFFFFF8];
	s4 =	smul.f32 s24, s4;
	s24 =	spop (v2sf);
	[tilespmem:s30+$0x20] =	vst v5;
	v3 =	vmul.f32 s5, v3  }
0x147: {  	s20 =	smov.u32 s7;
	s7 =	smov.u32 s16;
	v5 =	vld [tilespmem:s23+$0xFFFFFFFF];
	s26 =	spop (v2sf);
	[tilespmem:s19+$0x70] =	vst v2  }
0x148: {  	(v2sf) =	vpush v9, $0x0;
	s26 =	smov.u32 @p0 s24;
	v2 =	vmul.f32 s4, v7;
	s24 =	spop (v2sf);
	v7 =	vld [tilespmem:s29+$0x30];
	[tilespmem:s19+$0xFFFFFFD0] =	vst v3;
	s16 =	smov.u32 s4  }
0x149: {  	s30 =	sadd.s32 $0x100, s30;
	(v2sf) =	vpush v9, $0x2;
	s4 =	smul.f32 s26, s24;
	v3 =	vld [tilespmem:s2+$0xFFFFFF80];
	v6 =	vmul.f32 s20, v6  }
0x14a: {  	(v2sf) =	vpush v8, $0x0;
	[tilespmem:s30+$0x0] =	vst v2;
	v2 =	vld [tilespmem:s29+$0xFFFFFFA0]  }
0x14b: {  	(v2sf) =	vpush v4, $0x0;
	v8 =	vld [tilespmem:s2+$0x10];
	[tilespmem:s1+$0x50] =	vst v6  }
0x14c: {  	(v2sf) =	vpush v4, $0x2;
	v4 =	vld [tilespmem:s6+$0x60]  }
0x14d: {  	(v2sf) =	vpush v5, $0x0;
	v5 =	vmul.f32 s7, v7;
	v6 =	vld [tilespmem:s6+$0xFFFFFFC0]  }
0x14e: {  	v3 =	vmul.f32 s4, v3;
	v7 =	vld [tilespmem:s18+$0xFFFFFFE0]  }
0x14f: {  	v2 =	vmul.f32 s3, v2;
	[tilespmem:s8+$0x30] =	vst v5;
	v9 =	vld [tilespmem:s17+$0xFFFFFFF0];
	s17 =	smov.u32 s18;
	s18 =	smov.u32 s6;
	s6 =	smov.u32 s29  }
0x150: {  	s29 =	smov.u32 s2;
	[tilespmem:s30+$0xFFFFFF80] =	vst v3;
	v3 =	vmul.f32 s16, v8;
	v8 =	vld [tilespmem:s6+$0x40]  }
0x151: {  	v10 =	vld [tilespmem:s2+$0xFFFFFF90];
	[tilespmem:s8+$0xFFFFFFA0] =	vst v2;
	v2 =	vmul.f32 s20, v4  }
.Ltmp2:
0x152: {  	[tilespmem:s30+$0x10] =	vst v3;
	v4 =	vld [tilespmem:s6+$0xFFFFFFB0];
	v3 =	vmul.f32 s11, v6;
	(pc) =	sbr.rel @p1 .LBB2_8-.Ltmp2, $4  }
0x153: {  	v5 =	vld [tilespmem:s2+$0x20];
	[tilespmem:s1+$0x60] =	vst v2;
	v7 =	vmul.f32 s5, v7  }
0x154: {  	[tilespmem:s1+$0xFFFFFFC0] =	vst v3;
	v2 =	vld [tilespmem:s18+$0x70];
	v9 =	vmul.f32 s22, v9;
	s22 =	smov.u32 s5;
	s5 =	smov.u32 s11;
	s11 =	smov.u32 s3  }
0x155: {  	s2 =	sadd.s32 $0x100, s2;
	s3 =	smov.u32 s4;
	v6 =	vmul.f32 s7, v8;
	v3 =	vld [tilespmem:s18+$0xFFFFFFD0];
	[tilespmem:s19+$0xFFFFFFE0] =	vst v7  }
0x156: {  	s25 =	sadd.s32 $0x10, s25;
	v7 =	vld [tilespmem:s2+$0x0];
	v8 =	vmul.f32 s3, v10;
	[tilespmem:s0+$0xFFFFFFF0] =	vst v9;
	s0 =	smov.u32 s19;
	s19 =	smov.u32 s1  }
0x157: {  	s1 =	spop (v2sf)  }
0x158: {  	s4 =	spop (v2sf)  }
0x159: {  	s23 =	spop (v2sf)  }
0x15a: {  	v9 =	vld [tilespmem:s2+$0xFFFFFF80];
	s4 =	smov.u32 @p0 s1;
	s1 =	spop (v2sf)  }
0x15b: {  	s23 =	smul.f32 s4, s23;
	s4 =	spop (v2sf)  }
0x15c: {  	s4 =	smov.u32 @p0 s1;
	s28 =	spop (v2sf)  }
0x15d: {  	s28 =	smul.f32 s4, s28  }
0x15e: {  	v7 =	vmul.f32 s23, v7  }
0x15f: {  	s31 =	sadd.s32 $0x100, s30;
	v9 =	vmul.f32 s28, v9  }
0x160: {  	[tilespmem:s31+$0x0] =	vst v7  }
0x161: {  	v7 =	vld [tilespmem:s2+$0x10];
	[tilespmem:s31+$0xFFFFFF80] =	vst v9  }
0x162: {  	v9 =	vld [tilespmem:s2+$0xFFFFFF90];
	_ =	sdelay $0x3  }
0x163: {  	[tilespmem:s30+$0xFFFFFF90] =	vst v8;
	v7 =	vmul.f32 s23, v7  }
0x164: {  	v34 =	vld [tilespmem:s29+$0xFFFFFFA0];
	v33 =	vmul.f32 s28, v9  }
0x165: {  	[tilespmem:s31+$0x10] =	vst v7  }
0x166: {  	v7 =	vld [tilespmem:s2+$0x20];
	[tilespmem:s31+$0xFFFFFF90] =	vst v33  }
0x167: {  	v8 =	vld [tilespmem:s2+$0xFFFFFFA0]  }
0x168: {  	v5 =	vmul.f32 s16, v5  }
0x169: {  	v9 =	vmul.f32 s3, v34  }
0x16a: {  	[tilespmem:s30+$0x20] =	vst v5  }
0x16b: {  	v36 =	vld [tilespmem:s29+$0x30];
	[tilespmem:s30+$0xFFFFFFA0] =	vst v9;
	v35 =	vmul.f32 s23, v7  }
0x16c: {  	v9 =	vld [tilespmem:s29+$0xFFFFFFB0];
	v8 =	vmul.f32 s28, v8  }
0x16d: {  	[tilespmem:s31+$0x20] =	vst v35  }
0x16e: {  	v4 =	vmul.f32 s11, v4;
	v5 =	vld [tilespmem:s2+$0x30];
	[tilespmem:s31+$0xFFFFFFA0] =	vst v8  }
0x16f: {  	v8 =	vld [tilespmem:s2+$0xFFFFFFB0]  }
0x170: {  	[tilespmem:s8+$0xFFFFFFB0] =	vst v4;
	v7 =	vmul.f32 s16, v36  }
0x171: {  	v38 =	vld [tilespmem:s6+$0xFFFFFFC0];
	v37 =	vmul.f32 s3, v9  }
0x172: {  	[tilespmem:s30+$0x30] =	vst v7  }
0x173: {  	v7 =	vld [tilespmem:s29+$0x40];
	[tilespmem:s30+$0xFFFFFFB0] =	vst v37;
	v5 =	vmul.f32 s23, v5  }
0x174: {  	v40 =	vld [tilespmem:s29+$0xFFFFFFC0];
	v39 =	vmul.f32 s28, v8  }
0x175: {  	[tilespmem:s31+$0x30] =	vst v5  }
0x176: {  	v9 =	vmul.f32 s11, v38;
	v5 =	vld [tilespmem:s2+$0x40];
	[tilespmem:s31+$0xFFFFFFB0] =	vst v39  }
0x177: {  	[tilespmem:s8+$0x40] =	vst v6;
	v4 =	vld [tilespmem:s2+$0xFFFFFFC0]  }
0x178: {  	v42 =	vld [tilespmem:s6+$0x50];
	[tilespmem:s8+$0xFFFFFFC0] =	vst v9;
	v41 =	vmul.f32 s16, v7  }
0x179: {  	v9 =	vld [tilespmem:s6+$0xFFFFFFD0];
	v8 =	vmul.f32 s3, v40  }
0x17a: {  	v3 =	vmul.f32 s5, v3;
	[tilespmem:s30+$0x40] =	vst v41  }
0x17b: {  	v6 =	vld [tilespmem:s29+$0x50];
	[tilespmem:s30+$0xFFFFFFC0] =	vst v8;
	v5 =	vmul.f32 s23, v5  }
0x17c: {  	[tilespmem:s19+$0xFFFFFFD0] =	vst v3;
	v8 =	vld [tilespmem:s29+$0xFFFFFFD0];
	v4 =	vmul.f32 s28, v4  }
0x17d: {  	v43 =	vmul.f32 s7, v42;
	[tilespmem:s31+$0x40] =	vst v5  }
0x17e: {  	v3 =	vmul.f32 s11, v9;
	v5 =	vld [tilespmem:s2+$0x50];
	[tilespmem:s31+$0xFFFFFFC0] =	vst v4  }
0x17f: {  	[tilespmem:s8+$0x50] =	vst v43;
	v44 =	vld [tilespmem:s2+$0xFFFFFFD0]  }
0x180: {  	[tilespmem:s8+$0xFFFFFFD0] =	vst v3;
	v3 =	vld [tilespmem:s6+$0x60];
	v6 =	vmul.f32 s16, v6  }
0x181: {  	v46 =	vld [tilespmem:s6+$0xFFFFFFE0];
	v8 =	vmul.f32 s3, v8  }
0x182: {  	v45 =	vld [tilespmem:s18+$0xFFFFFFE0];
	[tilespmem:s30+$0x50] =	vst v6  }
0x183: {  	v47 =	vld [tilespmem:s29+$0x60];
	[tilespmem:s30+$0xFFFFFFD0] =	vst v8;
	v5 =	vmul.f32 s23, v5  }
0x184: {  	v49 =	vld [tilespmem:s29+$0xFFFFFFE0];
	v7 =	vmul.f32 s28, v44  }
0x185: {  	v3 =	vmul.f32 s7, v3;
	[tilespmem:s31+$0x50] =	vst v5  }
0x186: {  	v52 =	vmul.f32 s11, v46;
	v50 =	vld [tilespmem:s2+$0x60];
	[tilespmem:s31+$0xFFFFFFD0] =	vst v7  }
0x187: {  	[tilespmem:s8+$0x60] =	vst v3;
	v4 =	vmul.f32 s5, v45;
	v51 =	vld [tilespmem:s2+$0xFFFFFFE0]  }
0x188: {  	v10 =	vld [tilespmem:s17+$0xFFFFFFF0];
	[tilespmem:s8+$0xFFFFFFE0] =	vst v52;
	v3 =	vmul.f32 s16, v47  }
0x189: {  	v54 =	vld [tilespmem:s6+$0x70];
	[tilespmem:s19+$0xFFFFFFE0] =	vst v4;
	v55 =	vmul.f32 s3, v49  }
0x18a: {  	v2 =	vmul.f32 s20, v2;
	v56 =	vld [tilespmem:s6+$0xFFFFFFF0];
	[tilespmem:s30+$0x60] =	vst v3  }
0x18b: {  	v53 =	vld [tilespmem:s18+$0xFFFFFFF0];
	[tilespmem:s30+$0xFFFFFFE0] =	vst v55;
	v3 =	vmul.f32 s23, v50  }
0x18c: {  	[tilespmem:s19+$0x70] =	vst v2;
	v59 =	vld [tilespmem:s29+$0xFFFFFFF0];
	v58 =	vmul.f32 s28, v51  }
0x18d: {  	v48 =	vmul.f32 s22, v10;
	v57 =	vld [tilespmem:s29+$0x70];
	[tilespmem:s31+$0x60] =	vst v3  }
0x18e: {  	v61 =	vmul.f32 s7, v54;
	v60 =	vld [tilespmem:s2+$0x70];
	[tilespmem:s31+$0xFFFFFFE0] =	vst v58  }
0x18f: {  	[tilespmem:s0+$0xFFFFFFF0] =	vst v48;
	v2 =	vmul.f32 s11, v56;
	v62 =	vld [tilespmem:s2+$0xFFFFFFF0]  }
0x190: {  	[tilespmem:s8+$0x70] =	vst v61;
	v3 =	vmul.f32 s5, v53  }
0x191: {  	s12 =	sadd.s32 $0x1, s12;
	[tilespmem:s8+$0xFFFFFFF0] =	vst v2;
	v2 =	vmul.f32 s3, v59  }
0x192: {  	p1 =	sne.s32 s12, $0xC;
	[tilespmem:s19+$0xFFFFFFF0] =	vst v3;
	v3 =	vmul.f32 s16, v57  }
.Ltmp3:
0x193: {  	[tilespmem:s30+$0xFFFFFFF0] =	vst v2;
	v63 =	vmul.f32 s23, v60;
	(pc) =	sbr.rel @p1 .LBB2_5-.Ltmp3, $4  }
0x194: {  	s13 =	sadd.s32 $0x280, s13;
	[tilespmem:s30+$0x70] =	vst v3;
	v2 =	vmul.f32 s28, v62  }
0x195: {  	s14 =	sadd.s32 $0x50, s14;
	s9 =	sadd.s32 $0x280, s9;
	s10 =	sadd.s32 $0x50, s10;
	[tilespmem:s31+$0x70] =	vst v63  }
0x196: {  	s29 =	sadd.s32 $0x5400, s15;
	s30 =	rddreg [dreg:$0x2];
	[tilespmem:s31+$0xFFFFFFF0] =	vst v2;
	s31 =	simm.s32 $0x3C00  }
0x197: {  	[spmem:s30] =	stream.indirect.scatter.add.f32 [tilespmem:s31], [sflag:$0x4], $0x80, s29, s21, $0xb8;
	[tilespmem:$0x1BF80] =	vst v63  }
0x198: {  	s0 =	simm.s32 $0x1  }
0x199: {  	_ =	swait.ge [sflag:s0], $0x1400  }
0x19a: {  	[sflag:s0] =	ssyncset.done $0x0  }
0x19b: {  	s24 =	simm.s32 $0x3;
	[sflag:s0] =	ssyncadd.s32 $0xFFFFEC00  }
0x19c: {  	_ =	swait.ge [sflag:s24], $0x1400  }
0x19d: {  	[sflag:s24] =	ssyncset.done $0x0  }
0x19e: {  	s15 =	simm.s32 $0x7E08;
	[sflag:s24] =	ssyncadd.s32 $0xFFFFEC00  }
0x19f: {  	v2 =	vld [tilespmem:s15+$0x0]  }
0x1a0: {  	s1 =	simm.s32 $0x5FC1  }
0x1a1: {  	v3 =	vld [tilespmem:s1+$0x0];
	_ =	sdelay $0x2  }
0x1a2: {  	(v2sf) =	vpush v2, $0x0  }
0x1a3: {  	(v2sf) =	vpush v2, $0x2  }
0x1a4: {  	(v2sf) =	vpush v3, $0x0;
	_ =	sdelay $0x7  }
0x1a5: {  	v2 =	vld [tilespmem:s15+$0xFFFFFFF8];
	_ =	sdelay $0x1  }
0x1a6: {  	s16 =	simm.s32 $0x7E18;
	v3 =	vld [tilespmem:s1+$0xFFFFFFFF]  }
0x1a7: {  	v5 =	vld [tilespmem:s16+$0x0]  }
0x1a8: {  	s3 =	simm.s32 $0x5FC3  }
0x1a9: {  	v6 =	vld [tilespmem:s3+$0x0];
	s0 =	spop (v2sf);
	(v2sf) =	vpush v2, $0x0  }
0x1aa: {  	s2 =	spop (v2sf);
	(v2sf) =	vpush v2, $0x2  }
0x1ab: {  	s17 =	spop (v2sf);
	(v2sf) =	vpush v3, $0x0  }
0x1ac: {  	(v2sf) =	vpush v5, $0x0  }
0x1ad: {  	(v2sf) =	vpush v5, $0x2  }
0x1ae: {  	s9 =	simm.s32 $0x80;
	(v2sf) =	vpush v6, $0x0  }
0x1af: {  	v4 =	vld [tilespmem:s9+$0x0];
	_ =	sdelay $0x1  }
0x1b0: {  	s2 =	smov.u32 @p0 s0  }
0x1b1: {  	v3 =	vld [tilespmem:s16+$0xFFFFFFF8];
	s2 =	smul.f32 s2, s17;
	_ =	sdelay $0x1  }
0x1b2: {  	v2 =	vmul.f32 s2, v4;
	v4 =	vld [tilespmem:s3+$0xFFFFFFFF];
	_ =	sdelay $0x2  }
0x1b3: {  	(v2sf) =	vpush v3, $0x0  }
0x1b4: {  	(v2sf) =	vpush v3, $0x2;
	s1 =	spop (v2sf)  }
0x1b5: {  	s12 =	simm.s32 $0x180;
	s18 =	simm.s32 $0x7E28;
	v3 =	vld [tilespmem:s9+$0xFFFFFF80];
	(v2sf) =	vpush v4, $0x0;
	s3 =	spop (v2sf)  }
0x1b6: {  	s0 =	simm.s32 $0x2880;
	v5 =	vld [tilespmem:s18+$0x0];
	s4 =	spop (v2sf);
	s3 =	smov.u32 @p0 s1  }
0x1b7: {  	[tilespmem:s0+$0x0] =	vst v2;
	v4 =	vld [tilespmem:s12+$0x0];
	s10 =	smul.f32 s3, s4;
	s3 =	spop (v2sf)  }
0x1b8: {  	s19 =	simm.s32 $0x5FC5;
	v2 =	vld [tilespmem:s9+$0x10];
	s5 =	spop (v2sf)  }
0x1b9: {  	v6 =	vld [tilespmem:s19+$0x0];
	s5 =	smov.u32 @p0 s3;
	s20 =	spop (v2sf)  }
0x1ba: {  	v3 =	vmul.f32 s10, v3;
	s6 =	smul.f32 s5, s20;
	_ =	sdelay $0x1  }
0x1bb: {  	v7 =	vld [tilespmem:s18+$0xFFFFFFF8];
	(v2sf) =	vpush v5, $0x0;
	[tilespmem:s0+$0xFFFFFF80] =	vst v3;
	v4 =	vmul.f32 s6, v4  }
0x1bc: {  	s13 =	simm.s32 $0x2980;
	v2 =	vmul.f32 s2, v2;
	(v2sf) =	vpush v5, $0x2;
	v3 =	vld [tilespmem:s9+$0xFFFFFF90]  }
0x1bd: {  	v5 =	vld [tilespmem:s19+$0xFFFFFFFF];
	(v2sf) =	vpush v6, $0x0;
	[tilespmem:s13+$0x0] =	vst v4  }
0x1be: {  	[tilespmem:s0+$0x10] =	vst v2;
	v4 =	vld [tilespmem:s12+$0x10]  }
0x1bf: {  	v2 =	vld [tilespmem:s9+$0x20];
	_ =	sdelay $0x1  }
0x1c0: {  	v6 =	vld [tilespmem:s12+$0xFFFFFF80];
	(v2sf) =	vpush v7, $0x0;
	s1 =	spop (v2sf);
	v3 =	vmul.f32 s10, v3  }
0x1c1: {  	(v2sf) =	vpush v7, $0x2;
	s3 =	spop (v2sf)  }
0x1c2: {  	(v2sf) =	vpush v5, $0x0;
	s3 =	smov.u32 @p0 s1;
	s22 =	spop (v2sf);
	[tilespmem:s0+$0xFFFFFF90] =	vst v3;
	v3 =	vmul.f32 s6, v4  }
0x1c3: {  	s23 =	simm.s32 $0x7E38;
	v2 =	vmul.f32 s2, v2;
	s5 =	smul.f32 s3, s22;
	v4 =	vld [tilespmem:s9+$0xFFFFFFA0]  }
0x1c4: {  	v9 =	vld [tilespmem:s23+$0xFFFFFFF8];
	[tilespmem:s13+$0x10] =	vst v3  }
0x1c5: {  	[tilespmem:s0+$0x20] =	vst v2;
	v5 =	vmul.f32 s5, v6;
	v3 =	vld [tilespmem:s12+$0x20]  }
0x1c6: {  	v2 =	vld [tilespmem:s9+$0x30]  }
0x1c7: {  	v7 =	vld [tilespmem:s23+$0x0];
	[tilespmem:s13+$0xFFFFFF80] =	vst v5  }
0x1c8: {  	s7 =	simm.s32 $0x280;
	v5 =	vld [tilespmem:s12+$0xFFFFFF90];
	v4 =	vmul.f32 s10, v4  }
0x1c9: {  	s25 =	simm.s32 $0x5FC7;
	v6 =	vld [tilespmem:s7+$0x0];
	s3 =	spop (v2sf)  }
0x1ca: {  	s8 =	spop (v2sf);
	[tilespmem:s0+$0xFFFFFFA0] =	vst v4;
	v4 =	vld [tilespmem:s25+$0x0];
	v3 =	vmul.f32 s6, v3  }
0x1cb: {  	v2 =	vmul.f32 s2, v2;
	s8 =	smov.u32 @p0 s3;
	s26 =	spop (v2sf);
	v8 =	vld [tilespmem:s9+$0xFFFFFFB0]  }
0x1cc: {  	v10 =	vld [tilespmem:s25+$0xFFFFFFFF];
	s11 =	smul.f32 s8, s26;
	[tilespmem:s13+$0x20] =	vst v3  }
0x1cd: {  	(v2sf) =	vpush v7, $0x0;
	[tilespmem:s0+$0x30] =	vst v2;
	v3 =	vmul.f32 s5, v5;
	v5 =	vld [tilespmem:s12+$0x30]  }
0x1ce: {  	(v2sf) =	vpush v7, $0x2;
	v2 =	vld [tilespmem:s9+$0x40];
	v6 =	vmul.f32 s11, v6  }
0x1cf: {  	s1 =	spop (v2sf);
	s8 =	simm.s32 $0x2A80;
	[tilespmem:s13+$0xFFFFFF90] =	vst v3;
	v3 =	vld [tilespmem:s7+$0xFFFFFF80];
	(v2sf) =	vpush v4, $0x0  }
0x1d0: {  	s3 =	spop (v2sf);
	[tilespmem:s8+$0x0] =	vst v6;
	v4 =	vmul.f32 s10, v8;
	v6 =	vld [tilespmem:s12+$0xFFFFFFA0]  }
0x1d1: {  	s3 =	smov.u32 @p0 s1;
	s28 =	spop (v2sf);
	v7 =	vld [tilespmem:s7+$0x10]  }
0x1d2: {  	s14 =	smul.f32 s3, s28;
	[tilespmem:s0+$0xFFFFFFB0] =	vst v4;
	v4 =	vmul.f32 s6, v5  }
0x1d3: {  	s29 =	simm.s32 $0x7E48;
	v2 =	vmul.f32 s2, v2;
	(v2sf) =	vpush v9, $0x0;
	v5 =	vld [tilespmem:s9+$0xFFFFFFC0]  }
0x1d4: {  	v11 =	vld [tilespmem:s29+$0xFFFFFFF8];
	(v2sf) =	vpush v9, $0x2;
	v3 =	vmul.f32 s14, v3;
	[tilespmem:s13+$0x30] =	vst v4  }
0x1d5: {  	s18 =	simm.s32 $0x5FC9;
	[tilespmem:s0+$0x40] =	vst v2;
	(v2sf) =	vpush v10, $0x0;
	v4 =	vmul.f32 s5, v6;
	v6 =	vld [tilespmem:s12+$0x40]  }
0x1d6: {  	v13 =	vld [tilespmem:s18+$0xFFFFFFFF];
	[tilespmem:s8+$0xFFFFFF80] =	vst v3;
	v3 =	vmul.f32 s11, v7  }
0x1d7: {  	s15 =	simm.s32 $0x380;
	v2 =	vld [tilespmem:s9+$0x50];
	[tilespmem:s13+$0xFFFFFFA0] =	vst v4  }
0x1d8: {  	v8 =	vld [tilespmem:s15+$0x0];
	[tilespmem:s8+$0x10] =	vst v3;
	v4 =	vmul.f32 s10, v5  }
0x1d9: {  	v5 =	vld [tilespmem:s7+$0x20]  }
0x1da: {  	v9 =	vld [tilespmem:s29+$0x0];
	[tilespmem:s0+$0xFFFFFFC0] =	vst v4;
	v4 =	vmul.f32 s6, v6  }
0x1db: {  	v7 =	vld [tilespmem:s7+$0xFFFFFF90]  }
0x1dc: {  	v2 =	vmul.f32 s2, v2;
	s1 =	spop (v2sf);
	v10 =	vld [tilespmem:s18+$0x0];
	[tilespmem:s13+$0x40] =	vst v4  }
0x1dd: {  	s4 =	spop (v2sf);
	v4 =	vld [tilespmem:s12+$0x50]  }
0x1de: {  	[tilespmem:s0+$0x50] =	vst v2;
	s4 =	smov.u32 @p0 s1;
	v3 =	vld [tilespmem:s12+$0xFFFFFFB0];
	v5 =	vmul.f32 s11, v5;
	s30 =	spop (v2sf)  }
0x1df: {  	v2 =	vld [tilespmem:s9+$0x60];
	s16 =	smul.f32 s4, s30  }
0x1e0: {  	v6 =	vld [tilespmem:s9+$0xFFFFFFD0];
	v7 =	vmul.f32 s14, v7;
	[tilespmem:s8+$0x20] =	vst v5  }
0x1e1: {  	(v2sf) =	vpush v9, $0x0;
	v5 =	vmul.f32 s16, v8;
	v8 =	vld [tilespmem:s7+$0x30]  }
0x1e2: {  	s17 =	simm.s32 $0x2B80;
	[tilespmem:s8+$0xFFFFFF90] =	vst v7;
	v7 =	vld [tilespmem:s15+$0xFFFFFF80];
	(v2sf) =	vpush v9, $0x2;
	s1 =	spop (v2sf);
	v4 =	vmul.f32 s6, v4  }
0x1e3: {  	v3 =	vmul.f32 s5, v3;
	s3 =	spop (v2sf);
	(v2sf) =	vpush v10, $0x0;
	[tilespmem:s17+$0x0] =	vst v5;
	v5 =	vld [tilespmem:s7+$0xFFFFFFA0]  }
0x1e4: {  	v2 =	vmul.f32 s2, v2;
	s3 =	smov.u32 @p0 s1;
	s31 =	spop (v2sf);
	(v2sf) =	vpush v11, $0x0;
	v12 =	vld [tilespmem:s15+$0x10];
	[tilespmem:s13+$0x50] =	vst v4  }
0x1e5: {  	[tilespmem:s13+$0xFFFFFFB0] =	vst v3;
	v3 =	vmul.f32 s10, v6;
	s3 =	smul.f32 s3, s31;
	(v2sf) =	vpush v11, $0x2;
	v4 =	vld [tilespmem:s12+$0x60]  }
0x1e6: {  	[tilespmem:s0+$0x60] =	vst v2;
	(v2sf) =	vpush v13, $0x0;
	v6 =	vmul.f32 s11, v8;
	v8 =	vld [tilespmem:s12+$0xFFFFFFC0]  }
0x1e7: {  	v2 =	vld [tilespmem:s9+$0x70];
	[tilespmem:s0+$0xFFFFFFD0] =	vst v3;
	v3 =	vmul.f32 s3, v7  }
0x1e8: {  	[tilespmem:s8+$0x30] =	vst v6;
	v6 =	vld [tilespmem:s9+$0xFFFFFFE0];
	v5 =	vmul.f32 s14, v5  }
0x1e9: {  	[tilespmem:s17+$0xFFFFFF80] =	vst v3;
	v3 =	vmul.f32 s16, v12;
	v7 =	vld [tilespmem:s7+$0x40]  }
0x1ea: {  	v63 =	vld [tilespmem:s15+$0xFFFFFF90];
	[tilespmem:s8+$0xFFFFFFA0] =	vst v5;
	v5 =	vmul.f32 s6, v4  }
0x1eb: {  	[tilespmem:s17+$0x10] =	vst v3;
	v4 =	vld [tilespmem:s7+$0xFFFFFFB0];
	v3 =	vmul.f32 s5, v8  }
0x1ec: {  	v8 =	vmul.f32 s2, v2;
	[tilespmem:s13+$0x60] =	vst v5;
	v5 =	vld [tilespmem:s15+$0x20]  }
0x1ed: {  	v9 =	vmul.f32 s10, v6;
	[tilespmem:s13+$0xFFFFFFC0] =	vst v3;
	v2 =	vld [tilespmem:s12+$0x70]  }
0x1ee: {  	s2 =	simm.s32 $0x480;
	[tilespmem:s0+$0x70] =	vst v8;
	v3 =	vld [tilespmem:s12+$0xFFFFFFD0];
	v6 =	vmul.f32 s11, v7  }
0x1ef: {  	s19 =	simm.s32 $0x8;
	s20 =	simm.s32 $0x7E58;
	v8 =	vmul.f32 s3, v63;
	v7 =	vld [tilespmem:s2+$0x0];
	[tilespmem:s0+$0xFFFFFFE0] =	vst v9  }
.LBB2_11:
0x1f0: {  	v9 =	vld [tilespmem:s20+$0x0];
	s4 =	spop (v2sf);
	v4 =	vmul.f32 s14, v4;
	[tilespmem:s8+$0x40] =	vst v6;
	s1 =	smov.u32 s8;
	s8 =	smov.u32 s17  }
0x1f1: {  	s18 =	sadd.s32 $0x2, s18;
	s22 =	spop (v2sf);
	[tilespmem:s17+$0xFFFFFF90] =	vst v8;
	v5 =	vmul.f32 s16, v5;
	v6 =	vld [tilespmem:s7+$0x50]  }
0x1f2: {  	s19 =	sadd.s32 $0x2, s19;
	v8 =	vld [tilespmem:s18+$0x0];
	s22 =	smov.u32 @p0 s4;
	s4 =	spop (v2sf);
	[tilespmem:s1+$0xFFFFFFB0] =	vst v4;
	v2 =	vmul.f32 s6, v2  }
0x1f3: {  	p1 =	slt.u32 s19, $0x26;
	v4 =	vld [tilespmem:s20+$0xFFFFFFF8];
	s4 =	smul.f32 s22, s4;
	s22 =	spop (v2sf);
	[tilespmem:s17+$0x20] =	vst v5;
	v3 =	vmul.f32 s5, v3  }
0x1f4: {  	s6 =	smov.u32 s11;
	s11 =	smov.u32 s16;
	v5 =	vld [tilespmem:s18+$0xFFFFFFFF];
	s23 =	spop (v2sf);
	[tilespmem:s13+$0x70] =	vst v2  }
0x1f5: {  	(v2sf) =	vpush v9, $0x0;
	s23 =	smov.u32 @p0 s22;
	v2 =	vmul.f32 s4, v7;
	s22 =	spop (v2sf);
	v7 =	vld [tilespmem:s15+$0x30];
	[tilespmem:s13+$0xFFFFFFD0] =	vst v3;
	s16 =	smov.u32 s4  }
0x1f6: {  	s17 =	sadd.s32 $0x100, s17;
	(v2sf) =	vpush v9, $0x2;
	s4 =	smul.f32 s23, s22;
	v3 =	vld [tilespmem:s2+$0xFFFFFF80];
	v6 =	vmul.f32 s6, v6  }
0x1f7: {  	(v2sf) =	vpush v8, $0x0;
	[tilespmem:s17+$0x0] =	vst v2;
	v2 =	vld [tilespmem:s15+$0xFFFFFFA0]  }
0x1f8: {  	(v2sf) =	vpush v4, $0x0;
	v8 =	vld [tilespmem:s2+$0x10];
	[tilespmem:s1+$0x50] =	vst v6  }
0x1f9: {  	(v2sf) =	vpush v4, $0x2;
	v4 =	vld [tilespmem:s7+$0x60]  }
0x1fa: {  	(v2sf) =	vpush v5, $0x0;
	v5 =	vmul.f32 s11, v7;
	v6 =	vld [tilespmem:s7+$0xFFFFFFC0]  }
0x1fb: {  	v3 =	vmul.f32 s4, v3;
	v7 =	vld [tilespmem:s12+$0xFFFFFFE0]  }
0x1fc: {  	v2 =	vmul.f32 s3, v2;
	[tilespmem:s8+$0x30] =	vst v5;
	v9 =	vld [tilespmem:s9+$0xFFFFFFF0];
	s9 =	smov.u32 s12;
	s12 =	smov.u32 s7;
	s7 =	smov.u32 s15  }
0x1fd: {  	s15 =	smov.u32 s2;
	[tilespmem:s17+$0xFFFFFF80] =	vst v3;
	v3 =	vmul.f32 s16, v8;
	v8 =	vld [tilespmem:s7+$0x40]  }
0x1fe: {  	v10 =	vld [tilespmem:s2+$0xFFFFFF90];
	[tilespmem:s8+$0xFFFFFFA0] =	vst v2;
	v2 =	vmul.f32 s6, v4  }
.Ltmp4:
0x1ff: {  	[tilespmem:s17+$0x10] =	vst v3;
	v4 =	vld [tilespmem:s7+$0xFFFFFFB0];
	v3 =	vmul.f32 s14, v6;
	(pc) =	sbr.rel @p1 .LBB2_11-.Ltmp4, $4  }
0x200: {  	v5 =	vld [tilespmem:s2+$0x20];
	[tilespmem:s1+$0x60] =	vst v2;
	v7 =	vmul.f32 s5, v7  }
0x201: {  	[tilespmem:s1+$0xFFFFFFC0] =	vst v3;
	v2 =	vld [tilespmem:s12+$0x70];
	v9 =	vmul.f32 s10, v9;
	s10 =	smov.u32 s5;
	s5 =	smov.u32 s14;
	s14 =	smov.u32 s3  }
0x202: {  	s2 =	sadd.s32 $0x100, s2;
	s3 =	smov.u32 s4;
	v6 =	vmul.f32 s11, v8;
	v3 =	vld [tilespmem:s12+$0xFFFFFFD0];
	[tilespmem:s13+$0xFFFFFFE0] =	vst v7  }
0x203: {  	s20 =	sadd.s32 $0x10, s20;
	v7 =	vld [tilespmem:s2+$0x0];
	v8 =	vmul.f32 s3, v10;
	[tilespmem:s0+$0xFFFFFFF0] =	vst v9;
	s0 =	smov.u32 s13;
	s13 =	smov.u32 s1  }
0x204: {  	s1 =	spop (v2sf)  }
0x205: {  	s4 =	spop (v2sf)  }
0x206: {  	s18 =	spop (v2sf)  }
0x207: {  	v9 =	vld [tilespmem:s2+$0xFFFFFF80];
	s4 =	smov.u32 @p0 s1;
	s1 =	spop (v2sf)  }
0x208: {  	s18 =	smul.f32 s4, s18;
	s4 =	spop (v2sf)  }
0x209: {  	s4 =	smov.u32 @p0 s1;
	s25 =	spop (v2sf)  }
0x20a: {  	v7 =	vmul.f32 s18, v7;
	s20 =	smul.f32 s4, s25  }
0x20b: {  	s19 =	sadd.s32 $0x100, s17  }
0x20c: {  	[tilespmem:s19+$0x0] =	vst v7;
	v35 =	vmul.f32 s20, v9  }
0x20d: {  	v36 =	vld [tilespmem:s2+$0x10]  }
0x20e: {  	[tilespmem:s19+$0xFFFFFF80] =	vst v35  }
0x20f: {  	v7 =	vld [tilespmem:s2+$0xFFFFFF90];
	_ =	sdelay $0x2  }
0x210: {  	v9 =	vmul.f32 s18, v36;
	_ =	sdelay $0x1  }
0x211: {  	[tilespmem:s19+$0x10] =	vst v9;
	v7 =	vmul.f32 s20, v7  }
0x212: {  	[tilespmem:s17+$0xFFFFFF90] =	vst v8;
	v37 =	vld [tilespmem:s2+$0x20]  }
0x213: {  	v38 =	vld [tilespmem:s15+$0xFFFFFFA0];
	[tilespmem:s19+$0xFFFFFF90] =	vst v7  }
0x214: {  	v7 =	vld [tilespmem:s2+$0xFFFFFFA0]  }
0x215: {  	v5 =	vmul.f32 s16, v5;
	_ =	sdelay $0x1  }
0x216: {  	[tilespmem:s17+$0x20] =	vst v5;
	v39 =	vmul.f32 s18, v37  }
0x217: {  	v40 =	vld [tilespmem:s15+$0x30];
	v9 =	vmul.f32 s3, v38  }
0x218: {  	[tilespmem:s19+$0x20] =	vst v39;
	v41 =	vmul.f32 s20, v7  }
0x219: {  	[tilespmem:s17+$0xFFFFFFA0] =	vst v9;
	v42 =	vld [tilespmem:s2+$0x30]  }
0x21a: {  	v9 =	vld [tilespmem:s15+$0xFFFFFFB0];
	[tilespmem:s19+$0xFFFFFFA0] =	vst v41  }
0x21b: {  	v5 =	vld [tilespmem:s2+$0xFFFFFFB0]  }
0x21c: {  	v8 =	vmul.f32 s16, v40  }
0x21d: {  	v4 =	vmul.f32 s14, v4  }
0x21e: {  	[tilespmem:s17+$0x30] =	vst v8;
	v7 =	vmul.f32 s18, v42  }
0x21f: {  	[tilespmem:s8+$0xFFFFFFB0] =	vst v4;
	v43 =	vld [tilespmem:s15+$0x40];
	v44 =	vmul.f32 s3, v9  }
0x220: {  	v45 =	vld [tilespmem:s7+$0xFFFFFFC0];
	[tilespmem:s19+$0x30] =	vst v7;
	v5 =	vmul.f32 s20, v5  }
0x221: {  	[tilespmem:s17+$0xFFFFFFB0] =	vst v44;
	v7 =	vld [tilespmem:s2+$0x40]  }
0x222: {  	v8 =	vld [tilespmem:s15+$0xFFFFFFC0];
	[tilespmem:s19+$0xFFFFFFB0] =	vst v5  }
0x223: {  	v5 =	vld [tilespmem:s2+$0xFFFFFFC0]  }
0x224: {  	[tilespmem:s8+$0x40] =	vst v6;
	v4 =	vmul.f32 s16, v43  }
0x225: {  	v6 =	vld [tilespmem:s7+$0x50];
	v9 =	vmul.f32 s14, v45  }
0x226: {  	[tilespmem:s17+$0x40] =	vst v4;
	v46 =	vmul.f32 s18, v7  }
0x227: {  	v47 =	vld [tilespmem:s15+$0x50];
	[tilespmem:s8+$0xFFFFFFC0] =	vst v9;
	v8 =	vmul.f32 s3, v8  }
0x228: {  	v9 =	vld [tilespmem:s7+$0xFFFFFFD0];
	[tilespmem:s19+$0x40] =	vst v46;
	v48 =	vmul.f32 s20, v5  }
0x229: {  	[tilespmem:s17+$0xFFFFFFC0] =	vst v8;
	v49 =	vld [tilespmem:s2+$0x50]  }
0x22a: {  	v6 =	vmul.f32 s11, v6;
	v8 =	vld [tilespmem:s15+$0xFFFFFFD0];
	[tilespmem:s19+$0xFFFFFFC0] =	vst v48  }
0x22b: {  	v3 =	vmul.f32 s5, v3;
	v4 =	vld [tilespmem:s2+$0xFFFFFFD0]  }
0x22c: {  	[tilespmem:s8+$0x50] =	vst v6;
	v50 =	vmul.f32 s16, v47  }
0x22d: {  	[tilespmem:s13+$0xFFFFFFD0] =	vst v3;
	v3 =	vld [tilespmem:s7+$0x60];
	v51 =	vmul.f32 s14, v9  }
0x22e: {  	v52 =	vld [tilespmem:s12+$0xFFFFFFE0];
	[tilespmem:s17+$0x50] =	vst v50;
	v5 =	vmul.f32 s18, v49  }
0x22f: {  	v6 =	vld [tilespmem:s15+$0x60];
	[tilespmem:s8+$0xFFFFFFD0] =	vst v51;
	v53 =	vmul.f32 s3, v8  }
0x230: {  	v54 =	vld [tilespmem:s7+$0xFFFFFFE0];
	[tilespmem:s19+$0x50] =	vst v5;
	v4 =	vmul.f32 s20, v4  }
0x231: {  	v2 =	vmul.f32 s6, v2;
	[tilespmem:s17+$0xFFFFFFD0] =	vst v53;
	v5 =	vld [tilespmem:s2+$0x60]  }
0x232: {  	v3 =	vmul.f32 s11, v3;
	v7 =	vld [tilespmem:s15+$0xFFFFFFE0];
	[tilespmem:s19+$0xFFFFFFD0] =	vst v4  }
0x233: {  	[tilespmem:s13+$0x70] =	vst v2;
	v2 =	vmul.f32 s5, v52;
	v4 =	vld [tilespmem:s2+$0xFFFFFFE0]  }
0x234: {  	v55 =	vld [tilespmem:s9+$0xFFFFFFF0];
	[tilespmem:s8+$0x60] =	vst v3;
	v3 =	vmul.f32 s16, v6  }
0x235: {  	[tilespmem:s13+$0xFFFFFFE0] =	vst v2;
	v56 =	vld [tilespmem:s7+$0x70];
	v2 =	vmul.f32 s14, v54  }
0x236: {  	v57 =	vld [tilespmem:s12+$0xFFFFFFF0];
	[tilespmem:s17+$0x60] =	vst v3;
	v3 =	vmul.f32 s18, v5  }
0x237: {  	v58 =	vld [tilespmem:s15+$0x70];
	[tilespmem:s8+$0xFFFFFFE0] =	vst v2;
	v2 =	vmul.f32 s3, v7  }
0x238: {  	v59 =	vld [tilespmem:s7+$0xFFFFFFF0];
	[tilespmem:s19+$0x60] =	vst v3;
	v3 =	vmul.f32 s20, v4  }
0x239: {  	v60 =	vmul.f32 s10, v55;
	[tilespmem:s17+$0xFFFFFFE0] =	vst v2;
	v61 =	vld [tilespmem:s2+$0x70]  }
0x23a: {  	v2 =	vmul.f32 s11, v56;
	v62 =	vld [tilespmem:s15+$0xFFFFFFF0];
	[tilespmem:s19+$0xFFFFFFE0] =	vst v3  }
0x23b: {  	[tilespmem:s0+$0xFFFFFFF0] =	vst v60;
	v3 =	vmul.f32 s5, v57;
	v63 =	vld [tilespmem:s2+$0xFFFFFFF0]  }
0x23c: {  	[tilespmem:s8+$0x70] =	vst v2;
	v2 =	vmul.f32 s16, v58  }
0x23d: {  	[tilespmem:s13+$0xFFFFFFF0] =	vst v3;
	v3 =	vmul.f32 s14, v59  }
0x23e: {  	[tilespmem:s17+$0x70] =	vst v2;
	v2 =	vmul.f32 s18, v61  }
0x23f: {  	[tilespmem:s8+$0xFFFFFFF0] =	vst v3;
	v3 =	vmul.f32 s3, v62  }
0x240: {  	[tilespmem:s19+$0x70] =	vst v2;
	v2 =	vmul.f32 s20, v63  }
0x241: {  	s26 =	rddreg [dreg:$0x2];
	[tilespmem:s17+$0xFFFFFFF0] =	vst v3  }
0x242: {  	s28 =	simm.s32 $0x2800;
	s29 =	simm.s32 $0x57C0;
	s30 =	simm.s32 $0x4;
	[tilespmem:s19+$0xFFFFFFF0] =	vst v2  }
0x243: {  	[spmem:s26] =	stream.indirect.scatter.add.f32 [tilespmem:s28], [sflag:$0x3], $0x80, s29, s21, $0xb8;
	[tilespmem:$0x1BF80] =	vst v63  }
0x244: {  	_ =	swait.ge [sflag:s30], $0x1400  }
0x245: {  	[sflag:s30] =	ssyncset.done $0x0  }
0x246: {  	[sflag:s30] =	ssyncadd.s32 $0xFFFFEC00  }
0x247: {  	_ =	swait.ge [sflag:s24], $0x1400  }
0x248: {  	s31 =	rddreg [dreg:$0x11]  }
0x249: {  	s0 =	sadd.s32 $0x1, s31  }
0x24a: {  	p1 =	sne.s32 s0, $0xA  }
.Ltmp5:
0x24b: {  	_ = 	snop;
	(pc) =	sbr.rel @p1 .LBB2_2-.Ltmp5, $3  }
0x24c: {  	_ =	sdelay $0x1  }
0x24d: {  	[sflag:s24] =	ssyncset.done $0x0  }
0x24e: {  	s6 =	simm.s32 $0x5;
	[sflag:s24] =	ssyncadd.s32 $0xFFFFEC00  }
0x24f: {  	[bflag:$0x0] =	sbarrier.arrive $0xFFFF  }
0x250: {  	s1 =	rddreg [dreg:$0xa]  }
0x251: {  	s0 =	rddreg [dreg:$0xc]  }
0x252: {  	s2 =	rddreg [dreg:$0xf]  }
0x253: {  	[hbm:s0], [sflag:s1] =	dma.local [spmem:s2], $0x2800  }
0x254: {  	_ =	swait.ge [sflag:s6], $0x2800  }
0x255: {  	[sflag:s6] =	ssyncset.done $0x0  }
0x256: {  	[sflag:s6] =	ssyncadd.s32 $0xFFFFD800  }
0x257: {  	[bflag:$0x0] =	sbarrier.arrive $0xFFFF  }
0x258: {  	s31 =	rddreg [dreg:$0x9]  }
0x259: {  	[spmem:s2], [sflag:s1] =	dma.local [hbm:s31], $0x2800  }
0x25a: {  	_ =	swait.ge [sflag:s6], $0x2800  }
0x25b: {  	[sflag:s6] =	ssyncset.done $0x0  }
0x25c: {  	[sflag:s6] =	ssyncadd.s32 $0xFFFFD800  }
0x25d: {  	s0 =	simm.s32 $0x0;
	[bflag:$0x0] =	sbarrier.arrive $0xFFFF  }
.LBB2_14:
0x25e: {  	s24 =	smul.u32 $0x3E8, s0  }
0x25f: {  	s1 =	rddreg [dreg:$0xb]  }
0x260: {  	[dreg:$0x12] =	wrdreg s0;
	s0 =	sadd.s32 s1, s24  }
0x261: {  	s2 =	rddreg [dreg:$0x6];
	s1 =	sshrl.u32 s0, $0x3  }
0x262: {  	s3 =	simm.s32 $0x5000;
	s4 =	simm.s32 $0x0;
	s2 =	sadd.s32 s2, s1  }
0x263: {  	[tilespmem:s3], [sflag:$0x5] =	stream.linear.gather [hbm4b:s2+s4], $0x3E8, $0x38;
	[tilespmem:$0x1BF80] =	vst v63  }
0x264: {  	_ =	swait.ge [sflag:s6], $0x3E8  }
0x265: {  	[sflag:s6] =	ssyncset.done $0x0;
	s25 =	rddreg [dreg:$0x7]  }
0x266: {  	s26 =	simm.s32 $0x5400;
	[sflag:s6] =	ssyncadd.s32 $0xFFFFFC18;
	s2 =	sadd.s32 s25, s1  }
0x267: {  	[tilespmem:s26], [sflag:$0x5] =	stream.linear.gather [hbm4b:s2+s4], $0x3E8, $0x38;
	[tilespmem:$0x1BF80] =	vst v63  }
0x268: {  	_ =	swait.ge [sflag:s6], $0x3E8  }
0x269: {  	[sflag:s6] =	ssyncset.done $0x0;
	s28 =	rddreg [dreg:$0x5]  }
0x26a: {  	s29 =	simm.s32 $0x5C00;
	[sflag:s6] =	ssyncadd.s32 $0xFFFFFC18;
	s1 =	sadd.s32 s28, s1  }
0x26b: {  	[tilespmem:s29], [sflag:$0x5] =	stream.linear.gather [hbm4b:s1+s4], $0x3E8, $0x38;
	[tilespmem:$0x1BF80] =	vst v63  }
0x26c: {  	_ =	swait.ge [sflag:s6], $0x3E8  }
0x26d: {  	[sflag:s6] =	ssyncset.done $0x0;
	s30 =	rddreg [dreg:$0x8]  }
0x26e: {  	s31 =	simm.s32 $0x6000;
	[sflag:s6] =	ssyncadd.s32 $0xFFFFFC18;
	s0 =	sadd.s32 s30, s0  }
0x26f: {  	[tilespmem:s31], [sflag:$0x5] =	stream.linear.gather [hbm4b:s0+s4], $0x1F40, $0x38;
	[tilespmem:$0x1BF80] =	vst v63  }
0x270: {  	_ =	swait.ge [sflag:s6], $0x1F40  }
0x271: {  	[sflag:s6] =	ssyncset.done $0x0  }
0x272: {  	s0 =	simm.s32 $0x0;
	[sflag:s6] =	ssyncadd.s32 $0xFFFFE0C0  }
0x273: {  	s1 =	simm.s32 $0x40;
	v2 =	vld [tilespmem:s0+$0x5000]  }
.LBB2_15:
0x274: {  	p1 =	sne.s32 s1, $0xF80  }
.Ltmp6:
0x275: {  	_ = 	snop;
	(pc) =	sbr.rel @p1 .LBB2_15-.Ltmp6, $3  }
0x276: {  	_ =	sdelay $0x1  }
0x277: {  	s2 =	sshra.s32 s1, $0x2;
	s1 =	sadd.s32 $0x40, s1;
	v3 =	vadd.s32 v1, v2  }
0x278: {  	v2 =	vld [tilespmem:s2+$0x5000];
	[tilespmem:s0+$0x5800] =	vst v3;
	s0 =	smov.u32 s2  }
0x279: {  	_ =	sdelay $0x2  }
0x27a: {  	s13 =	simm.s32 $0x0  }
0x27b: {  	s31 =	rddreg [dreg:$0x4];
	s1 =	simm.s32 $0x5800;
	s14 =	simm.s32 $0x6008;
	v2 =	vadd.s32 v1, v2  }
0x27c: {  	s9 =	simm.s32 $0x5C01;
	s10 =	simm.s32 $0x6148;
	s15 =	simm.s32 $0x5C29;
	[tilespmem:s0+$0x5800] =	vst v2  }
0x27d: {  	[tilespmem:s13], [sflag:$0x1] =	stream.indirect.gather [hbm4b:s31+s21], $0x80, s1, s21, $0xb8;
	[tilespmem:$0x1BF80] =	vst v63  }
.LBB2_17:
0x27e: {  	s17 =	smul.u32 $0x50, s13  }
0x27f: {  	s1 =	rddreg [dreg:$0x4]  }
0x280: {  	s2 =	simm.s32 $0x1400;
	s6 =	simm.s32 $0x1;
	s0 =	sadd.s32 $0x5828, s17  }
0x281: {  	[tilespmem:s2], [sflag:$0x2] =	stream.indirect.gather [hbm4b:s1+s21], $0x80, s0, s21, $0xb8;
	[tilespmem:$0x1BF80] =	vst v63  }
0x282: {  	_ =	swait.ge [sflag:s6], $0x1400  }
0x283: {  	p1 =	seq.s32 s13, $0x0;
	[sflag:s6] =	ssyncset.done $0x0  }
0x284: {  	s0 =	simm.s32 @!p1 $0x3;
	[sflag:s6] =	ssyncadd.s32 $0xFFFFEC00  }
0x285: {  	_ =	swait.ge @!p1 [sflag:s0], $0x1400  }
0x286: {  	[sflag:s0] =	ssyncset.done @!p1 $0x0  }
0x287: {  	[sflag:s0] =	ssyncadd.s32 @!p1 $0xFFFFEC00  }
0x288: {  	v2 =	vld [tilespmem:s14+$0x0];
	_ =	sdelay $0x1  }
0x289: {  	v3 =	vld [tilespmem:s9+$0x0];
	_ =	sdelay $0x2  }
0x28a: {  	(v2sf) =	vpush v2, $0x1  }
0x28b: {  	(v2sf) =	vpush v2, $0x3  }
0x28c: {  	(v2sf) =	vpush v3, $0x0;
	_ =	sdelay $0x7  }
0x28d: {  	v2 =	vld [tilespmem:s14+$0xFFFFFFF8];
	_ =	sdelay $0x1  }
0x28e: {  	s7 =	sadd.s32 $0x10, s14;
	v3 =	vld [tilespmem:s9+$0xFFFFFFFF]  }
0x28f: {  	v5 =	vld [tilespmem:s7+$0x0]  }
0x290: {  	s8 =	sadd.s32 $0x2, s9  }
0x291: {  	v6 =	vld [tilespmem:s8+$0x0];
	s0 =	spop (v2sf);
	(v2sf) =	vpush v2, $0x1  }
0x292: {  	s3 =	spop (v2sf);
	(v2sf) =	vpush v2, $0x3  }
0x293: {  	s11 =	spop (v2sf);
	(v2sf) =	vpush v3, $0x0  }
0x294: {  	(v2sf) =	vpush v5, $0x1  }
0x295: {  	(v2sf) =	vpush v5, $0x3  }
0x296: {  	s19 =	simm.s32 $0x80;
	(v2sf) =	vpush v6, $0x0  }
0x297: {  	v4 =	vld [tilespmem:s19+$0x0];
	_ =	sdelay $0x1  }
0x298: {  	s3 =	smov.u32 @p0 s0  }
0x299: {  	v3 =	vld [tilespmem:s7+$0xFFFFFFF8];
	s0 =	smul.f32 s3, s11;
	_ =	sdelay $0x1  }
0x29a: {  	v2 =	vmul.f32 s0, v4;
	v4 =	vld [tilespmem:s8+$0xFFFFFFFF];
	_ =	sdelay $0x2  }
0x29b: {  	(v2sf) =	vpush v3, $0x1  }
0x29c: {  	(v2sf) =	vpush v3, $0x3;
	s3 =	spop (v2sf)  }
0x29d: {  	s1 =	sadd.s32 $0x10, s7;
	v3 =	vld [tilespmem:s19+$0xFFFFFF80];
	(v2sf) =	vpush v4, $0x0;
	s4 =	spop (v2sf)  }
0x29e: {  	s18 =	simm.s32 $0x2880;
	s22 =	simm.s32 $0x180;
	v5 =	vld [tilespmem:s1+$0x0];
	s5 =	spop (v2sf)  }
0x29f: {  	[tilespmem:s18+$0x0] =	vst v2;
	v4 =	vld [tilespmem:s22+$0x0];
	s4 =	smov.u32 @p0 s3;
	s3 =	spop (v2sf)  }
0x2a0: {  	s2 =	sadd.s32 $0x2, s8;
	v2 =	vld [tilespmem:s19+$0x10];
	s20 =	smul.f32 s4, s5;
	s4 =	spop (v2sf)  }
0x2a1: {  	v6 =	vld [tilespmem:s2+$0x0];
	s4 =	smov.u32 @p0 s3;
	s12 =	spop (v2sf)  }
0x2a2: {  	v3 =	vmul.f32 s20, v3;
	s6 =	smul.f32 s4, s12;
	_ =	sdelay $0x1  }
0x2a3: {  	v7 =	vld [tilespmem:s1+$0xFFFFFFF8];
	(v2sf) =	vpush v5, $0x1;
	[tilespmem:s18+$0xFFFFFF80] =	vst v3;
	v4 =	vmul.f32 s6, v4  }
0x2a4: {  	s30 =	simm.s32 $0x2980;
	v2 =	vmul.f32 s0, v2;
	(v2sf) =	vpush v5, $0x3;
	v3 =	vld [tilespmem:s19+$0xFFFFFF90]  }
0x2a5: {  	v5 =	vld [tilespmem:s2+$0xFFFFFFFF];
	(v2sf) =	vpush v6, $0x0;
	[tilespmem:s30+$0x0] =	vst v4  }
0x2a6: {  	[tilespmem:s18+$0x10] =	vst v2;
	v4 =	vld [tilespmem:s22+$0x10]  }
0x2a7: {  	v2 =	vld [tilespmem:s19+$0x20];
	_ =	sdelay $0x1  }
0x2a8: {  	v6 =	vld [tilespmem:s22+$0xFFFFFF80];
	(v2sf) =	vpush v7, $0x1;
	s3 =	spop (v2sf);
	v3 =	vmul.f32 s20, v3  }
0x2a9: {  	(v2sf) =	vpush v7, $0x3;
	s4 =	spop (v2sf)  }
0x2aa: {  	(v2sf) =	vpush v5, $0x0;
	s4 =	smov.u32 @p0 s3;
	s16 =	spop (v2sf);
	[tilespmem:s18+$0xFFFFFF90] =	vst v3;
	v3 =	vmul.f32 s6, v4  }
0x2ab: {  	s1 =	sadd.s32 $0x10, s1;
	v2 =	vmul.f32 s0, v2;
	s5 =	smul.f32 s4, s16;
	v4 =	vld [tilespmem:s19+$0xFFFFFFA0]  }
0x2ac: {  	v9 =	vld [tilespmem:s1+$0xFFFFFFF8];
	[tilespmem:s30+$0x10] =	vst v3  }
0x2ad: {  	[tilespmem:s18+$0x20] =	vst v2;
	v5 =	vmul.f32 s5, v6;
	v3 =	vld [tilespmem:s22+$0x20]  }
0x2ae: {  	v2 =	vld [tilespmem:s19+$0x30]  }
0x2af: {  	v7 =	vld [tilespmem:s1+$0x0];
	[tilespmem:s30+$0xFFFFFF80] =	vst v5  }
0x2b0: {  	s7 =	simm.s32 $0x280;
	v5 =	vld [tilespmem:s22+$0xFFFFFF90];
	v4 =	vmul.f32 s20, v4  }
0x2b1: {  	s2 =	sadd.s32 $0x2, s2;
	v6 =	vld [tilespmem:s7+$0x0];
	s3 =	spop (v2sf)  }
0x2b2: {  	s4 =	spop (v2sf);
	[tilespmem:s18+$0xFFFFFFA0] =	vst v4;
	v4 =	vld [tilespmem:s2+$0x0];
	v3 =	vmul.f32 s6, v3  }
0x2b3: {  	v2 =	vmul.f32 s0, v2;
	s4 =	smov.u32 @p0 s3;
	s23 =	spop (v2sf);
	v8 =	vld [tilespmem:s19+$0xFFFFFFB0]  }
0x2b4: {  	v10 =	vld [tilespmem:s2+$0xFFFFFFFF];
	s11 =	smul.f32 s4, s23;
	[tilespmem:s30+$0x20] =	vst v3  }
0x2b5: {  	(v2sf) =	vpush v7, $0x1;
	[tilespmem:s18+$0x30] =	vst v2;
	v3 =	vmul.f32 s5, v5;
	v5 =	vld [tilespmem:s22+$0x30]  }
0x2b6: {  	(v2sf) =	vpush v7, $0x3;
	v2 =	vld [tilespmem:s19+$0x40];
	v6 =	vmul.f32 s11, v6  }
0x2b7: {  	s8 =	simm.s32 $0x2A80;
	s3 =	spop (v2sf);
	[tilespmem:s30+$0xFFFFFF90] =	vst v3;
	v3 =	vld [tilespmem:s7+$0xFFFFFF80];
	(v2sf) =	vpush v4, $0x0  }
0x2b8: {  	s4 =	spop (v2sf);
	[tilespmem:s8+$0x0] =	vst v6;
	v4 =	vmul.f32 s20, v8;
	v6 =	vld [tilespmem:s22+$0xFFFFFFA0]  }
0x2b9: {  	s4 =	smov.u32 @p0 s3;
	s24 =	spop (v2sf);
	v7 =	vld [tilespmem:s7+$0x10]  }
0x2ba: {  	s31 =	smul.f32 s4, s24;
	[tilespmem:s18+$0xFFFFFFB0] =	vst v4;
	v4 =	vmul.f32 s6, v5  }
0x2bb: {  	s1 =	sadd.s32 $0x10, s1;
	v2 =	vmul.f32 s0, v2;
	(v2sf) =	vpush v9, $0x1;
	v5 =	vld [tilespmem:s19+$0xFFFFFFC0]  }
0x2bc: {  	v11 =	vld [tilespmem:s1+$0xFFFFFFF8];
	(v2sf) =	vpush v9, $0x3;
	v3 =	vmul.f32 s31, v3;
	[tilespmem:s30+$0x30] =	vst v4  }
0x2bd: {  	s23 =	sadd.s32 $0x2, s2;
	[tilespmem:s18+$0x40] =	vst v2;
	(v2sf) =	vpush v10, $0x0;
	v4 =	vmul.f32 s5, v6;
	v6 =	vld [tilespmem:s22+$0x40]  }
0x2be: {  	v13 =	vld [tilespmem:s23+$0xFFFFFFFF];
	[tilespmem:s8+$0xFFFFFF80] =	vst v3;
	v3 =	vmul.f32 s11, v7  }
0x2bf: {  	s3 =	simm.s32 $0x380;
	v2 =	vld [tilespmem:s19+$0x50];
	[tilespmem:s30+$0xFFFFFFA0] =	vst v4  }
0x2c0: {  	v8 =	vld [tilespmem:s3+$0x0];
	[tilespmem:s8+$0x10] =	vst v3;
	v4 =	vmul.f32 s20, v5  }
0x2c1: {  	v5 =	vld [tilespmem:s7+$0x20]  }
0x2c2: {  	v9 =	vld [tilespmem:s1+$0x0];
	[tilespmem:s18+$0xFFFFFFC0] =	vst v4;
	v4 =	vmul.f32 s6, v6  }
0x2c3: {  	v7 =	vld [tilespmem:s7+$0xFFFFFF90]  }
0x2c4: {  	v2 =	vmul.f32 s0, v2;
	s4 =	spop (v2sf);
	v10 =	vld [tilespmem:s23+$0x0];
	[tilespmem:s30+$0x40] =	vst v4  }
0x2c5: {  	s12 =	spop (v2sf);
	v4 =	vld [tilespmem:s22+$0x50]  }
0x2c6: {  	[tilespmem:s18+$0x50] =	vst v2;
	s12 =	smov.u32 @p0 s4;
	v3 =	vld [tilespmem:s22+$0xFFFFFFB0];
	v5 =	vmul.f32 s11, v5;
	s25 =	spop (v2sf)  }
0x2c7: {  	v2 =	vld [tilespmem:s19+$0x60];
	s16 =	smul.f32 s12, s25  }
0x2c8: {  	v6 =	vld [tilespmem:s19+$0xFFFFFFD0];
	v7 =	vmul.f32 s31, v7;
	[tilespmem:s8+$0x20] =	vst v5  }
0x2c9: {  	(v2sf) =	vpush v9, $0x1;
	v5 =	vmul.f32 s16, v8;
	v8 =	vld [tilespmem:s7+$0x30]  }
0x2ca: {  	s29 =	simm.s32 $0x2B80;
	[tilespmem:s8+$0xFFFFFF90] =	vst v7;
	v7 =	vld [tilespmem:s3+$0xFFFFFF80];
	(v2sf) =	vpush v9, $0x3;
	s2 =	spop (v2sf);
	v4 =	vmul.f32 s6, v4  }
0x2cb: {  	v3 =	vmul.f32 s5, v3;
	s4 =	spop (v2sf);
	(v2sf) =	vpush v10, $0x0;
	[tilespmem:s29+$0x0] =	vst v5;
	v5 =	vld [tilespmem:s7+$0xFFFFFFA0]  }
0x2cc: {  	v2 =	vmul.f32 s0, v2;
	s4 =	smov.u32 @p0 s2;
	s26 =	spop (v2sf);
	(v2sf) =	vpush v11, $0x1;
	v12 =	vld [tilespmem:s3+$0x10];
	[tilespmem:s30+$0x50] =	vst v4  }
0x2cd: {  	[tilespmem:s30+$0xFFFFFFB0] =	vst v3;
	v3 =	vmul.f32 s20, v6;
	s12 =	smul.f32 s4, s26;
	(v2sf) =	vpush v11, $0x3;
	v4 =	vld [tilespmem:s22+$0x60]  }
0x2ce: {  	[tilespmem:s18+$0x60] =	vst v2;
	(v2sf) =	vpush v13, $0x0;
	v6 =	vmul.f32 s11, v8;
	v8 =	vld [tilespmem:s22+$0xFFFFFFC0]  }
0x2cf: {  	v2 =	vld [tilespmem:s19+$0x70];
	[tilespmem:s18+$0xFFFFFFD0] =	vst v3;
	v3 =	vmul.f32 s12, v7  }
0x2d0: {  	[tilespmem:s8+$0x30] =	vst v6;
	v6 =	vld [tilespmem:s19+$0xFFFFFFE0];
	v5 =	vmul.f32 s31, v5  }
0x2d1: {  	[tilespmem:s29+$0xFFFFFF80] =	vst v3;
	v3 =	vmul.f32 s16, v12;
	v7 =	vld [tilespmem:s7+$0x40]  }
0x2d2: {  	v63 =	vld [tilespmem:s3+$0xFFFFFF90];
	[tilespmem:s8+$0xFFFFFFA0] =	vst v5;
	v5 =	vmul.f32 s6, v4  }
0x2d3: {  	[tilespmem:s29+$0x10] =	vst v3;
	v4 =	vld [tilespmem:s7+$0xFFFFFFB0];
	v3 =	vmul.f32 s5, v8  }
0x2d4: {  	v8 =	vmul.f32 s0, v2;
	[tilespmem:s30+$0x60] =	vst v5;
	v5 =	vld [tilespmem:s3+$0x20]  }
0x2d5: {  	v9 =	vmul.f32 s20, v6;
	[tilespmem:s30+$0xFFFFFFC0] =	vst v3;
	v2 =	vld [tilespmem:s22+$0x70]  }
0x2d6: {  	s2 =	simm.s32 $0x480;
	[tilespmem:s18+$0x70] =	vst v8;
	v3 =	vld [tilespmem:s22+$0xFFFFFFD0];
	v6 =	vmul.f32 s11, v7  }
0x2d7: {  	s28 =	simm.s32 $0x8;
	s25 =	sadd.s32 $0x10, s1;
	s0 =	sadd.s32 $0x28, s17;
	v8 =	vmul.f32 s12, v63;
	v7 =	vld [tilespmem:s2+$0x0];
	[tilespmem:s18+$0xFFFFFFE0] =	vst v9  }
.LBB2_18:
0x2d8: {  	v9 =	vld [tilespmem:s25+$0x0];
	s4 =	spop (v2sf);
	v4 =	vmul.f32 s31, v4;
	[tilespmem:s8+$0x40] =	vst v6;
	s1 =	smov.u32 s8;
	s8 =	smov.u32 s29  }
0x2d9: {  	s23 =	sadd.s32 $0x2, s23;
	s24 =	spop (v2sf);
	[tilespmem:s29+$0xFFFFFF90] =	vst v8;
	v5 =	vmul.f32 s16, v5;
	v6 =	vld [tilespmem:s7+$0x50]  }
0x2da: {  	s28 =	sadd.s32 $0x2, s28;
	v8 =	vld [tilespmem:s23+$0x0];
	s24 =	smov.u32 @p0 s4;
	s4 =	spop (v2sf);
	[tilespmem:s1+$0xFFFFFFB0] =	vst v4;
	v2 =	vmul.f32 s6, v2  }
0x2db: {  	p2 =	slt.u32 s28, $0x26;
	v4 =	vld [tilespmem:s25+$0xFFFFFFF8];
	s4 =	smul.f32 s24, s4;
	s24 =	spop (v2sf);
	[tilespmem:s29+$0x20] =	vst v5;
	v3 =	vmul.f32 s5, v3  }
0x2dc: {  	s6 =	smov.u32 s11;
	s11 =	smov.u32 s16;
	v5 =	vld [tilespmem:s23+$0xFFFFFFFF];
	s26 =	spop (v2sf);
	[tilespmem:s30+$0x70] =	vst v2  }
0x2dd: {  	(v2sf) =	vpush v9, $0x1;
	s26 =	smov.u32 @p0 s24;
	v2 =	vmul.f32 s4, v7;
	s24 =	spop (v2sf);
	v7 =	vld [tilespmem:s3+$0x30];
	[tilespmem:s30+$0xFFFFFFD0] =	vst v3;
	s16 =	smov.u32 s4  }
0x2de: {  	s29 =	sadd.s32 $0x100, s29;
	(v2sf) =	vpush v9, $0x3;
	s4 =	smul.f32 s26, s24;
	v3 =	vld [tilespmem:s2+$0xFFFFFF80];
	v6 =	vmul.f32 s6, v6  }
0x2df: {  	(v2sf) =	vpush v8, $0x0;
	[tilespmem:s29+$0x0] =	vst v2;
	v2 =	vld [tilespmem:s3+$0xFFFFFFA0]  }
0x2e0: {  	(v2sf) =	vpush v4, $0x1;
	v8 =	vld [tilespmem:s2+$0x10];
	[tilespmem:s1+$0x50] =	vst v6  }
0x2e1: {  	(v2sf) =	vpush v4, $0x3;
	v4 =	vld [tilespmem:s7+$0x60]  }
0x2e2: {  	(v2sf) =	vpush v5, $0x0;
	v5 =	vmul.f32 s11, v7;
	v6 =	vld [tilespmem:s7+$0xFFFFFFC0]  }
0x2e3: {  	v3 =	vmul.f32 s4, v3;
	v7 =	vld [tilespmem:s22+$0xFFFFFFE0]  }
0x2e4: {  	v2 =	vmul.f32 s12, v2;
	[tilespmem:s8+$0x30] =	vst v5;
	v9 =	vld [tilespmem:s19+$0xFFFFFFF0];
	s19 =	smov.u32 s22;
	s22 =	smov.u32 s7;
	s7 =	smov.u32 s3  }
0x2e5: {  	s3 =	smov.u32 s2;
	[tilespmem:s29+$0xFFFFFF80] =	vst v3;
	v3 =	vmul.f32 s16, v8;
	v8 =	vld [tilespmem:s7+$0x40]  }
0x2e6: {  	v10 =	vld [tilespmem:s2+$0xFFFFFF90];
	[tilespmem:s8+$0xFFFFFFA0] =	vst v2;
	v2 =	vmul.f32 s6, v4  }
.Ltmp7:
0x2e7: {  	[tilespmem:s29+$0x10] =	vst v3;
	v4 =	vld [tilespmem:s7+$0xFFFFFFB0];
	v3 =	vmul.f32 s31, v6;
	(pc) =	sbr.rel @p2 .LBB2_18-.Ltmp7, $4  }
0x2e8: {  	v5 =	vld [tilespmem:s2+$0x20];
	[tilespmem:s1+$0x60] =	vst v2;
	v7 =	vmul.f32 s5, v7  }
0x2e9: {  	[tilespmem:s1+$0xFFFFFFC0] =	vst v3;
	v2 =	vld [tilespmem:s22+$0x70];
	v9 =	vmul.f32 s20, v9;
	s20 =	smov.u32 s5;
	s5 =	smov.u32 s31;
	s31 =	smov.u32 s12  }
0x2ea: {  	s2 =	sadd.s32 $0x100, s2;
	s12 =	smov.u32 s4;
	v6 =	vmul.f32 s11, v8;
	v3 =	vld [tilespmem:s22+$0xFFFFFFD0];
	[tilespmem:s30+$0xFFFFFFE0] =	vst v7  }
0x2eb: {  	s25 =	sadd.s32 $0x10, s25;
	v7 =	vld [tilespmem:s2+$0x0];
	v8 =	vmul.f32 s12, v10;
	[tilespmem:s18+$0xFFFFFFF0] =	vst v9;
	s18 =	smov.u32 s30;
	s30 =	smov.u32 s1  }
0x2ec: {  	s1 =	spop (v2sf)  }
0x2ed: {  	s4 =	spop (v2sf)  }
0x2ee: {  	s23 =	spop (v2sf)  }
0x2ef: {  	v9 =	vld [tilespmem:s2+$0xFFFFFF80];
	s4 =	smov.u32 @p0 s1;
	s1 =	spop (v2sf)  }
0x2f0: {  	s23 =	smul.f32 s4, s23;
	s4 =	spop (v2sf)  }
0x2f1: {  	s4 =	smov.u32 @p0 s1;
	s26 =	spop (v2sf)  }
0x2f2: {  	v7 =	vmul.f32 s23, v7;
	s25 =	smul.f32 s4, s26  }
0x2f3: {  	s28 =	sadd.s32 $0x100, s29  }
0x2f4: {  	[tilespmem:s28+$0x0] =	vst v7;
	v7 =	vmul.f32 s25, v9  }
0x2f5: {  	v9 =	vld [tilespmem:s2+$0x10]  }
0x2f6: {  	[tilespmem:s28+$0xFFFFFF80] =	vst v7  }
0x2f7: {  	v7 =	vld [tilespmem:s2+$0xFFFFFF90];
	_ =	sdelay $0x2  }
0x2f8: {  	v9 =	vmul.f32 s23, v9;
	_ =	sdelay $0x1  }
0x2f9: {  	[tilespmem:s28+$0x10] =	vst v9;
	v7 =	vmul.f32 s25, v7  }
0x2fa: {  	[tilespmem:s29+$0xFFFFFF90] =	vst v8;
	v8 =	vld [tilespmem:s2+$0x20]  }
0x2fb: {  	v9 =	vld [tilespmem:s3+$0xFFFFFFA0];
	[tilespmem:s28+$0xFFFFFF90] =	vst v7  }
0x2fc: {  	v7 =	vld [tilespmem:s2+$0xFFFFFFA0]  }
0x2fd: {  	v5 =	vmul.f32 s16, v5;
	_ =	sdelay $0x1  }
0x2fe: {  	[tilespmem:s29+$0x20] =	vst v5;
	v5 =	vmul.f32 s23, v8  }
0x2ff: {  	v9 =	vmul.f32 s12, v9;
	v8 =	vld [tilespmem:s3+$0x30]  }
0x300: {  	[tilespmem:s28+$0x20] =	vst v5;
	v5 =	vmul.f32 s25, v7  }
0x301: {  	[tilespmem:s29+$0xFFFFFFA0] =	vst v9;
	v7 =	vld [tilespmem:s2+$0x30]  }
0x302: {  	v9 =	vld [tilespmem:s3+$0xFFFFFFB0];
	[tilespmem:s28+$0xFFFFFFA0] =	vst v5  }
0x303: {  	v5 =	vld [tilespmem:s2+$0xFFFFFFB0]  }
0x304: {  	v8 =	vmul.f32 s16, v8  }
0x305: {  	v4 =	vmul.f32 s31, v4  }
0x306: {  	[tilespmem:s29+$0x30] =	vst v8;
	v7 =	vmul.f32 s23, v7  }
0x307: {  	[tilespmem:s8+$0xFFFFFFB0] =	vst v4;
	v8 =	vmul.f32 s12, v9;
	v4 =	vld [tilespmem:s3+$0x40]  }
0x308: {  	v9 =	vld [tilespmem:s7+$0xFFFFFFC0];
	[tilespmem:s28+$0x30] =	vst v7;
	v5 =	vmul.f32 s25, v5  }
0x309: {  	[tilespmem:s29+$0xFFFFFFB0] =	vst v8;
	v7 =	vld [tilespmem:s2+$0x40]  }
0x30a: {  	v8 =	vld [tilespmem:s3+$0xFFFFFFC0];
	[tilespmem:s28+$0xFFFFFFB0] =	vst v5  }
0x30b: {  	v5 =	vld [tilespmem:s2+$0xFFFFFFC0]  }
0x30c: {  	[tilespmem:s8+$0x40] =	vst v6;
	v4 =	vmul.f32 s16, v4  }
0x30d: {  	v6 =	vld [tilespmem:s7+$0x50];
	v9 =	vmul.f32 s31, v9  }
0x30e: {  	[tilespmem:s29+$0x40] =	vst v4;
	v4 =	vmul.f32 s23, v7  }
0x30f: {  	[tilespmem:s8+$0xFFFFFFC0] =	vst v9;
	v8 =	vmul.f32 s12, v8;
	v7 =	vld [tilespmem:s3+$0x50]  }
0x310: {  	v9 =	vld [tilespmem:s7+$0xFFFFFFD0];
	[tilespmem:s28+$0x40] =	vst v4;
	v4 =	vmul.f32 s25, v5  }
0x311: {  	[tilespmem:s29+$0xFFFFFFC0] =	vst v8;
	v5 =	vld [tilespmem:s2+$0x50]  }
0x312: {  	v6 =	vmul.f32 s11, v6;
	v8 =	vld [tilespmem:s3+$0xFFFFFFD0];
	[tilespmem:s28+$0xFFFFFFC0] =	vst v4  }
0x313: {  	v3 =	vmul.f32 s5, v3;
	v4 =	vld [tilespmem:s2+$0xFFFFFFD0]  }
0x314: {  	[tilespmem:s8+$0x50] =	vst v6;
	v6 =	vmul.f32 s16, v7  }
0x315: {  	[tilespmem:s30+$0xFFFFFFD0] =	vst v3;
	v3 =	vld [tilespmem:s7+$0x60];
	v7 =	vmul.f32 s31, v9  }
0x316: {  	v9 =	vld [tilespmem:s22+$0xFFFFFFE0];
	[tilespmem:s29+$0x50] =	vst v6;
	v5 =	vmul.f32 s23, v5  }
0x317: {  	[tilespmem:s8+$0xFFFFFFD0] =	vst v7;
	v7 =	vmul.f32 s12, v8;
	v6 =	vld [tilespmem:s3+$0x60]  }
0x318: {  	v8 =	vld [tilespmem:s7+$0xFFFFFFE0];
	[tilespmem:s28+$0x50] =	vst v5;
	v4 =	vmul.f32 s25, v4  }
0x319: {  	v2 =	vmul.f32 s6, v2;
	[tilespmem:s29+$0xFFFFFFD0] =	vst v7;
	v5 =	vld [tilespmem:s2+$0x60]  }
0x31a: {  	v3 =	vmul.f32 s11, v3;
	v7 =	vld [tilespmem:s3+$0xFFFFFFE0];
	[tilespmem:s28+$0xFFFFFFD0] =	vst v4  }
0x31b: {  	[tilespmem:s30+$0x70] =	vst v2;
	v2 =	vmul.f32 s5, v9;
	v4 =	vld [tilespmem:s2+$0xFFFFFFE0]  }
0x31c: {  	[tilespmem:s8+$0x60] =	vst v3;
	v9 =	vld [tilespmem:s19+$0xFFFFFFF0];
	v3 =	vmul.f32 s16, v6  }
0x31d: {  	[tilespmem:s30+$0xFFFFFFE0] =	vst v2;
	v6 =	vld [tilespmem:s7+$0x70];
	v2 =	vmul.f32 s31, v8  }
0x31e: {  	v8 =	vld [tilespmem:s22+$0xFFFFFFF0];
	[tilespmem:s29+$0x60] =	vst v3;
	v3 =	vmul.f32 s23, v5  }
0x31f: {  	[tilespmem:s8+$0xFFFFFFE0] =	vst v2;
	v2 =	vmul.f32 s12, v7;
	v5 =	vld [tilespmem:s3+$0x70]  }
0x320: {  	v7 =	vld [tilespmem:s7+$0xFFFFFFF0];
	[tilespmem:s28+$0x60] =	vst v3;
	v3 =	vmul.f32 s25, v4  }
0x321: {  	[tilespmem:s29+$0xFFFFFFE0] =	vst v2;
	v4 =	vmul.f32 s20, v9;
	v9 =	vld [tilespmem:s2+$0x70]  }
0x322: {  	v2 =	vmul.f32 s11, v6;
	v6 =	vld [tilespmem:s3+$0xFFFFFFF0];
	[tilespmem:s28+$0xFFFFFFE0] =	vst v3  }
0x323: {  	[tilespmem:s18+$0xFFFFFFF0] =	vst v4;
	v3 =	vmul.f32 s5, v8;
	v4 =	vld [tilespmem:s2+$0xFFFFFFF0]  }
0x324: {  	[tilespmem:s8+$0x70] =	vst v2;
	v2 =	vmul.f32 s16, v5  }
0x325: {  	[tilespmem:s30+$0xFFFFFFF0] =	vst v3;
	v3 =	vmul.f32 s31, v7  }
0x326: {  	[tilespmem:s29+$0x70] =	vst v2;
	v2 =	vmul.f32 s23, v9  }
0x327: {  	[tilespmem:s8+$0xFFFFFFF0] =	vst v3;
	v3 =	vmul.f32 s12, v6  }
0x328: {  	[tilespmem:s28+$0x70] =	vst v2;
	v2 =	vmul.f32 s25, v4;
	s25 =	smul.u32 $0x140, s13  }
0x329: {  	s24 =	sadd.s32 $0x5400, s17;
	s26 =	rddreg [dreg:$0x2];
	[tilespmem:s29+$0xFFFFFFF0] =	vst v3  }
0x32a: {  	s3 =	simm.s32 $0x0;
	s31 =	simm.s32 $0x2800;
	[tilespmem:s28+$0xFFFFFFF0] =	vst v2;
	s2 =	sshra.s32 s25, $0x2  }
0x32b: {  	[spmem:s26] =	stream.indirect.scatter.add.f32 [tilespmem:s31], [sflag:$0x3], $0x80, s24, s21, $0xb8;
	[tilespmem:$0x1BF80] =	vst v63  }
0x32c: {  	s5 =	simm.s32 $0x2;
	s1 =	sadd.s32 $0x5850, s2;
	s4 =	rddreg [dreg:$0x4]  }
0x32d: {  	[tilespmem:s3], [sflag:$0x1] =	stream.indirect.gather [hbm4b:s4+s21], $0x80, s1, s21, $0xb8;
	[tilespmem:$0x1BF80] =	vst v63  }
0x32e: {  	_ =	swait.ge [sflag:s5], $0x1400  }
0x32f: {  	[sflag:s5] =	ssyncset.done $0x0  }
0x330: {  	s1 =	simm.s32 @!p1 $0x4;
	[sflag:s5] =	ssyncadd.s32 $0xFFFFEC00  }
0x331: {  	_ =	swait.ge @!p1 [sflag:s1], $0x1400  }
0x332: {  	[sflag:s1] =	ssyncset.done @!p1 $0x0  }
0x333: {  	[sflag:s1] =	ssyncadd.s32 @!p1 $0xFFFFEC00  }
0x334: {  	v2 =	vld [tilespmem:s10+$0x0];
	_ =	sdelay $0x1  }
0x335: {  	v3 =	vld [tilespmem:s15+$0x0];
	_ =	sdelay $0x2  }
0x336: {  	(v2sf) =	vpush v2, $0x1  }
0x337: {  	(v2sf) =	vpush v2, $0x3  }
0x338: {  	(v2sf) =	vpush v3, $0x0;
	_ =	sdelay $0x1  }
0x339: {  	v2 =	vld [tilespmem:s10+$0xFFFFFFF8];
	_ =	sdelay $0x1  }
0x33a: {  	s6 =	sadd.s32 $0x10, s10;
	v3 =	vld [tilespmem:s15+$0xFFFFFFFF]  }
0x33b: {  	v5 =	vld [tilespmem:s6+$0x0]  }
0x33c: {  	s7 =	sadd.s32 $0x2, s15  }
0x33d: {  	v6 =	vld [tilespmem:s7+$0x0];
	(v2sf) =	vpush v2, $0x1  }
0x33e: {  	(v2sf) =	vpush v2, $0x3  }
0x33f: {  	(v2sf) =	vpush v3, $0x0  }
0x340: {  	(v2sf) =	vpush v5, $0x1  }
0x341: {  	(v2sf) =	vpush v5, $0x3  }
0x342: {  	s18 =	simm.s32 $0x1480;
	(v2sf) =	vpush v6, $0x0  }
0x343: {  	v4 =	vld [tilespmem:s18+$0x0];
	s2 =	spop (v2sf)  }
0x344: {  	s4 =	spop (v2sf)  }
0x345: {  	s4 =	smov.u32 @p0 s2;
	s8 =	spop (v2sf)  }
0x346: {  	v3 =	vld [tilespmem:s6+$0xFFFFFFF8];
	s2 =	smul.f32 s4, s8;
	_ =	sdelay $0x1  }
0x347: {  	v2 =	vmul.f32 s2, v4;
	v4 =	vld [tilespmem:s7+$0xFFFFFFFF];
	_ =	sdelay $0x2  }
0x348: {  	(v2sf) =	vpush v3, $0x1  }
0x349: {  	(v2sf) =	vpush v3, $0x3;
	s4 =	spop (v2sf)  }
0x34a: {  	s1 =	sadd.s32 $0x10, s6;
	v3 =	vld [tilespmem:s18+$0xFFFFFF80];
	s5 =	spop (v2sf);
	(v2sf) =	vpush v4, $0x0  }
0x34b: {  	s17 =	simm.s32 $0x3C80;
	s19 =	simm.s32 $0x1580;
	v5 =	vld [tilespmem:s1+$0x0];
	s11 =	spop (v2sf)  }
0x34c: {  	[tilespmem:s17+$0x0] =	vst v2;
	s5 =	smov.u32 @p0 s4;
	s4 =	spop (v2sf);
	v4 =	vld [tilespmem:s19+$0x0]  }
0x34d: {  	s3 =	sadd.s32 $0x2, s7;
	v2 =	vld [tilespmem:s18+$0x10];
	s30 =	smul.f32 s5, s11;
	s5 =	spop (v2sf)  }
0x34e: {  	v6 =	vld [tilespmem:s3+$0x0];
	s5 =	smov.u32 @p0 s4;
	s12 =	spop (v2sf)  }
0x34f: {  	v3 =	vmul.f32 s30, v3;
	s22 =	smul.f32 s5, s12;
	_ =	sdelay $0x1  }
0x350: {  	v7 =	vld [tilespmem:s1+$0xFFFFFFF8];
	(v2sf) =	vpush v5, $0x1;
	[tilespmem:s17+$0xFFFFFF80] =	vst v3;
	v4 =	vmul.f32 s22, v4  }
0x351: {  	s20 =	simm.s32 $0x3D80;
	(v2sf) =	vpush v5, $0x3;
	v2 =	vmul.f32 s2, v2;
	v3 =	vld [tilespmem:s18+$0xFFFFFF90]  }
0x352: {  	v5 =	vld [tilespmem:s3+$0xFFFFFFFF];
	(v2sf) =	vpush v6, $0x0;
	[tilespmem:s20+$0x0] =	vst v4  }
0x353: {  	[tilespmem:s17+$0x10] =	vst v2;
	v4 =	vld [tilespmem:s19+$0x10]  }
0x354: {  	v2 =	vld [tilespmem:s18+$0x20];
	_ =	sdelay $0x1  }
0x355: {  	v6 =	vld [tilespmem:s19+$0xFFFFFF80];
	(v2sf) =	vpush v7, $0x1;
	s4 =	spop (v2sf);
	v3 =	vmul.f32 s30, v3  }
0x356: {  	(v2sf) =	vpush v7, $0x3;
	s5 =	spop (v2sf)  }
0x357: {  	s5 =	smov.u32 @p0 s4;
	(v2sf) =	vpush v5, $0x0;
	[tilespmem:s17+$0xFFFFFF90] =	vst v3;
	v3 =	vmul.f32 s22, v4;
	s16 =	spop (v2sf)  }
0x358: {  	s23 =	sadd.s32 $0x2, s3;
	v2 =	vmul.f32 s2, v2;
	v4 =	vld [tilespmem:s18+$0xFFFFFFA0];
	s5 =	smul.f32 s5, s16  }
0x359: {  	v10 =	vld [tilespmem:s23+$0xFFFFFFFF];
	[tilespmem:s20+$0x10] =	vst v3  }
0x35a: {  	[tilespmem:s17+$0x20] =	vst v2;
	v3 =	vld [tilespmem:s19+$0x20];
	v5 =	vmul.f32 s5, v6  }
0x35b: {  	s1 =	sadd.s32 $0x10, s1;
	v2 =	vld [tilespmem:s18+$0x30]  }
0x35c: {  	v7 =	vld [tilespmem:s1+$0x0];
	[tilespmem:s20+$0xFFFFFF80] =	vst v5  }
0x35d: {  	s6 =	simm.s32 $0x1680;
	v4 =	vmul.f32 s30, v4;
	v5 =	vld [tilespmem:s19+$0xFFFFFF90]  }
0x35e: {  	s4 =	spop (v2sf);
	v6 =	vld [tilespmem:s6+$0x0]  }
0x35f: {  	s3 =	spop (v2sf);
	[tilespmem:s17+$0xFFFFFFA0] =	vst v4;
	v4 =	vld [tilespmem:s23+$0x0];
	v3 =	vmul.f32 s22, v3  }
0x360: {  	s3 =	smov.u32 @p0 s4;
	s24 =	spop (v2sf);
	v2 =	vmul.f32 s2, v2;
	v8 =	vld [tilespmem:s18+$0xFFFFFFB0]  }
0x361: {  	v9 =	vld [tilespmem:s1+$0xFFFFFFF8];
	s7 =	smul.f32 s3, s24;
	[tilespmem:s20+$0x20] =	vst v3  }
0x362: {  	(v2sf) =	vpush v7, $0x1;
	[tilespmem:s17+$0x30] =	vst v2;
	v3 =	vmul.f32 s5, v5;
	v5 =	vld [tilespmem:s19+$0x30]  }
0x363: {  	(v2sf) =	vpush v7, $0x3;
	v2 =	vld [tilespmem:s18+$0x40];
	v6 =	vmul.f32 s7, v6  }
0x364: {  	s8 =	simm.s32 $0x3E80;
	s3 =	spop (v2sf);
	(v2sf) =	vpush v4, $0x0;
	[tilespmem:s20+$0xFFFFFF90] =	vst v3;
	v3 =	vld [tilespmem:s6+$0xFFFFFF80]  }
0x365: {  	s4 =	spop (v2sf);
	[tilespmem:s8+$0x0] =	vst v6;
	v4 =	vmul.f32 s30, v8;
	v6 =	vld [tilespmem:s19+$0xFFFFFFA0]  }
0x366: {  	s4 =	smov.u32 @p0 s3;
	s25 =	spop (v2sf);
	v7 =	vld [tilespmem:s6+$0x10]  }
0x367: {  	s11 =	smul.f32 s4, s25;
	[tilespmem:s17+$0xFFFFFFB0] =	vst v4;
	v4 =	vmul.f32 s22, v5  }
0x368: {  	s1 =	sadd.s32 $0x10, s1;
	(v2sf) =	vpush v9, $0x1;
	v2 =	vmul.f32 s2, v2;
	v5 =	vld [tilespmem:s18+$0xFFFFFFC0]  }
0x369: {  	v11 =	vld [tilespmem:s1+$0xFFFFFFF8];
	(v2sf) =	vpush v9, $0x3;
	v3 =	vmul.f32 s11, v3;
	[tilespmem:s20+$0x30] =	vst v4  }
0x36a: {  	s23 =	sadd.s32 $0x2, s23;
	(v2sf) =	vpush v10, $0x0;
	[tilespmem:s17+$0x40] =	vst v2;
	v4 =	vmul.f32 s5, v6;
	v6 =	vld [tilespmem:s19+$0x40]  }
0x36b: {  	v13 =	vld [tilespmem:s23+$0xFFFFFFFF];
	[tilespmem:s8+$0xFFFFFF80] =	vst v3;
	v3 =	vmul.f32 s7, v7  }
0x36c: {  	s3 =	simm.s32 $0x1780;
	v2 =	vld [tilespmem:s18+$0x50];
	[tilespmem:s20+$0xFFFFFFA0] =	vst v4  }
0x36d: {  	v8 =	vld [tilespmem:s3+$0x0];
	v4 =	vmul.f32 s30, v5;
	[tilespmem:s8+$0x10] =	vst v3  }
0x36e: {  	v5 =	vld [tilespmem:s6+$0x20]  }
0x36f: {  	v9 =	vld [tilespmem:s1+$0x0];
	[tilespmem:s17+$0xFFFFFFC0] =	vst v4;
	v4 =	vmul.f32 s22, v6  }
0x370: {  	v7 =	vld [tilespmem:s6+$0xFFFFFF90]  }
0x371: {  	v10 =	vld [tilespmem:s23+$0x0];
	s4 =	spop (v2sf);
	v2 =	vmul.f32 s2, v2;
	[tilespmem:s20+$0x40] =	vst v4  }
0x372: {  	s16 =	spop (v2sf);
	v4 =	vld [tilespmem:s19+$0x50]  }
0x373: {  	s16 =	smov.u32 @p0 s4;
	[tilespmem:s17+$0x50] =	vst v2;
	v3 =	vld [tilespmem:s19+$0xFFFFFFB0];
	s26 =	spop (v2sf);
	v5 =	vmul.f32 s7, v5  }
0x374: {  	v2 =	vld [tilespmem:s18+$0x60];
	s16 =	smul.f32 s16, s26  }
0x375: {  	v6 =	vld [tilespmem:s18+$0xFFFFFFD0];
	v7 =	vmul.f32 s11, v7;
	[tilespmem:s8+$0x20] =	vst v5  }
0x376: {  	(v2sf) =	vpush v9, $0x1;
	v5 =	vmul.f32 s16, v8;
	v8 =	vld [tilespmem:s6+$0x30]  }
0x377: {  	s29 =	simm.s32 $0x3F80;
	(v2sf) =	vpush v9, $0x3;
	s4 =	spop (v2sf);
	[tilespmem:s8+$0xFFFFFF90] =	vst v7;
	v7 =	vld [tilespmem:s3+$0xFFFFFF80];
	v4 =	vmul.f32 s22, v4  }
0x378: {  	v3 =	vmul.f32 s5, v3;
	s12 =	spop (v2sf);
	(v2sf) =	vpush v10, $0x0;
	[tilespmem:s29+$0x0] =	vst v5;
	v5 =	vld [tilespmem:s6+$0xFFFFFFA0]  }
0x379: {  	v2 =	vmul.f32 s2, v2;
	s12 =	smov.u32 @p0 s4;
	s31 =	spop (v2sf);
	(v2sf) =	vpush v11, $0x1;
	v12 =	vld [tilespmem:s3+$0x10];
	[tilespmem:s20+$0x50] =	vst v4  }
0x37a: {  	[tilespmem:s20+$0xFFFFFFB0] =	vst v3;
	v3 =	vmul.f32 s30, v6;
	s12 =	smul.f32 s12, s31;
	(v2sf) =	vpush v11, $0x3;
	v4 =	vld [tilespmem:s19+$0x60]  }
0x37b: {  	[tilespmem:s17+$0x60] =	vst v2;
	(v2sf) =	vpush v13, $0x0;
	v6 =	vmul.f32 s7, v8;
	v8 =	vld [tilespmem:s19+$0xFFFFFFC0]  }
0x37c: {  	v2 =	vld [tilespmem:s18+$0x70];
	[tilespmem:s17+$0xFFFFFFD0] =	vst v3;
	v3 =	vmul.f32 s12, v7  }
0x37d: {  	v5 =	vmul.f32 s11, v5;
	[tilespmem:s8+$0x30] =	vst v6;
	v6 =	vld [tilespmem:s18+$0xFFFFFFE0]  }
0x37e: {  	[tilespmem:s29+$0xFFFFFF80] =	vst v3;
	v3 =	vmul.f32 s16, v12;
	v7 =	vld [tilespmem:s6+$0x40]  }
0x37f: {  	v63 =	vld [tilespmem:s3+$0xFFFFFF90];
	[tilespmem:s8+$0xFFFFFFA0] =	vst v5;
	v5 =	vmul.f32 s22, v4  }
0x380: {  	[tilespmem:s29+$0x10] =	vst v3;
	v4 =	vld [tilespmem:s6+$0xFFFFFFB0];
	v3 =	vmul.f32 s5, v8  }
0x381: {  	v8 =	vmul.f32 s2, v2;
	[tilespmem:s20+$0x60] =	vst v5;
	v5 =	vld [tilespmem:s3+$0x20]  }
0x382: {  	v9 =	vmul.f32 s30, v6;
	[tilespmem:s20+$0xFFFFFFC0] =	vst v3;
	v2 =	vld [tilespmem:s19+$0x70]  }
0x383: {  	s2 =	simm.s32 $0x1880;
	[tilespmem:s17+$0x70] =	vst v8;
	v3 =	vld [tilespmem:s19+$0xFFFFFFD0];
	v6 =	vmul.f32 s7, v7  }
0x384: {  	s28 =	simm.s32 $0x8;
	s25 =	sadd.s32 $0x10, s1;
	v8 =	vmul.f32 s12, v63;
	v7 =	vld [tilespmem:s2+$0x0];
	[tilespmem:s17+$0xFFFFFFE0] =	vst v9  }
.LBB2_20:
0x385: {  	v9 =	vld [tilespmem:s25+$0x0];
	s4 =	spop (v2sf);
	v4 =	vmul.f32 s11, v4;
	[tilespmem:s8+$0x40] =	vst v6;
	s1 =	smov.u32 s8;
	s8 =	smov.u32 s29  }
0x386: {  	s23 =	sadd.s32 $0x2, s23;
	s24 =	spop (v2sf);
	[tilespmem:s29+$0xFFFFFF90] =	vst v8;
	v5 =	vmul.f32 s16, v5;
	v6 =	vld [tilespmem:s6+$0x50]  }
0x387: {  	s28 =	sadd.s32 $0x2, s28;
	v8 =	vld [tilespmem:s23+$0x0];
	s24 =	smov.u32 @p0 s4;
	s4 =	spop (v2sf);
	[tilespmem:s1+$0xFFFFFFB0] =	vst v4;
	v2 =	vmul.f32 s22, v2  }
0x388: {  	p1 =	slt.u32 s28, $0x26;
	v4 =	vld [tilespmem:s25+$0xFFFFFFF8];
	s4 =	smul.f32 s24, s4;
	s24 =	spop (v2sf);
	[tilespmem:s29+$0x20] =	vst v5;
	v3 =	vmul.f32 s5, v3  }
0x389: {  	s22 =	smov.u32 s7;
	s7 =	smov.u32 s16;
	v5 =	vld [tilespmem:s23+$0xFFFFFFFF];
	s26 =	spop (v2sf);
	[tilespmem:s20+$0x70] =	vst v2  }
0x38a: {  	(v2sf) =	vpush v9, $0x1;
	s26 =	smov.u32 @p0 s24;
	v2 =	vmul.f32 s4, v7;
	s24 =	spop (v2sf);
	v7 =	vld [tilespmem:s3+$0x30];
	[tilespmem:s20+$0xFFFFFFD0] =	vst v3;
	s16 =	smov.u32 s4  }
0x38b: {  	s29 =	sadd.s32 $0x100, s29;
	(v2sf) =	vpush v9, $0x3;
	s4 =	smul.f32 s26, s24;
	v3 =	vld [tilespmem:s2+$0xFFFFFF80];
	v6 =	vmul.f32 s22, v6  }
0x38c: {  	(v2sf) =	vpush v8, $0x0;
	[tilespmem:s29+$0x0] =	vst v2;
	v2 =	vld [tilespmem:s3+$0xFFFFFFA0]  }
0x38d: {  	(v2sf) =	vpush v4, $0x1;
	v8 =	vld [tilespmem:s2+$0x10];
	[tilespmem:s1+$0x50] =	vst v6  }
0x38e: {  	(v2sf) =	vpush v4, $0x3;
	v4 =	vld [tilespmem:s6+$0x60]  }
0x38f: {  	(v2sf) =	vpush v5, $0x0;
	v5 =	vmul.f32 s7, v7;
	v6 =	vld [tilespmem:s6+$0xFFFFFFC0]  }
0x390: {  	v3 =	vmul.f32 s4, v3;
	v7 =	vld [tilespmem:s19+$0xFFFFFFE0]  }
0x391: {  	v2 =	vmul.f32 s12, v2;
	[tilespmem:s8+$0x30] =	vst v5;
	v9 =	vld [tilespmem:s18+$0xFFFFFFF0];
	s18 =	smov.u32 s19;
	s19 =	smov.u32 s6;
	s6 =	smov.u32 s3  }
0x392: {  	s3 =	smov.u32 s2;
	[tilespmem:s29+$0xFFFFFF80] =	vst v3;
	v3 =	vmul.f32 s16, v8;
	v8 =	vld [tilespmem:s6+$0x40]  }
0x393: {  	v10 =	vld [tilespmem:s2+$0xFFFFFF90];
	[tilespmem:s8+$0xFFFFFFA0] =	vst v2;
	v2 =	vmul.f32 s22, v4  }
.Ltmp8:
0x394: {  	[tilespmem:s29+$0x10] =	vst v3;
	v4 =	vld [tilespmem:s6+$0xFFFFFFB0];
	v3 =	vmul.f32 s11, v6;
	(pc) =	sbr.rel @p1 .LBB2_20-.Ltmp8, $4  }
0x395: {  	v5 =	vld [tilespmem:s2+$0x20];
	[tilespmem:s1+$0x60] =	vst v2;
	v7 =	vmul.f32 s5, v7  }
0x396: {  	[tilespmem:s1+$0xFFFFFFC0] =	vst v3;
	v2 =	vld [tilespmem:s19+$0x70];
	v9 =	vmul.f32 s30, v9;
	s30 =	smov.u32 s5;
	s5 =	smov.u32 s11;
	s11 =	smov.u32 s12  }
0x397: {  	s2 =	sadd.s32 $0x100, s2;
	s12 =	smov.u32 s4;
	v6 =	vmul.f32 s7, v8;
	v3 =	vld [tilespmem:s19+$0xFFFFFFD0];
	[tilespmem:s20+$0xFFFFFFE0] =	vst v7  }
0x398: {  	s25 =	sadd.s32 $0x10, s25;
	v7 =	vld [tilespmem:s2+$0x0];
	v8 =	vmul.f32 s12, v10;
	[tilespmem:s17+$0xFFFFFFF0] =	vst v9;
	s17 =	smov.u32 s20;
	s20 =	smov.u32 s1  }
0x399: {  	s1 =	spop (v2sf)  }
0x39a: {  	s4 =	spop (v2sf)  }
0x39b: {  	s23 =	spop (v2sf)  }
0x39c: {  	v9 =	vld [tilespmem:s2+$0xFFFFFF80];
	s4 =	smov.u32 @p0 s1;
	s1 =	spop (v2sf)  }
0x39d: {  	s23 =	smul.f32 s4, s23;
	s4 =	spop (v2sf)  }
0x39e: {  	s4 =	smov.u32 @p0 s1;
	s28 =	spop (v2sf)  }
0x39f: {  	s28 =	smul.f32 s4, s28  }
0x3a0: {  	v7 =	vmul.f32 s23, v7  }
0x3a1: {  	s31 =	sadd.s32 $0x100, s29;
	v9 =	vmul.f32 s28, v9  }
0x3a2: {  	[tilespmem:s31+$0x0] =	vst v7  }
0x3a3: {  	v7 =	vld [tilespmem:s2+$0x10];
	[tilespmem:s31+$0xFFFFFF80] =	vst v9  }
0x3a4: {  	v9 =	vld [tilespmem:s2+$0xFFFFFF90];
	_ =	sdelay $0x3  }
0x3a5: {  	[tilespmem:s29+$0xFFFFFF90] =	vst v8;
	v7 =	vmul.f32 s23, v7  }
0x3a6: {  	v34 =	vld [tilespmem:s3+$0xFFFFFFA0];
	v33 =	vmul.f32 s28, v9  }
0x3a7: {  	[tilespmem:s31+$0x10] =	vst v7  }
0x3a8: {  	v7 =	vld [tilespmem:s2+$0x20];
	[tilespmem:s31+$0xFFFFFF90] =	vst v33  }
0x3a9: {  	v8 =	vld [tilespmem:s2+$0xFFFFFFA0]  }
0x3aa: {  	v5 =	vmul.f32 s16, v5  }
0x3ab: {  	v9 =	vmul.f32 s12, v34  }
0x3ac: {  	[tilespmem:s29+$0x20] =	vst v5  }
0x3ad: {  	v36 =	vld [tilespmem:s3+$0x30];
	[tilespmem:s29+$0xFFFFFFA0] =	vst v9;
	v35 =	vmul.f32 s23, v7  }
0x3ae: {  	v9 =	vld [tilespmem:s3+$0xFFFFFFB0];
	v8 =	vmul.f32 s28, v8  }
0x3af: {  	[tilespmem:s31+$0x20] =	vst v35  }
0x3b0: {  	v4 =	vmul.f32 s11, v4;
	v5 =	vld [tilespmem:s2+$0x30];
	[tilespmem:s31+$0xFFFFFFA0] =	vst v8  }
0x3b1: {  	v8 =	vld [tilespmem:s2+$0xFFFFFFB0]  }
0x3b2: {  	[tilespmem:s8+$0xFFFFFFB0] =	vst v4;
	v7 =	vmul.f32 s16, v36  }
0x3b3: {  	v38 =	vld [tilespmem:s6+$0xFFFFFFC0];
	v37 =	vmul.f32 s12, v9  }
0x3b4: {  	[tilespmem:s29+$0x30] =	vst v7  }
0x3b5: {  	v7 =	vld [tilespmem:s3+$0x40];
	[tilespmem:s29+$0xFFFFFFB0] =	vst v37;
	v5 =	vmul.f32 s23, v5  }
0x3b6: {  	v40 =	vld [tilespmem:s3+$0xFFFFFFC0];
	v39 =	vmul.f32 s28, v8  }
0x3b7: {  	[tilespmem:s31+$0x30] =	vst v5  }
0x3b8: {  	v9 =	vmul.f32 s11, v38;
	v5 =	vld [tilespmem:s2+$0x40];
	[tilespmem:s31+$0xFFFFFFB0] =	vst v39  }
0x3b9: {  	[tilespmem:s8+$0x40] =	vst v6;
	v4 =	vld [tilespmem:s2+$0xFFFFFFC0]  }
0x3ba: {  	v42 =	vld [tilespmem:s6+$0x50];
	[tilespmem:s8+$0xFFFFFFC0] =	vst v9;
	v41 =	vmul.f32 s16, v7  }
0x3bb: {  	v9 =	vld [tilespmem:s6+$0xFFFFFFD0];
	v8 =	vmul.f32 s12, v40  }
0x3bc: {  	v3 =	vmul.f32 s5, v3;
	[tilespmem:s29+$0x40] =	vst v41  }
0x3bd: {  	v6 =	vld [tilespmem:s3+$0x50];
	[tilespmem:s29+$0xFFFFFFC0] =	vst v8;
	v5 =	vmul.f32 s23, v5  }
0x3be: {  	[tilespmem:s20+$0xFFFFFFD0] =	vst v3;
	v8 =	vld [tilespmem:s3+$0xFFFFFFD0];
	v4 =	vmul.f32 s28, v4  }
0x3bf: {  	v43 =	vmul.f32 s7, v42;
	[tilespmem:s31+$0x40] =	vst v5  }
0x3c0: {  	v3 =	vmul.f32 s11, v9;
	v5 =	vld [tilespmem:s2+$0x50];
	[tilespmem:s31+$0xFFFFFFC0] =	vst v4  }
0x3c1: {  	[tilespmem:s8+$0x50] =	vst v43;
	v44 =	vld [tilespmem:s2+$0xFFFFFFD0]  }
0x3c2: {  	[tilespmem:s8+$0xFFFFFFD0] =	vst v3;
	v3 =	vld [tilespmem:s6+$0x60];
	v6 =	vmul.f32 s16, v6  }
0x3c3: {  	v46 =	vld [tilespmem:s6+$0xFFFFFFE0];
	v8 =	vmul.f32 s12, v8  }
0x3c4: {  	v45 =	vld [tilespmem:s19+$0xFFFFFFE0];
	[tilespmem:s29+$0x50] =	vst v6  }
0x3c5: {  	v47 =	vld [tilespmem:s3+$0x60];
	[tilespmem:s29+$0xFFFFFFD0] =	vst v8;
	v5 =	vmul.f32 s23, v5  }
0x3c6: {  	v49 =	vld [tilespmem:s3+$0xFFFFFFE0];
	v7 =	vmul.f32 s28, v44  }
0x3c7: {  	v3 =	vmul.f32 s7, v3;
	[tilespmem:s31+$0x50] =	vst v5  }
0x3c8: {  	v52 =	vmul.f32 s11, v46;
	v50 =	vld [tilespmem:s2+$0x60];
	[tilespmem:s31+$0xFFFFFFD0] =	vst v7  }
0x3c9: {  	[tilespmem:s8+$0x60] =	vst v3;
	v4 =	vmul.f32 s5, v45;
	v51 =	vld [tilespmem:s2+$0xFFFFFFE0]  }
0x3ca: {  	v10 =	vld [tilespmem:s18+$0xFFFFFFF0];
	[tilespmem:s8+$0xFFFFFFE0] =	vst v52;
	v3 =	vmul.f32 s16, v47  }
0x3cb: {  	v54 =	vld [tilespmem:s6+$0x70];
	[tilespmem:s20+$0xFFFFFFE0] =	vst v4;
	v55 =	vmul.f32 s12, v49  }
0x3cc: {  	v2 =	vmul.f32 s22, v2;
	v56 =	vld [tilespmem:s6+$0xFFFFFFF0];
	[tilespmem:s29+$0x60] =	vst v3  }
0x3cd: {  	v53 =	vld [tilespmem:s19+$0xFFFFFFF0];
	[tilespmem:s29+$0xFFFFFFE0] =	vst v55;
	v3 =	vmul.f32 s23, v50  }
0x3ce: {  	[tilespmem:s20+$0x70] =	vst v2;
	v59 =	vld [tilespmem:s3+$0xFFFFFFF0];
	v58 =	vmul.f32 s28, v51  }
0x3cf: {  	v48 =	vmul.f32 s30, v10;
	v57 =	vld [tilespmem:s3+$0x70];
	[tilespmem:s31+$0x60] =	vst v3  }
0x3d0: {  	v61 =	vmul.f32 s7, v54;
	v60 =	vld [tilespmem:s2+$0x70];
	[tilespmem:s31+$0xFFFFFFE0] =	vst v58  }
0x3d1: {  	[tilespmem:s17+$0xFFFFFFF0] =	vst v48;
	v2 =	vmul.f32 s11, v56;
	v62 =	vld [tilespmem:s2+$0xFFFFFFF0]  }
0x3d2: {  	[tilespmem:s8+$0x70] =	vst v61;
	v3 =	vmul.f32 s5, v53  }
0x3d3: {  	s13 =	sadd.s32 $0x1, s13;
	[tilespmem:s8+$0xFFFFFFF0] =	vst v2;
	v2 =	vmul.f32 s12, v59  }
0x3d4: {  	p1 =	sne.s32 s13, $0xC;
	[tilespmem:s20+$0xFFFFFFF0] =	vst v3;
	v3 =	vmul.f32 s16, v57  }
.Ltmp9:
0x3d5: {  	[tilespmem:s29+$0xFFFFFFF0] =	vst v2;
	v63 =	vmul.f32 s23, v60;
	(pc) =	sbr.rel @p1 .LBB2_17-.Ltmp9, $4  }
0x3d6: {  	s0 =	sadd.s32 $0x5400, s0;
	[tilespmem:s29+$0x70] =	vst v3;
	v2 =	vmul.f32 s28, v62  }
0x3d7: {  	s14 =	sadd.s32 $0x280, s14;
	s9 =	sadd.s32 $0x50, s9;
	s10 =	sadd.s32 $0x280, s10;
	[tilespmem:s31+$0x70] =	vst v63  }
0x3d8: {  	s15 =	sadd.s32 $0x50, s15;
	s30 =	rddreg [dreg:$0x2];
	[tilespmem:s31+$0xFFFFFFF0] =	vst v2;
	s31 =	simm.s32 $0x3C00  }
0x3d9: {  	[spmem:s30] =	stream.indirect.scatter.add.f32 [tilespmem:s31], [sflag:$0x4], $0x80, s0, s21, $0xb8;
	[tilespmem:$0x1BF80] =	vst v63  }
0x3da: {  	s0 =	simm.s32 $0x1  }
0x3db: {  	_ =	swait.ge [sflag:s0], $0x1400  }
0x3dc: {  	[sflag:s0] =	ssyncset.done $0x0  }
0x3dd: {  	s24 =	simm.s32 $0x3;
	[sflag:s0] =	ssyncadd.s32 $0xFFFFEC00  }
0x3de: {  	_ =	swait.ge [sflag:s24], $0x1400  }
0x3df: {  	[sflag:s24] =	ssyncset.done $0x0  }
0x3e0: {  	s15 =	simm.s32 $0x7E08;
	[sflag:s24] =	ssyncadd.s32 $0xFFFFEC00  }
0x3e1: {  	v2 =	vld [tilespmem:s15+$0x0]  }
0x3e2: {  	s1 =	simm.s32 $0x5FC1  }
0x3e3: {  	v3 =	vld [tilespmem:s1+$0x0];
	_ =	sdelay $0x2  }
0x3e4: {  	(v2sf) =	vpush v2, $0x1  }
0x3e5: {  	(v2sf) =	vpush v2, $0x3  }
0x3e6: {  	(v2sf) =	vpush v3, $0x0;
	_ =	sdelay $0x7  }
0x3e7: {  	v2 =	vld [tilespmem:s15+$0xFFFFFFF8];
	_ =	sdelay $0x1  }
0x3e8: {  	s16 =	simm.s32 $0x7E18;
	v3 =	vld [tilespmem:s1+$0xFFFFFFFF]  }
0x3e9: {  	v5 =	vld [tilespmem:s16+$0x0]  }
0x3ea: {  	s3 =	simm.s32 $0x5FC3  }
0x3eb: {  	v6 =	vld [tilespmem:s3+$0x0];
	s0 =	spop (v2sf);
	(v2sf) =	vpush v2, $0x1  }
0x3ec: {  	s2 =	spop (v2sf);
	(v2sf) =	vpush v2, $0x3  }
0x3ed: {  	s17 =	spop (v2sf);
	(v2sf) =	vpush v3, $0x0  }
0x3ee: {  	(v2sf) =	vpush v5, $0x1  }
0x3ef: {  	(v2sf) =	vpush v5, $0x3  }
0x3f0: {  	s9 =	simm.s32 $0x80;
	(v2sf) =	vpush v6, $0x0  }
0x3f1: {  	v4 =	vld [tilespmem:s9+$0x0];
	_ =	sdelay $0x1  }
0x3f2: {  	s2 =	smov.u32 @p0 s0  }
0x3f3: {  	v3 =	vld [tilespmem:s16+$0xFFFFFFF8];
	s2 =	smul.f32 s2, s17;
	_ =	sdelay $0x1  }
0x3f4: {  	v2 =	vmul.f32 s2, v4;
	v4 =	vld [tilespmem:s3+$0xFFFFFFFF];
	_ =	sdelay $0x2  }
0x3f5: {  	(v2sf) =	vpush v3, $0x1  }
0x3f6: {  	(v2sf) =	vpush v3, $0x3;
	s1 =	spop (v2sf)  }
0x3f7: {  	s13 =	simm.s32 $0x180;
	s18 =	simm.s32 $0x7E28;
	v3 =	vld [tilespmem:s9+$0xFFFFFF80];
	(v2sf) =	vpush v4, $0x0;
	s3 =	spop (v2sf)  }
0x3f8: {  	s0 =	simm.s32 $0x2880;
	v5 =	vld [tilespmem:s18+$0x0];
	s4 =	spop (v2sf);
	s3 =	smov.u32 @p0 s1  }
0x3f9: {  	[tilespmem:s0+$0x0] =	vst v2;
	v4 =	vld [tilespmem:s13+$0x0];
	s10 =	smul.f32 s3, s4;
	s3 =	spop (v2sf)  }
0x3fa: {  	s19 =	simm.s32 $0x5FC5;
	v2 =	vld [tilespmem:s9+$0x10];
	s5 =	spop (v2sf)  }
0x3fb: {  	v6 =	vld [tilespmem:s19+$0x0];
	s5 =	smov.u32 @p0 s3;
	s20 =	spop (v2sf)  }
0x3fc: {  	v3 =	vmul.f32 s10, v3;
	s6 =	smul.f32 s5, s20;
	_ =	sdelay $0x1  }
0x3fd: {  	v7 =	vld [tilespmem:s18+$0xFFFFFFF8];
	(v2sf) =	vpush v5, $0x1;
	[tilespmem:s0+$0xFFFFFF80] =	vst v3;
	v4 =	vmul.f32 s6, v4  }
0x3fe: {  	s14 =	simm.s32 $0x2980;
	v2 =	vmul.f32 s2, v2;
	(v2sf) =	vpush v5, $0x3;
	v3 =	vld [tilespmem:s9+$0xFFFFFF90]  }
0x3ff: {  	v5 =	vld [tilespmem:s19+$0xFFFFFFFF];
	(v2sf) =	vpush v6, $0x0;
	[tilespmem:s14+$0x0] =	vst v4  }
0x400: {  	[tilespmem:s0+$0x10] =	vst v2;
	v4 =	vld [tilespmem:s13+$0x10]  }
0x401: {  	v2 =	vld [tilespmem:s9+$0x20];
	_ =	sdelay $0x1  }
0x402: {  	v6 =	vld [tilespmem:s13+$0xFFFFFF80];
	(v2sf) =	vpush v7, $0x1;
	s1 =	spop (v2sf);
	v3 =	vmul.f32 s10, v3  }
0x403: {  	(v2sf) =	vpush v7, $0x3;
	s3 =	spop (v2sf)  }
0x404: {  	(v2sf) =	vpush v5, $0x0;
	s3 =	smov.u32 @p0 s1;
	s22 =	spop (v2sf);
	[tilespmem:s0+$0xFFFFFF90] =	vst v3;
	v3 =	vmul.f32 s6, v4  }
0x405: {  	s23 =	simm.s32 $0x7E38;
	v2 =	vmul.f32 s2, v2;
	s5 =	smul.f32 s3, s22;
	v4 =	vld [tilespmem:s9+$0xFFFFFFA0]  }
0x406: {  	v9 =	vld [tilespmem:s23+$0xFFFFFFF8];
	[tilespmem:s14+$0x10] =	vst v3  }
0x407: {  	[tilespmem:s0+$0x20] =	vst v2;
	v5 =	vmul.f32 s5, v6;
	v3 =	vld [tilespmem:s13+$0x20]  }
0x408: {  	v2 =	vld [tilespmem:s9+$0x30]  }
0x409: {  	v7 =	vld [tilespmem:s23+$0x0];
	[tilespmem:s14+$0xFFFFFF80] =	vst v5  }
0x40a: {  	s7 =	simm.s32 $0x280;
	v5 =	vld [tilespmem:s13+$0xFFFFFF90];
	v4 =	vmul.f32 s10, v4  }
0x40b: {  	s25 =	simm.s32 $0x5FC7;
	v6 =	vld [tilespmem:s7+$0x0];
	s3 =	spop (v2sf)  }
0x40c: {  	s8 =	spop (v2sf);
	[tilespmem:s0+$0xFFFFFFA0] =	vst v4;
	v4 =	vld [tilespmem:s25+$0x0];
	v3 =	vmul.f32 s6, v3  }
0x40d: {  	v2 =	vmul.f32 s2, v2;
	s8 =	smov.u32 @p0 s3;
	s26 =	spop (v2sf);
	v8 =	vld [tilespmem:s9+$0xFFFFFFB0]  }
0x40e: {  	v10 =	vld [tilespmem:s25+$0xFFFFFFFF];
	s11 =	smul.f32 s8, s26;
	[tilespmem:s14+$0x20] =	vst v3  }
0x40f: {  	(v2sf) =	vpush v7, $0x1;
	[tilespmem:s0+$0x30] =	vst v2;
	v3 =	vmul.f32 s5, v5;
	v5 =	vld [tilespmem:s13+$0x30]  }
0x410: {  	(v2sf) =	vpush v7, $0x3;
	v2 =	vld [tilespmem:s9+$0x40];
	v6 =	vmul.f32 s11, v6  }
0x411: {  	s1 =	spop (v2sf);
	s8 =	simm.s32 $0x2A80;
	[tilespmem:s14+$0xFFFFFF90] =	vst v3;
	v3 =	vld [tilespmem:s7+$0xFFFFFF80];
	(v2sf) =	vpush v4, $0x0  }
0x412: {  	s3 =	spop (v2sf);
	[tilespmem:s8+$0x0] =	vst v6;
	v4 =	vmul.f32 s10, v8;
	v6 =	vld [tilespmem:s13+$0xFFFFFFA0]  }
0x413: {  	s3 =	smov.u32 @p0 s1;
	s28 =	spop (v2sf);
	v7 =	vld [tilespmem:s7+$0x10]  }
0x414: {  	s15 =	smul.f32 s3, s28;
	[tilespmem:s0+$0xFFFFFFB0] =	vst v4;
	v4 =	vmul.f32 s6, v5  }
0x415: {  	s29 =	simm.s32 $0x7E48;
	v2 =	vmul.f32 s2, v2;
	(v2sf) =	vpush v9, $0x1;
	v5 =	vld [tilespmem:s9+$0xFFFFFFC0]  }
0x416: {  	v11 =	vld [tilespmem:s29+$0xFFFFFFF8];
	(v2sf) =	vpush v9, $0x3;
	v3 =	vmul.f32 s15, v3;
	[tilespmem:s14+$0x30] =	vst v4  }
0x417: {  	s18 =	simm.s32 $0x5FC9;
	[tilespmem:s0+$0x40] =	vst v2;
	(v2sf) =	vpush v10, $0x0;
	v4 =	vmul.f32 s5, v6;
	v6 =	vld [tilespmem:s13+$0x40]  }
0x418: {  	v13 =	vld [tilespmem:s18+$0xFFFFFFFF];
	[tilespmem:s8+$0xFFFFFF80] =	vst v3;
	v3 =	vmul.f32 s11, v7  }
0x419: {  	s3 =	simm.s32 $0x380;
	v2 =	vld [tilespmem:s9+$0x50];
	[tilespmem:s14+$0xFFFFFFA0] =	vst v4  }
0x41a: {  	v8 =	vld [tilespmem:s3+$0x0];
	[tilespmem:s8+$0x10] =	vst v3;
	v4 =	vmul.f32 s10, v5  }
0x41b: {  	v5 =	vld [tilespmem:s7+$0x20]  }
0x41c: {  	v9 =	vld [tilespmem:s29+$0x0];
	[tilespmem:s0+$0xFFFFFFC0] =	vst v4;
	v4 =	vmul.f32 s6, v6  }
0x41d: {  	v7 =	vld [tilespmem:s7+$0xFFFFFF90]  }
0x41e: {  	v2 =	vmul.f32 s2, v2;
	s1 =	spop (v2sf);
	v10 =	vld [tilespmem:s18+$0x0];
	[tilespmem:s14+$0x40] =	vst v4  }
0x41f: {  	s12 =	spop (v2sf);
	v4 =	vld [tilespmem:s13+$0x50]  }
0x420: {  	[tilespmem:s0+$0x50] =	vst v2;
	s12 =	smov.u32 @p0 s1;
	v3 =	vld [tilespmem:s13+$0xFFFFFFB0];
	v5 =	vmul.f32 s11, v5;
	s30 =	spop (v2sf)  }
0x421: {  	v2 =	vld [tilespmem:s9+$0x60];
	s16 =	smul.f32 s12, s30  }
0x422: {  	v6 =	vld [tilespmem:s9+$0xFFFFFFD0];
	v7 =	vmul.f32 s15, v7;
	[tilespmem:s8+$0x20] =	vst v5  }
0x423: {  	(v2sf) =	vpush v9, $0x1;
	v5 =	vmul.f32 s16, v8;
	v8 =	vld [tilespmem:s7+$0x30]  }
0x424: {  	s17 =	simm.s32 $0x2B80;
	[tilespmem:s8+$0xFFFFFF90] =	vst v7;
	v7 =	vld [tilespmem:s3+$0xFFFFFF80];
	(v2sf) =	vpush v9, $0x3;
	s1 =	spop (v2sf);
	v4 =	vmul.f32 s6, v4  }
0x425: {  	v3 =	vmul.f32 s5, v3;
	s4 =	spop (v2sf);
	(v2sf) =	vpush v10, $0x0;
	[tilespmem:s17+$0x0] =	vst v5;
	v5 =	vld [tilespmem:s7+$0xFFFFFFA0]  }
0x426: {  	v2 =	vmul.f32 s2, v2;
	s4 =	smov.u32 @p0 s1;
	s31 =	spop (v2sf);
	(v2sf) =	vpush v11, $0x1;
	v12 =	vld [tilespmem:s3+$0x10];
	[tilespmem:s14+$0x50] =	vst v4  }
0x427: {  	[tilespmem:s14+$0xFFFFFFB0] =	vst v3;
	v3 =	vmul.f32 s10, v6;
	s12 =	smul.f32 s4, s31;
	(v2sf) =	vpush v11, $0x3;
	v4 =	vld [tilespmem:s13+$0x60]  }
0x428: {  	[tilespmem:s0+$0x60] =	vst v2;
	(v2sf) =	vpush v13, $0x0;
	v6 =	vmul.f32 s11, v8;
	v8 =	vld [tilespmem:s13+$0xFFFFFFC0]  }
0x429: {  	v2 =	vld [tilespmem:s9+$0x70];
	[tilespmem:s0+$0xFFFFFFD0] =	vst v3;
	v3 =	vmul.f32 s12, v7  }
0x42a: {  	[tilespmem:s8+$0x30] =	vst v6;
	v6 =	vld [tilespmem:s9+$0xFFFFFFE0];
	v5 =	vmul.f32 s15, v5  }
0x42b: {  	[tilespmem:s17+$0xFFFFFF80] =	vst v3;
	v3 =	vmul.f32 s16, v12;
	v7 =	vld [tilespmem:s7+$0x40]  }
0x42c: {  	v63 =	vld [tilespmem:s3+$0xFFFFFF90];
	[tilespmem:s8+$0xFFFFFFA0] =	vst v5;
	v5 =	vmul.f32 s6, v4  }
0x42d: {  	[tilespmem:s17+$0x10] =	vst v3;
	v4 =	vld [tilespmem:s7+$0xFFFFFFB0];
	v3 =	vmul.f32 s5, v8  }
0x42e: {  	v8 =	vmul.f32 s2, v2;
	[tilespmem:s14+$0x60] =	vst v5;
	v5 =	vld [tilespmem:s3+$0x20]  }
0x42f: {  	v9 =	vmul.f32 s10, v6;
	[tilespmem:s14+$0xFFFFFFC0] =	vst v3;
	v2 =	vld [tilespmem:s13+$0x70]  }
0x430: {  	s2 =	simm.s32 $0x480;
	[tilespmem:s0+$0x70] =	vst v8;
	v3 =	vld [tilespmem:s13+$0xFFFFFFD0];
	v6 =	vmul.f32 s11, v7  }
0x431: {  	s19 =	simm.s32 $0x8;
	s20 =	simm.s32 $0x7E58;
	v8 =	vmul.f32 s12, v63;
	v7 =	vld [tilespmem:s2+$0x0];
	[tilespmem:s0+$0xFFFFFFE0] =	vst v9  }
.LBB2_23:
0x432: {  	v9 =	vld [tilespmem:s20+$0x0];
	s4 =	spop (v2sf);
	v4 =	vmul.f32 s15, v4;
	[tilespmem:s8+$0x40] =	vst v6;
	s1 =	smov.u32 s8;
	s8 =	smov.u32 s17  }
0x433: {  	s18 =	sadd.s32 $0x2, s18;
	s22 =	spop (v2sf);
	[tilespmem:s17+$0xFFFFFF90] =	vst v8;
	v5 =	vmul.f32 s16, v5;
	v6 =	vld [tilespmem:s7+$0x50]  }
0x434: {  	s19 =	sadd.s32 $0x2, s19;
	v8 =	vld [tilespmem:s18+$0x0];
	s22 =	smov.u32 @p0 s4;
	s4 =	spop (v2sf);
	[tilespmem:s1+$0xFFFFFFB0] =	vst v4;
	v2 =	vmul.f32 s6, v2  }
0x435: {  	p1 =	slt.u32 s19, $0x26;
	v4 =	vld [tilespmem:s20+$0xFFFFFFF8];
	s4 =	smul.f32 s22, s4;
	s22 =	spop (v2sf);
	[tilespmem:s17+$0x20] =	vst v5;
	v3 =	vmul.f32 s5, v3  }
0x436: {  	s6 =	smov.u32 s11;
	s11 =	smov.u32 s16;
	v5 =	vld [tilespmem:s18+$0xFFFFFFFF];
	s23 =	spop (v2sf);
	[tilespmem:s14+$0x70] =	vst v2  }
0x437: {  	(v2sf) =	vpush v9, $0x1;
	s23 =	smov.u32 @p0 s22;
	v2 =	vmul.f32 s4, v7;
	s22 =	spop (v2sf);
	v7 =	vld [tilespmem:s3+$0x30];
	[tilespmem:s14+$0xFFFFFFD0] =	vst v3;
	s16 =	smov.u32 s4  }
0x438: {  	s17 =	sadd.s32 $0x100, s17;
	(v2sf) =	vpush v9, $0x3;
	s4 =	smul.f32 s23, s22;
	v3 =	vld [tilespmem:s2+$0xFFFFFF80];
	v6 =	vmul.f32 s6, v6  }
0x439: {  	(v2sf) =	vpush v8, $0x0;
	[tilespmem:s17+$0x0] =	vst v2;
	v2 =	vld [tilespmem:s3+$0xFFFFFFA0]  }
0x43a: {  	(v2sf) =	vpush v4, $0x1;
	v8 =	vld [tilespmem:s2+$0x10];
	[tilespmem:s1+$0x50] =	vst v6  }
0x43b: {  	(v2sf) =	vpush v4, $0x3;
	v4 =	vld [tilespmem:s7+$0x60]  }
0x43c: {  	(v2sf) =	vpush v5, $0x0;
	v5 =	vmul.f32 s11, v7;
	v6 =	vld [tilespmem:s7+$0xFFFFFFC0]  }
0x43d: {  	v3 =	vmul.f32 s4, v3;
	v7 =	vld [tilespmem:s13+$0xFFFFFFE0]  }
0x43e: {  	v2 =	vmul.f32 s12, v2;
	[tilespmem:s8+$0x30] =	vst v5;
	v9 =	vld [tilespmem:s9+$0xFFFFFFF0];
	s9 =	smov.u32 s13;
	s13 =	smov.u32 s7;
	s7 =	smov.u32 s3  }
0x43f: {  	s3 =	smov.u32 s2;
	[tilespmem:s17+$0xFFFFFF80] =	vst v3;
	v3 =	vmul.f32 s16, v8;
	v8 =	vld [tilespmem:s7+$0x40]  }
0x440: {  	v10 =	vld [tilespmem:s2+$0xFFFFFF90];
	[tilespmem:s8+$0xFFFFFFA0] =	vst v2;
	v2 =	vmul.f32 s6, v4  }
.Ltmp10:
0x441: {  	[tilespmem:s17+$0x10] =	vst v3;
	v4 =	vld [tilespmem:s7+$0xFFFFFFB0];
	v3 =	vmul.f32 s15, v6;
	(pc) =	sbr.rel @p1 .LBB2_23-.Ltmp10, $4  }
0x442: {  	v5 =	vld [tilespmem:s2+$0x20];
	[tilespmem:s1+$0x60] =	vst v2;
	v7 =	vmul.f32 s5, v7  }
0x443: {  	[tilespmem:s1+$0xFFFFFFC0] =	vst v3;
	v2 =	vld [tilespmem:s13+$0x70];
	v9 =	vmul.f32 s10, v9;
	s10 =	smov.u32 s5;
	s5 =	smov.u32 s15;
	s15 =	smov.u32 s12  }
0x444: {  	s2 =	sadd.s32 $0x100, s2;
	s12 =	smov.u32 s4;
	v6 =	vmul.f32 s11, v8;
	v3 =	vld [tilespmem:s13+$0xFFFFFFD0];
	[tilespmem:s14+$0xFFFFFFE0] =	vst v7  }
0x445: {  	s20 =	sadd.s32 $0x10, s20;
	v7 =	vld [tilespmem:s2+$0x0];
	v8 =	vmul.f32 s12, v10;
	[tilespmem:s0+$0xFFFFFFF0] =	vst v9;
	s0 =	smov.u32 s14;
	s14 =	smov.u32 s1  }
0x446: {  	s1 =	spop (v2sf)  }
0x447: {  	s4 =	spop (v2sf)  }
0x448: {  	s18 =	spop (v2sf)  }
0x449: {  	v9 =	vld [tilespmem:s2+$0xFFFFFF80];
	s4 =	smov.u32 @p0 s1;
	s1 =	spop (v2sf)  }
0x44a: {  	s18 =	smul.f32 s4, s18;
	s4 =	spop (v2sf)  }
0x44b: {  	s4 =	smov.u32 @p0 s1;
	s25 =	spop (v2sf)  }
0x44c: {  	v7 =	vmul.f32 s18, v7;
	s20 =	smul.f32 s4, s25  }
0x44d: {  	s19 =	sadd.s32 $0x100, s17  }
0x44e: {  	[tilespmem:s19+$0x0] =	vst v7;
	v35 =	vmul.f32 s20, v9  }
0x44f: {  	v36 =	vld [tilespmem:s2+$0x10]  }
0x450: {  	[tilespmem:s19+$0xFFFFFF80] =	vst v35  }
0x451: {  	v7 =	vld [tilespmem:s2+$0xFFFFFF90];
	_ =	sdelay $0x2  }
0x452: {  	v9 =	vmul.f32 s18, v36;
	_ =	sdelay $0x1  }
0x453: {  	[tilespmem:s19+$0x10] =	vst v9;
	v7 =	vmul.f32 s20, v7  }
0x454: {  	[tilespmem:s17+$0xFFFFFF90] =	vst v8;
	v37 =	vld [tilespmem:s2+$0x20]  }
0x455: {  	v38 =	vld [tilespmem:s3+$0xFFFFFFA0];
	[tilespmem:s19+$0xFFFFFF90] =	vst v7  }
0x456: {  	v7 =	vld [tilespmem:s2+$0xFFFFFFA0]  }
0x457: {  	v5 =	vmul.f32 s16, v5;
	_ =	sdelay $0x1  }
0x458: {  	[tilespmem:s17+$0x20] =	vst v5;
	v39 =	vmul.f32 s18, v37  }
0x459: {  	v40 =	vld [tilespmem:s3+$0x30];
	v9 =	vmul.f32 s12, v38  }
0x45a: {  	[tilespmem:s19+$0x20] =	vst v39;
	v41 =	vmul.f32 s20, v7  }
0x45b: {  	[tilespmem:s17+$0xFFFFFFA0] =	vst v9;
	v42 =	vld [tilespmem:s2+$0x30]  }
0x45c: {  	v9 =	vld [tilespmem:s3+$0xFFFFFFB0];
	[tilespmem:s19+$0xFFFFFFA0] =	vst v41  }
0x45d: {  	v5 =	vld [tilespmem:s2+$0xFFFFFFB0]  }
0x45e: {  	v8 =	vmul.f32 s16, v40  }
0x45f: {  	v4 =	vmul.f32 s15, v4  }
0x460: {  	[tilespmem:s17+$0x30] =	vst v8;
	v7 =	vmul.f32 s18, v42  }
0x461: {  	[tilespmem:s8+$0xFFFFFFB0] =	vst v4;
	v43 =	vld [tilespmem:s3+$0x40];
	v44 =	vmul.f32 s12, v9  }
0x462: {  	v45 =	vld [tilespmem:s7+$0xFFFFFFC0];
	[tilespmem:s19+$0x30] =	vst v7;
	v5 =	vmul.f32 s20, v5  }
0x463: {  	[tilespmem:s17+$0xFFFFFFB0] =	vst v44;
	v7 =	vld [tilespmem:s2+$0x40]  }
0x464: {  	v8 =	vld [tilespmem:s3+$0xFFFFFFC0];
	[tilespmem:s19+$0xFFFFFFB0] =	vst v5  }
0x465: {  	v5 =	vld [tilespmem:s2+$0xFFFFFFC0]  }
0x466: {  	[tilespmem:s8+$0x40] =	vst v6;
	v4 =	vmul.f32 s16, v43  }
0x467: {  	v6 =	vld [tilespmem:s7+$0x50];
	v9 =	vmul.f32 s15, v45  }
0x468: {  	[tilespmem:s17+$0x40] =	vst v4;
	v46 =	vmul.f32 s18, v7  }
0x469: {  	v47 =	vld [tilespmem:s3+$0x50];
	[tilespmem:s8+$0xFFFFFFC0] =	vst v9;
	v8 =	vmul.f32 s12, v8  }
0x46a: {  	v9 =	vld [tilespmem:s7+$0xFFFFFFD0];
	[tilespmem:s19+$0x40] =	vst v46;
	v48 =	vmul.f32 s20, v5  }
0x46b: {  	[tilespmem:s17+$0xFFFFFFC0] =	vst v8;
	v49 =	vld [tilespmem:s2+$0x50]  }
0x46c: {  	v6 =	vmul.f32 s11, v6;
	v8 =	vld [tilespmem:s3+$0xFFFFFFD0];
	[tilespmem:s19+$0xFFFFFFC0] =	vst v48  }
0x46d: {  	v3 =	vmul.f32 s5, v3;
	v4 =	vld [tilespmem:s2+$0xFFFFFFD0]  }
0x46e: {  	[tilespmem:s8+$0x50] =	vst v6;
	v50 =	vmul.f32 s16, v47  }
0x46f: {  	[tilespmem:s14+$0xFFFFFFD0] =	vst v3;
	v3 =	vld [tilespmem:s7+$0x60];
	v51 =	vmul.f32 s15, v9  }
0x470: {  	v52 =	vld [tilespmem:s13+$0xFFFFFFE0];
	[tilespmem:s17+$0x50] =	vst v50;
	v5 =	vmul.f32 s18, v49  }
0x471: {  	v6 =	vld [tilespmem:s3+$0x60];
	[tilespmem:s8+$0xFFFFFFD0] =	vst v51;
	v53 =	vmul.f32 s12, v8  }
0x472: {  	v54 =	vld [tilespmem:s7+$0xFFFFFFE0];
	[tilespmem:s19+$0x50] =	vst v5;
	v4 =	vmul.f32 s20, v4  }
0x473: {  	v2 =	vmul.f32 s6, v2;
	[tilespmem:s17+$0xFFFFFFD0] =	vst v53;
	v5 =	vld [tilespmem:s2+$0x60]  }
0x474: {  	v3 =	vmul.f32 s11, v3;
	v7 =	vld [tilespmem:s3+$0xFFFFFFE0];
	[tilespmem:s19+$0xFFFFFFD0] =	vst v4  }
0x475: {  	[tilespmem:s14+$0x70] =	vst v2;
	v2 =	vmul.f32 s5, v52;
	v4 =	vld [tilespmem:s2+$0xFFFFFFE0]  }
0x476: {  	v55 =	vld [tilespmem:s9+$0xFFFFFFF0];
	[tilespmem:s8+$0x60] =	vst v3;
	v3 =	vmul.f32 s16, v6  }
0x477: {  	[tilespmem:s14+$0xFFFFFFE0] =	vst v2;
	v56 =	vld [tilespmem:s7+$0x70];
	v2 =	vmul.f32 s15, v54  }
0x478: {  	v57 =	vld [tilespmem:s13+$0xFFFFFFF0];
	[tilespmem:s17+$0x60] =	vst v3;
	v3 =	vmul.f32 s18, v5  }
0x479: {  	v58 =	vld [tilespmem:s3+$0x70];
	[tilespmem:s8+$0xFFFFFFE0] =	vst v2;
	v2 =	vmul.f32 s12, v7  }
0x47a: {  	v59 =	vld [tilespmem:s7+$0xFFFFFFF0];
	[tilespmem:s19+$0x60] =	vst v3;
	v3 =	vmul.f32 s20, v4  }
0x47b: {  	v60 =	vmul.f32 s10, v55;
	[tilespmem:s17+$0xFFFFFFE0] =	vst v2;
	v61 =	vld [tilespmem:s2+$0x70]  }
0x47c: {  	v2 =	vmul.f32 s11, v56;
	v62 =	vld [tilespmem:s3+$0xFFFFFFF0];
	[tilespmem:s19+$0xFFFFFFE0] =	vst v3  }
0x47d: {  	[tilespmem:s0+$0xFFFFFFF0] =	vst v60;
	v3 =	vmul.f32 s5, v57;
	v63 =	vld [tilespmem:s2+$0xFFFFFFF0]  }
0x47e: {  	[tilespmem:s8+$0x70] =	vst v2;
	v2 =	vmul.f32 s16, v58  }
0x47f: {  	[tilespmem:s14+$0xFFFFFFF0] =	vst v3;
	v3 =	vmul.f32 s15, v59  }
0x480: {  	[tilespmem:s17+$0x70] =	vst v2;
	v2 =	vmul.f32 s18, v61  }
0x481: {  	[tilespmem:s8+$0xFFFFFFF0] =	vst v3;
	v3 =	vmul.f32 s12, v62  }
0x482: {  	[tilespmem:s19+$0x70] =	vst v2;
	v2 =	vmul.f32 s20, v63  }
0x483: {  	s26 =	rddreg [dreg:$0x2];
	[tilespmem:s17+$0xFFFFFFF0] =	vst v3  }
0x484: {  	s28 =	simm.s32 $0x2800;
	s29 =	simm.s32 $0x57C0;
	s30 =	simm.s32 $0x4;
	[tilespmem:s19+$0xFFFFFFF0] =	vst v2  }
0x485: {  	[spmem:s26] =	stream.indirect.scatter.add.f32 [tilespmem:s28], [sflag:$0x3], $0x80, s29, s21, $0xb8;
	[tilespmem:$0x1BF80] =	vst v63  }
0x486: {  	_ =	swait.ge [sflag:s30], $0x1400  }
0x487: {  	[sflag:s30] =	ssyncset.done $0x0  }
0x488: {  	[sflag:s30] =	ssyncadd.s32 $0xFFFFEC00  }
0x489: {  	_ =	swait.ge [sflag:s24], $0x1400  }
0x48a: {  	s31 =	rddreg [dreg:$0x12]  }
0x48b: {  	s0 =	sadd.s32 $0x1, s31  }
0x48c: {  	p1 =	sne.s32 s0, $0xA  }
.Ltmp11:
0x48d: {  	_ = 	snop;
	(pc) =	sbr.rel @p1 .LBB2_14-.Ltmp11, $3  }
0x48e: {  	_ =	sdelay $0x1  }
0x48f: {  	[sflag:s24] =	ssyncset.done $0x0  }
0x490: {  	s6 =	simm.s32 $0x5;
	[sflag:s24] =	ssyncadd.s32 $0xFFFFEC00  }
0x491: {  	[bflag:$0x0] =	sbarrier.arrive $0xFFFF  }
0x492: {  	s4 =	rddreg [dreg:$0xa]  }
0x493: {  	s0 =	rddreg [dreg:$0xd]  }
0x494: {  	s1 =	rddreg [dreg:$0xf]  }
0x495: {  	[hbm:s0], [sflag:s4] =	dma.local [spmem:s1], $0x2800  }
0x496: {  	_ =	swait.ge [sflag:s6], $0x2800  }
0x497: {  	s2 =	rddreg [dreg:$0x10]  }
0x498: {  	s31 =	rddreg [dreg:$0xe];
	s2 =	sadd.s32 $0x1, s2  }
0x499: {  	p1 =	sne.s32 s2, s31  }
.Ltmp12:
0x49a: {  	_ = 	snop;
	(pc) =	sbr.rel @p1 .LBB2_1-.Ltmp12, $3  }
0x49b: {  	[sflag:s6] =	ssyncset.done $0x0  }
0x49c: {  	[sflag:s6] =	ssyncadd.s32 $0xFFFFD800  }
0x49d: {  	[bflag:$0x0] =	sbarrier.arrive $0xFFFF;
	_ =	sdelay $0x1  }
0x49e: {  	_ =	sfence.sel $0x180000  }
0x49f: {  	[bflag:$0x0] =	sbarrier.arrive $0xFFFF  }
0x4a0: {  	_ =	strace $0x9000004A  }
0x4a1: {  	s0 =	stileid.u32;
	[bflag:$0x2] =	sbarrier.arrive $0xFFFF  }
0x4a2: {  	p0 =	sne.s32 s0, $0x0;
	s0 =	rddreg [dreg:$0x3]  }
0x4a3: {  	s0 =	sadd.s32 @!p0 $0x100000, s0  }
0x4a4: {  	[sflag:s0] =	ssyncadd.tile.s32 @!p0 $0x1;
	_ =	shalt  }
.Lfunc_end2:
_tile_overlayer_lowered:
.L_overlay_start_2:
0x4a5: {  	(tag) =	ssettag $0x2  }
0x4a6: {  	s0 =	rddreg [dreg:$0x0];
	s2 =	stileid.u32  }
0x4a7: {  	s1 =	rddreg [dreg:$0x1];
	p0 =	sne.s32 s2, $0x0  }
0x4a8: {  	s3 =	rddreg [dreg:$0x2];
	[bflag:$0x3] =	sbarrier.arrive $0xFFFF;
	s2 =	simm.s32 @!p0 $0x1C05  }
0x4a9: {  	[timem:s3], [sflag:s2] =	dma.local @!p0 [hbm:s0], s1  }
0x4aa: {  	s0 =	simm.s32 @!p0 $0x5  }
0x4ab: {  	_ =	swait.ge @!p0 [sflag:s0], s1  }
0x4ac: {  	s1 =	ssub.s32 @!p0 $0x0, s1;
	[sflag:s0] =	ssyncset.done @!p0 $0x0  }
0x4ad: {  	[sflag:s0] =	ssyncadd.s32 @!p0 s1  }
0x4ae: {  	[bflag:$0x3] =	sbarrier.arrive $0xFFFF  }
0x4af: {  	_ =	shalt  }

// kernel: kernel.7.cloned.1.call-start
scs
__scs_entry_jumppad:
0x0: {  	(pc) =	sbr.rel $0x88, $3  }
0x1: {  	(tag) =	ssettag $0x0;
	lr =	simm.s32 $0x1  }
0x2: {  	[smem:$0x3F96] =	sst lr;
	_ =	strace $0xD0000000  }
0x3: {  	_ = 	snop  }
0x4: {  	_ = 	snop  }
0x5: {  	_ = 	snop  }
0x6: {  	_ = 	snop  }
0x7: {  	_ = 	snop  }
__scs_overlays_trampoline_lowered:
0x8: {  	[smem:$0x3FA5] =	sst s0  }
0x9: {  	[smem:$0x3FA6] =	sst s1  }
0xa: {  	[smem:$0x3FA7] =	sst s2  }
0xb: {  	[smem:$0x3FA8] =	sst s3  }
0xc: {  	[smem:$0x3FA9] =	sst s4  }
0xd: {  	[smem:$0x3FAA] =	sst s5  }
0xe: {  	[smem:$0x3FAB] =	sst s6  }
0xf: {  	[smem:$0x3FAC] =	sst s7  }
0x10: {  	[smem:$0x3FAD] =	sst s8  }
0x11: {  	[smem:$0x3FAE] =	sst s9;
	s0 =	simm.s32 @!p0 $0x0  }
0x12: {  	s1 =	sld [smem:$0x3F94];
	s0 =	simm.s32 @p0 $0x1  }
0x13: {  	[smem:$0x3FAF] =	sst s0;
	s0 =	simm.s32 @!p1 $0x0  }
0x14: {  	s2 =	sld [smem:$0x3F93];
	s0 =	simm.s32 @p1 $0x1  }
0x15: {  	[smem:$0x3FB0] =	sst s0;
	s0 =	simm.s32 @!p2 $0x0  }
0x16: {  	s3 =	sld [smem:$0x3FDB];
	s0 =	simm.s32 @p2 $0x1  }
0x17: {  	s4 =	simm.s32 $0x1BF5;
	[smem:$0x3FB2] =	sst s0  }
0x18: {  	s0 =	sld [smem:$0x3F95];
	_ =	swait.ge [sflag:s4], $0x0  }
0x19: {  	s7 =	sld [smem:$0x3F96]  }
0x1a: {  	s8 =	sadd.s32 $0xFFFFE003, lr  }
0x1b: {  	s9 =	sadd.s32 $0xFFFFFEF7, lr;
	s5 =	simm.s32 $0xFFFFFFFF;
	p2 =	slt.u32 s8, $0xFFFFF086  }
0x1c: {  	p1 =	slt.u32 s9, $0xF7A;
	s5 =	simm.s32 @!p2 $0x0  }
0x1d: {  	s5 =	simm.s32 @p1 $0x1;
	p0 =	seq.s32 s7, s2  }
0x1e: {  	s7 =	smul.u32 @!p0 $0xF7A, s2;
	p2 =	seq.s32 @!p0 s5, $0x0  }
0x1f: {  	s9 =	smul.u32 $0xF7A, s1;
	s8 =	simm.s32 @!p0 $0x1BF5;
	p2 =	por !p2, p0  }
0x20: {  	[sflag:s8] =	ssyncset.s32 @!p0 $0xFFFFF086;
	s6 =	sadd.s32 @!p0 s3, s7;
	s7 =	simm.s32 @!p0 $0x108  }
0x21: {  	s3 =	sadd.s32 s3, s9;
	s6 =	sadd.s32 @!p0 $0x88, s6;
	s7 =	simm.s32 @p2 $0x1082  }
0x22: {  	[simem:s7], [sflag:s8] =	dma.local @!p0 [hbm:s6], $0xF7A  }
0x23: {  	s9 =	sor.u32 $0xD0000000, s2;
	s6 =	simm.s32 $0x108;
	_ =	swait.ge @!p0 [sflag:s8], $0x0  }
0x24: {  	s3 =	sadd.s32 $0x88, s3;
	s6 =	simm.s32 @!p1 $0x1082;
	[sflag:s4] =	ssyncset.s32 $0xFFFFF086  }
0x25: {  	[simem:s6], [sflag:s4] =	dma.local [hbm:s3], $0xF7A  }
0x26: {  	[smem:$0x3F96] =	sst s1;
	(tag) =	ssettag s2;
	_ =	strace s9  }
0x27: {  	s1 =	sld [smem:$0x3FA6]  }
0x28: {  	s2 =	sld [smem:$0x3FA7]  }
0x29: {  	s4 =	sld [smem:$0x3FA9]  }
0x2a: {  	p0 =	seq.s32 s5, $0x0;
	s5 =	sld [smem:$0x3FAA]  }
0x2b: {  	s6 =	sld [smem:$0x3FAB]  }
0x2c: {  	s7 =	sld [smem:$0x3FAC]  }
0x2d: {  	s3 =	simm.s32 $0x108;
	s8 =	sld [smem:$0x3FAD]  }
0x2e: {  	s3 =	simm.s32 @!p0 $0x1082;
	s9 =	sld [smem:$0x3FAE]  }
0x2f: {  	lr =	sadd.s32 s0, s3;
	s0 =	sld [smem:$0x3FA5]  }
0x30: {  	s3 =	sld [smem:$0x3FA8]  }
0x31: {  	[smem:$0x3FB1] =	sst s10  }
0x32: {  	s10 =	sld [smem:$0x3FAF];
	_ =	sdelay $0x3  }
0x33: {  	p0 =	seq.s32 s10, $0x1;
	s10 =	sld [smem:$0x3FB1];
	_ =	sdelay $0x3  }
0x34: {  	[smem:$0x3FB1] =	sst s10  }
0x35: {  	s10 =	sld [smem:$0x3FB0];
	_ =	sdelay $0x3  }
0x36: {  	p1 =	seq.s32 s10, $0x1;
	s10 =	sld [smem:$0x3FB1];
	_ =	sdelay $0x3  }
0x37: {  	[smem:$0x3FB1] =	sst s10  }
0x38: {  	s10 =	sld [smem:$0x3FB2]  }
0x39: {  	_ = 	snop;
	(pc) =	sbr.ind lr, $3  }
0x3a: {  	_ = 	snop  }
0x3b: {  	_ = 	snop  }
0x3c: {  	p2 =	seq.s32 s10, $0x1;
	s10 =	sld [smem:$0x3FB1]  }
0x3d: {  	_ =	shalt  }
0x3e: {  	_ =	shalt  }
0x3f: {  	_ =	shalt  }
0x40: {  	_ =	shalt  }
0x41: {  	_ =	shalt  }
0x42: {  	_ =	shalt  }
0x43: {  	_ =	shalt  }
0x44: {  	_ =	shalt  }
0x45: {  	_ =	shalt  }
0x46: {  	_ =	shalt  }
0x47: {  	_ =	shalt  }
0x48: {  	_ =	shalt  }
0x49: {  	_ =	shalt  }
0x4a: {  	_ =	shalt  }
0x4b: {  	_ =	shalt  }
0x4c: {  	_ =	shalt  }
0x4d: {  	_ =	shalt  }
0x4e: {  	_ =	shalt  }
0x4f: {  	_ =	shalt  }
0x50: {  	_ =	shalt  }
0x51: {  	_ =	shalt  }
0x52: {  	_ =	shalt  }
0x53: {  	_ =	shalt  }
0x54: {  	_ =	shalt  }
0x55: {  	_ =	shalt  }
0x56: {  	_ =	shalt  }
0x57: {  	_ =	shalt  }
0x58: {  	_ =	shalt  }
0x59: {  	_ =	shalt  }
0x5a: {  	_ =	shalt  }
0x5b: {  	_ =	shalt  }
0x5c: {  	_ =	shalt  }
0x5d: {  	_ =	shalt  }
0x5e: {  	_ =	shalt  }
0x5f: {  	_ =	shalt  }
0x60: {  	_ =	shalt  }
0x61: {  	_ =	shalt  }
0x62: {  	_ =	shalt  }
0x63: {  	_ =	shalt  }
0x64: {  	_ =	shalt  }
0x65: {  	_ =	shalt  }
0x66: {  	_ =	shalt  }
0x67: {  	_ =	shalt  }
0x68: {  	_ =	shalt  }
0x69: {  	_ =	shalt  }
0x6a: {  	_ =	shalt  }
0x6b: {  	_ =	shalt  }
0x6c: {  	_ =	shalt  }
0x6d: {  	_ =	shalt  }
0x6e: {  	_ =	shalt  }
0x6f: {  	_ =	shalt  }
0x70: {  	_ =	shalt  }
0x71: {  	_ =	shalt  }
0x72: {  	_ =	shalt  }
0x73: {  	_ =	shalt  }
0x74: {  	_ =	shalt  }
0x75: {  	_ =	shalt  }
0x76: {  	_ =	shalt  }
0x77: {  	_ =	shalt  }
0x78: {  	_ =	shalt  }
0x79: {  	_ =	shalt  }
0x7a: {  	_ =	shalt  }
0x7b: {  	_ =	shalt  }
0x7c: {  	_ =	shalt  }
0x7d: {  	_ =	shalt  }
0x7e: {  	_ =	shalt  }
0x7f: {  	_ =	shalt  }
0x80: {  	_ =	shalt  }
0x81: {  	_ =	shalt  }
0x82: {  	_ =	shalt  }
0x83: {  	_ =	shalt  }
0x84: {  	_ =	shalt  }
0x85: {  	_ =	shalt  }
0x86: {  	_ =	shalt  }
0x87: {  	_ =	shalt  }
.Lfunc_end0:
.L_simem_size_0:
called_computation_lowered:
.L_overlay_start_0:
0x88: {  	s2 =	sld [smem:$0x3FD9]  }
0x89: {  	s3 =	sld [smem:$0x3FFE];
	_ =	sdelay $0x1  }
0x8a: {  	s1 =	srdreg.scid  }
0x8b: {  	s0 =	sand.u32 $0x1, s1  }
0x8c: {  	s17 =	sshll.u32 s0, $0xA;
	s2 =	sadd.s32 s3, s2  }
0x8d: {  	s2 =	sadd.s32 s2, s17  }
0x8e: {  	[smem:$0x3FBD] =	sst s2  }
0x8f: {  	_ = 	snop  }
0x90: {  	s2 =	sld [smem:$0x3FD0];
	(tm) =	ssettm $0x1  }
0x91: {  	s18 =	sld [smem:$0x3FFB];
	_ =	sdelay $0x3  }
0x92: {  	_ =	strace s18  }
0x93: {  	s3 =	sld [smem:$0x3FFC];
	_ =	sdelay $0x3  }
0x94: {  	_ =	strace s3  }
0x95: {  	s3 =	sld [smem:$0x3FFD];
	_ =	sdelay $0x3  }
0x96: {  	_ =	strace s3  }
0x97: {  	_ =	strace $0x8FFFFFFF  }
0x98: {  	s19 =	sld [smem:$0x3FDB];
	_ =	sdelay $0x1  }
0x99: {  	s4 =	simm.s32 $_scs_section_size  }
0x9a: {  	s5 =	simm.s32 $_size__tile_overlayer_lowered;
	s6 =	simm.s32 $_tile_overlayer_lowered  }
0x9b: {  	s22 =	simm.s32 $0x1BFF;
	s21 =	sshll.u32 s6, $0x1;
	s3 =	sadd.s32 s4, s19  }
0x9c: {  	s7 =	simm.s32 $0x0;
	s20 =	sshll.u32 s5, $0x1;
	s5 =	sadd.s32 s21, s3  }
0x9d: {  	[timem:s7], [sflag:s22] =	dma.local [hbm:s5], s20  }
0x9e: {  	_ =	swait.ge [sflag:s22], s20  }
0x9f: {  	s4 =	ssub.s32 $0x0, s20;
	[sflag:s22] =	ssyncset.done $0x0  }
0xa0: {  	[sflag:s22] =	ssyncadd.s32 s4;
	_ =	sdelay $0x1  }
0xa1: {  	s23 =	simm.s32 $0x1B8B  }
0xa2: {  	_ =	swait.ge [sflag:s23], $0x1  }
0xa3: {  	[sflag:s23] =	ssyncset.done $0x0  }
0xa4: {  	s25 =	simm.s32 $0x1B8E;
	s24 =	sld [smem:$0x3FFE];
	[sflag:s23] =	ssyncadd.s32 $0xFFFFFFFF  }
0xa5: {  	s26 =	simm.s32 $execute0_lowered;
	[smem:$0x3FD2] =	sst s25  }
0xa6: {  	s5 =	sshll.u32 s26, $0x1;
	_ =	strace $0x80000046;
	[dreg:$0x1] =	wrdreg $0xFFFFFFFF  }
0xa7: {  	s28 =	simm.s32 $_size_execute0_lowered;
	s3 =	sadd.s32 s3, s5;
	[dreg:$0x0] =	wrdreg $0x0  }
0xa8: {  	s5 =	sshll.u32 s28, $0x1;
	[dreg:$0x2] =	wrdreg s3  }
0xa9: {  	[dreg:$0x3] =	wrdreg s5  }
0xaa: {  	[dreg:$0x4] =	wrdreg $0xC0  }
0xab: {  	_ =	task [dreg:s7], $0x5FFFF  }
0xac: {  	[dreg:$0x1] =	wrdreg $0xFFFFFFFF  }
0xad: {  	[dreg:$0x0] =	wrdreg $0x60  }
0xae: {  	[dreg:$0x2] =	wrdreg s24  }
0xaf: {  	[dreg:$0x3] =	wrdreg s2  }
0xb0: {  	[dreg:$0x4] =	wrdreg $0x11C800  }
0xb1: {  	[dreg:$0x5] =	wrdreg $0x9  }
0xb2: {  	_ =	task.clear_ibuf [dreg:s7], $0x6FFFF;
	_ =	strace $0x90000046  }
0xb3: {  	s29 =	simm.s32 $0x9;
	_ =	strace $0x80000048  }
0xb4: {  	_ =	swait.ge [sflag:s29], $0x1  }
0xb5: {  	[sflag:s29] =	ssyncadd.s32 $0xFFFFFFFF  }
0xb6: {  	_ =	strace $0x90000048  }
0xb7: {  	_ =	sfence  }
0xb8: {  	s30 =	sld [smem:$0x0];
	_ =	sdelay $0x2  }
0xb9: {  	s31 =	sshll.u32 s1, $0xD;
	s1 =	sshrl.u32 s1, $0x2  }
0xba: {  	s3 =	sand.u32 $0x4000, s31;
	s1 =	sadd.s32 s1, s30  }
0xbb: {  	s0 =	sor.u32 s3, s0;
	s1 =	sshll.u32 s1, $0x11  }
0xbc: {  	s0 =	sor.u32 s1, s0  }
0xbd: {  	s0 =	sadd.s32 $0x8F2B, s0  }
0xbe: {  	[sflag:s0] =	ssyncadd.remote.s32 $0x1  }
0xbf: {  	_ =	sfence.sel $0xFFFF  }
0xc0: {  	[dreg:$0x0] =	wrdreg $0xFFFFFFFF;
	(pc) =	sbr.abs _section_cstart, $3  }
0xc1: {  	[dreg:$0x1] =	wrdreg $0xFFFFFFFF  }
0xc2: {  	_ =	task.clear_ibuf [dreg:s7], $0x2FFFF;
	_ =	strace $0x9FFFFFFF  }
0xc3: {  	(tm) =	ssettm $0x7FFFFFFF  }
tec
execute0_lowered:
.L_overlay_start_1:
0x0: {  	(tag) =	ssettag $0x1  }
0x1: {  	s0 =	rddreg [dreg:$0x0]  }
0x2: {  	s31 =	rddreg [dreg:$0x1]  }
0x3: {  	s3 =	rddreg [dreg:$0x2];
	s4 =	simm.s32 $0x0  }
0x4: {  	s1 =	stileid.u32;
	s7 =	srdreg.scid;
	s13 =	simm.s32 $0x28  }
0x5: {  	s20 =	simm.s32 $0x1;
	s18 =	simm.s32 $0x3;
	s19 =	simm.s32 $0x11880  }
0x6: {  	s21 =	simm.s32 $0x2;
	[smem:$0x7FF] =	sst s4;
	s2 =	smul.u32 $0x280, s1  }
0x7: {  	s5 =	sadd.s32 $0x81000, s0;
	s6 =	sadd.s32 $0x32E00, s0;
	s8 =	sadd.s32 $0x6C00, s0  }
0x8: {  	s10 =	sadd.s32 $0x1C00, s0;
	_ =	strace $0x80000047;
	[dreg:$0x4] =	wrdreg s8  }
0x9: {  	s7 =	sand.u32 $0x1, s7;
	s23 =	sadd.s32 $0xBC00, s0;
	[dreg:$0x5] =	wrdreg s10  }
0xa: {  	s24 =	sadd.s32 $0x11E400, s0;
	s26 =	sshll.u32 s1, $0x6;
	[dreg:$0x6] =	wrdreg s23  }
0xb: {  	s14 =	sadd.s32 $0x81100, s0;
	s9 =	smul.u32 $0x2800, s7;
	[dreg:$0x7] =	wrdreg s24  }
0xc: {  	s25 =	ssub.s32 $0x2, s7;
	s7 =	sshll.u32 s7, $0x4;
	s22 =	sshrl.u32 s2, $0x3  }
0xd: {  	s11 =	sshrl.u32 s25, $0x1;
	s7 =	sor.u32 s1, s7;
	s1 =	sor.u32 $0x1C06, s26  }
0xe: {  	s8 =	sadd.s32 s22, s0;
	s9 =	sadd.s32 s2, s9;
	s7 =	smul.u32 $0x1388, s7  }
0xf: {  	s10 =	ssub.s32 s25, s11;
	s2 =	sadd.s32 s2, s3;
	[dreg:$0xa] =	wrdreg s1  }
0x10: {  	s3 =	simm.s32 $0x6;
	s28 =	sadd.s32 $0x11D400, s8;
	[dreg:$0x8] =	wrdreg s7  }
0x11: {  	s9 =	sshrl.u32 s9, $0x3;
	s30 =	smax.u32 s10, $0x1;
	[dreg:$0x9] =	wrdreg s28  }
0x12: {  	v2 =	vlaneseq.u32;
	s2 =	sshrl.u32 s2, $0x3;
	s9 =	sadd.s32 s9, s0;
	[dreg:$0xc] =	wrdreg s30  }
0x13: {  	vm0 =	vmmov $0xffff;
	v1 =	vshrl.u32 v2, $0x3;
	s8 =	simm.s32 $0x5;
	[dreg:$0xd] =	wrdreg s2;
	s29 =	sadd.s32 $0x11DA00, s9  }
0x14: {  	v0 =	vand.u32 $0x7, v2;
	v2 =	vor.u32 $0x8, v2;
	v1 =	vmul.u32 $0x8, v1;
	s7 =	simm.s32 $0x4;
	s9 =	simm.s32 $0x0;
	[dreg:$0xb] =	wrdreg s29  }
.LBB2_1:
0x15: {  	[dreg:$0xe] =	wrdreg s9  }
0x16: {  	s0 =	rddreg [dreg:$0x9]  }
0x17: {  	[spmem:s2], [sflag:s1] =	dma.local [hbm:s0], $0x50  }
0x18: {  	_ =	swait.ge [sflag:s3], $0x50  }
0x19: {  	[sflag:s3] =	ssyncset.done $0x0  }
0x1a: {  	[sflag:s3] =	ssyncadd.s32 $0xFFFFFFB0  }
0x1b: {  	s0 =	simm.s32 $0x0;
	[bflag:$0x0] =	sbarrier.arrive $0xFFFF  }
.LBB2_2:
0x1c: {  	s23 =	smul.u32 $0x3E8, s0  }
0x1d: {  	s1 =	rddreg [dreg:$0x8]  }
0x1e: {  	[dreg:$0xf] =	wrdreg s0;
	s0 =	sadd.s32 s1, s23  }
0x1f: {  	s24 =	rddreg [dreg:$0x4];
	s10 =	sshrl.u32 s0, $0x3  }
0x20: {  	s9 =	simm.s32 $0x0;
	s25 =	simm.s32 $0xF100;
	s2 =	sadd.s32 s24, s10  }
0x21: {  	[tilespmem:s25], [sflag:$0x6] =	stream.linear.gather [hbm4b:s2+s9], $0x3E8, $0x38;
	[tilespmem:$0x11F00] =	vst v63  }
0x22: {  	_ =	swait.ge [sflag:s3], $0x3E8;
	[dreg:$0x10] =	wrdreg s10  }
0x23: {  	[sflag:s3] =	ssyncset.done $0x0;
	s26 =	rddreg [dreg:$0x5]  }
0x24: {  	[sflag:s3] =	ssyncadd.s32 $0xFFFFFC18;
	s28 =	sadd.s32 s26, s10;
	s10 =	simm.s32 $0xF500  }
0x25: {  	[tilespmem:s10], [sflag:$0x6] =	stream.linear.gather [hbm4b:s28+s9], $0x3E8, $0x38;
	[tilespmem:$0x11F00] =	vst v63  }
0x26: {  	_ =	swait.ge [sflag:s3], $0x3E8  }
0x27: {  	[sflag:s3] =	ssyncset.done $0x0;
	s29 =	rddreg [dreg:$0x6]  }
0x28: {  	s30 =	simm.s32 $0xF900;
	[sflag:s3] =	ssyncadd.s32 $0xFFFFFC18;
	s0 =	sadd.s32 s29, s0  }
0x29: {  	[tilespmem:s30], [sflag:$0x6] =	stream.linear.gather [hbm4b:s0+s9], $0x1F40, $0x38;
	[tilespmem:$0x11F00] =	vst v63  }
0x2a: {  	_ =	swait.ge [sflag:s3], $0x1F40  }
0x2b: {  	[sflag:s3] =	ssyncset.done $0x0  }
0x2c: {  	[sflag:s3] =	ssyncadd.s32 $0xFFFFE0C0  }
0x2d: {  	v3 =	vld [tilespmem:$0xF100];
	_ =	sdelay $0x4  }
0x2e: {  	v4 =	vshll.u32 v3, $0x2  }
0x2f: {  	v3 =	vand.u32 $0x7, v3;
	v4 =	vand.u32 $0xFFFFFFE0, v4  }
0x30: {  	v3 =	vor.u32 v3, v4  }
0x31: {  	v4 =	vperm.xlane v3, v0;
	_ =	sdelay $0x1  }
0x32: {  	v4 =	vadd.s32 v1, v4;
	_ =	sdelay $0x1  }
0x33: {  	v3 =	vperm.xlane v3, v2;
	_ =	sdelay $0x1  }
0x34: {  	v3 =	vadd.s32 v1, v3  }
0x35: {  	[tilespmem:s9], [sflag:$0x1] =	stream.indirect_vreg.gather [hbm4b:s5+s9], $0x80, v4, vm0, $0xb8;
	[tilespmem:$0x11F00] =	vst v63  }
0x36: {  	s2 =	simm.s32 $0x800  }
0x37: {  	[tilespmem:s2], [sflag:$0x1] =	stream.indirect_vreg.gather [hbm4b:s14+s9], $0x80, v4, vm0, $0xb8;
	[tilespmem:$0x11F00] =	vst v63  }
0x38: {  	s3 =	simm.s32 $0x1000  }
0x39: {  	[tilespmem:s3], [sflag:$0x1] =	stream.indirect_vreg.gather [hbm4b:s5+s9], $0x80, v3, vm0, $0xb8;
	[tilespmem:$0x11F00] =	vst v63  }
0x3a: {  	s11 =	simm.s32 $0x1800  }
0x3b: {  	[tilespmem:s11], [sflag:$0x1] =	stream.indirect_vreg.gather [hbm4b:s14+s9], $0x80, v3, vm0, $0xb8;
	[tilespmem:$0x11F00] =	vst v63  }
0x3c: {  	v3 =	vld [tilespmem:$0xF110];
	_ =	sdelay $0x4  }
0x3d: {  	v59 =	vshll.u32 v3, $0x2  }
0x3e: {  	v3 =	vand.u32 $0x7, v3;
	v4 =	vand.u32 $0xFFFFFFE0, v59  }
0x3f: {  	v3 =	vor.u32 v3, v4  }
0x40: {  	v4 =	vperm.xlane v3, v0;
	_ =	sdelay $0x1  }
0x41: {  	v4 =	vadd.s32 v1, v4;
	_ =	sdelay $0x1  }
0x42: {  	v3 =	vperm.xlane v3, v2;
	_ =	sdelay $0x1  }
0x43: {  	s12 =	simm.s32 $0x2000;
	v3 =	vadd.s32 v1, v3  }
0x44: {  	[tilespmem:s12], [sflag:$0x1] =	stream.indirect_vreg.gather [hbm4b:s5+s9], $0x80, v4, vm0, $0xb8;
	[tilespmem:$0x11F00] =	vst v63  }
0x45: {  	s15 =	simm.s32 $0x2800  }
0x46: {  	[tilespmem:s15], [sflag:$0x1] =	stream.indirect_vreg.gather [hbm4b:s14+s9], $0x80, v4, vm0, $0xb8;
	[tilespmem:$0x11F00] =	vst v63  }
0x47: {  	s16 =	simm.s32 $0x3000  }
0x48: {  	[tilespmem:s16], [sflag:$0x1] =	stream.indirect_vreg.gather [hbm4b:s5+s9], $0x80, v3, vm0, $0xb8;
	[tilespmem:$0x11F00] =	vst v63  }
0x49: {  	s17 =	simm.s32 $0x3800  }
0x4a: {  	[tilespmem:s17], [sflag:$0x1] =	stream.indirect_vreg.gather [hbm4b:s14+s9], $0x80, v3, vm0, $0xb8;
	[tilespmem:$0x11F00] =	vst v63  }
0x4b: {  	v3 =	vld.msk [tilespmem:$0xF120], $0xff;
	_ =	sdelay $0x4  }
0x4c: {  	v60 =	vshll.u32 v3, $0x2  }
0x4d: {  	v3 =	vand.u32 $0x7, v3;
	v4 =	vand.u32 $0xFFFFFFE0, v60  }
0x4e: {  	v3 =	vor.u32 v3, v4  }
0x4f: {  	v3 =	vperm.xlane v3, v0;
	_ =	sdelay $0x1  }
0x50: {  	v3 =	vadd.s32 v1, v3;
	_ =	sdelay $0x3  }
0x51: {  	s22 =	simm.s32 $0x4000  }
0x52: {  	[tilespmem:s22], [sflag:$0x1] =	stream.indirect_vreg.gather [hbm4b:s5+s9], $0x80, v3, vm0, $0xb8;
	[tilespmem:$0x11F00] =	vst v63  }
0x53: {  	s23 =	simm.s32 $0x4800  }
0x54: {  	[tilespmem:s23], [sflag:$0x1] =	stream.indirect_vreg.gather [hbm4b:s14+s9], $0x80, v3, vm0, $0xb8;
	[tilespmem:$0x11F00] =	vst v63  }
0x55: {  	v3 =	vld [tilespmem:$0xF500];
	_ =	sdelay $0x4  }
0x56: {  	v61 =	vshll.u32 v3, $0x1  }
0x57: {  	v3 =	vand.u32 $0x7, v3;
	v4 =	vand.u32 $0xFFFFFFF0, v61  }
0x58: {  	v3 =	vor.u32 v3, v4  }
0x59: {  	v4 =	vperm.xlane v3, v0;
	_ =	sdelay $0x1  }
0x5a: {  	v3 =	vperm.xlane v3, v2;
	v4 =	vadd.s32 v1, v4;
	_ =	sdelay $0x1  }
0x5b: {  	v3 =	vadd.s32 v1, v3;
	_ =	sdelay $0x1  }
0x5c: {  	s24 =	simm.s32 $0xA000  }
0x5d: {  	[tilespmem:s24], [sflag:$0x3] =	stream.indirect_vreg.gather [hbm4b:s6+s9], $0x80, v4, vm0, $0xb8;
	[tilespmem:$0x11F00] =	vst v63  }
0x5e: {  	s25 =	simm.s32 $0xA800  }
0x5f: {  	[tilespmem:s25], [sflag:$0x3] =	stream.indirect_vreg.gather [hbm4b:s6+s9], $0x80, v3, vm0, $0xb8;
	[tilespmem:$0x11F00] =	vst v63  }
0x60: {  	v3 =	vld [tilespmem:$0xF510];
	_ =	sdelay $0x4  }
0x61: {  	v62 =	vshll.u32 v3, $0x1  }
0x62: {  	v3 =	vand.u32 $0x7, v3;
	v4 =	vand.u32 $0xFFFFFFF0, v62  }
0x63: {  	v3 =	vor.u32 v3, v4  }
0x64: {  	v4 =	vperm.xlane v3, v0;
	_ =	sdelay $0x1  }
0x65: {  	v3 =	vperm.xlane v3, v2;
	v4 =	vadd.s32 v1, v4;
	_ =	sdelay $0x1  }
0x66: {  	v3 =	vadd.s32 v1, v3;
	_ =	sdelay $0x1  }
0x67: {  	s26 =	simm.s32 $0xB000  }
0x68: {  	[tilespmem:s26], [sflag:$0x3] =	stream.indirect_vreg.gather [hbm4b:s6+s9], $0x80, v4, vm0, $0xb8;
	[tilespmem:$0x11F00] =	vst v63  }
0x69: {  	s28 =	simm.s32 $0xB800  }
0x6a: {  	[tilespmem:s28], [sflag:$0x3] =	stream.indirect_vreg.gather [hbm4b:s6+s9], $0x80, v3, vm0, $0xb8;
	[tilespmem:$0x11F00] =	vst v63  }
0x6b: {  	v3 =	vld.msk [tilespmem:$0xF520], $0xff;
	_ =	sdelay $0x4  }
0x6c: {  	v63 =	vshll.u32 v3, $0x1  }
0x6d: {  	v3 =	vand.u32 $0x7, v3;
	v4 =	vand.u32 $0xFFFFFFF0, v63  }
0x6e: {  	v3 =	vor.u32 v3, v4  }
0x6f: {  	v3 =	vperm.xlane v3, v0;
	_ =	sdelay $0x1  }
0x70: {  	v3 =	vadd.s32 v1, v3;
	_ =	sdelay $0x3  }
0x71: {  	s29 =	simm.s32 $0xC000  }
0x72: {  	[tilespmem:s29], [sflag:$0x3] =	stream.indirect_vreg.gather [hbm4b:s6+s9], $0x80, v3, vm0, $0xb8;
	[tilespmem:$0x11F00] =	vst v63  }
0x73: {  	s30 =	simm.s32 $0xF000;
	s0 =	simm.s32 $0xFA48  }
0x74: {  	[tilespmem:s30], [sflag:$0x3] =	stream.indirect.gather [hbm4b:s31+s13], $0x1, s10, s13, $0xb8;
	[tilespmem:$0x11F00] =	vst v63  }
0x75: {  	s22 =	simm.s32 $0x0;
	s23 =	simm.s32 $0x0;
	s10 =	simm.s32 $0xF908  }
.LBB2_3:
0x76: {  	s26 =	smul.u32 $0x50, s23;
	_ =	sdelay $0x1  }
0x77: {  	v3 =	vld [tilespmem:s26+$0xF128];
	_ =	sdelay $0x4  }
0x78: {  	v4 =	vshll.u32 v3, $0x2  }
0x79: {  	v3 =	vand.u32 $0x7, v3;
	v4 =	vand.u32 $0xFFFFFFE0, v4  }
0x7a: {  	v3 =	vor.u32 v3, v4  }
0x7b: {  	v4 =	vperm.xlane v3, v0;
	_ =	sdelay $0x1  }
0x7c: {  	v4 =	vadd.s32 v1, v4;
	_ =	sdelay $0x1  }
0x7d: {  	v3 =	vperm.xlane v3, v2;
	_ =	sdelay $0x1  }
0x7e: {  	s1 =	simm.s32 $0x5000;
	v3 =	vadd.s32 v1, v3  }
0x7f: {  	[tilespmem:s1], [sflag:$0x2] =	stream.indirect_vreg.gather [hbm4b:s5+s9], $0x80, v4, vm0, $0xb8;
	[tilespmem:$0x11F00] =	vst v63  }
0x80: {  	s24 =	simm.s32 $0x5800  }
0x81: {  	[tilespmem:s24], [sflag:$0x2] =	stream.indirect_vreg.gather [hbm4b:s14+s9], $0x80, v4, vm0, $0xb8;
	[tilespmem:$0x11F00] =	vst v63  }
0x82: {  	s25 =	simm.s32 $0x6000  }
0x83: {  	[tilespmem:s25], [sflag:$0x2] =	stream.indirect_vreg.gather [hbm4b:s5+s9], $0x80, v3, vm0, $0xb8;
	[tilespmem:$0x11F00] =	vst v63  }
0x84: {  	s29 =	simm.s32 $0x6800  }
0x85: {  	[tilespmem:s29], [sflag:$0x2] =	stream.indirect_vreg.gather [hbm4b:s14+s9], $0x80, v3, vm0, $0xb8;
	[tilespmem:$0x11F00] =	vst v63  }
0x86: {  	v3 =	vld [tilespmem:s26+$0xF138];
	_ =	sdelay $0x4  }
0x87: {  	v59 =	vshll.u32 v3, $0x2  }
0x88: {  	v3 =	vand.u32 $0x7, v3;
	v4 =	vand.u32 $0xFFFFFFE0, v59  }
0x89: {  	v3 =	vor.u32 v3, v4  }
0x8a: {  	v4 =	vperm.xlane v3, v0;
	_ =	sdelay $0x1  }
0x8b: {  	v4 =	vadd.s32 v1, v4;
	_ =	sdelay $0x1  }
0x8c: {  	v3 =	vperm.xlane v3, v2;
	_ =	sdelay $0x1  }
0x8d: {  	s30 =	simm.s32 $0x7000;
	v3 =	vadd.s32 v1, v3  }
0x8e: {  	[tilespmem:s30], [sflag:$0x2] =	stream.indirect_vreg.gather [hbm4b:s5+s9], $0x80, v4, vm0, $0xb8;
	[tilespmem:$0x11F00] =	vst v63  }
0x8f: {  	s2 =	simm.s32 $0x7800  }
0x90: {  	[tilespmem:s2], [sflag:$0x2] =	stream.indirect_vreg.gather [hbm4b:s14+s9], $0x80, v4, vm0, $0xb8;
	[tilespmem:$0x11F00] =	vst v63  }
0x91: {  	s3 =	simm.s32 $0x8000  }
0x92: {  	[tilespmem:s3], [sflag:$0x2] =	stream.indirect_vreg.gather [hbm4b:s5+s9], $0x80, v3, vm0, $0xb8;
	[tilespmem:$0x11F00] =	vst v63  }
0x93: {  	s11 =	simm.s32 $0x8800  }
0x94: {  	[tilespmem:s11], [sflag:$0x2] =	stream.indirect_vreg.gather [hbm4b:s14+s9], $0x80, v3, vm0, $0xb8;
	[tilespmem:$0x11F00] =	vst v63  }
0x95: {  	v3 =	vld.msk [tilespmem:s26+$0xF148], $0xff;
	_ =	sdelay $0x4  }
0x96: {  	v60 =	vshll.u32 v3, $0x2  }
0x97: {  	v3 =	vand.u32 $0x7, v3;
	v4 =	vand.u32 $0xFFFFFFE0, v60  }
0x98: {  	v3 =	vor.u32 v3, v4  }
0x99: {  	v3 =	vperm.xlane v3, v0;
	_ =	sdelay $0x1  }
0x9a: {  	v3 =	vadd.s32 v1, v3;
	_ =	sdelay $0x3  }
0x9b: {  	s12 =	simm.s32 $0x9000  }
0x9c: {  	[tilespmem:s12], [sflag:$0x2] =	stream.indirect_vreg.gather [hbm4b:s5+s9], $0x80, v3, vm0, $0xb8;
	[tilespmem:$0x11F00] =	vst v63  }
0x9d: {  	s15 =	simm.s32 $0x9800  }
0x9e: {  	[tilespmem:s15], [sflag:$0x2] =	stream.indirect_vreg.gather [hbm4b:s14+s9], $0x80, v3, vm0, $0xb8;
	[tilespmem:$0x11F00] =	vst v63  }
0x9f: {  	v3 =	vld [tilespmem:s26+$0xF528];
	_ =	sdelay $0x4  }
0xa0: {  	v61 =	vshll.u32 v3, $0x1  }
0xa1: {  	v3 =	vand.u32 $0x7, v3;
	v4 =	vand.u32 $0xFFFFFFF0, v61  }
0xa2: {  	v3 =	vor.u32 v3, v4  }
0xa3: {  	v4 =	vperm.xlane v3, v0;
	_ =	sdelay $0x1  }
0xa4: {  	v3 =	vperm.xlane v3, v2;
	v4 =	vadd.s32 v1, v4;
	_ =	sdelay $0x1  }
0xa5: {  	v3 =	vadd.s32 v1, v3;
	_ =	sdelay $0x1  }
0xa6: {  	s16 =	simm.s32 $0xC800  }
0xa7: {  	[tilespmem:s16], [sflag:$0x4] =	stream.indirect_vreg.gather [hbm4b:s6+s9], $0x80, v4, vm0, $0xb8;
	[tilespmem:$0x11F00] =	vst v63  }
0xa8: {  	s17 =	simm.s32 $0xD000  }
0xa9: {  	[tilespmem:s17], [sflag:$0x4] =	stream.indirect_vreg.gather [hbm4b:s6+s9], $0x80, v3, vm0, $0xb8;
	[tilespmem:$0x11F00] =	vst v63  }
0xaa: {  	v3 =	vld [tilespmem:s26+$0xF538];
	_ =	sdelay $0x4  }
0xab: {  	v62 =	vshll.u32 v3, $0x1  }
0xac: {  	v3 =	vand.u32 $0x7, v3;
	v4 =	vand.u32 $0xFFFFFFF0, v62  }
0xad: {  	v3 =	vor.u32 v3, v4  }
0xae: {  	v4 =	vperm.xlane v3, v0;
	_ =	sdelay $0x1  }
0xaf: {  	v3 =	vperm.xlane v3, v2;
	v4 =	vadd.s32 v1, v4;
	_ =	sdelay $0x1  }
0xb0: {  	v3 =	vadd.s32 v1, v3;
	_ =	sdelay $0x1  }
0xb1: {  	s24 =	simm.s32 $0xD800  }
0xb2: {  	[tilespmem:s24], [sflag:$0x4] =	stream.indirect_vreg.gather [hbm4b:s6+s9], $0x80, v4, vm0, $0xb8;
	[tilespmem:$0x11F00] =	vst v63  }
0xb3: {  	s25 =	simm.s32 $0xE000  }
0xb4: {  	[tilespmem:s25], [sflag:$0x4] =	stream.indirect_vreg.gather [hbm4b:s6+s9], $0x80, v3, vm0, $0xb8;
	[tilespmem:$0x11F00] =	vst v63  }
0xb5: {  	v3 =	vld.msk [tilespmem:s26+$0xF548], $0xff;
	_ =	sdelay $0x4  }
0xb6: {  	v63 =	vshll.u32 v3, $0x1  }
0xb7: {  	v3 =	vand.u32 $0x7, v3;
	v4 =	vand.u32 $0xFFFFFFF0, v63  }
0xb8: {  	v3 =	vor.u32 v3, v4  }
0xb9: {  	v3 =	vperm.xlane v3, v0;
	_ =	sdelay $0x1  }
0xba: {  	v3 =	vadd.s32 v1, v3;
	_ =	sdelay $0x3  }
0xbb: {  	s29 =	simm.s32 $0xE800  }
0xbc: {  	[tilespmem:s29], [sflag:$0x4] =	stream.indirect_vreg.gather [hbm4b:s6+s9], $0x80, v3, vm0, $0xb8;
	[tilespmem:$0x11F00] =	vst v63  }
0xbd: {  	s30 =	simm.s32 $0xF080;
	s24 =	sadd.s32 $0xF528, s26  }
0xbe: {  	[tilespmem:s30], [sflag:$0x4] =	stream.indirect.gather [hbm4b:s31+s13], $0x1, s24, s13, $0xb8;
	[tilespmem:$0x11F00] =	vst v63  }
0xbf: {  	_ =	swait.ge [sflag:s20], $0x5000  }
0xc0: {  	[sflag:s20] =	ssyncset.done $0x0  }
0xc1: {  	[sflag:s20] =	ssyncadd.s32 $0xFFFFB000  }
0xc2: {  	_ =	swait.ge [sflag:s18], $0x2800  }
0xc3: {  	[sflag:s18] =	ssyncset.done $0x0  }
0xc4: {  	[sflag:s18] =	ssyncadd.s32 $0xFFFFD800  }
0xc5: {  	s28 =	simm.s32 $0x0;
	_ =	swait.ge [sflag:s18], $0x28  }
0xc6: {  	s2 =	simm.s32 $0x80;
	s11 =	simm.s32 $0xF001;
	[sflag:s18] =	ssyncset.done $0x0  }
0xc7: {  	s12 =	smov.u32 s10;
	s25 =	sadd.s32 $0x28, s26;
	[sflag:s18] =	ssyncadd.s32 $0xFFFFFFD8  }
.LBB2_4:
0xc8: {  	s15 =	sadd.s32 $0xFFFFFF80, s2;
	s16 =	sshll.u32 s28, $0x9  }
0xc9: {  	s29 =	sand.u32 $0x300, s15;
	s15 =	sand.u32 $0x3FFFF000, s16  }
0xca: {  	v3 =	vld [tilespmem:s12+$0xFFFFFFF8];
	s3 =	sor.u32 s29, s15  }
0xcb: {  	v18 =	vld [tilespmem:s3+$0x0]  }
0xcc: {  	v4 =	vld [tilespmem:s3+$0x400]  }
0xcd: {  	v8 =	vld [tilespmem:s3+$0x800]  }
0xce: {  	v9 =	vld [tilespmem:s3+$0xC00]  }
0xcf: {  	v26 =	vld [tilespmem:s3+$0x10]  }
0xd0: {  	v29 =	vld [tilespmem:s3+$0x410]  }
0xd1: {  	v30 =	vld [tilespmem:s3+$0x810]  }
0xd2: {  	v31 =	vld [tilespmem:s3+$0xC10]  }
0xd3: {  	v32 =	vld [tilespmem:s3+$0x20]  }
0xd4: {  	v35 =	vld [tilespmem:s3+$0x420]  }
0xd5: {  	v36 =	vld [tilespmem:s3+$0x820]  }
0xd6: {  	v37 =	vld [tilespmem:s3+$0xC20]  }
0xd7: {  	v38 =	vld [tilespmem:s3+$0x30]  }
0xd8: {  	v41 =	vld [tilespmem:s3+$0x430]  }
0xd9: {  	v42 =	vld [tilespmem:s3+$0x830]  }
0xda: {  	v43 =	vld [tilespmem:s3+$0xC30]  }
0xdb: {  	v44 =	vld [tilespmem:s3+$0x40]  }
0xdc: {  	v47 =	vld [tilespmem:s3+$0x440]  }
0xdd: {  	v48 =	vld [tilespmem:s3+$0x840]  }
0xde: {  	v49 =	vld [tilespmem:s3+$0xC40]  }
0xdf: {  	v19 =	vld [tilespmem:s3+$0x50]  }
0xe0: {  	v50 =	vld [tilespmem:s3+$0x450]  }
0xe1: {  	v51 =	vld [tilespmem:s3+$0x850]  }
0xe2: {  	v52 =	vld [tilespmem:s3+$0xC50]  }
0xe3: {  	v12 =	vld [tilespmem:s3+$0x60]  }
0xe4: {  	v20 =	vld [tilespmem:s3+$0x460]  }
0xe5: {  	v21 =	vld [tilespmem:s3+$0x860]  }
0xe6: {  	s17 =	sshll.u32 s28, $0x8;
	v17 =	vld [tilespmem:s3+$0xC60]  }
0xe7: {  	s1 =	sand.u32 $0x3FFFF800, s17;
	v6 =	vld [tilespmem:s3+$0x70]  }
0xe8: {  	s30 =	sadd.s32 $0xA000, s1;
	v15 =	vld [tilespmem:s3+$0x470]  }
0xe9: {  	s16 =	sor.u32 s29, s30;
	v16 =	vld [tilespmem:s3+$0x870]  }
0xea: {  	v22 =	vld [tilespmem:s16+$0x0]  }
0xeb: {  	v25 =	vld [tilespmem:s16+$0x400]  }
0xec: {  	v27 =	vld [tilespmem:s16+$0x10]  }
0xed: {  	v28 =	vld [tilespmem:s16+$0x410]  }
0xee: {  	v33 =	vld [tilespmem:s16+$0x20]  }
0xef: {  	v34 =	vld [tilespmem:s16+$0x420]  }
0xf0: {  	v39 =	vld [tilespmem:s16+$0x30]  }
0xf1: {  	v40 =	vld [tilespmem:s16+$0x430]  }
0xf2: {  	v45 =	vld [tilespmem:s16+$0x40]  }
0xf3: {  	v46 =	vld [tilespmem:s16+$0x440]  }
0xf4: {  	v23 =	vld [tilespmem:s16+$0x50]  }
0xf5: {  	v24 =	vld [tilespmem:s16+$0x450]  }
0xf6: {  	v13 =	vld [tilespmem:s16+$0x60]  }
0xf7: {  	v14 =	vld [tilespmem:s16+$0x460]  }
0xf8: {  	s29 =	sand.u32 $0x380, s2;
	v7 =	vld [tilespmem:s16+$0x70];
	v11 =	vbroadcast v3, $0x1  }
0xf9: {  	v5 =	vld [tilespmem:s16+$0x470];
	s1 =	sor.u32 s29, s15;
	v10 =	vbroadcast v3, $0x0  }
0xfa: {  	v56 =	vld [tilespmem:s1+$0x800];
	v53 =	vmul.f32 v8, v11;
	v8 =	vbroadcast v3, $0x2  }
0xfb: {  	v4 =	vmul.f32 v4, v10;
	v61 =	vmul.f32 v30, v11;
	v30 =	vld [tilespmem:s1+$0x400]  }
0xfc: {  	v54 =	vmul.f32 v9, v8;
	v9 =	vld [tilespmem:s3+$0xC70]  }
0xfd: {  	v35 =	vmul.f32 v35, v10;
	v53 =	vadd.f32 v53, v4;
	v4 =	vld [tilespmem:s12+$0x0]  }
0xfe: {  	v36 =	vmul.f32 v36, v11;
	v62 =	vmul.f32 v31, v8;
	v31 =	vld [tilespmem:s1+$0xC00]  }
0xff: {  	v63 =	vmul.f32 v37, v8;
	v37 =	vld [tilespmem:s1+$0x10]  }
0x100: {  	s3 =	sor.u32 s29, s30;
	v35 =	vadd.f32 v36, v35;
	v36 =	vld [tilespmem:s1+$0x820]  }
0x101: {  	v60 =	vmul.f32 v29, v10;
	v55 =	vld [tilespmem:s3+$0x0]  }
0x102: {  	v18 =	vmul.f32 v22, v18;
	v57 =	vmul.f32 v27, v26;
	v26 =	vld [tilespmem:s3+$0x10]  }
0x103: {  	v20 =	vmul.f32 v20, v10;
	v21 =	vmul.f32 v21, v11;
	v29 =	vld [tilespmem:s3+$0x410];
	v53 =	vadd.f32 v54, v53  }
0x104: {  	v38 =	vmul.f32 v39, v38;
	v19 =	vmul.f32 v23, v19;
	v18 =	vadd.f32 $0.0e+00, v18;
	v54 =	vld [tilespmem:s1+$0x0]  }
0x105: {  	v58 =	vadd.f32 v63, v35;
	v35 =	vld [tilespmem:s1+$0xC10];
	v22 =	vmul.f32 v53, v25;
	v25 =	vadd.f32 v61, v60  }
0x106: {  	v12 =	vmul.f32 v13, v12;
	v63 =	vmul.f32 v43, v8;
	v43 =	vld [tilespmem:s3+$0x20]  }
0x107: {  	v61 =	vmul.f32 v41, v10;
	v41 =	vld [tilespmem:s1+$0x20];
	v18 =	vadd.f32 v22, v18;
	v25 =	vadd.f32 v62, v25  }
0x108: {  	v53 =	vld [tilespmem:s3+$0x400];
	v60 =	vmul.f32 v33, v32;
	v62 =	vmul.f32 v42, v11  }
0x109: {  	v32 =	vld [tilespmem:s1+$0x810];
	v55 =	vmul.f32 v55, v54;
	v18 =	vadd.f32 v18, v57;
	v59 =	vmul.f32 v25, v28  }
0x10a: {  	v6 =	vmul.f32 v7, v6;
	v27 =	vmul.f32 v58, v34;
	v58 =	vld [tilespmem:s1+$0x430];
	v33 =	vadd.f32 v62, v61  }
0x10b: {  	v42 =	vld [tilespmem:s1+$0xC20];
	v26 =	vmul.f32 v26, v37;
	v39 =	vadd.f32 $0.0e+00, v55;
	v22 =	vadd.f32 v59, v18  }
0x10c: {  	v28 =	vld [tilespmem:s1+$0x410];
	v54 =	vmul.f32 v43, v41;
	v18 =	vbroadcast v4, $0x0;
	v33 =	vadd.f32 v63, v33  }
0x10d: {  	v55 =	vld [tilespmem:s1+$0x840];
	v63 =	vmul.f32 v49, v8;
	v25 =	vadd.f32 v22, v60;
	v22 =	vbroadcast v4, $0x1  }
0x10e: {  	v43 =	vld [tilespmem:s3+$0x450];
	v49 =	vmul.f32 v45, v44;
	v30 =	vmul.f32 v30, v18  }
0x10f: {  	v44 =	vld [tilespmem:s3+$0x430];
	v27 =	vadd.f32 v27, v25;
	v62 =	vmul.f32 v56, v22;
	v25 =	vbroadcast v4, $0x2  }
0x110: {  	v61 =	vmul.f32 v48, v11;
	v60 =	vmul.f32 v47, v10;
	v47 =	vld [tilespmem:s3+$0x420]  }
0x111: {  	v33 =	vmul.f32 v33, v40;
	v40 =	vld [tilespmem:s1+$0x30];
	v30 =	vadd.f32 v62, v30;
	v31 =	vmul.f32 v31, v25  }
0x112: {  	v28 =	vmul.f32 v28, v18;
	v56 =	vld [tilespmem:s1+$0x420];
	v34 =	vadd.f32 v61, v60;
	v32 =	vmul.f32 v32, v22  }
0x113: {  	v60 =	vld [tilespmem:s1+$0x830];
	v61 =	vmul.f32 v50, v10;
	v36 =	vmul.f32 v36, v22;
	v30 =	vadd.f32 v31, v30  }
0x114: {  	v34 =	vadd.f32 v63, v34;
	v28 =	vadd.f32 v32, v28;
	v59 =	vmul.f32 v35, v25;
	v63 =	vld [tilespmem:s1+$0xC30]  }
0x115: {  	v20 =	vadd.f32 v21, v20;
	v62 =	vmul.f32 v51, v11;
	v32 =	vld [tilespmem:s1+$0x40];
	v30 =	vmul.f32 v30, v53  }
0x116: {  	v50 =	vmul.f32 v52, v8;
	v27 =	vadd.f32 v27, v38;
	v31 =	vld [tilespmem:s3+$0x30];
	v28 =	vadd.f32 v59, v28  }
0x117: {  	v45 =	vadd.f32 v62, v61;
	v62 =	vld [tilespmem:s1+$0x450];
	v48 =	vmul.f32 v56, v18;
	v30 =	vadd.f32 v30, v39  }
0x118: {  	v52 =	vmul.f32 v42, v25;
	v27 =	vadd.f32 v33, v27;
	v57 =	vmul.f32 v34, v46;
	v56 =	vld [tilespmem:s1+$0xC40]  }
0x119: {  	v28 =	vmul.f32 v28, v29;
	v53 =	vld [tilespmem:s1+$0x440];
	v51 =	vadd.f32 v36, v48;
	v26 =	vadd.f32 v30, v26  }
0x11a: {  	v34 =	vmul.f32 v58, v18;
	v35 =	vmul.f32 v60, v22;
	v27 =	vadd.f32 v27, v49;
	v49 =	vld [tilespmem:s3+$0x40]  }
0x11b: {  	v17 =	vmul.f32 v17, v8;
	v29 =	vld [tilespmem:s3+$0x440];
	v33 =	vadd.f32 v52, v51;
	v26 =	vadd.f32 v28, v26  }
0x11c: {  	v60 =	vadd.f32 v35, v34;
	v61 =	vmul.f32 v63, v25;
	v34 =	vld [tilespmem:s3+$0x50];
	v63 =	vmul.f32 v31, v40  }
0x11d: {  	v40 =	vld [tilespmem:s1+$0x850];
	v30 =	vadd.f32 v50, v45;
	v59 =	vmul.f32 v33, v47;
	v58 =	vadd.f32 v26, v54  }
0x11e: {  	v42 =	vmul.f32 v55, v22;
	v27 =	vadd.f32 v57, v27;
	v45 =	vld [tilespmem:s1+$0xC50];
	v41 =	vmul.f32 v53, v18  }
0x11f: {  	v50 =	vld [tilespmem:s1+$0x460];
	v57 =	vmul.f32 v30, v24;
	v30 =	vadd.f32 v61, v60;
	v24 =	vadd.f32 v59, v58  }
0x120: {  	v17 =	vadd.f32 v17, v20;
	v10 =	vmul.f32 v15, v10;
	v46 =	vmul.f32 v56, v25;
	v56 =	vld [tilespmem:s3+$0x60]  }
0x121: {  	v53 =	vld [tilespmem:s1+$0x860];
	v21 =	vadd.f32 v42, v41;
	v44 =	vmul.f32 v30, v44;
	v24 =	vadd.f32 v24, v63  }
0x122: {  	v51 =	vmul.f32 v62, v18;
	v19 =	vadd.f32 v27, v19;
	v26 =	vld [tilespmem:s1+$0x50];
	v52 =	vmul.f32 v40, v22  }
0x123: {  	v49 =	vmul.f32 v49, v32;
	v60 =	vld [tilespmem:s1+$0xC60];
	v21 =	vadd.f32 v46, v21;
	v48 =	vadd.f32 v44, v24  }
0x124: {  	v11 =	vmul.f32 v16, v11;
	v47 =	vld [tilespmem:s1+$0x60];
	v58 =	vadd.f32 v52, v51;
	v59 =	vmul.f32 v45, v25  }
0x125: {  	v61 =	vld [tilespmem:s1+$0x470];
	v19 =	vadd.f32 v57, v19;
	v57 =	vmul.f32 v21, v29;
	v55 =	vadd.f32 v48, v49  }
0x126: {  	v54 =	vmul.f32 v17, v14;
	v32 =	vmul.f32 v50, v18;
	v29 =	vld [tilespmem:s1+$0x870];
	v63 =	vadd.f32 v59, v58  }
0x127: {  	v38 =	vld [tilespmem:s1+$0xC70];
	v62 =	vmul.f32 v34, v26;
	v34 =	vmul.f32 v53, v22;
	v14 =	vadd.f32 v57, v55  }
0x128: {  	v8 =	vmul.f32 v9, v8;
	v10 =	vadd.f32 v11, v10;
	v30 =	vld [tilespmem:s3+$0x460];
	v40 =	vmul.f32 v60, v25  }
0x129: {  	v41 =	vld [tilespmem:s1+$0x70];
	v37 =	vmul.f32 v63, v43;
	v39 =	vadd.f32 v34, v32;
	v36 =	vadd.f32 v14, v62  }
0x12a: {  	v12 =	vadd.f32 v19, v12;
	v15 =	vmul.f32 v61, v18;
	v43 =	vmul.f32 v56, v47;
	v44 =	vld [tilespmem:s3+$0x70]  }
0x12b: {  	v45 =	vmul.f32 v29, v22;
	v11 =	vadd.f32 v40, v39;
	v42 =	vadd.f32 v37, v36  }
0x12c: {  	v46 =	vadd.f32 v8, v10;
	v51 =	vmul.f32 v38, v25;
	v12 =	vadd.f32 v54, v12;
	v48 =	vld [tilespmem:s3+$0x470]  }
0x12d: {  	v50 =	vadd.f32 v45, v15;
	v49 =	vmul.f32 v11, v30;
	v47 =	vadd.f32 v42, v43  }
0x12e: {  	v5 =	vmul.f32 v46, v5;
	v6 =	vadd.f32 v12, v6  }
0x12f: {  	v53 =	vmul.f32 v44, v41;
	v54 =	vadd.f32 v51, v50;
	v52 =	vadd.f32 v49, v47  }
0x130: {  	v5 =	vadd.f32 v5, v6  }
0x131: {  	v56 =	vmul.f32 v54, v48;
	v55 =	vadd.f32 v52, v53  }
0x132: {  	(xrf2) =	vadd.scan.msk.f32 $0xffff, v5  }
0x133: {  	v57 =	vadd.f32 v56, v55;
	_ =	sdelay $0x1  }
0x134: {  	(xrf2) =	vadd.scan.msk.f32 $0xffff, v57;
	_ =	sdelay $0x3  }
0x135: {  	v58 =	vld [tilespmem:s11+$0xFFFFFFFF];
	_ =	sdelay $0x2  }
0x136: {  	(v2sf) =	vpush v3, $0x4;
	v3 =	vld [tilespmem:s11+$0x0];
	v59, _, _ =	vpop (xrf2)  }
0x137: {  	(v2sf) =	vpush v59, $0xF  }
0x138: {  	(v2sf) =	vpush v58, $0x0  }
0x139: {  	(v2sf) =	vpush v4, $0x4;
	v60, _, _ =	vpop (xrf2)  }
0x13a: {  	(v2sf) =	vpush v60, $0xF  }
0x13b: {  	(v2sf) =	vpush v3, $0x0;
	_ =	sdelay $0x9  }
0x13c: {  	s17 =	spop (v2sf)  }
0x13d: {  	s16 =	spop (v2sf)  }
0x13e: {  	s3 =	spop (v2sf)  }
0x13f: {  	s29 =	spop (v2sf)  }
0x140: {  	s1 =	spop (v2sf)  }
0x141: {  	s15 =	smul.f32 s3, s17;
	s3 =	spop (v2sf)  }
0x142: {  	s17 =	smul.f32 s3, s29  }
0x143: {  	s15 =	sadd.f32 s16, s15  }
0x144: {  	s17 =	sadd.f32 s1, s17  }
0x145: {  	v3 =	vmov s15  }
0x146: {  	v3 =	vmul.f32 $1.442695020e+00, v3;
	v61 =	vmov s17  }
0x147: {  	v4 =	vmul.f32 $1.442695020e+00, v61  }
0x148: {  	v3 =	vbroadcast v3, $0x0  }
0x149: {  	v4 =	vbroadcast v4, $0x0  }
0x14a: {  	(erf) = vpow2.f32 v3  }
0x14b: {  	s29 =	sadd.s32 s28, s22;
	(erf) = vpow2.f32 v4  }
0x14c: {  	v3 =	vmov s29  }
0x14d: {  	v3 =	vand.u32 $0xFFFFFFFE, v3  }
0x14e: {  	v3 =	vbroadcast v3, $0x0  }
0x14f: {  	s15 =	sadd.s32 $0x1, s29  }
0x150: {  	p0 =	slt.u32 s28, $0x26;
	v62 =	vmov s15  }
.Ltmp0:
0x151: {  	_ = 	snop;
	(pc) =	sbr.rel @p0 .LBB2_4-.Ltmp0, $4  }
0x152: {  	_ = 	snop  }
0x153: {  	v63 =	vpop (erf)  }
0x154: {  	s2 =	sadd.s32 $0x100, s2;
	s30 =	sadd.s32 $0x2, s28;
	[tilespmem:v3+s19+$0x0] =	vst.idx.msk $0x1, v63;
	v3 =	vpop (erf)  }
0x155: {  	s12 =	sadd.s32 $0x10, s12;
	s11 =	sadd.s32 $0x2, s11;
	s28 =	smov.u32 s30;
	[tilespmem:v62+s19+$0x0] =	vst.idx.msk $0x1, v3  }
0x156: {  	s2 =	sadd.s32 $0x11880, s26;
	s11 =	sadd.s32 $0xF500, s26;
	s1 =	rddreg [dreg:$0x2]  }
0x157: {  	[spmem:s1] =	stream.indirect.scatter.add.f32 [tilespmem:s2], [sflag:$0x5], $0x1, s11, s13, $0xb8;
	[tilespmem:$0x11F00] =	vst v63  }
0x158: {  	v3 =	vld [tilespmem:s26+$0xF150];
	_ =	sdelay $0x4  }
0x159: {  	v4 =	vshll.u32 v3, $0x2  }
0x15a: {  	v3 =	vand.u32 $0x7, v3;
	v4 =	vand.u32 $0xFFFFFFE0, v4  }
0x15b: {  	v3 =	vor.u32 v3, v4  }
0x15c: {  	v4 =	vperm.xlane v3, v0;
	_ =	sdelay $0x1  }
0x15d: {  	v4 =	vadd.s32 v1, v4;
	_ =	sdelay $0x1  }
0x15e: {  	v3 =	vperm.xlane v3, v2;
	_ =	sdelay $0x1  }
0x15f: {  	v3 =	vadd.s32 v1, v3  }
0x160: {  	[tilespmem:s4], [sflag:$0x1] =	stream.indirect_vreg.gather [hbm4b:s5+s4], $0x80, v4, vm0, $0xb8;
	[tilespmem:$0x11F00] =	vst v63  }
0x161: {  	s17 =	simm.s32 $0x800  }
0x162: {  	[tilespmem:s17], [sflag:$0x1] =	stream.indirect_vreg.gather [hbm4b:s14+s4], $0x80, v4, vm0, $0xb8;
	[tilespmem:$0x11F00] =	vst v63  }
0x163: {  	s2 =	simm.s32 $0x1000  }
0x164: {  	[tilespmem:s2], [sflag:$0x1] =	stream.indirect_vreg.gather [hbm4b:s5+s4], $0x80, v3, vm0, $0xb8;
	[tilespmem:$0x11F00] =	vst v63  }
0x165: {  	s3 =	simm.s32 $0x1800  }
0x166: {  	[tilespmem:s3], [sflag:$0x1] =	stream.indirect_vreg.gather [hbm4b:s14+s4], $0x80, v3, vm0, $0xb8;
	[tilespmem:$0x11F00] =	vst v63  }
0x167: {  	v3 =	vld [tilespmem:s26+$0xF160];
	_ =	sdelay $0x4  }
0x168: {  	v4 =	vshll.u32 v3, $0x2  }
0x169: {  	v3 =	vand.u32 $0x7, v3;
	v4 =	vand.u32 $0xFFFFFFE0, v4  }
0x16a: {  	v3 =	vor.u32 v3, v4  }
0x16b: {  	v4 =	vperm.xlane v3, v0;
	_ =	sdelay $0x1  }
0x16c: {  	v4 =	vadd.s32 v1, v4;
	_ =	sdelay $0x1  }
0x16d: {  	v3 =	vperm.xlane v3, v2;
	_ =	sdelay $0x1  }
0x16e: {  	s11 =	simm.s32 $0x2000;
	v3 =	vadd.s32 v1, v3  }
0x16f: {  	[tilespmem:s11], [sflag:$0x1] =	stream.indirect_vreg.gather [hbm4b:s5+s4], $0x80, v4, vm0, $0xb8;
	[tilespmem:$0x11F00] =	vst v63  }
0x170: {  	s12 =	simm.s32 $0x2800  }
0x171: {  	[tilespmem:s12], [sflag:$0x1] =	stream.indirect_vreg.gather [hbm4b:s14+s4], $0x80, v4, vm0, $0xb8;
	[tilespmem:$0x11F00] =	vst v63  }
0x172: {  	s15 =	simm.s32 $0x3000  }
0x173: {  	[tilespmem:s15], [sflag:$0x1] =	stream.indirect_vreg.gather [hbm4b:s5+s4], $0x80, v3, vm0, $0xb8;
	[tilespmem:$0x11F00] =	vst v63  }
0x174: {  	s16 =	simm.s32 $0x3800  }
0x175: {  	[tilespmem:s16], [sflag:$0x1] =	stream.indirect_vreg.gather [hbm4b:s14+s4], $0x80, v3, vm0, $0xb8;
	[tilespmem:$0x11F00] =	vst v63  }
0x176: {  	v3 =	vld.msk [tilespmem:s26+$0xF170], $0xff;
	_ =	sdelay $0x4  }
0x177: {  	v4 =	vshll.u32 v3, $0x2  }
0x178: {  	v3 =	vand.u32 $0x7, v3;
	v4 =	vand.u32 $0xFFFFFFE0, v4  }
0x179: {  	v3 =	vor.u32 v3, v4  }
0x17a: {  	v3 =	vperm.xlane v3, v0;
	_ =	sdelay $0x1  }
0x17b: {  	v3 =	vadd.s32 v1, v3;
	_ =	sdelay $0x3  }
0x17c: {  	s17 =	simm.s32 $0x4000  }
0x17d: {  	[tilespmem:s17], [sflag:$0x1] =	stream.indirect_vreg.gather [hbm4b:s5+s4], $0x80, v3, vm0, $0xb8;
	[tilespmem:$0x11F00] =	vst v63  }
0x17e: {  	s2 =	simm.s32 $0x4800  }
0x17f: {  	[tilespmem:s2], [sflag:$0x1] =	stream.indirect_vreg.gather [hbm4b:s14+s4], $0x80, v3, vm0, $0xb8;
	[tilespmem:$0x11F00] =	vst v63  }
0x180: {  	v3 =	vld [tilespmem:s26+$0xF550];
	_ =	sdelay $0x4  }
0x181: {  	v4 =	vshll.u32 v3, $0x1  }
0x182: {  	v3 =	vand.u32 $0x7, v3;
	v4 =	vand.u32 $0xFFFFFFF0, v4  }
0x183: {  	v3 =	vor.u32 v3, v4  }
0x184: {  	v4 =	vperm.xlane v3, v0;
	_ =	sdelay $0x1  }
0x185: {  	v3 =	vperm.xlane v3, v2;
	v4 =	vadd.s32 v1, v4;
	_ =	sdelay $0x1  }
0x186: {  	v3 =	vadd.s32 v1, v3;
	_ =	sdelay $0x1  }
0x187: {  	s3 =	simm.s32 $0xA000  }
0x188: {  	[tilespmem:s3], [sflag:$0x3] =	stream.indirect_vreg.gather [hbm4b:s6+s4], $0x80, v4, vm0, $0xb8;
	[tilespmem:$0x11F00] =	vst v63  }
0x189: {  	s11 =	simm.s32 $0xA800  }
0x18a: {  	[tilespmem:s11], [sflag:$0x3] =	stream.indirect_vreg.gather [hbm4b:s6+s4], $0x80, v3, vm0, $0xb8;
	[tilespmem:$0x11F00] =	vst v63  }
0x18b: {  	v3 =	vld [tilespmem:s26+$0xF560];
	_ =	sdelay $0x4  }
0x18c: {  	v4 =	vshll.u32 v3, $0x1  }
0x18d: {  	v3 =	vand.u32 $0x7, v3;
	v4 =	vand.u32 $0xFFFFFFF0, v4  }
0x18e: {  	v3 =	vor.u32 v3, v4  }
0x18f: {  	v4 =	vperm.xlane v3, v0;
	_ =	sdelay $0x1  }
0x190: {  	v3 =	vperm.xlane v3, v2;
	v4 =	vadd.s32 v1, v4;
	_ =	sdelay $0x1  }
0x191: {  	v3 =	vadd.s32 v1, v3;
	_ =	sdelay $0x1  }
0x192: {  	s12 =	simm.s32 $0xB000  }
0x193: {  	[tilespmem:s12], [sflag:$0x3] =	stream.indirect_vreg.gather [hbm4b:s6+s4], $0x80, v4, vm0, $0xb8;
	[tilespmem:$0x11F00] =	vst v63  }
0x194: {  	s15 =	simm.s32 $0xB800  }
0x195: {  	[tilespmem:s15], [sflag:$0x3] =	stream.indirect_vreg.gather [hbm4b:s6+s4], $0x80, v3, vm0, $0xb8;
	[tilespmem:$0x11F00] =	vst v63  }
0x196: {  	v3 =	vld.msk [tilespmem:s26+$0xF570], $0xff;
	_ =	sdelay $0x4  }
0x197: {  	v4 =	vshll.u32 v3, $0x1  }
0x198: {  	v3 =	vand.u32 $0x7, v3;
	v4 =	vand.u32 $0xFFFFFFF0, v4  }
0x199: {  	v3 =	vor.u32 v3, v4  }
0x19a: {  	v3 =	vperm.xlane v3, v0;
	_ =	sdelay $0x1  }
0x19b: {  	v3 =	vadd.s32 v1, v3;
	_ =	sdelay $0x3  }
0x19c: {  	s16 =	simm.s32 $0xC000  }
0x19d: {  	[tilespmem:s16], [sflag:$0x3] =	stream.indirect_vreg.gather [hbm4b:s6+s4], $0x80, v3, vm0, $0xb8;
	[tilespmem:$0x11F00] =	vst v63  }
0x19e: {  	s17 =	sadd.s32 $0xF550, s26;
	s26 =	simm.s32 $0xF000  }
0x19f: {  	[tilespmem:s26], [sflag:$0x3] =	stream.indirect.gather [hbm4b:s31+s13], $0x1, s17, s13, $0xb8;
	[tilespmem:$0x11F00] =	vst v63  }
0x1a0: {  	_ =	swait.ge [sflag:s21], $0x5000  }
0x1a1: {  	[sflag:s21] =	ssyncset.done $0x0  }
0x1a2: {  	[sflag:s21] =	ssyncadd.s32 $0xFFFFB000  }
0x1a3: {  	_ =	swait.ge [sflag:s7], $0x2800  }
0x1a4: {  	[sflag:s7] =	ssyncset.done $0x0  }
0x1a5: {  	[sflag:s7] =	ssyncadd.s32 $0xFFFFD800  }
0x1a6: {  	s11 =	simm.s32 $0x0;
	_ =	swait.ge [sflag:s7], $0x28  }
0x1a7: {  	s2 =	sand.u32 $0x3FFFF000, s11;
	[sflag:s7] =	ssyncset.done $0x0  }
0x1a8: {  	s12 =	simm.s32 $0x0;
	s26 =	simm.s32 $0x80;
	[sflag:s7] =	ssyncadd.s32 $0xFFFFFFD8  }
0x1a9: {  	s2 =	sadd.s32 $0x5000, s2;
	s11 =	sand.u32 $0x3FFFF800, s12;
	s12 =	sand.u32 $0x380, s26;
	v6 =	vld [tilespmem:s0+$0xFFFFFFF8]  }
0x1aa: {  	s11 =	sadd.s32 $0xC800, s11;
	s15 =	sor.u32 s12, s2;
	v7 =	vld [tilespmem:s0+$0x0]  }
0x1ab: {  	s12 =	sor.u32 s12, s11;
	v3 =	vld [tilespmem:s15+$0x60]  }
0x1ac: {  	v4 =	vld [tilespmem:s12+$0x60]  }
0x1ad: {  	v5 =	vld [tilespmem:s15+$0x50]  }
0x1ae: {  	v8 =	vld [tilespmem:s12+$0x50]  }
0x1af: {  	v9 =	vld [tilespmem:s15+$0x40]  }
0x1b0: {  	v10 =	vld [tilespmem:s12+$0x40]  }
0x1b1: {  	v11 =	vld [tilespmem:s15+$0x30]  }
0x1b2: {  	v12 =	vld [tilespmem:s12+$0x30]  }
0x1b3: {  	v13 =	vld [tilespmem:s15+$0x20]  }
0x1b4: {  	v14 =	vld [tilespmem:s12+$0x20]  }
0x1b5: {  	v15 =	vld [tilespmem:s15+$0x10]  }
0x1b6: {  	v16 =	vld [tilespmem:s12+$0x10]  }
0x1b7: {  	v17 =	vld [tilespmem:s15+$0x0]  }
0x1b8: {  	v18 =	vld [tilespmem:s15+$0x400]  }
0x1b9: {  	v19 =	vld [tilespmem:s15+$0x800]  }
0x1ba: {  	v20 =	vld [tilespmem:s12+$0x0]  }
0x1bb: {  	v21 =	vld [tilespmem:s15+$0xC00]  }
0x1bc: {  	v22 =	vld [tilespmem:s15+$0x410]  }
0x1bd: {  	v23 =	vld [tilespmem:s15+$0x810]  }
0x1be: {  	v26 =	vld [tilespmem:s15+$0xC10];
	v24 =	vbroadcast v7, $0x0;
	v25 =	vbroadcast v7, $0x1  }
0x1bf: {  	v28 =	vld [tilespmem:s12+$0x400];
	v27 =	vbroadcast v7, $0x2  }
0x1c0: {  	v29 =	vld [tilespmem:s15+$0x420];
	v18 =	vmul.f32 v18, v24;
	v19 =	vmul.f32 v19, v25  }
0x1c1: {  	v30 =	vld [tilespmem:s15+$0x820]  }
0x1c2: {  	v50 =	vld [tilespmem:s15+$0xC20];
	v49 =	vmul.f32 v21, v27;
	v18 =	vadd.f32 v19, v18  }
0x1c3: {  	v51 =	vld [tilespmem:s12+$0x410];
	v17 =	vmul.f32 v20, v17  }
0x1c4: {  	v54 =	vld [tilespmem:s15+$0x430];
	v52 =	vmul.f32 v22, v24;
	v53 =	vmul.f32 v23, v25;
	v18 =	vadd.f32 v49, v18  }
0x1c5: {  	v31 =	vld [tilespmem:s15+$0x830];
	v26 =	vmul.f32 v26, v27  }
0x1c6: {  	v55 =	vld [tilespmem:s15+$0xC30];
	v17 =	vadd.f32 $0.0e+00, v17;
	v19 =	vadd.f32 v53, v52;
	v18 =	vmul.f32 v18, v28  }
0x1c7: {  	v57 =	vld [tilespmem:s12+$0x420];
	v15 =	vmul.f32 v16, v15;
	v56 =	vmul.f32 v29, v24  }
0x1c8: {  	v60 =	vld [tilespmem:s15+$0x440];
	v59 =	vmul.f32 v30, v25;
	v58 =	vadd.f32 v26, v19;
	v17 =	vadd.f32 v18, v17  }
0x1c9: {  	v61 =	vld [tilespmem:s15+$0x840];
	v21 =	vmul.f32 v50, v27  }
0x1ca: {  	v63 =	vld [tilespmem:s15+$0xC40];
	v16 =	vadd.f32 v59, v56;
	v62 =	vmul.f32 v58, v51;
	v15 =	vadd.f32 v17, v15  }
0x1cb: {  	v32 =	vld [tilespmem:s15+$0x450];
	v13 =	vmul.f32 v14, v13;
	v14 =	vmul.f32 v54, v24  }
0x1cc: {  	v34 =	vld [tilespmem:s15+$0x850];
	v31 =	vmul.f32 v31, v25;
	v16 =	vadd.f32 v21, v16;
	v15 =	vadd.f32 v62, v15  }
0x1cd: {  	v30 =	vld [tilespmem:s12+$0x430];
	v33 =	vmul.f32 v55, v27  }
0x1ce: {  	v35 =	vld [tilespmem:s15+$0xC50];
	v14 =	vadd.f32 v31, v14;
	v13 =	vadd.f32 v15, v13;
	v15 =	vmul.f32 v16, v57  }
0x1cf: {  	v36 =	vld [tilespmem:s12+$0x440];
	v11 =	vmul.f32 v12, v11;
	v12 =	vmul.f32 v60, v24  }
0x1d0: {  	v37 =	vld [tilespmem:s15+$0x460];
	v14 =	vadd.f32 v33, v14;
	v13 =	vadd.f32 v15, v13;
	v15 =	vmul.f32 v61, v25  }
0x1d1: {  	v38 =	vld [tilespmem:s15+$0x860];
	v18 =	vmul.f32 v63, v27  }
0x1d2: {  	v39 =	vld [tilespmem:s15+$0x470];
	v11 =	vadd.f32 v13, v11;
	v13 =	vmul.f32 v14, v30;
	v12 =	vadd.f32 v15, v12  }
0x1d3: {  	v40 =	vld [tilespmem:s15+$0x870];
	v9 =	vmul.f32 v10, v9;
	v10 =	vmul.f32 v32, v24  }
0x1d4: {  	v14 =	vld [tilespmem:s15+$0xC60];
	v11 =	vadd.f32 v13, v11;
	v12 =	vadd.f32 v18, v12;
	v13 =	vmul.f32 v34, v25  }
0x1d5: {  	v16 =	vmul.f32 v35, v27;
	v15 =	vld [tilespmem:s12+$0x450]  }
0x1d6: {  	v41 =	vld [tilespmem:s15+$0x70];
	v9 =	vadd.f32 v11, v9;
	v11 =	vmul.f32 v12, v36;
	v10 =	vadd.f32 v13, v10  }
0x1d7: {  	s16 =	simm.s32 $0x0;
	v42 =	vld [tilespmem:s12+$0x70];
	v5 =	vmul.f32 v8, v5;
	v8 =	vmul.f32 v37, v24  }
0x1d8: {  	s16 =	sand.u32 $0x300, s16;
	v12 =	vld [tilespmem:s15+$0xC70];
	v9 =	vadd.f32 v11, v9;
	v10 =	vadd.f32 v16, v10;
	v11 =	vmul.f32 v38, v25  }
0x1d9: {  	s2 =	sor.u32 s16, s2;
	v13 =	vld [tilespmem:s12+$0x460];
	v14 =	vmul.f32 v14, v27  }
0x1da: {  	v43 =	vld [tilespmem:s2+$0xC10];
	v5 =	vadd.f32 v9, v5;
	v9 =	vmul.f32 v10, v15;
	v8 =	vadd.f32 v11, v8  }
0x1db: {  	s29 =	sor.u32 s16, s11;
	v44 =	vld [tilespmem:s2+$0x10];
	v3 =	vmul.f32 v4, v3;
	v4 =	vmul.f32 v39, v24  }
0x1dc: {  	v45 =	vld [tilespmem:s29+$0x10];
	v5 =	vadd.f32 v9, v5;
	v8 =	vadd.f32 v14, v8;
	v9 =	vmul.f32 v40, v25  }
0x1dd: {  	v11 =	vld [tilespmem:s12+$0x470];
	v12 =	vmul.f32 v12, v27  }
0x1de: {  	v46 =	vld [tilespmem:s2+$0x420];
	v3 =	vadd.f32 v5, v3;
	v5 =	vmul.f32 v8, v13;
	v4 =	vadd.f32 v9, v4  }
0x1df: {  	s28 =	simm.s32 $0xF081;
	v47 =	vld [tilespmem:s2+$0x820];
	(v2sf) =	vpush v6, $0x4  }
0x1e0: {  	v48 =	vld [tilespmem:s28+$0x0];
	v3 =	vadd.f32 v5, v3;
	v5 =	vmul.f32 v42, v41;
	v4 =	vadd.f32 v12, v4  }
0x1e1: {  	(v2sf) =	vpush v7, $0x4;
	v7 =	vld [tilespmem:s2+$0x830]  }
0x1e2: {  	v50 =	vld [tilespmem:s2+$0xC20];
	v3 =	vadd.f32 v3, v5;
	v4 =	vmul.f32 v4, v11  }
0x1e3: {  	v54 =	vld [tilespmem:s2+$0x440]  }
0x1e4: {  	v10 =	vld [tilespmem:s2+$0x400];
	v3 =	vadd.f32 v4, v3  }
0x1e5: {  	v14 =	vld [tilespmem:s2+$0x800]  }
0x1e6: {  	v15 =	vld [tilespmem:s2+$0xC00];
	(xrf2) =	vadd.scan.msk.f32 $0xffff, v3  }
0x1e7: {  	v8 =	vld [tilespmem:s2+$0x0];
	v5 =	vbroadcast v6, $0x0  }
0x1e8: {  	v9 =	vld [tilespmem:s29+$0x0];
	v4 =	vbroadcast v6, $0x1  }
0x1e9: {  	v13 =	vld [tilespmem:s2+$0x810];
	v10 =	vmul.f32 v10, v5  }
0x1ea: {  	v12 =	vld [tilespmem:s2+$0x410];
	v3 =	vbroadcast v6, $0x2;
	v14 =	vmul.f32 v14, v4  }
0x1eb: {  	v11 =	vld [tilespmem:s29+$0x400]  }
0x1ec: {  	v60 =	vld [tilespmem:s2+$0x460];
	v15 =	vmul.f32 v15, v3;
	v10 =	vadd.f32 v14, v10  }
0x1ed: {  	v52 =	vld [tilespmem:s29+$0x30]  }
0x1ee: {  	v56 =	vld [tilespmem:s29+$0x430];
	v8 =	vmul.f32 v9, v8;
	v9 =	vadd.f32 v15, v10  }
0x1ef: {  	(v2sf) =	vpush v48, $0x0;
	v49 =	vld [tilespmem:s29+$0x410];
	v10 =	vmul.f32 v12, v5;
	v12 =	vmul.f32 v13, v4  }
0x1f0: {  	v51 =	vld [tilespmem:s2+$0x20];
	v8 =	vadd.f32 $0.0e+00, v8;
	v9 =	vmul.f32 v9, v11;
	v11, _, _ =	vpop (xrf2)  }
0x1f1: {  	v6 =	vld [tilespmem:s2+$0x430];
	v10 =	vadd.f32 v12, v10;
	v12 =	vmul.f32 v43, v3;
	(v2sf) =	vpush v11, $0xF  }
0x1f2: {  	v53 =	vmul.f32 v47, v4;
	v14 =	vld [tilespmem:s29+$0x20];
	v8 =	vadd.f32 v9, v8  }
0x1f3: {  	v15 =	vld [tilespmem:s2+$0xC30];
	v9 =	vmul.f32 v45, v44;
	v10 =	vadd.f32 v12, v10;
	v12 =	vmul.f32 v46, v5  }
0x1f4: {  	v55 =	vmul.f32 v50, v3;
	v13 =	vld [tilespmem:s29+$0x420]  }
0x1f5: {  	v8 =	vadd.f32 v8, v9;
	v9 =	vld [tilespmem:s2+$0x840];
	v10 =	vmul.f32 v10, v49;
	v12 =	vadd.f32 v53, v12  }
0x1f6: {  	v7 =	vmul.f32 v7, v4;
	v6 =	vmul.f32 v6, v5;
	v11 =	vld [tilespmem:s2+$0x30]  }
0x1f7: {  	v57 =	vld [tilespmem:s2+$0xC40];
	v8 =	vadd.f32 v10, v8;
	v10 =	vmul.f32 v14, v51;
	v12 =	vadd.f32 v55, v12  }
0x1f8: {  	v58 =	vld [tilespmem:s29+$0x40];
	v6 =	vadd.f32 v7, v6;
	v7 =	vmul.f32 v15, v3  }
0x1f9: {  	v14 =	vld [tilespmem:s2+$0x40];
	v8 =	vadd.f32 v8, v10;
	v10 =	vmul.f32 v12, v13  }
0x1fa: {  	v6 =	vadd.f32 v7, v6;
	v7 =	vmul.f32 v54, v5;
	v12 =	vld [tilespmem:s2+$0x450];
	v9 =	vmul.f32 v9, v4  }
0x1fb: {  	v8 =	vadd.f32 v10, v8;
	v10 =	vmul.f32 v52, v11;
	v11 =	vld [tilespmem:s29+$0x440]  }
0x1fc: {  	s30 =	spop (v2sf);
	v13 =	vld [tilespmem:s2+$0x850];
	v7 =	vadd.f32 v9, v7;
	v9 =	vmul.f32 v57, v3  }
0x1fd: {  	v59 =	vld [tilespmem:s29+$0x50];
	s15 =	spop (v2sf)  }
0x1fe: {  	s16 =	spop (v2sf);
	v15 =	vld [tilespmem:s2+$0xC50];
	v6 =	vmul.f32 v6, v56;
	v8 =	vadd.f32 v8, v10;
	v7 =	vadd.f32 v9, v7  }
0x1ff: {  	s11 =	smul.f32 s16, s15;
	v9 =	vld [tilespmem:s2+$0x860]  }
0x200: {  	v6 =	vadd.f32 v6, v8;
	v8 =	vmul.f32 v58, v14;
	v7 =	vmul.f32 v7, v11;
	v11 =	vld [tilespmem:s2+$0xC60];
	s17 =	spop (v2sf)  }
0x201: {  	v10 =	vld [tilespmem:s2+$0x50];
	v12 =	vmul.f32 v12, v5;
	v13 =	vmul.f32 v13, v4;
	s11 =	sadd.f32 s17, s11  }
0x202: {  	v62 =	vmul.f32 v60, v5;
	v14 =	vld [tilespmem:s29+$0x450];
	v6 =	vadd.f32 v6, v8  }
0x203: {  	v8 =	vadd.f32 v13, v12;
	v12 =	vmul.f32 v15, v3;
	v13 =	vmov s11  }
0x204: {  	v61 =	vld [tilespmem:s29+$0x60];
	v6 =	vadd.f32 v7, v6;
	v9 =	vmul.f32 v9, v4;
	v7 =	vmul.f32 $1.442695020e+00, v13  }
0x205: {  	v15 =	vld [tilespmem:s2+$0x60];
	v12 =	vadd.f32 v12, v8;
	v11 =	vmul.f32 v11, v3  }
0x206: {  	v8 =	vld [tilespmem:s2+$0x870];
	v9 =	vadd.f32 v9, v62;
	v13 =	vmul.f32 v59, v10;
	v63 =	vbroadcast v7, $0x0  }
0x207: {  	v12 =	vmul.f32 v12, v14;
	v10 =	vld [tilespmem:s2+$0x470]  }
0x208: {  	v11 =	vadd.f32 v11, v9;
	v9 =	vld [tilespmem:s2+$0x70];
	v13 =	vadd.f32 v6, v13;
	(erf) = vpow2.f32 v63  }
0x209: {  	s3 =	smov.u32 s31;
	v7 =	vld [tilespmem:s29+$0x460]  }
0x20a: {  	s31 =	simm.s32 $0x0;
	s15 =	sadd.s32 $0xFFFFFFFE, s22;
	s11 =	smov.u32 s0;
	v6 =	vld [tilespmem:s2+$0xC70];
	v12 =	vadd.f32 v12, v13;
	v13 =	vmul.f32 v61, v15  }
.LBB2_6:
0x20b: {  	s12 =	sadd.s32 $0x2A, s15  }
0x20c: {  	v14 =	vld [tilespmem:s29+$0x70];
	v5 =	vmul.f32 v10, v5;
	s15 =	sadd.s32 $0x2B, s15;
	s2 =	smov.u32 s31;
	s31 =	sadd.s32 $0x2, s31  }
0x20d: {  	s26 =	sadd.s32 $0x100, s26;
	s16 =	sshll.u32 s31, $0x9;
	p0 =	slt.u32 s31, $0x26;
	v10 =	vadd.f32 v12, v13;
	v12 =	vld [tilespmem:s29+$0x470];
	v4 =	vmul.f32 v8, v4;
	v13 =	vmov s15  }
0x20e: {  	s11 =	sadd.s32 $0x10, s11;
	v8 =	vmov s12;
	s15 =	sand.u32 $0x3FFFF000, s16;
	s16 =	sshll.u32 s31, $0x8;
	v7 =	vmul.f32 v11, v7;
	v11 =	vld [tilespmem:s28+$0xFFFFFFFF]  }
0x20f: {  	s17 =	sand.u32 $0x380, s26;
	v15 =	vld [tilespmem:s11+$0xFFFFFFF8];
	s12 =	sadd.s32 $0x5000, s15;
	s15 =	sand.u32 $0x3FFFF800, s16;
	v17 =	vadd.f32 v4, v5;
	v3 =	vmul.f32 v6, v3;
	v5 =	vand.u32 $0xFFFFFFFE, v8  }
0x210: {  	s29 =	sadd.s32 $0xFFFFFF80, s26;
	s1 =	sadd.s32 $0xC800, s15;
	v6 =	vld [tilespmem:s11+$0x0];
	s16 =	sor.u32 s17, s12;
	v16 =	vadd.f32 v7, v10;
	v7 =	vbroadcast v5, $0x0  }
0x211: {  	s29 =	sand.u32 $0x300, s29;
	s15 =	sor.u32 s17, s1;
	v8 =	vld [tilespmem:s16+$0x60];
	v5 =	vmul.f32 v14, v9;
	v3 =	vadd.f32 v3, v17;
	v4 =	vpop (erf)  }
0x212: {  	s12 =	sor.u32 s29, s12;
	s29 =	sor.u32 s29, s1;
	v9 =	vld [tilespmem:s15+$0x60];
	[tilespmem:v13+s19+$0x0] =	vst.idx.msk $0x1, v4  }
0x213: {  	v10 =	vld [tilespmem:s16+$0x50];
	v13 =	vadd.f32 v16, v5;
	v12 =	vmul.f32 v3, v12;
	(v2sf) =	vpush v11, $0x0  }
0x214: {  	v5 =	vbroadcast v15, $0x0;
	v4 =	vbroadcast v15, $0x1;
	v11 =	vld [tilespmem:s15+$0x50];
	(v2sf) =	vpush v15, $0x4  }
0x215: {  	v3 =	vbroadcast v15, $0x2;
	v15 =	vld [tilespmem:s16+$0x40];
	v12 =	vadd.f32 v12, v13  }
0x216: {  	v16 =	vld [tilespmem:s15+$0x40]  }
0x217: {  	v17 =	vld [tilespmem:s16+$0x30];
	(xrf2) =	vadd.scan.msk.f32 $0xffff, v12  }
0x218: {  	v18 =	vld [tilespmem:s15+$0x30]  }
0x219: {  	v19 =	vld [tilespmem:s16+$0x20]  }
0x21a: {  	v20 =	vld [tilespmem:s15+$0x20]  }
0x21b: {  	v21 =	vld [tilespmem:s16+$0x10]  }
0x21c: {  	v22 =	vld [tilespmem:s15+$0x10]  }
0x21d: {  	v23 =	vld [tilespmem:s16+$0x0]  }
0x21e: {  	v24 =	vld [tilespmem:s16+$0x400]  }
0x21f: {  	v25 =	vld [tilespmem:s16+$0x800]  }
0x220: {  	v26 =	vld [tilespmem:s15+$0x0]  }
0x221: {  	v27 =	vld [tilespmem:s16+$0xC00];
	v13, _, _ =	vpop (xrf2)  }
0x222: {  	v14 =	vbroadcast v6, $0x0;
	v12 =	vbroadcast v6, $0x1;
	v28 =	vld [tilespmem:s16+$0x410];
	(v2sf) =	vpush v13, $0xF;
	s1 =	spop (v2sf)  }
0x223: {  	v13 =	vbroadcast v6, $0x2;
	v29 =	vld [tilespmem:s16+$0x810];
	s17 =	smul.f32 s1, s30;
	s30 =	spop (v2sf)  }
0x224: {  	v24 =	vmul.f32 v24, v14;
	v25 =	vmul.f32 v25, v12;
	v30 =	vld [tilespmem:s16+$0xC10]  }
0x225: {  	v31 =	vld [tilespmem:s15+$0x400]  }
0x226: {  	v24 =	vadd.f32 v25, v24;
	v25 =	vmul.f32 v27, v13;
	v27 =	vld [tilespmem:s16+$0x420]  }
0x227: {  	v23 =	vmul.f32 v26, v23;
	v26 =	vld [tilespmem:s16+$0x820]  }
0x228: {  	v24 =	vadd.f32 v25, v24;
	v25 =	vmul.f32 v28, v14;
	v28 =	vmul.f32 v29, v12;
	v29 =	vld [tilespmem:s16+$0xC20]  }
0x229: {  	v32 =	vld [tilespmem:s15+$0x410];
	v30 =	vmul.f32 v30, v13  }
0x22a: {  	v23 =	vadd.f32 $0.0e+00, v23;
	v24 =	vmul.f32 v24, v31;
	v25 =	vadd.f32 v28, v25;
	v28 =	vld [tilespmem:s16+$0x430]  }
0x22b: {  	v21 =	vmul.f32 v22, v21;
	v22 =	vmul.f32 v27, v14;
	v27 =	vld [tilespmem:s16+$0x830]  }
0x22c: {  	v23 =	vadd.f32 v24, v23;
	v24 =	vadd.f32 v30, v25;
	v25 =	vmul.f32 v26, v12;
	v26 =	vld [tilespmem:s16+$0xC30]  }
0x22d: {  	v30 =	vld [tilespmem:s15+$0x420];
	v29 =	vmul.f32 v29, v13  }
0x22e: {  	v21 =	vadd.f32 v23, v21;
	v23 =	vmul.f32 v24, v32;
	v22 =	vadd.f32 v25, v22;
	v24 =	vld [tilespmem:s16+$0x440]  }
0x22f: {  	v19 =	vmul.f32 v20, v19;
	v20 =	vmul.f32 v28, v14;
	v25 =	vld [tilespmem:s16+$0x840]  }
0x230: {  	v21 =	vadd.f32 v23, v21;
	v22 =	vadd.f32 v29, v22;
	v23 =	vmul.f32 v27, v12;
	v27 =	vld [tilespmem:s16+$0xC40]  }
0x231: {  	v28 =	vld [tilespmem:s15+$0x430];
	v26 =	vmul.f32 v26, v13;
	s1 =	spop (v2sf)  }
0x232: {  	v19 =	vadd.f32 v21, v19;
	v21 =	vmul.f32 v22, v30;
	v20 =	vadd.f32 v23, v20;
	v22 =	vld [tilespmem:s16+$0x450];
	s1 =	sadd.f32 s1, s17  }
0x233: {  	v17 =	vmul.f32 v18, v17;
	v18 =	vmul.f32 v24, v14;
	v23 =	vld [tilespmem:s16+$0x850]  }
0x234: {  	v19 =	vadd.f32 v21, v19;
	v20 =	vadd.f32 v26, v20;
	v21 =	vmul.f32 v25, v12;
	v24 =	vld [tilespmem:s16+$0xC50]  }
0x235: {  	v25 =	vld [tilespmem:s15+$0x440];
	v26 =	vmul.f32 v27, v13;
	v27 =	vmov s1  }
0x236: {  	v17 =	vadd.f32 v19, v17;
	v19 =	vmul.f32 v20, v28;
	v18 =	vadd.f32 v21, v18;
	v20 =	vld [tilespmem:s16+$0x460]  }
0x237: {  	v15 =	vmul.f32 v16, v15;
	v16 =	vmul.f32 v22, v14;
	v21 =	vld [tilespmem:s16+$0x860]  }
0x238: {  	v17 =	vadd.f32 v19, v17;
	v18 =	vadd.f32 v26, v18;
	v19 =	vmul.f32 v23, v12;
	v22 =	vld [tilespmem:s16+$0xC60]  }
0x239: {  	v26 =	vmul.f32 $1.442695020e+00, v27;
	v23 =	vld [tilespmem:s15+$0x450];
	v24 =	vmul.f32 v24, v13  }
0x23a: {  	v15 =	vadd.f32 v17, v15;
	v17 =	vmul.f32 v18, v25;
	v16 =	vadd.f32 v19, v16;
	v18 =	vld [tilespmem:s16+$0x470]  }
0x23b: {  	v10 =	vmul.f32 v11, v10;
	v11 =	vmul.f32 v20, v14;
	v19 =	vld [tilespmem:s16+$0x870]  }
0x23c: {  	v15 =	vadd.f32 v17, v15;
	v16 =	vadd.f32 v24, v16;
	v17 =	vmul.f32 v21, v12;
	v20 =	vld [tilespmem:s16+$0xC70]  }
0x23d: {  	v24 =	vbroadcast v26, $0x0;
	v21 =	vld [tilespmem:s15+$0x460];
	v22 =	vmul.f32 v22, v13  }
0x23e: {  	v10 =	vadd.f32 v15, v10;
	v15 =	vmul.f32 v16, v23;
	v11 =	vadd.f32 v17, v11;
	v16 =	vld [tilespmem:s16+$0x70]  }
0x23f: {  	v8 =	vmul.f32 v9, v8;
	v9 =	vld [tilespmem:s15+$0x70];
	v14 =	vmul.f32 v18, v14  }
0x240: {  	v17 =	vld [tilespmem:s12+$0x400];
	v10 =	vadd.f32 v15, v10;
	v11 =	vadd.f32 v22, v11;
	v12 =	vmul.f32 v19, v12  }
0x241: {  	v15 =	vld [tilespmem:s15+$0x470];
	v13 =	vmul.f32 v20, v13;
	(erf) = vpow2.f32 v24  }
0x242: {  	v18 =	vld [tilespmem:s12+$0x800];
	v8 =	vadd.f32 v10, v8;
	v10 =	vmul.f32 v11, v21;
	v11 =	vadd.f32 v12, v14  }
0x243: {  	v12 =	vld [tilespmem:s12+$0xC00]  }
0x244: {  	v14 =	vld [tilespmem:s12+$0x0];
	v8 =	vadd.f32 v10, v8;
	v9 =	vmul.f32 v9, v16;
	v10 =	vadd.f32 v13, v11  }
0x245: {  	v11 =	vld [tilespmem:s29+$0x0];
	v13 =	vmul.f32 v17, v5  }
0x246: {  	v16 =	vld [tilespmem:s12+$0x410];
	v8 =	vadd.f32 v8, v9;
	v9 =	vmul.f32 v10, v15  }
0x247: {  	v10 =	vmul.f32 v18, v4;
	v15 =	vld [tilespmem:s12+$0x810]  }
0x248: {  	v17 =	vld [tilespmem:s29+$0x400];
	v12 =	vmul.f32 v12, v3;
	v18 =	vadd.f32 v9, v8  }
0x249: {  	v9 =	vadd.f32 v10, v13;
	v10 =	vld [tilespmem:s12+$0xC10]  }
0x24a: {  	v11 =	vmul.f32 v11, v14;
	v13 =	vld [tilespmem:s12+$0x10];
	(xrf2) =	vadd.scan.msk.f32 $0xffff, v18;
	v8 =	vpop (erf)  }
0x24b: {  	v9 =	vadd.f32 v12, v9;
	v12 =	vld [tilespmem:s29+$0x10];
	v14 =	vmul.f32 v16, v5;
	[tilespmem:v7+s19+$0x0] =	vst.idx.msk $0x1, v8  }
0x24c: {  	v7 =	vadd.f32 $0.0e+00, v11;
	v8 =	vmul.f32 v15, v4;
	v11 =	vld [tilespmem:s12+$0x420]  }
0x24d: {  	s28 =	sadd.s32 $0x2, s28;
	v9 =	vmul.f32 v9, v17;
	v15 =	vld [tilespmem:s12+$0x820]  }
0x24e: {  	v8 =	vadd.f32 v8, v14;
	v10 =	vmul.f32 v10, v3;
	v14 =	vld [tilespmem:s28+$0x0]  }
0x24f: {  	v7 =	vadd.f32 v9, v7;
	v9 =	vld [tilespmem:s29+$0x410]  }
0x250: {  	v12 =	vmul.f32 v12, v13;
	v8 =	vadd.f32 v10, v8;
	v10 =	vld [tilespmem:s12+$0xC20]  }
0x251: {  	v13 =	vld [tilespmem:s12+$0x20];
	v11 =	vmul.f32 v11, v5  }
0x252: {  	v7 =	vadd.f32 v7, v12;
	v12 =	vld [tilespmem:s29+$0x20];
	v15 =	vmul.f32 v15, v4;
	(v2sf) =	vpush v6, $0x4  }
0x253: {  	v6 =	vld [tilespmem:s12+$0x430];
	(v2sf) =	vpush v14, $0x0  }
0x254: {  	v8 =	vmul.f32 v8, v9;
	v9 =	vadd.f32 v15, v11;
	v11 =	vld [tilespmem:s12+$0x830];
	v14, _, _ =	vpop (xrf2)  }
0x255: {  	v15 =	vld [tilespmem:s29+$0x420];
	v10 =	vmul.f32 v10, v3;
	(v2sf) =	vpush v14, $0xF  }
0x256: {  	v7 =	vadd.f32 v8, v7;
	v8 =	vld [tilespmem:s12+$0xC30]  }
0x257: {  	v12 =	vmul.f32 v12, v13;
	v9 =	vadd.f32 v10, v9;
	v10 =	vld [tilespmem:s12+$0x30]  }
0x258: {  	v13 =	vld [tilespmem:s29+$0x30];
	v6 =	vmul.f32 v6, v5  }
0x259: {  	v7 =	vadd.f32 v7, v12;
	v11 =	vmul.f32 v11, v4;
	v12 =	vld [tilespmem:s12+$0x440]  }
0x25a: {  	v9 =	vmul.f32 v9, v15;
	v14 =	vld [tilespmem:s12+$0x840]  }
0x25b: {  	v15 =	vld [tilespmem:s29+$0x430];
	v6 =	vadd.f32 v11, v6;
	v8 =	vmul.f32 v8, v3  }
0x25c: {  	v7 =	vadd.f32 v9, v7;
	v9 =	vld [tilespmem:s12+$0xC40]  }
0x25d: {  	v10 =	vmul.f32 v13, v10;
	v6 =	vadd.f32 v8, v6;
	v8 =	vld [tilespmem:s12+$0x40]  }
0x25e: {  	v11 =	vld [tilespmem:s29+$0x40];
	v12 =	vmul.f32 v12, v5  }
0x25f: {  	v7 =	vadd.f32 v7, v10;
	v10 =	vmul.f32 v14, v4;
	v13 =	vld [tilespmem:s12+$0x450]  }
0x260: {  	v6 =	vmul.f32 v6, v15;
	v14 =	vld [tilespmem:s12+$0x850]  }
0x261: {  	v15 =	vld [tilespmem:s29+$0x440];
	v10 =	vadd.f32 v10, v12;
	v9 =	vmul.f32 v9, v3;
	s1 =	spop (v2sf)  }
0x262: {  	v6 =	vadd.f32 v6, v7;
	v7 =	vld [tilespmem:s12+$0xC50];
	s15 =	spop (v2sf)  }
0x263: {  	v8 =	vmul.f32 v11, v8;
	v9 =	vadd.f32 v9, v10;
	v10 =	vld [tilespmem:s12+$0x50];
	s1 =	smul.f32 s15, s1  }
0x264: {  	v11 =	vld [tilespmem:s29+$0x50];
	v12 =	vmul.f32 v13, v5;
	s15 =	spop (v2sf)  }
0x265: {  	v6 =	vadd.f32 v6, v8;
	v8 =	vmul.f32 v14, v4;
	v13 =	vld [tilespmem:s12+$0x460];
	s1 =	sadd.f32 s15, s1  }
0x266: {  	v9 =	vmul.f32 v9, v15;
	v14 =	vld [tilespmem:s12+$0x860]  }
0x267: {  	v15 =	vld [tilespmem:s29+$0x450];
	v8 =	vadd.f32 v8, v12;
	v7 =	vmul.f32 v7, v3;
	v12 =	vmov s1  }
0x268: {  	v6 =	vadd.f32 v9, v6;
	v9 =	vld [tilespmem:s12+$0xC60];
	v12 =	vmul.f32 $1.442695020e+00, v12  }
0x269: {  	v10 =	vmul.f32 v11, v10;
	v7 =	vadd.f32 v7, v8;
	v11 =	vld [tilespmem:s12+$0x60]  }
0x26a: {  	v16 =	vld [tilespmem:s29+$0x60];
	v13 =	vmul.f32 v13, v5;
	v12 =	vbroadcast v12, $0x0  }
.Ltmp1:
0x26b: {  	v6 =	vadd.f32 v6, v10;
	v14 =	vmul.f32 v14, v4;
	v10 =	vld [tilespmem:s12+$0x470];
	(pc) =	sbr.rel @p0 .LBB2_6-.Ltmp1, $4  }
0x26c: {  	v15 =	vmul.f32 v7, v15;
	v8 =	vld [tilespmem:s12+$0x870];
	(erf) = vpow2.f32 v12  }
0x26d: {  	v7 =	vld [tilespmem:s29+$0x460];
	v14 =	vadd.f32 v14, v13;
	v9 =	vmul.f32 v9, v3  }
0x26e: {  	v12 =	vadd.f32 v15, v6;
	v6 =	vld [tilespmem:s12+$0xC70]  }
0x26f: {  	s15 =	sadd.s32 s2, s22;
	v13 =	vmul.f32 v16, v11;
	v11 =	vadd.f32 v9, v14;
	v9 =	vld [tilespmem:s12+$0x70]  }
0x270: {  	v14 =	vld [tilespmem:s29+$0x70]  }
0x271: {  	v5 =	vmul.f32 v10, v5;
	v4 =	vmul.f32 v8, v4  }
0x272: {  	v57 =	vld [tilespmem:s29+$0x470];
	v56 =	vadd.f32 v12, v13  }
0x273: {  	v7 =	vmul.f32 v11, v7;
	v4 =	vadd.f32 v4, v5;
	v3 =	vmul.f32 v6, v3;
	_ =	sdelay $0x1  }
0x274: {  	v58 =	vadd.f32 v7, v56;
	v59 =	vmul.f32 v14, v9;
	v3 =	vadd.f32 v3, v4;
	_ =	sdelay $0x1  }
0x275: {  	v60 =	vadd.f32 v58, v59;
	v3 =	vmul.f32 v3, v57;
	_ =	sdelay $0x1  }
0x276: {  	v3 =	vadd.f32 v3, v60;
	_ =	sdelay $0x1  }
0x277: {  	(xrf2) =	vadd.scan.msk.f32 $0xffff, v3;
	_ =	sdelay $0x3  }
0x278: {  	v3 =	vld [tilespmem:s28+$0xFFFFFFFF];
	_ =	sdelay $0x4  }
0x279: {  	(v2sf) =	vpush v3, $0x0  }
0x27a: {  	v3, _, _ =	vpop (xrf2)  }
0x27b: {  	(v2sf) =	vpush v3, $0xF;
	_ =	sdelay $0xc  }
0x27c: {  	s1 =	spop (v2sf)  }
0x27d: {  	s1 =	smul.f32 s1, s30  }
0x27e: {  	s2 =	spop (v2sf)  }
0x27f: {  	s1 =	sadd.f32 s2, s1;
	_ =	sdelay $0x1  }
0x280: {  	v3 =	vmov s1  }
0x281: {  	v3 =	vmul.f32 $1.442695020e+00, v3;
	_ =	sdelay $0x1  }
0x282: {  	v3 =	vbroadcast v3, $0x0;
	_ =	sdelay $0x1  }
0x283: {  	(erf) = vpow2.f32 v3  }
0x284: {  	s26 =	sadd.s32 $0x2A, s15  }
0x285: {  	v3 =	vmov s26  }
0x286: {  	s28 =	sadd.s32 $0x2B, s15;
	v3 =	vand.u32 $0xFFFFFFFE, v3  }
0x287: {  	v61 =	vmov s28;
	v3 =	vbroadcast v3, $0x0  }
0x288: {  	s23 =	sadd.s32 $0x1, s23  }
0x289: {  	p0 =	sne.s32 s23, $0xC  }
.Ltmp2:
0x28a: {  	_ = 	snop;
	(pc) =	sbr.rel @p0 .LBB2_3-.Ltmp2, $4  }
0x28b: {  	v62 =	vpop (erf)  }
0x28c: {  	s29 =	sadd.s32 $0x11880, s25;
	s22 =	sadd.s32 $0x50, s22;
	s10 =	sadd.s32 $0x280, s10;
	[tilespmem:v61+s19+$0x0] =	vst.idx.msk $0x1, v62;
	v63 =	vpop (erf)  }
0x28d: {  	s0 =	sadd.s32 $0x280, s0;
	s31 =	smov.u32 s3;
	s30 =	rddreg [dreg:$0x2];
	[tilespmem:v3+s19+$0x0] =	vst.idx.msk $0x1, v63  }
0x28e: {  	[spmem:s30] =	stream.indirect.scatter.add.f32 [tilespmem:s29], [sflag:$0x5], $0x1, s24, s13, $0xb8;
	[tilespmem:$0x11F00] =	vst v63  }
0x28f: {  	_ =	swait.ge [sflag:s20], $0x5000  }
0x290: {  	[sflag:s20] =	ssyncset.done $0x0  }
0x291: {  	[sflag:s20] =	ssyncadd.s32 $0xFFFFB000  }
0x292: {  	_ =	swait.ge [sflag:s18], $0x2800  }
0x293: {  	[sflag:s18] =	ssyncset.done $0x0  }
0x294: {  	[sflag:s18] =	ssyncadd.s32 $0xFFFFD800  }
0x295: {  	_ =	swait.ge [sflag:s18], $0x28  }
0x296: {  	s11 =	simm.s32 $0xFFFFFFFE;
	s0 =	simm.s32 $0xF001;
	[sflag:s18] =	ssyncset.done $0x0  }
0x297: {  	s2 =	simm.s32 $0x0;
	s9 =	simm.s32 $0x11708;
	[sflag:s18] =	ssyncadd.s32 $0xFFFFFFD8  }
.LBB2_9:
0x298: {  	s10 =	sadd.s32 $0x2, s11  }
0x299: {  	s1 =	sshll.u32 s10, $0x9  }
0x29a: {  	s16 =	sand.u32 $0x300, s2;
	s12 =	sand.u32 $0x3FFFF000, s1  }
0x29b: {  	v3 =	vld [tilespmem:s9+$0xFFFFFFF8];
	s3 =	sor.u32 s16, s12  }
0x29c: {  	v18 =	vld [tilespmem:s3+$0x0]  }
0x29d: {  	v4 =	vld [tilespmem:s3+$0x400]  }
0x29e: {  	v8 =	vld [tilespmem:s3+$0x800]  }
0x29f: {  	v9 =	vld [tilespmem:s3+$0xC00]  }
0x2a0: {  	v26 =	vld [tilespmem:s3+$0x10]  }
0x2a1: {  	v29 =	vld [tilespmem:s3+$0x410]  }
0x2a2: {  	v30 =	vld [tilespmem:s3+$0x810]  }
0x2a3: {  	v31 =	vld [tilespmem:s3+$0xC10]  }
0x2a4: {  	v32 =	vld [tilespmem:s3+$0x20]  }
0x2a5: {  	v35 =	vld [tilespmem:s3+$0x420]  }
0x2a6: {  	v36 =	vld [tilespmem:s3+$0x820]  }
0x2a7: {  	v37 =	vld [tilespmem:s3+$0xC20]  }
0x2a8: {  	v38 =	vld [tilespmem:s3+$0x30]  }
0x2a9: {  	v41 =	vld [tilespmem:s3+$0x430]  }
0x2aa: {  	v42 =	vld [tilespmem:s3+$0x830]  }
0x2ab: {  	v43 =	vld [tilespmem:s3+$0xC30]  }
0x2ac: {  	v44 =	vld [tilespmem:s3+$0x40]  }
0x2ad: {  	v47 =	vld [tilespmem:s3+$0x440]  }
0x2ae: {  	v48 =	vld [tilespmem:s3+$0x840]  }
0x2af: {  	v49 =	vld [tilespmem:s3+$0xC40]  }
0x2b0: {  	v19 =	vld [tilespmem:s3+$0x50]  }
0x2b1: {  	v50 =	vld [tilespmem:s3+$0x450]  }
0x2b2: {  	v51 =	vld [tilespmem:s3+$0x850]  }
0x2b3: {  	v52 =	vld [tilespmem:s3+$0xC50]  }
0x2b4: {  	v12 =	vld [tilespmem:s3+$0x60]  }
0x2b5: {  	v20 =	vld [tilespmem:s3+$0x460]  }
0x2b6: {  	v21 =	vld [tilespmem:s3+$0x860]  }
0x2b7: {  	s15 =	sshll.u32 s10, $0x8;
	v17 =	vld [tilespmem:s3+$0xC60]  }
0x2b8: {  	s30 =	sand.u32 $0x3FFFF800, s15;
	v6 =	vld [tilespmem:s3+$0x70]  }
0x2b9: {  	s1 =	sadd.s32 $0xA000, s30;
	v15 =	vld [tilespmem:s3+$0x470]  }
0x2ba: {  	s17 =	sor.u32 s16, s1;
	v16 =	vld [tilespmem:s3+$0x870]  }
0x2bb: {  	v22 =	vld [tilespmem:s17+$0x0]  }
0x2bc: {  	v25 =	vld [tilespmem:s17+$0x400]  }
0x2bd: {  	v27 =	vld [tilespmem:s17+$0x10]  }
0x2be: {  	v28 =	vld [tilespmem:s17+$0x410]  }
0x2bf: {  	v33 =	vld [tilespmem:s17+$0x20]  }
0x2c0: {  	v34 =	vld [tilespmem:s17+$0x420]  }
0x2c1: {  	v39 =	vld [tilespmem:s17+$0x30]  }
0x2c2: {  	v40 =	vld [tilespmem:s17+$0x430]  }
0x2c3: {  	v45 =	vld [tilespmem:s17+$0x40]  }
0x2c4: {  	v46 =	vld [tilespmem:s17+$0x440]  }
0x2c5: {  	v23 =	vld [tilespmem:s17+$0x50]  }
0x2c6: {  	v24 =	vld [tilespmem:s17+$0x450]  }
0x2c7: {  	v13 =	vld [tilespmem:s17+$0x60]  }
0x2c8: {  	v14 =	vld [tilespmem:s17+$0x460]  }
0x2c9: {  	s16 =	sor.u32 $0x80, s16;
	v7 =	vld [tilespmem:s17+$0x70]  }
0x2ca: {  	v5 =	vld [tilespmem:s17+$0x470];
	s12 =	sor.u32 s16, s12;
	s16 =	sor.u32 s16, s1  }
0x2cb: {  	v11 =	vbroadcast v3, $0x1;
	v55 =	vld [tilespmem:s16+$0x0]  }
0x2cc: {  	v10 =	vbroadcast v3, $0x0;
	v56 =	vld [tilespmem:s12+$0x800]  }
0x2cd: {  	v53 =	vmul.f32 v8, v11;
	v61 =	vmul.f32 v30, v11;
	v30 =	vld [tilespmem:s12+$0x400]  }
0x2ce: {  	v8 =	vbroadcast v3, $0x2;
	v60 =	vmul.f32 v29, v10;
	v29 =	vld [tilespmem:s16+$0x410]  }
0x2cf: {  	v4 =	vmul.f32 v4, v10;
	v57 =	vmul.f32 v27, v26;
	v26 =	vld [tilespmem:s16+$0x10]  }
0x2d0: {  	v54 =	vmul.f32 v9, v8;
	v9 =	vld [tilespmem:s3+$0xC70]  }
0x2d1: {  	v35 =	vmul.f32 v35, v10;
	v36 =	vmul.f32 v36, v11;
	v53 =	vadd.f32 v53, v4;
	v4 =	vld [tilespmem:s9+$0x0]  }
0x2d2: {  	v20 =	vmul.f32 v20, v10;
	v62 =	vmul.f32 v31, v8;
	v31 =	vld [tilespmem:s12+$0xC00]  }
0x2d3: {  	v18 =	vmul.f32 v22, v18;
	v63 =	vmul.f32 v37, v8;
	v37 =	vld [tilespmem:s12+$0x10]  }
0x2d4: {  	v21 =	vmul.f32 v21, v11;
	v35 =	vadd.f32 v36, v35;
	v36 =	vld [tilespmem:s12+$0x820];
	v53 =	vadd.f32 v54, v53  }
0x2d5: {  	v38 =	vmul.f32 v39, v38;
	v19 =	vmul.f32 v23, v19;
	v18 =	vadd.f32 $0.0e+00, v18;
	v54 =	vld [tilespmem:s12+$0x0]  }
0x2d6: {  	v58 =	vadd.f32 v63, v35;
	v35 =	vld [tilespmem:s12+$0xC10];
	v22 =	vmul.f32 v53, v25;
	v25 =	vadd.f32 v61, v60  }
0x2d7: {  	v12 =	vmul.f32 v13, v12;
	v63 =	vmul.f32 v43, v8;
	v43 =	vld [tilespmem:s16+$0x20]  }
0x2d8: {  	v61 =	vmul.f32 v41, v10;
	v41 =	vld [tilespmem:s12+$0x20];
	v18 =	vadd.f32 v22, v18;
	v25 =	vadd.f32 v62, v25  }
0x2d9: {  	v53 =	vld [tilespmem:s16+$0x400];
	v60 =	vmul.f32 v33, v32;
	v62 =	vmul.f32 v42, v11  }
0x2da: {  	v32 =	vld [tilespmem:s12+$0x810];
	v55 =	vmul.f32 v55, v54;
	v18 =	vadd.f32 v18, v57;
	v59 =	vmul.f32 v25, v28  }
0x2db: {  	v6 =	vmul.f32 v7, v6;
	v27 =	vmul.f32 v58, v34;
	v58 =	vld [tilespmem:s12+$0x430];
	v33 =	vadd.f32 v62, v61  }
0x2dc: {  	v26 =	vmul.f32 v26, v37;
	v42 =	vld [tilespmem:s12+$0xC20];
	v39 =	vadd.f32 $0.0e+00, v55;
	v22 =	vadd.f32 v59, v18  }
0x2dd: {  	v28 =	vld [tilespmem:s12+$0x410];
	v54 =	vmul.f32 v43, v41;
	v18 =	vbroadcast v4, $0x0;
	v33 =	vadd.f32 v63, v33  }
0x2de: {  	v55 =	vld [tilespmem:s12+$0x840];
	v63 =	vmul.f32 v49, v8;
	v25 =	vadd.f32 v22, v60;
	v22 =	vbroadcast v4, $0x1  }
0x2df: {  	v43 =	vld [tilespmem:s16+$0x450];
	v49 =	vmul.f32 v45, v44;
	v30 =	vmul.f32 v30, v18  }
0x2e0: {  	v44 =	vld [tilespmem:s16+$0x430];
	v27 =	vadd.f32 v27, v25;
	v62 =	vmul.f32 v56, v22;
	v25 =	vbroadcast v4, $0x2  }
0x2e1: {  	v61 =	vmul.f32 v48, v11;
	v60 =	vmul.f32 v47, v10;
	v47 =	vld [tilespmem:s16+$0x420]  }
0x2e2: {  	v33 =	vmul.f32 v33, v40;
	v40 =	vld [tilespmem:s12+$0x30];
	v30 =	vadd.f32 v62, v30;
	v31 =	vmul.f32 v31, v25  }
0x2e3: {  	v28 =	vmul.f32 v28, v18;
	v56 =	vld [tilespmem:s12+$0x420];
	v34 =	vadd.f32 v61, v60;
	v32 =	vmul.f32 v32, v22  }
0x2e4: {  	v60 =	vld [tilespmem:s12+$0x830];
	v61 =	vmul.f32 v50, v10;
	v36 =	vmul.f32 v36, v22;
	v30 =	vadd.f32 v31, v30  }
0x2e5: {  	v34 =	vadd.f32 v63, v34;
	v28 =	vadd.f32 v32, v28;
	v59 =	vmul.f32 v35, v25;
	v63 =	vld [tilespmem:s12+$0xC30]  }
0x2e6: {  	v20 =	vadd.f32 v21, v20;
	v62 =	vmul.f32 v51, v11;
	v32 =	vld [tilespmem:s12+$0x40];
	v30 =	vmul.f32 v30, v53  }
0x2e7: {  	v50 =	vmul.f32 v52, v8;
	v27 =	vadd.f32 v27, v38;
	v31 =	vld [tilespmem:s16+$0x30];
	v28 =	vadd.f32 v59, v28  }
0x2e8: {  	v45 =	vadd.f32 v62, v61;
	v62 =	vld [tilespmem:s12+$0x450];
	v48 =	vmul.f32 v56, v18;
	v30 =	vadd.f32 v30, v39  }
0x2e9: {  	v52 =	vmul.f32 v42, v25;
	v27 =	vadd.f32 v33, v27;
	v57 =	vmul.f32 v34, v46;
	v56 =	vld [tilespmem:s12+$0xC40]  }
0x2ea: {  	v28 =	vmul.f32 v28, v29;
	v53 =	vld [tilespmem:s12+$0x440];
	v51 =	vadd.f32 v36, v48;
	v26 =	vadd.f32 v30, v26  }
0x2eb: {  	v34 =	vmul.f32 v58, v18;
	v35 =	vmul.f32 v60, v22;
	v27 =	vadd.f32 v27, v49;
	v49 =	vld [tilespmem:s16+$0x40]  }
0x2ec: {  	v17 =	vmul.f32 v17, v8;
	v29 =	vld [tilespmem:s16+$0x440];
	v33 =	vadd.f32 v52, v51;
	v26 =	vadd.f32 v28, v26  }
0x2ed: {  	v60 =	vadd.f32 v35, v34;
	v61 =	vmul.f32 v63, v25;
	v34 =	vld [tilespmem:s16+$0x50];
	v63 =	vmul.f32 v31, v40  }
0x2ee: {  	v40 =	vld [tilespmem:s12+$0x850];
	v30 =	vadd.f32 v50, v45;
	v59 =	vmul.f32 v33, v47;
	v58 =	vadd.f32 v26, v54  }
0x2ef: {  	v42 =	vmul.f32 v55, v22;
	v27 =	vadd.f32 v57, v27;
	v45 =	vld [tilespmem:s12+$0xC50];
	v41 =	vmul.f32 v53, v18  }
0x2f0: {  	v50 =	vld [tilespmem:s12+$0x460];
	v57 =	vmul.f32 v30, v24;
	v30 =	vadd.f32 v61, v60;
	v24 =	vadd.f32 v59, v58  }
0x2f1: {  	v17 =	vadd.f32 v17, v20;
	v10 =	vmul.f32 v15, v10;
	v46 =	vmul.f32 v56, v25;
	v56 =	vld [tilespmem:s16+$0x60]  }
0x2f2: {  	v53 =	vld [tilespmem:s12+$0x860];
	v21 =	vadd.f32 v42, v41;
	v44 =	vmul.f32 v30, v44;
	v24 =	vadd.f32 v24, v63  }
0x2f3: {  	v51 =	vmul.f32 v62, v18;
	v19 =	vadd.f32 v27, v19;
	v26 =	vld [tilespmem:s12+$0x50];
	v52 =	vmul.f32 v40, v22  }
0x2f4: {  	v49 =	vmul.f32 v49, v32;
	v60 =	vld [tilespmem:s12+$0xC60];
	v21 =	vadd.f32 v46, v21;
	v48 =	vadd.f32 v44, v24  }
0x2f5: {  	v11 =	vmul.f32 v16, v11;
	v47 =	vld [tilespmem:s12+$0x60];
	v58 =	vadd.f32 v52, v51;
	v59 =	vmul.f32 v45, v25  }
0x2f6: {  	v61 =	vld [tilespmem:s12+$0x470];
	v19 =	vadd.f32 v57, v19;
	v57 =	vmul.f32 v21, v29;
	v55 =	vadd.f32 v48, v49  }
0x2f7: {  	v54 =	vmul.f32 v17, v14;
	v32 =	vmul.f32 v50, v18;
	v29 =	vld [tilespmem:s12+$0x870];
	v63 =	vadd.f32 v59, v58  }
0x2f8: {  	v38 =	vld [tilespmem:s12+$0xC70];
	v62 =	vmul.f32 v34, v26;
	v34 =	vmul.f32 v53, v22;
	v14 =	vadd.f32 v57, v55  }
0x2f9: {  	v8 =	vmul.f32 v9, v8;
	v10 =	vadd.f32 v11, v10;
	v30 =	vld [tilespmem:s16+$0x460];
	v40 =	vmul.f32 v60, v25  }
0x2fa: {  	v41 =	vld [tilespmem:s12+$0x70];
	v37 =	vmul.f32 v63, v43;
	v39 =	vadd.f32 v34, v32;
	v36 =	vadd.f32 v14, v62  }
0x2fb: {  	v12 =	vadd.f32 v19, v12;
	v15 =	vmul.f32 v61, v18;
	v43 =	vmul.f32 v56, v47;
	v44 =	vld [tilespmem:s16+$0x70]  }
0x2fc: {  	v45 =	vmul.f32 v29, v22;
	v11 =	vadd.f32 v40, v39;
	v42 =	vadd.f32 v37, v36  }
0x2fd: {  	v46 =	vadd.f32 v8, v10;
	v51 =	vmul.f32 v38, v25;
	v12 =	vadd.f32 v54, v12;
	v48 =	vld [tilespmem:s16+$0x470]  }
0x2fe: {  	v50 =	vadd.f32 v45, v15;
	v49 =	vmul.f32 v11, v30;
	v47 =	vadd.f32 v42, v43  }
0x2ff: {  	v5 =	vmul.f32 v46, v5;
	v6 =	vadd.f32 v12, v6  }
0x300: {  	v53 =	vmul.f32 v44, v41;
	v54 =	vadd.f32 v51, v50;
	v52 =	vadd.f32 v49, v47  }
0x301: {  	v5 =	vadd.f32 v5, v6  }
0x302: {  	v56 =	vmul.f32 v54, v48;
	v55 =	vadd.f32 v52, v53  }
0x303: {  	(xrf2) =	vadd.scan.msk.f32 $0xffff, v5  }
0x304: {  	v57 =	vadd.f32 v56, v55;
	_ =	sdelay $0x1  }
0x305: {  	(xrf2) =	vadd.scan.msk.f32 $0xffff, v57;
	_ =	sdelay $0x3  }
0x306: {  	v58 =	vld [tilespmem:s0+$0xFFFFFFFF];
	_ =	sdelay $0x2  }
0x307: {  	(v2sf) =	vpush v3, $0x4;
	v3 =	vld [tilespmem:s0+$0x0];
	v59, _, _ =	vpop (xrf2)  }
0x308: {  	(v2sf) =	vpush v59, $0xF  }
0x309: {  	(v2sf) =	vpush v58, $0x0  }
0x30a: {  	(v2sf) =	vpush v4, $0x4;
	v60, _, _ =	vpop (xrf2)  }
0x30b: {  	(v2sf) =	vpush v60, $0xF  }
0x30c: {  	(v2sf) =	vpush v3, $0x0;
	_ =	sdelay $0x9  }
0x30d: {  	s17 =	spop (v2sf)  }
0x30e: {  	s22 =	spop (v2sf)  }
0x30f: {  	s23 =	spop (v2sf)  }
0x310: {  	s24 =	spop (v2sf)  }
0x311: {  	s25 =	spop (v2sf)  }
0x312: {  	s1 =	smul.f32 s23, s17;
	s26 =	spop (v2sf)  }
0x313: {  	s15 =	smul.f32 s26, s24  }
0x314: {  	s1 =	sadd.f32 s22, s1  }
0x315: {  	s28 =	sadd.f32 s25, s15  }
0x316: {  	v3 =	vmov s1  }
0x317: {  	v3 =	vmul.f32 $1.442695020e+00, v3;
	v61 =	vmov s28  }
0x318: {  	v4 =	vmul.f32 $1.442695020e+00, v61  }
0x319: {  	v3 =	vbroadcast v3, $0x0  }
0x31a: {  	v4 =	vbroadcast v4, $0x0  }
0x31b: {  	(erf) = vpow2.f32 v3  }
0x31c: {  	s29 =	sadd.s32 $0x3C2, s11;
	(erf) = vpow2.f32 v4  }
0x31d: {  	v3 =	vmov s29  }
0x31e: {  	v3 =	vand.u32 $0xFFFFFFFE, v3  }
0x31f: {  	v3 =	vbroadcast v3, $0x0  }
0x320: {  	s30 =	sadd.s32 $0x3C3, s11  }
0x321: {  	p0 =	slt.u32 s10, $0x26;
	v62 =	vmov s30  }
.Ltmp3:
0x322: {  	_ = 	snop;
	(pc) =	sbr.rel @p0 .LBB2_9-.Ltmp3, $4  }
0x323: {  	_ = 	snop  }
0x324: {  	v63 =	vpop (erf)  }
0x325: {  	s2 =	sadd.s32 $0x100, s2;
	[tilespmem:v3+s19+$0x0] =	vst.idx.msk $0x1, v63;
	v3 =	vpop (erf)  }
0x326: {  	s11 =	smov.u32 s10;
	s9 =	sadd.s32 $0x10, s9;
	s0 =	sadd.s32 $0x2, s0;
	[tilespmem:v62+s19+$0x0] =	vst.idx.msk $0x1, v3  }
0x327: {  	s0 =	rddreg [dreg:$0x2];
	s1 =	simm.s32 $0xF8C0;
	s2 =	simm.s32 $0x11C40  }
0x328: {  	[spmem:s0] =	stream.indirect.scatter.add.f32 [tilespmem:s2], [sflag:$0x5], $0x1, s1, s13, $0xb8;
	[tilespmem:$0x11F00] =	vst v63  }
0x329: {  	_ =	swait.ge [sflag:s8], $0x28  }
0x32a: {  	[sflag:s8] =	ssyncset.done $0x0  }
0x32b: {  	[sflag:s8] =	ssyncadd.s32 $0xFFFFFFD8  }
0x32c: {  	_ =	swait.ge [sflag:s8], $0x28  }
0x32d: {  	[sflag:s8] =	ssyncset.done $0x0  }
0x32e: {  	[sflag:s8] =	ssyncadd.s32 $0xFFFFFFD8  }
0x32f: {  	_ =	swait.ge [sflag:s8], $0x28  }
0x330: {  	[sflag:s8] =	ssyncset.done $0x0  }
0x331: {  	[sflag:s8] =	ssyncadd.s32 $0xFFFFFFD8  }
0x332: {  	_ =	swait.ge [sflag:s8], $0x28  }
0x333: {  	[sflag:s8] =	ssyncset.done $0x0  }
0x334: {  	[sflag:s8] =	ssyncadd.s32 $0xFFFFFFD8  }
0x335: {  	_ =	swait.ge [sflag:s8], $0x28  }
0x336: {  	[sflag:s8] =	ssyncset.done $0x0  }
0x337: {  	[sflag:s8] =	ssyncadd.s32 $0xFFFFFFD8  }
0x338: {  	_ =	swait.ge [sflag:s8], $0x28  }
0x339: {  	[sflag:s8] =	ssyncset.done $0x0  }
0x33a: {  	[sflag:s8] =	ssyncadd.s32 $0xFFFFFFD8  }
0x33b: {  	_ =	swait.ge [sflag:s8], $0x28  }
0x33c: {  	[sflag:s8] =	ssyncset.done $0x0  }
0x33d: {  	[sflag:s8] =	ssyncadd.s32 $0xFFFFFFD8  }
0x33e: {  	_ =	swait.ge [sflag:s8], $0x28  }
0x33f: {  	[sflag:s8] =	ssyncset.done $0x0  }
0x340: {  	[sflag:s8] =	ssyncadd.s32 $0xFFFFFFD8  }
0x341: {  	_ =	swait.ge [sflag:s8], $0x28  }
0x342: {  	[sflag:s8] =	ssyncset.done $0x0  }
0x343: {  	[sflag:s8] =	ssyncadd.s32 $0xFFFFFFD8  }
0x344: {  	_ =	swait.ge [sflag:s8], $0x28  }
0x345: {  	[sflag:s8] =	ssyncset.done $0x0  }
0x346: {  	[sflag:s8] =	ssyncadd.s32 $0xFFFFFFD8  }
0x347: {  	_ =	swait.ge [sflag:s8], $0x28  }
0x348: {  	[sflag:s8] =	ssyncset.done $0x0  }
0x349: {  	[sflag:s8] =	ssyncadd.s32 $0xFFFFFFD8  }
0x34a: {  	_ =	swait.ge [sflag:s8], $0x28  }
0x34b: {  	[sflag:s8] =	ssyncset.done $0x0  }
0x34c: {  	[sflag:s8] =	ssyncadd.s32 $0xFFFFFFD8  }
0x34d: {  	_ =	swait.ge [sflag:s8], $0x28  }
0x34e: {  	[sflag:s8] =	ssyncset.done $0x0  }
0x34f: {  	[sflag:s8] =	ssyncadd.s32 $0xFFFFFFD8  }
0x350: {  	_ =	swait.ge [sflag:s8], $0x28  }
0x351: {  	[sflag:s8] =	ssyncset.done $0x0  }
0x352: {  	[sflag:s8] =	ssyncadd.s32 $0xFFFFFFD8  }
0x353: {  	_ =	swait.ge [sflag:s8], $0x28  }
0x354: {  	[sflag:s8] =	ssyncset.done $0x0  }
0x355: {  	[sflag:s8] =	ssyncadd.s32 $0xFFFFFFD8  }
0x356: {  	_ =	swait.ge [sflag:s8], $0x28  }
0x357: {  	[sflag:s8] =	ssyncset.done $0x0  }
0x358: {  	[sflag:s8] =	ssyncadd.s32 $0xFFFFFFD8  }
0x359: {  	_ =	swait.ge [sflag:s8], $0x28  }
0x35a: {  	[sflag:s8] =	ssyncset.done $0x0  }
0x35b: {  	[sflag:s8] =	ssyncadd.s32 $0xFFFFFFD8  }
0x35c: {  	_ =	swait.ge [sflag:s8], $0x28  }
0x35d: {  	[sflag:s8] =	ssyncset.done $0x0  }
0x35e: {  	[sflag:s8] =	ssyncadd.s32 $0xFFFFFFD8  }
0x35f: {  	_ =	swait.ge [sflag:s8], $0x28  }
0x360: {  	[sflag:s8] =	ssyncset.done $0x0  }
0x361: {  	[sflag:s8] =	ssyncadd.s32 $0xFFFFFFD8  }
0x362: {  	_ =	swait.ge [sflag:s8], $0x28  }
0x363: {  	[sflag:s8] =	ssyncset.done $0x0  }
0x364: {  	[sflag:s8] =	ssyncadd.s32 $0xFFFFFFD8  }
0x365: {  	_ =	swait.ge [sflag:s8], $0x28  }
0x366: {  	[sflag:s8] =	ssyncset.done $0x0  }
0x367: {  	[sflag:s8] =	ssyncadd.s32 $0xFFFFFFD8  }
0x368: {  	_ =	swait.ge [sflag:s8], $0x28  }
0x369: {  	[sflag:s8] =	ssyncset.done $0x0  }
0x36a: {  	[sflag:s8] =	ssyncadd.s32 $0xFFFFFFD8  }
0x36b: {  	_ =	swait.ge [sflag:s8], $0x28  }
0x36c: {  	[sflag:s8] =	ssyncset.done $0x0  }
0x36d: {  	[sflag:s8] =	ssyncadd.s32 $0xFFFFFFD8  }
0x36e: {  	_ =	swait.ge [sflag:s8], $0x28  }
0x36f: {  	[sflag:s8] =	ssyncset.done $0x0  }
0x370: {  	[sflag:s8] =	ssyncadd.s32 $0xFFFFFFD8  }
0x371: {  	_ =	swait.ge [sflag:s8], $0x28  }
0x372: {  	s28 =	rddreg [dreg:$0x7]  }
0x373: {  	[sflag:s8] =	ssyncset.done $0x0;
	s29 =	rddreg [dreg:$0x10]  }
0x374: {  	s3 =	simm.s32 $0x6;
	[sflag:s8] =	ssyncadd.s32 $0xFFFFFFD8;
	s0 =	sadd.s32 s28, s29  }
0x375: {  	[hbm4b:s0+s4] =	stream.linear.scatter [tilespmem:s19], [sflag:$0x6], $0x3E8, $0x38;
	[tilespmem:$0x11F00] =	vst v63  }
0x376: {  	_ =	swait.ge [sflag:s3], $0x3E8  }
0x377: {  	s30 =	rddreg [dreg:$0xf]  }
0x378: {  	s0 =	sadd.s32 $0x1, s30  }
0x379: {  	p0 =	sne.s32 s0, $0x5  }
.Ltmp4:
0x37a: {  	_ = 	snop;
	(pc) =	sbr.rel @p0 .LBB2_2-.Ltmp4, $3  }
0x37b: {  	_ =	sdelay $0x1  }
0x37c: {  	[sflag:s3] =	ssyncset.done $0x0  }
0x37d: {  	[sflag:s3] =	ssyncadd.s32 $0xFFFFFC18  }
0x37e: {  	[bflag:$0x0] =	sbarrier.arrive $0xFFFF  }
0x37f: {  	s1 =	rddreg [dreg:$0xa]  }
0x380: {  	s0 =	rddreg [dreg:$0xb]  }
0x381: {  	s2 =	rddreg [dreg:$0xd]  }
0x382: {  	[hbm:s0], [sflag:s1] =	dma.local [spmem:s2], $0x50  }
0x383: {  	_ =	swait.ge [sflag:s3], $0x50  }
0x384: {  	s9 =	rddreg [dreg:$0xe]  }
0x385: {  	s30 =	rddreg [dreg:$0xc];
	s9 =	sadd.s32 $0x1, s9  }
0x386: {  	p0 =	sne.s32 s9, s30  }
.Ltmp5:
0x387: {  	_ = 	snop;
	(pc) =	sbr.rel @p0 .LBB2_1-.Ltmp5, $3  }
0x388: {  	_ =	sdelay $0x1  }
0x389: {  	[sflag:s3] =	ssyncset.done $0x0  }
0x38a: {  	[sflag:s3] =	ssyncadd.s32 $0xFFFFFFB0  }
0x38b: {  	_ =	sfence.sel $0x180000  }
0x38c: {  	[bflag:$0x0] =	sbarrier.arrive $0xFFFF  }
0x38d: {  	_ =	strace $0x90000047  }
0x38e: {  	s0 =	stileid.u32;
	[bflag:$0x2] =	sbarrier.arrive $0xFFFF  }
0x38f: {  	p0 =	sne.s32 s0, $0x0;
	s0 =	rddreg [dreg:$0x3]  }
0x390: {  	s0 =	sadd.s32 @!p0 $0x100000, s0  }
0x391: {  	[sflag:s0] =	ssyncadd.tile.s32 @!p0 $0x1;
	_ =	shalt  }
.Lfunc_end2:
_tile_overlayer_lowered:
.L_overlay_start_2:
0x392: {  	(tag) =	ssettag $0x2  }
0x393: {  	s0 =	rddreg [dreg:$0x0];
	s2 =	stileid.u32  }
0x394: {  	s1 =	rddreg [dreg:$0x1];
	p0 =	sne.s32 s2, $0x0  }
0x395: {  	s3 =	rddreg [dreg:$0x2];
	[bflag:$0x3] =	sbarrier.arrive $0xFFFF;
	s2 =	simm.s32 @!p0 $0x1C06  }
0x396: {  	[timem:s3], [sflag:s2] =	dma.local @!p0 [hbm:s0], s1  }
0x397: {  	s0 =	simm.s32 @!p0 $0x6  }
0x398: {  	_ =	swait.ge @!p0 [sflag:s0], s1  }
0x399: {  	s1 =	ssub.s32 @!p0 $0x0, s1;
	[sflag:s0] =	ssyncset.done @!p0 $0x0  }
0x39a: {  	[sflag:s0] =	ssyncadd.s32 @!p0 s1  }
0x39b: {  	[bflag:$0x3] =	sbarrier.arrive $0xFFFF  }
0x39c: {  	_ =	shalt  }

</sc_bundles>
